<compile_context>
chip_gen: v7x
topology: tpu7x:2x2x1
jax: 0.10.2.dev20260603
libtpu: 0.0.44.dev20260713+nightly
codegen_flags: <defaults>
</compile_context>

<pallas_src>
import functools

import jax
import jax.numpy as jnp
from jax import lax
from jax.experimental import pallas as pl
from jax.experimental.pallas import tpu as pltpu
from jax.experimental.pallas import tpu_sc as plsc

NUM_CORES = 2
NUM_SUBCORES = 16
NW = NUM_CORES * NUM_SUBCORES
CHUNK = 128
LANES = 16


@functools.lru_cache(maxsize=None)
def _make_seg_sum(n_acc, chunks, h):
    rpt = n_acc // NUM_SUBCORES

    mesh = plsc.VectorSubcoreMesh(core_axis_name="c", subcore_axis_name="s")

    @functools.partial(
        pl.kernel,
        out_type=jax.ShapeDtypeStruct((NUM_CORES, n_acc, h), jnp.float32),
        mesh=mesh,
        scratch_types=[
            pltpu.VMEM_SHARED((n_acc, h), jnp.float32),
            pltpu.VMEM((2, 2, CHUNK), jnp.int32),
            pltpu.VMEM((CHUNK, h), jnp.float32),
            pltpu.VMEM((CHUNK, h), jnp.float32),
            pltpu.SemaphoreType.DMA,
            pltpu.SemaphoreType.DMA,
        ],
    )
    def seg(hv_hbm, sidx_hbm, zrow_hbm, out_hbm, acc, idx, rows0, rows1,
            gsem0, gsem1):
        c = lax.axis_index("c")
        s = lax.axis_index("s")
        wid = s * NUM_CORES + c
        base = s * rpt
        nz = rpt // CHUNK
        rows = (rows0, rows1)
        gsem = (gsem0, gsem1)
        pltpu.sync_copy(zrow_hbm, rows0)

        def zstep(i, carry):
            pltpu.sync_copy(rows0, acc.at[pl.ds(base + i * CHUNK, CHUNK)])
            return carry

        lax.fori_loop(0, nz, zstep, 0)
        plsc.subcore_barrier()

        pltpu.sync_copy(sidx_hbm.at[wid, 0], idx.at[0])
        pltpu.async_copy(hv_hbm.at[idx.at[0, 0]], rows0, gsem0)

        @pl.loop(0, chunks, step=2)
        def pipe(jj):
            for b in range(2):
                nb = 1 - b
                j = jj + b

                @pl.when(j + 1 < chunks)
                def _prefetch():
                    pltpu.sync_copy(sidx_hbm.at[wid, j + 1], idx.at[nb])

                pltpu.make_async_copy(
                    hv_hbm.at[idx.at[b, 0]], rows[b], gsem[b]).wait()

                @pl.when(j + 1 < chunks)
                def _next_gather():
                    pltpu.async_copy(
                        hv_hbm.at[idx.at[nb, 0]], rows[nb], gsem[nb])

                pltpu.sync_copy(rows[b], acc.at[idx.at[b, 1]], add=True)

        plsc.subcore_barrier()

        def ostep(i, carry):
            off = base + i * CHUNK
            pltpu.sync_copy(acc.at[pl.ds(off, CHUNK)], rows0)
            pltpu.sync_copy(rows0, out_hbm.at[c, pl.ds(off, CHUNK)])
            return carry

        lax.fori_loop(0, nz, ostep, 0)

    return seg


@functools.lru_cache(maxsize=None)
def _make_aux(n_acc, chunks, h):
    rpt = n_acc // NUM_SUBCORES

    mesh = plsc.VectorSubcoreMesh(core_axis_name="c", subcore_axis_name="s")

    @functools.partial(
        pl.kernel,
        out_type=jax.ShapeDtypeStruct((NUM_CORES, n_acc, h), jnp.float32),
        mesh=mesh,
        scratch_types=[
            pltpu.VMEM_SHARED((n_acc, h), jnp.float32),
            pltpu.VMEM((2, CHUNK), jnp.int32),
            pltpu.VMEM((CHUNK // LANES, LANES), jnp.float32),
            pltpu.VMEM((CHUNK, h), jnp.float32),
        ],
    )
    def aux(ea_hbm, sidx_hbm, zrow_hbm, out_hbm, acc, idx, eab, rows):
        c = lax.axis_index("c")
        s = lax.axis_index("s")
        wid = s * NUM_CORES + c
        base = s * rpt
        nz = rpt // CHUNK
        pltpu.sync_copy(zrow_hbm, rows)

        def zstep(i, carry):
            pltpu.sync_copy(rows, acc.at[pl.ds(base + i * CHUNK, CHUNK)])
            return carry

        lax.fori_loop(0, nz, zstep, 0)
        plsc.subcore_barrier()

        lanes = lax.iota(jnp.int32, LANES)
        one = jnp.ones((LANES,), jnp.float32)
        zero = jnp.zeros((LANES,), jnp.float32)
        for g in range(CHUNK // LANES):
            for i in range(LANES):
                rows[g * LANES + i, pl.ds(LANES, LANES)] = jnp.where(
                    lanes == i, one, zero)

        def step(j, carry):
            pltpu.sync_copy(sidx_hbm.at[wid, j], idx)
            pltpu.sync_copy(ea_hbm.at[wid, j], eab)
            for g in range(CHUNK // LANES):
                eav = eab[g]
                for i in range(LANES):
                    rows[g * LANES + i, pl.ds(0, LANES)] = jnp.where(
                        lanes == i, eav, zero)
            pltpu.sync_copy(rows, acc.at[idx.at[1]], add=True)
            return carry

        lax.fori_loop(0, chunks, step, 0)
        plsc.subcore_barrier()

        def ostep(i, carry):
            off = base + i * CHUNK
            pltpu.sync_copy(acc.at[pl.ds(off, CHUNK)], rows)
            pltpu.sync_copy(rows, out_hbm.at[c, pl.ds(off, CHUNK)])
            return carry

        lax.fori_loop(0, nz, ostep, 0)

    return aux


def _dense_body(hv_ref, s0_ref, s1_ref, a0_ref, a1_ref, wd_ref, ws_ref,
                we_ref, mb_ref, wih_ref, bih_ref, whh_ref, bhh_ref, out_ref):
    h = hv_ref.shape[1]
    hv = hv_ref[...]
    s_sum = s0_ref[0] + s1_ref[0]
    auxp = a0_ref[0] + a1_ref[0]
    col = lax.broadcasted_iota(jnp.int32, (1, h), 1)
    ea = jnp.sum(jnp.where(col < LANES, auxp, 0.0), axis=1, keepdims=True)
    deg = jnp.sum(jnp.where((col >= LANES) & (col < 2 * LANES), auxp, 0.0),
                  axis=1, keepdims=True)
    f32 = jnp.float32
    hi = lax.Precision.HIGHEST
    hv_r = hv.astype(jnp.bfloat16).astype(f32)
    a = deg * jnp.dot(hv_r, wd_ref[...], preferred_element_type=f32,
                      precision=hi)
    a = a + jnp.dot(s_sum, ws_ref[...], preferred_element_type=f32,
                    precision=hi)
    a = a + ea * we_ref[...] + deg * mb_ref[...]
    a_r = a.astype(jnp.bfloat16).astype(f32)
    gi = jnp.dot(a_r, wih_ref[...], preferred_element_type=f32,
                 precision=hi) + bih_ref[...]
    gh = jnp.dot(hv_r, whh_ref[...], preferred_element_type=f32,
                 precision=hi) + bhh_ref[...]
    r = jax.nn.sigmoid(gi[:, :h] + gh[:, :h])
    z = jax.nn.sigmoid(gi[:, h:2 * h] + gh[:, h:2 * h])
    n = jnp.tanh(gi[:, 2 * h:] + r * gh[:, 2 * h:])
    out_ref[...] = (1.0 - z) * n + z * hv


def _dense_update(hv, s_parts, a_parts, wd, ws, we, mb, wih, bih, whh, bhh,
                  block):
    n, h = hv.shape
    grid = (n // block,)
    row = lambda i: (i, 0)
    rep = lambda i: (0, 0)
    part0 = pl.BlockSpec((1, block, h), lambda i: (0, i, 0))
    part1 = pl.BlockSpec((1, block, h), lambda i: (1, i, 0))
    return pl.pallas_call(
        _dense_body,
        grid=grid,
        in_specs=[
            pl.BlockSpec((block, h), row),
            part0, part1, part0, part1,
            pl.BlockSpec(wd.shape, rep),
            pl.BlockSpec(ws.shape, rep),
            pl.BlockSpec(we.shape, rep),
            pl.BlockSpec(mb.shape, rep),
            pl.BlockSpec(wih.shape, rep),
            pl.BlockSpec(bih.shape, rep),
            pl.BlockSpec(whh.shape, rep),
            pl.BlockSpec(bhh.shape, rep),
        ],
        out_specs=pl.BlockSpec((block, h), row),
        out_shape=jax.ShapeDtypeStruct((n, h), jnp.float32),
    )(hv, s_parts, s_parts, a_parts, a_parts,
      wd, ws, we, mb, wih, bih, whh, bhh)


def kernel(x, edge_index, edge_attr, msg_W_0, msg_b_0, gru_W_ih_0,
           gru_b_ih_0, gru_W_hh_0, gru_b_hh_0, msg_W_1, msg_b_1, gru_W_ih_1,
           gru_b_ih_1, gru_W_hh_1, gru_b_hh_1):
    n, h = x.shape
    e = edge_index.shape[1]
    per_worker = -(-e // (NW * 2 * CHUNK)) * (2 * CHUNK)
    ep = per_worker * NW
    chunks = per_worker // CHUNK
    n_acc = -(-(n + 1) // (NUM_SUBCORES * CHUNK)) * (NUM_SUBCORES * CHUNK)
    block = 1000

    src = edge_index[0]
    dst = edge_index[1]
    pad = ep - e
    src_p = jnp.concatenate([src, jnp.zeros((pad,), jnp.int32)])
    dst_p = jnp.concatenate([dst, jnp.full((pad,), n, jnp.int32)])
    ea_p = jnp.concatenate([
        edge_attr[:, 0].astype(jnp.bfloat16).astype(jnp.float32),
        jnp.zeros((pad,), jnp.float32)])
    ea4 = ea_p.reshape(NW, chunks, CHUNK // LANES, LANES)
    sidx = jnp.stack([src_p.reshape(NW, chunks, CHUNK),
                      dst_p.reshape(NW, chunks, CHUNK)], axis=2)
    zrow = jnp.zeros((CHUNK, h), jnp.float32)

    seg = _make_seg_sum(n_acc, chunks, h)
    aux = _make_aux(n_acc, chunks, h)
    a_parts = aux(ea4, sidx, zrow)

    params = (
        (msg_W_0, msg_b_0, gru_W_ih_0, gru_b_ih_0, gru_W_hh_0, gru_b_hh_0),
        (msg_W_1, msg_b_1, gru_W_ih_1, gru_b_ih_1, gru_W_hh_1, gru_b_hh_1),
    )
    def bf(w):
        return w.astype(jnp.bfloat16).astype(jnp.float32)

    hv = x
    for (mw, mb, wih, bih, whh, bhh) in params:
        hv_r = bf(hv)
        s_parts = seg(hv_r, sidx, zrow)
        hv = _dense_update(
            hv, s_parts, a_parts,
            bf(mw[:, :h].T), bf(mw[:, h:2 * h].T),
            bf(mw[:, 2 * h][None, :]), mb[None, :],
            bf(wih.T), bih[None, :], bf(whh.T), bhh[None, :],
            block,
        )
    return hv

# --- scband reference (transcript-rebuilt; emitter-appended) ---
"""Pipeline reference for scband-graph-prop-40072044871718 (READ-ONLY COPY).

The authoritative reference and input builder live on the scoring server;
editing this copy changes nothing except your own understanding.
"""

import jax, jax.numpy as jnp
import numpy as np

N = 10000
E = 320000
H = 128
T = 2


def setup_inputs(seed: int = 0) -> dict:
    key = jax.random.key(seed)

    def nrm(i, shape, scale=0.05):
        return jax.random.normal(jax.random.fold_in(key, i), shape, dtype=jnp.float32) * scale

    inp = {}
    inp["x"] = nrm(0, (N, H), 1.0)
    inp["edge_index"] = jax.random.randint(jax.random.fold_in(key, 1), (2, E), 0, N, dtype=jnp.int32)
    inp["edge_attr"] = nrm(2, (E, 1), 1.0)
    idx = 3
    for t in range(T):
        inp[f"msg_W_{t}"] = nrm(idx, (2 * H, 2 * H + 1)); idx += 1
        inp[f"msg_b_{t}"] = nrm(idx, (2 * H,)); idx += 1
        inp[f"gru_W_ih_{t}"] = nrm(idx, (3 * H, 2 * H)); idx += 1
        inp[f"gru_b_ih_{t}"] = nrm(idx, (3 * H,)); idx += 1
        inp[f"gru_W_hh_{t}"] = nrm(idx, (3 * H, H)); idx += 1
        inp[f"gru_b_hh_{t}"] = nrm(idx, (3 * H,)); idx += 1
    return inp


def _prop(x, edge_index, edge_attr, params):
    src = edge_index[0]
    dst = edge_index[1]
    hv = x
    for (mW, mb, Wih, bih, Whh, bhh) in params:
        # dgmg_msg: m = concat([h_src, he]); dgmg_reduce: concat([hv_dst, m]) -> Linear -> sum over in-edges
        msg = jnp.concatenate([hv[dst], hv[src], edge_attr], axis=1)  # [E, 2H+1]
        act = msg @ mW.T + mb  # [E, 2H]
        a = jax.ops.segment_sum(act, dst, num_segments=hv.shape[0])  # [N, 2H]
        # GRUCell(a, hv)
        gi = a @ Wih.T + bih
        gh = hv @ Whh.T + bhh
        i_r, i_z, i_n = jnp.split(gi, 3, axis=1)
        h_r, h_z, h_n = jnp.split(gh, 3, axis=1)
        r = jax.nn.sigmoid(i_r + h_r)
        z = jax.nn.sigmoid(i_z + h_z)
        n = jnp.tanh(i_n + r * h_n)
        hv = (1.0 - z) * n + z * hv
    return hv


def reference(x, edge_index, edge_attr, msg_W_0, msg_b_0, gru_W_ih_0, gru_b_ih_0, gru_W_hh_0, gru_b_hh_0, msg_W_1, msg_b_1, gru_W_ih_1, gru_b_ih_1, gru_W_hh_1, gru_b_hh_1):
    params = [
        (msg_W_0, msg_b_0, gru_W_ih_0, gru_b_ih_0, gru_W_hh_0, gru_b_hh_0),
        (msg_W_1, msg_b_1, gru_W_ih_1, gru_b_ih_1, gru_W_hh_1, gru_b_hh_1),
    ]
    return _prop(x, edge_index, edge_attr, params)

if __name__ == "__main__":
    import jax
    _d = setup_inputs()
    print(jax.jit(kernel)(*tuple(_d.values())))

</pallas_src>

<mosaic_0001>
#map = affine_map<(d0, d1) -> (0, 0, 0, 0)>
#map1 = affine_map<(d0, d1) -> (0, 0)>
#map2 = affine_map<(d0, d1) -> (0, 0, 0)>
module attributes {stable_mosaic.version = 14 : i64} {
  func.func @aux(%arg0: i32, %arg1: i32, %arg2: memref<32x80x8x16xf32, #tpu.memory_space<hbm>>, %arg3: memref<32x80x2x128xi32, #tpu.memory_space<hbm>>, %arg4: memref<128x128xf32, #tpu.memory_space<hbm>>, %arg5: memref<2x10240x128xf32, #tpu.memory_space<hbm>>, %arg6: memref<10240x128xf32, #tpu.memory_space<vmem_shared>>, %arg7: memref<2x128xi32, #tpu.memory_space<vmem>>, %arg8: memref<8x16xf32, #tpu.memory_space<vmem>>, %arg9: memref<128x128xf32, #tpu.memory_space<vmem>>) attributes {dimension_semantics = [#tpu.dimension_semantics<core_parallel>, #tpu.dimension_semantics<subcore_parallel>], iteration_bounds = array<i64: 2, 16>, scalar_prefetch = 0 : i64, scratch_operands = 4 : i64, tpu.core_type = #tpu.core_type<sc_vector_subcore>, window_params = [{transform_indices = #map}, {transform_indices = #map}, {transform_indices = #map1}, {transform_indices = #map2}]} {
    %mul3A = arith.constant 2 : i32
    %mul3A_0 = arith.muli %arg1, %mul3A : i32
    %add3A = arith.addi %mul3A_0, %arg0 : i32
    %mul3A_1 = arith.constant 640 : i32
    %mul3A_2 = arith.muli %arg1, %mul3A_1 : i32
    "tpu.region"() ({
      %run_scoped3A = tpu.sem_alloc : memref<!tpu.dma_semaphore, #tpu.memory_space<semaphore_mem>>
      tpu.enqueue_dma source(%arg4 : memref<128x128xf32, #tpu.memory_space<hbm>>) target(%arg9 : memref<128x128xf32, #tpu.memory_space<vmem>>) target_semaphore(%run_scoped3A : memref<!tpu.dma_semaphore, #tpu.memory_space<semaphore_mem>>)
      tpu.wait_dma2 semaphore(%run_scoped3A : memref<!tpu.dma_semaphore, #tpu.memory_space<semaphore_mem>>) src(%arg4 : memref<128x128xf32, #tpu.memory_space<hbm>>) dst(%arg9 : memref<128x128xf32, #tpu.memory_space<vmem>>)
      tpu.yield
    }) : () -> ()
    %scan3A = arith.constant 0 : i32
    %scan3A_3 = arith.constant 0 : i32
    %scan3A_4 = arith.constant 5 : i32
    %scan3A_5 = arith.addi %scan3A_3, %scan3A_4 : i32
    %scan3A_6 = arith.constant 1 : i32
    scf.for %scan3A_1301 = %scan3A_3 to %scan3A_5 step %scan3A_6  : i32 {
      %mul3A_1302 = arith.constant 128 : i32
      %mul3A_1303 = arith.muli %scan3A_1301, %mul3A_1302 : i32
      %add3A_1304 = arith.addi %mul3A_2, %mul3A_1303 : i32
      "tpu.region"() ({
        %run_scoped3A = tpu.sem_alloc : memref<!tpu.dma_semaphore, #tpu.memory_space<semaphore_mem>>
        %dma_start3A = arith.constant 0 : i32
        %dma_start3A_1305 = tpu.memref_slice %arg6[%add3A_1304, %dma_start3A] : memref<10240x128xf32, #tpu.memory_space<vmem_shared>> -> memref<128x128xf32, #tpu.memory_space<vmem_shared>>
        %dma_start3A_1306 = arith.constant 0 : i32
        %dma_start3A_1307 = tpu.memref_slice %arg6[%add3A_1304, %dma_start3A_1306] : memref<10240x128xf32, #tpu.memory_space<vmem_shared>> -> memref<128x128xf32, #tpu.memory_space<vmem_shared>>
        tpu.enqueue_dma source(%arg9 : memref<128x128xf32, #tpu.memory_space<vmem>>) target(%dma_start3A_1307 : memref<128x128xf32, #tpu.memory_space<vmem_shared>>) target_semaphore(%run_scoped3A : memref<!tpu.dma_semaphore, #tpu.memory_space<semaphore_mem>>)
        %dma_wait3A = arith.constant 0 : i32
        %dma_wait3A_1308 = tpu.memref_slice %arg6[%add3A_1304, %dma_wait3A] : memref<10240x128xf32, #tpu.memory_space<vmem_shared>> -> memref<128x128xf32, #tpu.memory_space<vmem_shared>>
        %dma_wait3A_1309 = arith.constant 0 : i32
        %dma_wait3A_1310 = tpu.memref_slice %arg6[%add3A_1304, %dma_wait3A_1309] : memref<10240x128xf32, #tpu.memory_space<vmem_shared>> -> memref<128x128xf32, #tpu.memory_space<vmem_shared>>
        tpu.wait_dma2 semaphore(%run_scoped3A : memref<!tpu.dma_semaphore, #tpu.memory_space<semaphore_mem>>) src(%arg9 : memref<128x128xf32, #tpu.memory_space<vmem>>) dst(%dma_wait3A_1310 : memref<128x128xf32, #tpu.memory_space<vmem_shared>>)
        tpu.yield
      }) : () -> ()
    }
    %scan3A_7 = arith.constant 5 : i32
    %barrier3A = arith.constant 0 : index
    tpu.barrier barrier_id(%barrier3A)
    %iota3A = tpu.iota {dimensions = array<i32: 0>} : vector<16xi32>
    %broadcast_in_dim3A = arith.constant 1.000000e+00 : f32
    %broadcast_in_dim3A_8 = vector.broadcast %broadcast_in_dim3A : f32 to vector<16xf32>
    %broadcast_in_dim3A_9 = arith.constant 0.000000e+00 : f32
    %broadcast_in_dim3A_10 = vector.broadcast %broadcast_in_dim3A_9 : f32 to vector<16xf32>
    %eq3A = arith.constant 0 : i32
    %eq3A_11 = vector.broadcast %eq3A : i32 to vector<16xi32>
    %eq3A_12 = arith.cmpi eq, %iota3A, %eq3A_11 : vector<16xi32>
    %select_n3A = arith.select %eq3A_12, %broadcast_in_dim3A_8, %broadcast_in_dim3A_10 : vector<16xi1>, vector<16xf32>
    %swap3A = arith.constant 0 : i32
    %swap3A_13 = arith.index_cast %swap3A : i32 to index
    %swap3A_14 = arith.constant 16 : index
    %swap3A_15 = tpu.vector_load %arg9[%swap3A_13, %swap3A_14] {strides = array<i32>} : memref<128x128xf32, #tpu.memory_space<vmem>>, vector<1x16xf32>,
    %swap3A_16 = vector.shape_cast %swap3A_15 : vector<1x16xf32> to vector<16xf32>
    %swap3A_17 = vector.shape_cast %select_n3A : vector<16xf32> to vector<1x16xf32>
    tpu.vector_store %arg9[%swap3A_13, %swap3A_14], %swap3A_17 {strides = array<i32>} : memref<128x128xf32, #tpu.memory_space<vmem>>, vector<1x16xf32>,
    %eq3A_18 = arith.constant 1 : i32
    %eq3A_19 = vector.broadcast %eq3A_18 : i32 to vector<16xi32>
    %eq3A_20 = arith.cmpi eq, %iota3A, %eq3A_19 : vector<16xi32>
    %select_n3A_21 = arith.select %eq3A_20, %broadcast_in_dim3A_8, %broadcast_in_dim3A_10 : vector<16xi1>, vector<16xf32>
    %swap3A_22 = arith.constant 1 : i32
    %swap3A_23 = arith.index_cast %swap3A_22 : i32 to index
    %swap3A_24 = arith.constant 16 : index
    %swap3A_25 = tpu.vector_load %arg9[%swap3A_23, %swap3A_24] {strides = array<i32>} : memref<128x128xf32, #tpu.memory_space<vmem>>, vector<1x16xf32>,
    %swap3A_26 = vector.shape_cast %swap3A_25 : vector<1x16xf32> to vector<16xf32>
    %swap3A_27 = vector.shape_cast %select_n3A_21 : vector<16xf32> to vector<1x16xf32>
    tpu.vector_store %arg9[%swap3A_23, %swap3A_24], %swap3A_27 {strides = array<i32>} : memref<128x128xf32, #tpu.memory_space<vmem>>, vector<1x16xf32>,
    %eq3A_28 = arith.constant 2 : i32
    %eq3A_29 = vector.broadcast %eq3A_28 : i32 to vector<16xi32>
    %eq3A_30 = arith.cmpi eq, %iota3A, %eq3A_29 : vector<16xi32>
    %select_n3A_31 = arith.select %eq3A_30, %broadcast_in_dim3A_8, %broadcast_in_dim3A_10 : vector<16xi1>, vector<16xf32>
    %swap3A_32 = arith.constant 2 : i32
    %swap3A_33 = arith.index_cast %swap3A_32 : i32 to index
    %swap3A_34 = arith.constant 16 : index
    %swap3A_35 = tpu.vector_load %arg9[%swap3A_33, %swap3A_34] {strides = array<i32>} : memref<128x128xf32, #tpu.memory_space<vmem>>, vector<1x16xf32>,
    %swap3A_36 = vector.shape_cast %swap3A_35 : vector<1x16xf32> to vector<16xf32>
    %swap3A_37 = vector.shape_cast %select_n3A_31 : vector<16xf32> to vector<1x16xf32>
    tpu.vector_store %arg9[%swap3A_33, %swap3A_34], %swap3A_37 {strides = array<i32>} : memref<128x128xf32, #tpu.memory_space<vmem>>, vector<1x16xf32>,
    %eq3A_38 = arith.constant 3 : i32
    %eq3A_39 = vector.broadcast %eq3A_38 : i32 to vector<16xi32>
    %eq3A_40 = arith.cmpi eq, %iota3A, %eq3A_39 : vector<16xi32>
    %select_n3A_41 = arith.select %eq3A_40, %broadcast_in_dim3A_8, %broadcast_in_dim3A_10 : vector<16xi1>, vector<16xf32>
    %swap3A_42 = arith.constant 3 : i32
    %swap3A_43 = arith.index_cast %swap3A_42 : i32 to index
    %swap3A_44 = arith.constant 16 : index
    %swap3A_45 = tpu.vector_load %arg9[%swap3A_43, %swap3A_44] {strides = array<i32>} : memref<128x128xf32, #tpu.memory_space<vmem>>, vector<1x16xf32>,
    %swap3A_46 = vector.shape_cast %swap3A_45 : vector<1x16xf32> to vector<16xf32>
    %swap3A_47 = vector.shape_cast %select_n3A_41 : vector<16xf32> to vector<1x16xf32>
    tpu.vector_store %arg9[%swap3A_43, %swap3A_44], %swap3A_47 {strides = array<i32>} : memref<128x128xf32, #tpu.memory_space<vmem>>, vector<1x16xf32>,
    %eq3A_48 = arith.constant 4 : i32
    %eq3A_49 = vector.broadcast %eq3A_48 : i32 to vector<16xi32>
    %eq3A_50 = arith.cmpi eq, %iota3A, %eq3A_49 : vector<16xi32>
    %select_n3A_51 = arith.select %eq3A_50, %broadcast_in_dim3A_8, %broadcast_in_dim3A_10 : vector<16xi1>, vector<16xf32>
    %swap3A_52 = arith.constant 4 : i32
    %swap3A_53 = arith.index_cast %swap3A_52 : i32 to index
    %swap3A_54 = arith.constant 16 : index
    %swap3A_55 = tpu.vector_load %arg9[%swap3A_53, %swap3A_54] {strides = array<i32>} : memref<128x128xf32, #tpu.memory_space<vmem>>, vector<1x16xf32>,
    %swap3A_56 = vector.shape_cast %swap3A_55 : vector<1x16xf32> to vector<16xf32>
    %swap3A_57 = vector.shape_cast %select_n3A_51 : vector<16xf32> to vector<1x16xf32>
    tpu.vector_store %arg9[%swap3A_53, %swap3A_54], %swap3A_57 {strides = array<i32>} : memref<128x128xf32, #tpu.memory_space<vmem>>, vector<1x16xf32>,
    %eq3A_58 = arith.constant 5 : i32
    %eq3A_59 = vector.broadcast %eq3A_58 : i32 to vector<16xi32>
    %eq3A_60 = arith.cmpi eq, %iota3A, %eq3A_59 : vector<16xi32>
    %select_n3A_61 = arith.select %eq3A_60, %broadcast_in_dim3A_8, %broadcast_in_dim3A_10 : vector<16xi1>, vector<16xf32>
    %swap3A_62 = arith.constant 5 : i32
    %swap3A_63 = arith.index_cast %swap3A_62 : i32 to index
    %swap3A_64 = arith.constant 16 : index
    %swap3A_65 = tpu.vector_load %arg9[%swap3A_63, %swap3A_64] {strides = array<i32>} : memref<128x128xf32, #tpu.memory_space<vmem>>, vector<1x16xf32>,
    %swap3A_66 = vector.shape_cast %swap3A_65 : vector<1x16xf32> to vector<16xf32>
    %swap3A_67 = vector.shape_cast %select_n3A_61 : vector<16xf32> to vector<1x16xf32>
    tpu.vector_store %arg9[%swap3A_63, %swap3A_64], %swap3A_67 {strides = array<i32>} : memref<128x128xf32, #tpu.memory_space<vmem>>, vector<1x16xf32>,
    %eq3A_68 = arith.constant 6 : i32
    %eq3A_69 = vector.broadcast %eq3A_68 : i32 to vector<16xi32>
    %eq3A_70 = arith.cmpi eq, %iota3A, %eq3A_69 : vector<16xi32>
    %select_n3A_71 = arith.select %eq3A_70, %broadcast_in_dim3A_8, %broadcast_in_dim3A_10 : vector<16xi1>, vector<16xf32>
    %swap3A_72 = arith.constant 6 : i32
    %swap3A_73 = arith.index_cast %swap3A_72 : i32 to index
    %swap3A_74 = arith.constant 16 : index
    %swap3A_75 = tpu.vector_load %arg9[%swap3A_73, %swap3A_74] {strides = array<i32>} : memref<128x128xf32, #tpu.memory_space<vmem>>, vector<1x16xf32>,
    %swap3A_76 = vector.shape_cast %swap3A_75 : vector<1x16xf32> to vector<16xf32>
    %swap3A_77 = vector.shape_cast %select_n3A_71 : vector<16xf32> to vector<1x16xf32>
    tpu.vector_store %arg9[%swap3A_73, %swap3A_74], %swap3A_77 {strides = array<i32>} : memref<128x128xf32, #tpu.memory_space<vmem>>, vector<1x16xf32>,
    %eq3A_78 = arith.constant 7 : i32
    %eq3A_79 = vector.broadcast %eq3A_78 : i32 to vector<16xi32>
    %eq3A_80 = arith.cmpi eq, %iota3A, %eq3A_79 : vector<16xi32>
    %select_n3A_81 = arith.select %eq3A_80, %broadcast_in_dim3A_8, %broadcast_in_dim3A_10 : vector<16xi1>, vector<16xf32>
    %swap3A_82 = arith.constant 7 : i32
    %swap3A_83 = arith.index_cast %swap3A_82 : i32 to index
    %swap3A_84 = arith.constant 16 : index
    %swap3A_85 = tpu.vector_load %arg9[%swap3A_83, %swap3A_84] {strides = array<i32>} : memref<128x128xf32, #tpu.memory_space<vmem>>, vector<1x16xf32>,
    %swap3A_86 = vector.shape_cast %swap3A_85 : vector<1x16xf32> to vector<16xf32>
    %swap3A_87 = vector.shape_cast %select_n3A_81 : vector<16xf32> to vector<1x16xf32>
    tpu.vector_store %arg9[%swap3A_83, %swap3A_84], %swap3A_87 {strides = array<i32>} : memref<128x128xf32, #tpu.memory_space<vmem>>, vector<1x16xf32>,
    %eq3A_88 = arith.constant 8 : i32
    %eq3A_89 = vector.broadcast %eq3A_88 : i32 to vector<16xi32>
    %eq3A_90 = arith.cmpi eq, %iota3A, %eq3A_89 : vector<16xi32>
    %select_n3A_91 = arith.select %eq3A_90, %broadcast_in_dim3A_8, %broadcast_in_dim3A_10 : vector<16xi1>, vector<16xf32>
    %swap3A_92 = arith.constant 8 : i32
    %swap3A_93 = arith.index_cast %swap3A_92 : i32 to index
    %swap3A_94 = arith.constant 16 : index
    %swap3A_95 = tpu.vector_load %arg9[%swap3A_93, %swap3A_94] {strides = array<i32>} : memref<128x128xf32, #tpu.memory_space<vmem>>, vector<1x16xf32>,
    %swap3A_96 = vector.shape_cast %swap3A_95 : vector<1x16xf32> to vector<16xf32>
    %swap3A_97 = vector.shape_cast %select_n3A_91 : vector<16xf32> to vector<1x16xf32>
    tpu.vector_store %arg9[%swap3A_93, %swap3A_94], %swap3A_97 {strides = array<i32>} : memref<128x128xf32, #tpu.memory_space<vmem>>, vector<1x16xf32>,
    %eq3A_98 = arith.constant 9 : i32
    %eq3A_99 = vector.broadcast %eq3A_98 : i32 to vector<16xi32>
    %eq3A_100 = arith.cmpi eq, %iota3A, %eq3A_99 : vector<16xi32>
    %select_n3A_101 = arith.select %eq3A_100, %broadcast_in_dim3A_8, %broadcast_in_dim3A_10 : vector<16xi1>, vector<16xf32>
    %swap3A_102 = arith.constant 9 : i32
    %swap3A_103 = arith.index_cast %swap3A_102 : i32 to index
    %swap3A_104 = arith.constant 16 : index
    %swap3A_105 = tpu.vector_load %arg9[%swap3A_103, %swap3A_104] {strides = array<i32>} : memref<128x128xf32, #tpu.memory_space<vmem>>, vector<1x16xf32>,
    %swap3A_106 = vector.shape_cast %swap3A_105 : vector<1x16xf32> to vector<16xf32>
    %swap3A_107 = vector.shape_cast %select_n3A_101 : vector<16xf32> to vector<1x16xf32>
    tpu.vector_store %arg9[%swap3A_103, %swap3A_104], %swap3A_107 {strides = array<i32>} : memref<128x128xf32, #tpu.memory_space<vmem>>, vector<1x16xf32>,
    %eq3A_108 = arith.constant 10 : i32
    %eq3A_109 = vector.broadcast %eq3A_108 : i32 to vector<16xi32>
    %eq3A_110 = arith.cmpi eq, %iota3A, %eq3A_109 : vector<16xi32>
    %select_n3A_111 = arith.select %eq3A_110, %broadcast_in_dim3A_8, %broadcast_in_dim3A_10 : vector<16xi1>, vector<16xf32>
    %swap3A_112 = arith.constant 10 : i32
    %swap3A_113 = arith.index_cast %swap3A_112 : i32 to index
    %swap3A_114 = arith.constant 16 : index
    %swap3A_115 = tpu.vector_load %arg9[%swap3A_113, %swap3A_114] {strides = array<i32>} : memref<128x128xf32, #tpu.memory_space<vmem>>, vector<1x16xf32>,
    %swap3A_116 = vector.shape_cast %swap3A_115 : vector<1x16xf32> to vector<16xf32>
    %swap3A_117 = vector.shape_cast %select_n3A_111 : vector<16xf32> to vector<1x16xf32>
    tpu.vector_store %arg9[%swap3A_113, %swap3A_114], %swap3A_117 {strides = array<i32>} : memref<128x128xf32, #tpu.memory_space<vmem>>, vector<1x16xf32>,
    %eq3A_118 = arith.constant 11 : i32
    %eq3A_119 = vector.broadcast %eq3A_118 : i32 to vector<16xi32>
    %eq3A_120 = arith.cmpi eq, %iota3A, %eq3A_119 : vector<16xi32>
    %select_n3A_121 = arith.select %eq3A_120, %broadcast_in_dim3A_8, %broadcast_in_dim3A_10 : vector<16xi1>, vector<16xf32>
    %swap3A_122 = arith.constant 11 : i32
    %swap3A_123 = arith.index_cast %swap3A_122 : i32 to index
    %swap3A_124 = arith.constant 16 : index
    %swap3A_125 = tpu.vector_load %arg9[%swap3A_123, %swap3A_124] {strides = array<i32>} : memref<128x128xf32, #tpu.memory_space<vmem>>, vector<1x16xf32>,
    %swap3A_126 = vector.shape_cast %swap3A_125 : vector<1x16xf32> to vector<16xf32>
    %swap3A_127 = vector.shape_cast %select_n3A_121 : vector<16xf32> to vector<1x16xf32>
    tpu.vector_store %arg9[%swap3A_123, %swap3A_124], %swap3A_127 {strides = array<i32>} : memref<128x128xf32, #tpu.memory_space<vmem>>, vector<1x16xf32>,
    %eq3A_128 = arith.constant 12 : i32
    %eq3A_129 = vector.broadcast %eq3A_128 : i32 to vector<16xi32>
    %eq3A_130 = arith.cmpi eq, %iota3A, %eq3A_129 : vector<16xi32>
    %select_n3A_131 = arith.select %eq3A_130, %broadcast_in_dim3A_8, %broadcast_in_dim3A_10 : vector<16xi1>, vector<16xf32>
    %swap3A_132 = arith.constant 12 : i32
    %swap3A_133 = arith.index_cast %swap3A_132 : i32 to index
    %swap3A_134 = arith.constant 16 : index
    %swap3A_135 = tpu.vector_load %arg9[%swap3A_133, %swap3A_134] {strides = array<i32>} : memref<128x128xf32, #tpu.memory_space<vmem>>, vector<1x16xf32>,
    %swap3A_136 = vector.shape_cast %swap3A_135 : vector<1x16xf32> to vector<16xf32>
    %swap3A_137 = vector.shape_cast %select_n3A_131 : vector<16xf32> to vector<1x16xf32>
    tpu.vector_store %arg9[%swap3A_133, %swap3A_134], %swap3A_137 {strides = array<i32>} : memref<128x128xf32, #tpu.memory_space<vmem>>, vector<1x16xf32>,
    %eq3A_138 = arith.constant 13 : i32
    %eq3A_139 = vector.broadcast %eq3A_138 : i32 to vector<16xi32>
    %eq3A_140 = arith.cmpi eq, %iota3A, %eq3A_139 : vector<16xi32>
    %select_n3A_141 = arith.select %eq3A_140, %broadcast_in_dim3A_8, %broadcast_in_dim3A_10 : vector<16xi1>, vector<16xf32>
    %swap3A_142 = arith.constant 13 : i32
    %swap3A_143 = arith.index_cast %swap3A_142 : i32 to index
    %swap3A_144 = arith.constant 16 : index
    %swap3A_145 = tpu.vector_load %arg9[%swap3A_143, %swap3A_144] {strides = array<i32>} : memref<128x128xf32, #tpu.memory_space<vmem>>, vector<1x16xf32>,
    %swap3A_146 = vector.shape_cast %swap3A_145 : vector<1x16xf32> to vector<16xf32>
    %swap3A_147 = vector.shape_cast %select_n3A_141 : vector<16xf32> to vector<1x16xf32>
    tpu.vector_store %arg9[%swap3A_143, %swap3A_144], %swap3A_147 {strides = array<i32>} : memref<128x128xf32, #tpu.memory_space<vmem>>, vector<1x16xf32>,
    %eq3A_148 = arith.constant 14 : i32
    %eq3A_149 = vector.broadcast %eq3A_148 : i32 to vector<16xi32>
    %eq3A_150 = arith.cmpi eq, %iota3A, %eq3A_149 : vector<16xi32>
    %select_n3A_151 = arith.select %eq3A_150, %broadcast_in_dim3A_8, %broadcast_in_dim3A_10 : vector<16xi1>, vector<16xf32>
    %swap3A_152 = arith.constant 14 : i32
    %swap3A_153 = arith.index_cast %swap3A_152 : i32 to index
    %swap3A_154 = arith.constant 16 : index
    %swap3A_155 = tpu.vector_load %arg9[%swap3A_153, %swap3A_154] {strides = array<i32>} : memref<128x128xf32, #tpu.memory_space<vmem>>, vector<1x16xf32>,
    %swap3A_156 = vector.shape_cast %swap3A_155 : vector<1x16xf32> to vector<16xf32>
    %swap3A_157 = vector.shape_cast %select_n3A_151 : vector<16xf32> to vector<1x16xf32>
    tpu.vector_store %arg9[%swap3A_153, %swap3A_154], %swap3A_157 {strides = array<i32>} : memref<128x128xf32, #tpu.memory_space<vmem>>, vector<1x16xf32>,
    %eq3A_158 = arith.constant 15 : i32
    %eq3A_159 = vector.broadcast %eq3A_158 : i32 to vector<16xi32>
    %eq3A_160 = arith.cmpi eq, %iota3A, %eq3A_159 : vector<16xi32>
    %select_n3A_161 = arith.select %eq3A_160, %broadcast_in_dim3A_8, %broadcast_in_dim3A_10 : vector<16xi1>, vector<16xf32>
    %swap3A_162 = arith.constant 15 : i32
    %swap3A_163 = arith.index_cast %swap3A_162 : i32 to index
    %swap3A_164 = arith.constant 16 : index
    %swap3A_165 = tpu.vector_load %arg9[%swap3A_163, %swap3A_164] {strides = array<i32>} : memref<128x128xf32, #tpu.memory_space<vmem>>, vector<1x16xf32>,
    %swap3A_166 = vector.shape_cast %swap3A_165 : vector<1x16xf32> to vector<16xf32>
    %swap3A_167 = vector.shape_cast %select_n3A_161 : vector<16xf32> to vector<1x16xf32>
    tpu.vector_store %arg9[%swap3A_163, %swap3A_164], %swap3A_167 {strides = array<i32>} : memref<128x128xf32, #tpu.memory_space<vmem>>, vector<1x16xf32>,
    %eq3A_168 = arith.constant 0 : i32
    %eq3A_169 = vector.broadcast %eq3A_168 : i32 to vector<16xi32>
    %eq3A_170 = arith.cmpi eq, %iota3A, %eq3A_169 : vector<16xi32>
    %select_n3A_171 = arith.select %eq3A_170, %broadcast_in_dim3A_8, %broadcast_in_dim3A_10 : vector<16xi1>, vector<16xf32>
    %swap3A_172 = arith.constant 16 : i32
    %swap3A_173 = arith.index_cast %swap3A_172 : i32 to index
    %swap3A_174 = arith.constant 16 : index
    %swap3A_175 = tpu.vector_load %arg9[%swap3A_173, %swap3A_174] {strides = array<i32>} : memref<128x128xf32, #tpu.memory_space<vmem>>, vector<1x16xf32>,
    %swap3A_176 = vector.shape_cast %swap3A_175 : vector<1x16xf32> to vector<16xf32>
    %swap3A_177 = vector.shape_cast %select_n3A_171 : vector<16xf32> to vector<1x16xf32>
    tpu.vector_store %arg9[%swap3A_173, %swap3A_174], %swap3A_177 {strides = array<i32>} : memref<128x128xf32, #tpu.memory_space<vmem>>, vector<1x16xf32>,
    %eq3A_178 = arith.constant 1 : i32
    %eq3A_179 = vector.broadcast %eq3A_178 : i32 to vector<16xi32>
    %eq3A_180 = arith.cmpi eq, %iota3A, %eq3A_179 : vector<16xi32>
    %select_n3A_181 = arith.select %eq3A_180, %broadcast_in_dim3A_8, %broadcast_in_dim3A_10 : vector<16xi1>, vector<16xf32>
    %swap3A_182 = arith.constant 17 : i32
    %swap3A_183 = arith.index_cast %swap3A_182 : i32 to index
    %swap3A_184 = arith.constant 16 : index
    %swap3A_185 = tpu.vector_load %arg9[%swap3A_183, %swap3A_184] {strides = array<i32>} : memref<128x128xf32, #tpu.memory_space<vmem>>, vector<1x16xf32>,
    %swap3A_186 = vector.shape_cast %swap3A_185 : vector<1x16xf32> to vector<16xf32>
    %swap3A_187 = vector.shape_cast %select_n3A_181 : vector<16xf32> to vector<1x16xf32>
    tpu.vector_store %arg9[%swap3A_183, %swap3A_184], %swap3A_187 {strides = array<i32>} : memref<128x128xf32, #tpu.memory_space<vmem>>, vector<1x16xf32>,
    %eq3A_188 = arith.constant 2 : i32
    %eq3A_189 = vector.broadcast %eq3A_188 : i32 to vector<16xi32>
    %eq3A_190 = arith.cmpi eq, %iota3A, %eq3A_189 : vector<16xi32>
    %select_n3A_191 = arith.select %eq3A_190, %broadcast_in_dim3A_8, %broadcast_in_dim3A_10 : vector<16xi1>, vector<16xf32>
    %swap3A_192 = arith.constant 18 : i32
    %swap3A_193 = arith.index_cast %swap3A_192 : i32 to index
    %swap3A_194 = arith.constant 16 : index
    %swap3A_195 = tpu.vector_load %arg9[%swap3A_193, %swap3A_194] {strides = array<i32>} : memref<128x128xf32, #tpu.memory_space<vmem>>, vector<1x16xf32>,
    %swap3A_196 = vector.shape_cast %swap3A_195 : vector<1x16xf32> to vector<16xf32>
    %swap3A_197 = vector.shape_cast %select_n3A_191 : vector<16xf32> to vector<1x16xf32>
    tpu.vector_store %arg9[%swap3A_193, %swap3A_194], %swap3A_197 {strides = array<i32>} : memref<128x128xf32, #tpu.memory_space<vmem>>, vector<1x16xf32>,
    %eq3A_198 = arith.constant 3 : i32
    %eq3A_199 = vector.broadcast %eq3A_198 : i32 to vector<16xi32>
    %eq3A_200 = arith.cmpi eq, %iota3A, %eq3A_199 : vector<16xi32>
    %select_n3A_201 = arith.select %eq3A_200, %broadcast_in_dim3A_8, %broadcast_in_dim3A_10 : vector<16xi1>, vector<16xf32>
    %swap3A_202 = arith.constant 19 : i32
    %swap3A_203 = arith.index_cast %swap3A_202 : i32 to index
    %swap3A_204 = arith.constant 16 : index
    %swap3A_205 = tpu.vector_load %arg9[%swap3A_203, %swap3A_204] {strides = array<i32>} : memref<128x128xf32, #tpu.memory_space<vmem>>, vector<1x16xf32>,
    %swap3A_206 = vector.shape_cast %swap3A_205 : vector<1x16xf32> to vector<16xf32>
    %swap3A_207 = vector.shape_cast %select_n3A_201 : vector<16xf32> to vector<1x16xf32>
    tpu.vector_store %arg9[%swap3A_203, %swap3A_204], %swap3A_207 {strides = array<i32>} : memref<128x128xf32, #tpu.memory_space<vmem>>, vector<1x16xf32>,
    %eq3A_208 = arith.constant 4 : i32
    %eq3A_209 = vector.broadcast %eq3A_208 : i32 to vector<16xi32>
    %eq3A_210 = arith.cmpi eq, %iota3A, %eq3A_209 : vector<16xi32>
    %select_n3A_211 = arith.select %eq3A_210, %broadcast_in_dim3A_8, %broadcast_in_dim3A_10 : vector<16xi1>, vector<16xf32>
    %swap3A_212 = arith.constant 20 : i32
    %swap3A_213 = arith.index_cast %swap3A_212 : i32 to index
    %swap3A_214 = arith.constant 16 : index
    %swap3A_215 = tpu.vector_load %arg9[%swap3A_213, %swap3A_214] {strides = array<i32>} : memref<128x128xf32, #tpu.memory_space<vmem>>, vector<1x16xf32>,
    %swap3A_216 = vector.shape_cast %swap3A_215 : vector<1x16xf32> to vector<16xf32>
    %swap3A_217 = vector.shape_cast %select_n3A_211 : vector<16xf32> to vector<1x16xf32>
    tpu.vector_store %arg9[%swap3A_213, %swap3A_214], %swap3A_217 {strides = array<i32>} : memref<128x128xf32, #tpu.memory_space<vmem>>, vector<1x16xf32>,
    %eq3A_218 = arith.constant 5 : i32
    %eq3A_219 = vector.broadcast %eq3A_218 : i32 to vector<16xi32>
    %eq3A_220 = arith.cmpi eq, %iota3A, %eq3A_219 : vector<16xi32>
    %select_n3A_221 = arith.select %eq3A_220, %broadcast_in_dim3A_8, %broadcast_in_dim3A_10 : vector<16xi1>, vector<16xf32>
    %swap3A_222 = arith.constant 21 : i32
    %swap3A_223 = arith.index_cast %swap3A_222 : i32 to index
    %swap3A_224 = arith.constant 16 : index
    %swap3A_225 = tpu.vector_load %arg9[%swap3A_223, %swap3A_224] {strides = array<i32>} : memref<128x128xf32, #tpu.memory_space<vmem>>, vector<1x16xf32>,
    %swap3A_226 = vector.shape_cast %swap3A_225 : vector<1x16xf32> to vector<16xf32>
    %swap3A_227 = vector.shape_cast %select_n3A_221 : vector<16xf32> to vector<1x16xf32>
    tpu.vector_store %arg9[%swap3A_223, %swap3A_224], %swap3A_227 {strides = array<i32>} : memref<128x128xf32, #tpu.memory_space<vmem>>, vector<1x16xf32>,
    %eq3A_228 = arith.constant 6 : i32
    %eq3A_229 = vector.broadcast %eq3A_228 : i32 to vector<16xi32>
    %eq3A_230 = arith.cmpi eq, %iota3A, %eq3A_229 : vector<16xi32>
    %select_n3A_231 = arith.select %eq3A_230, %broadcast_in_dim3A_8, %broadcast_in_dim3A_10 : vector<16xi1>, vector<16xf32>
    %swap3A_232 = arith.constant 22 : i32
    %swap3A_233 = arith.index_cast %swap3A_232 : i32 to index
    %swap3A_234 = arith.constant 16 : index
    %swap3A_235 = tpu.vector_load %arg9[%swap3A_233, %swap3A_234] {strides = array<i32>} : memref<128x128xf32, #tpu.memory_space<vmem>>, vector<1x16xf32>,
    %swap3A_236 = vector.shape_cast %swap3A_235 : vector<1x16xf32> to vector<16xf32>
    %swap3A_237 = vector.shape_cast %select_n3A_231 : vector<16xf32> to vector<1x16xf32>
    tpu.vector_store %arg9[%swap3A_233, %swap3A_234], %swap3A_237 {strides = array<i32>} : memref<128x128xf32, #tpu.memory_space<vmem>>, vector<1x16xf32>,
    %eq3A_238 = arith.constant 7 : i32
    %eq3A_239 = vector.broadcast %eq3A_238 : i32 to vector<16xi32>
    %eq3A_240 = arith.cmpi eq, %iota3A, %eq3A_239 : vector<16xi32>
    %select_n3A_241 = arith.select %eq3A_240, %broadcast_in_dim3A_8, %broadcast_in_dim3A_10 : vector<16xi1>, vector<16xf32>
    %swap3A_242 = arith.constant 23 : i32
    %swap3A_243 = arith.index_cast %swap3A_242 : i32 to index
    %swap3A_244 = arith.constant 16 : index
    %swap3A_245 = tpu.vector_load %arg9[%swap3A_243, %swap3A_244] {strides = array<i32>} : memref<128x128xf32, #tpu.memory_space<vmem>>, vector<1x16xf32>,
    %swap3A_246 = vector.shape_cast %swap3A_245 : vector<1x16xf32> to vector<16xf32>
    %swap3A_247 = vector.shape_cast %select_n3A_241 : vector<16xf32> to vector<1x16xf32>
    tpu.vector_store %arg9[%swap3A_243, %swap3A_244], %swap3A_247 {strides = array<i32>} : memref<128x128xf32, #tpu.memory_space<vmem>>, vector<1x16xf32>,
    %eq3A_248 = arith.constant 8 : i32
    %eq3A_249 = vector.broadcast %eq3A_248 : i32 to vector<16xi32>
    %eq3A_250 = arith.cmpi eq, %iota3A, %eq3A_249 : vector<16xi32>
    %select_n3A_251 = arith.select %eq3A_250, %broadcast_in_dim3A_8, %broadcast_in_dim3A_10 : vector<16xi1>, vector<16xf32>
    %swap3A_252 = arith.constant 24 : i32
    %swap3A_253 = arith.index_cast %swap3A_252 : i32 to index
    %swap3A_254 = arith.constant 16 : index
    %swap3A_255 = tpu.vector_load %arg9[%swap3A_253, %swap3A_254] {strides = array<i32>} : memref<128x128xf32, #tpu.memory_space<vmem>>, vector<1x16xf32>,
    %swap3A_256 = vector.shape_cast %swap3A_255 : vector<1x16xf32> to vector<16xf32>
    %swap3A_257 = vector.shape_cast %select_n3A_251 : vector<16xf32> to vector<1x16xf32>
    tpu.vector_store %arg9[%swap3A_253, %swap3A_254], %swap3A_257 {strides = array<i32>} : memref<128x128xf32, #tpu.memory_space<vmem>>, vector<1x16xf32>,
    %eq3A_258 = arith.constant 9 : i32
    %eq3A_259 = vector.broadcast %eq3A_258 : i32 to vector<16xi32>
    %eq3A_260 = arith.cmpi eq, %iota3A, %eq3A_259 : vector<16xi32>
    %select_n3A_261 = arith.select %eq3A_260, %broadcast_in_dim3A_8, %broadcast_in_dim3A_10 : vector<16xi1>, vector<16xf32>
    %swap3A_262 = arith.constant 25 : i32
    %swap3A_263 = arith.index_cast %swap3A_262 : i32 to index
    %swap3A_264 = arith.constant 16 : index
    %swap3A_265 = tpu.vector_load %arg9[%swap3A_263, %swap3A_264] {strides = array<i32>} : memref<128x128xf32, #tpu.memory_space<vmem>>, vector<1x16xf32>,
    %swap3A_266 = vector.shape_cast %swap3A_265 : vector<1x16xf32> to vector<16xf32>
    %swap3A_267 = vector.shape_cast %select_n3A_261 : vector<16xf32> to vector<1x16xf32>
    tpu.vector_store %arg9[%swap3A_263, %swap3A_264], %swap3A_267 {strides = array<i32>} : memref<128x128xf32, #tpu.memory_space<vmem>>, vector<1x16xf32>,
    %eq3A_268 = arith.constant 10 : i32
    %eq3A_269 = vector.broadcast %eq3A_268 : i32 to vector<16xi32>
    %eq3A_270 = arith.cmpi eq, %iota3A, %eq3A_269 : vector<16xi32>
    %select_n3A_271 = arith.select %eq3A_270, %broadcast_in_dim3A_8, %broadcast_in_dim3A_10 : vector<16xi1>, vector<16xf32>
    %swap3A_272 = arith.constant 26 : i32
    %swap3A_273 = arith.index_cast %swap3A_272 : i32 to index
    %swap3A_274 = arith.constant 16 : index
    %swap3A_275 = tpu.vector_load %arg9[%swap3A_273, %swap3A_274] {strides = array<i32>} : memref<128x128xf32, #tpu.memory_space<vmem>>, vector<1x16xf32>,
    %swap3A_276 = vector.shape_cast %swap3A_275 : vector<1x16xf32> to vector<16xf32>
    %swap3A_277 = vector.shape_cast %select_n3A_271 : vector<16xf32> to vector<1x16xf32>
    tpu.vector_store %arg9[%swap3A_273, %swap3A_274], %swap3A_277 {strides = array<i32>} : memref<128x128xf32, #tpu.memory_space<vmem>>, vector<1x16xf32>,
    %eq3A_278 = arith.constant 11 : i32
    %eq3A_279 = vector.broadcast %eq3A_278 : i32 to vector<16xi32>
    %eq3A_280 = arith.cmpi eq, %iota3A, %eq3A_279 : vector<16xi32>
    %select_n3A_281 = arith.select %eq3A_280, %broadcast_in_dim3A_8, %broadcast_in_dim3A_10 : vector<16xi1>, vector<16xf32>
    %swap3A_282 = arith.constant 27 : i32
    %swap3A_283 = arith.index_cast %swap3A_282 : i32 to index
    %swap3A_284 = arith.constant 16 : index
    %swap3A_285 = tpu.vector_load %arg9[%swap3A_283, %swap3A_284] {strides = array<i32>} : memref<128x128xf32, #tpu.memory_space<vmem>>, vector<1x16xf32>,
    %swap3A_286 = vector.shape_cast %swap3A_285 : vector<1x16xf32> to vector<16xf32>
    %swap3A_287 = vector.shape_cast %select_n3A_281 : vector<16xf32> to vector<1x16xf32>
    tpu.vector_store %arg9[%swap3A_283, %swap3A_284], %swap3A_287 {strides = array<i32>} : memref<128x128xf32, #tpu.memory_space<vmem>>, vector<1x16xf32>,
    %eq3A_288 = arith.constant 12 : i32
    %eq3A_289 = vector.broadcast %eq3A_288 : i32 to vector<16xi32>
    %eq3A_290 = arith.cmpi eq, %iota3A, %eq3A_289 : vector<16xi32>
    %select_n3A_291 = arith.select %eq3A_290, %broadcast_in_dim3A_8, %broadcast_in_dim3A_10 : vector<16xi1>, vector<16xf32>
    %swap3A_292 = arith.constant 28 : i32
    %swap3A_293 = arith.index_cast %swap3A_292 : i32 to index
    %swap3A_294 = arith.constant 16 : index
    %swap3A_295 = tpu.vector_load %arg9[%swap3A_293, %swap3A_294] {strides = array<i32>} : memref<128x128xf32, #tpu.memory_space<vmem>>, vector<1x16xf32>,
    %swap3A_296 = vector.shape_cast %swap3A_295 : vector<1x16xf32> to vector<16xf32>
    %swap3A_297 = vector.shape_cast %select_n3A_291 : vector<16xf32> to vector<1x16xf32>
    tpu.vector_store %arg9[%swap3A_293, %swap3A_294], %swap3A_297 {strides = array<i32>} : memref<128x128xf32, #tpu.memory_space<vmem>>, vector<1x16xf32>,
    %eq3A_298 = arith.constant 13 : i32
    %eq3A_299 = vector.broadcast %eq3A_298 : i32 to vector<16xi32>
    %eq3A_300 = arith.cmpi eq, %iota3A, %eq3A_299 : vector<16xi32>
    %select_n3A_301 = arith.select %eq3A_300, %broadcast_in_dim3A_8, %broadcast_in_dim3A_10 : vector<16xi1>, vector<16xf32>
    %swap3A_302 = arith.constant 29 : i32
    %swap3A_303 = arith.index_cast %swap3A_302 : i32 to index
    %swap3A_304 = arith.constant 16 : index
    %swap3A_305 = tpu.vector_load %arg9[%swap3A_303, %swap3A_304] {strides = array<i32>} : memref<128x128xf32, #tpu.memory_space<vmem>>, vector<1x16xf32>,
    %swap3A_306 = vector.shape_cast %swap3A_305 : vector<1x16xf32> to vector<16xf32>
    %swap3A_307 = vector.shape_cast %select_n3A_301 : vector<16xf32> to vector<1x16xf32>
    tpu.vector_store %arg9[%swap3A_303, %swap3A_304], %swap3A_307 {strides = array<i32>} : memref<128x128xf32, #tpu.memory_space<vmem>>, vector<1x16xf32>,
    %eq3A_308 = arith.constant 14 : i32
    %eq3A_309 = vector.broadcast %eq3A_308 : i32 to vector<16xi32>
    %eq3A_310 = arith.cmpi eq, %iota3A, %eq3A_309 : vector<16xi32>
    %select_n3A_311 = arith.select %eq3A_310, %broadcast_in_dim3A_8, %broadcast_in_dim3A_10 : vector<16xi1>, vector<16xf32>
    %swap3A_312 = arith.constant 30 : i32
    %swap3A_313 = arith.index_cast %swap3A_312 : i32 to index
    %swap3A_314 = arith.constant 16 : index
    %swap3A_315 = tpu.vector_load %arg9[%swap3A_313, %swap3A_314] {strides = array<i32>} : memref<128x128xf32, #tpu.memory_space<vmem>>, vector<1x16xf32>,
    %swap3A_316 = vector.shape_cast %swap3A_315 : vector<1x16xf32> to vector<16xf32>
    %swap3A_317 = vector.shape_cast %select_n3A_311 : vector<16xf32> to vector<1x16xf32>
    tpu.vector_store %arg9[%swap3A_313, %swap3A_314], %swap3A_317 {strides = array<i32>} : memref<128x128xf32, #tpu.memory_space<vmem>>, vector<1x16xf32>,
    %eq3A_318 = arith.constant 15 : i32
    %eq3A_319 = vector.broadcast %eq3A_318 : i32 to vector<16xi32>
    %eq3A_320 = arith.cmpi eq, %iota3A, %eq3A_319 : vector<16xi32>
    %select_n3A_321 = arith.select %eq3A_320, %broadcast_in_dim3A_8, %broadcast_in_dim3A_10 : vector<16xi1>, vector<16xf32>
    %swap3A_322 = arith.constant 31 : i32
    %swap3A_323 = arith.index_cast %swap3A_322 : i32 to index
    %swap3A_324 = arith.constant 16 : index
    %swap3A_325 = tpu.vector_load %arg9[%swap3A_323, %swap3A_324] {strides = array<i32>} : memref<128x128xf32, #tpu.memory_space<vmem>>, vector<1x16xf32>,
    %swap3A_326 = vector.shape_cast %swap3A_325 : vector<1x16xf32> to vector<16xf32>
    %swap3A_327 = vector.shape_cast %select_n3A_321 : vector<16xf32> to vector<1x16xf32>
    tpu.vector_store %arg9[%swap3A_323, %swap3A_324], %swap3A_327 {strides = array<i32>} : memref<128x128xf32, #tpu.memory_space<vmem>>, vector<1x16xf32>,
    %eq3A_328 = arith.constant 0 : i32
    %eq3A_329 = vector.broadcast %eq3A_328 : i32 to vector<16xi32>
    %eq3A_330 = arith.cmpi eq, %iota3A, %eq3A_329 : vector<16xi32>
    %select_n3A_331 = arith.select %eq3A_330, %broadcast_in_dim3A_8, %broadcast_in_dim3A_10 : vector<16xi1>, vector<16xf32>
    %swap3A_332 = arith.constant 32 : i32
    %swap3A_333 = arith.index_cast %swap3A_332 : i32 to index
    %swap3A_334 = arith.constant 16 : index
    %swap3A_335 = tpu.vector_load %arg9[%swap3A_333, %swap3A_334] {strides = array<i32>} : memref<128x128xf32, #tpu.memory_space<vmem>>, vector<1x16xf32>,
    %swap3A_336 = vector.shape_cast %swap3A_335 : vector<1x16xf32> to vector<16xf32>
    %swap3A_337 = vector.shape_cast %select_n3A_331 : vector<16xf32> to vector<1x16xf32>
    tpu.vector_store %arg9[%swap3A_333, %swap3A_334], %swap3A_337 {strides = array<i32>} : memref<128x128xf32, #tpu.memory_space<vmem>>, vector<1x16xf32>,
    %eq3A_338 = arith.constant 1 : i32
    %eq3A_339 = vector.broadcast %eq3A_338 : i32 to vector<16xi32>
    %eq3A_340 = arith.cmpi eq, %iota3A, %eq3A_339 : vector<16xi32>
    %select_n3A_341 = arith.select %eq3A_340, %broadcast_in_dim3A_8, %broadcast_in_dim3A_10 : vector<16xi1>, vector<16xf32>
    %swap3A_342 = arith.constant 33 : i32
    %swap3A_343 = arith.index_cast %swap3A_342 : i32 to index
    %swap3A_344 = arith.constant 16 : index
    %swap3A_345 = tpu.vector_load %arg9[%swap3A_343, %swap3A_344] {strides = array<i32>} : memref<128x128xf32, #tpu.memory_space<vmem>>, vector<1x16xf32>,
    %swap3A_346 = vector.shape_cast %swap3A_345 : vector<1x16xf32> to vector<16xf32>
    %swap3A_347 = vector.shape_cast %select_n3A_341 : vector<16xf32> to vector<1x16xf32>
    tpu.vector_store %arg9[%swap3A_343, %swap3A_344], %swap3A_347 {strides = array<i32>} : memref<128x128xf32, #tpu.memory_space<vmem>>, vector<1x16xf32>,
    %eq3A_348 = arith.constant 2 : i32
    %eq3A_349 = vector.broadcast %eq3A_348 : i32 to vector<16xi32>
    %eq3A_350 = arith.cmpi eq, %iota3A, %eq3A_349 : vector<16xi32>
    %select_n3A_351 = arith.select %eq3A_350, %broadcast_in_dim3A_8, %broadcast_in_dim3A_10 : vector<16xi1>, vector<16xf32>
    %swap3A_352 = arith.constant 34 : i32
    %swap3A_353 = arith.index_cast %swap3A_352 : i32 to index
    %swap3A_354 = arith.constant 16 : index
    %swap3A_355 = tpu.vector_load %arg9[%swap3A_353, %swap3A_354] {strides = array<i32>} : memref<128x128xf32, #tpu.memory_space<vmem>>, vector<1x16xf32>,
    %swap3A_356 = vector.shape_cast %swap3A_355 : vector<1x16xf32> to vector<16xf32>
    %swap3A_357 = vector.shape_cast %select_n3A_351 : vector<16xf32> to vector<1x16xf32>
    tpu.vector_store %arg9[%swap3A_353, %swap3A_354], %swap3A_357 {strides = array<i32>} : memref<128x128xf32, #tpu.memory_space<vmem>>, vector<1x16xf32>,
    %eq3A_358 = arith.constant 3 : i32
    %eq3A_359 = vector.broadcast %eq3A_358 : i32 to vector<16xi32>
    %eq3A_360 = arith.cmpi eq, %iota3A, %eq3A_359 : vector<16xi32>
    %select_n3A_361 = arith.select %eq3A_360, %broadcast_in_dim3A_8, %broadcast_in_dim3A_10 : vector<16xi1>, vector<16xf32>
    %swap3A_362 = arith.constant 35 : i32
    %swap3A_363 = arith.index_cast %swap3A_362 : i32 to index
    %swap3A_364 = arith.constant 16 : index
    %swap3A_365 = tpu.vector_load %arg9[%swap3A_363, %swap3A_364] {strides = array<i32>} : memref<128x128xf32, #tpu.memory_space<vmem>>, vector<1x16xf32>,
    %swap3A_366 = vector.shape_cast %swap3A_365 : vector<1x16xf32> to vector<16xf32>
    %swap3A_367 = vector.shape_cast %select_n3A_361 : vector<16xf32> to vector<1x16xf32>
    tpu.vector_store %arg9[%swap3A_363, %swap3A_364], %swap3A_367 {strides = array<i32>} : memref<128x128xf32, #tpu.memory_space<vmem>>, vector<1x16xf32>,
    %eq3A_368 = arith.constant 4 : i32
    %eq3A_369 = vector.broadcast %eq3A_368 : i32 to vector<16xi32>
    %eq3A_370 = arith.cmpi eq, %iota3A, %eq3A_369 : vector<16xi32>
    %select_n3A_371 = arith.select %eq3A_370, %broadcast_in_dim3A_8, %broadcast_in_dim3A_10 : vector<16xi1>, vector<16xf32>
    %swap3A_372 = arith.constant 36 : i32
    %swap3A_373 = arith.index_cast %swap3A_372 : i32 to index
    %swap3A_374 = arith.constant 16 : index
    %swap3A_375 = tpu.vector_load %arg9[%swap3A_373, %swap3A_374] {strides = array<i32>} : memref<128x128xf32, #tpu.memory_space<vmem>>, vector<1x16xf32>,
    %swap3A_376 = vector.shape_cast %swap3A_375 : vector<1x16xf32> to vector<16xf32>
    %swap3A_377 = vector.shape_cast %select_n3A_371 : vector<16xf32> to vector<1x16xf32>
    tpu.vector_store %arg9[%swap3A_373, %swap3A_374], %swap3A_377 {strides = array<i32>} : memref<128x128xf32, #tpu.memory_space<vmem>>, vector<1x16xf32>,
    %eq3A_378 = arith.constant 5 : i32
    %eq3A_379 = vector.broadcast %eq3A_378 : i32 to vector<16xi32>
    %eq3A_380 = arith.cmpi eq, %iota3A, %eq3A_379 : vector<16xi32>
    %select_n3A_381 = arith.select %eq3A_380, %broadcast_in_dim3A_8, %broadcast_in_dim3A_10 : vector<16xi1>, vector<16xf32>
    %swap3A_382 = arith.constant 37 : i32
    %swap3A_383 = arith.index_cast %swap3A_382 : i32 to index
    %swap3A_384 = arith.constant 16 : index
    %swap3A_385 = tpu.vector_load %arg9[%swap3A_383, %swap3A_384] {strides = array<i32>} : memref<128x128xf32, #tpu.memory_space<vmem>>, vector<1x16xf32>,
    %swap3A_386 = vector.shape_cast %swap3A_385 : vector<1x16xf32> to vector<16xf32>
    %swap3A_387 = vector.shape_cast %select_n3A_381 : vector<16xf32> to vector<1x16xf32>
    tpu.vector_store %arg9[%swap3A_383, %swap3A_384], %swap3A_387 {strides = array<i32>} : memref<128x128xf32, #tpu.memory_space<vmem>>, vector<1x16xf32>,
    %eq3A_388 = arith.constant 6 : i32
    %eq3A_389 = vector.broadcast %eq3A_388 : i32 to vector<16xi32>
    %eq3A_390 = arith.cmpi eq, %iota3A, %eq3A_389 : vector<16xi32>
    %select_n3A_391 = arith.select %eq3A_390, %broadcast_in_dim3A_8, %broadcast_in_dim3A_10 : vector<16xi1>, vector<16xf32>
    %swap3A_392 = arith.constant 38 : i32
    %swap3A_393 = arith.index_cast %swap3A_392 : i32 to index
    %swap3A_394 = arith.constant 16 : index
    %swap3A_395 = tpu.vector_load %arg9[%swap3A_393, %swap3A_394] {strides = array<i32>} : memref<128x128xf32, #tpu.memory_space<vmem>>, vector<1x16xf32>,
    %swap3A_396 = vector.shape_cast %swap3A_395 : vector<1x16xf32> to vector<16xf32>
    %swap3A_397 = vector.shape_cast %select_n3A_391 : vector<16xf32> to vector<1x16xf32>
    tpu.vector_store %arg9[%swap3A_393, %swap3A_394], %swap3A_397 {strides = array<i32>} : memref<128x128xf32, #tpu.memory_space<vmem>>, vector<1x16xf32>,
    %eq3A_398 = arith.constant 7 : i32
    %eq3A_399 = vector.broadcast %eq3A_398 : i32 to vector<16xi32>
    %eq3A_400 = arith.cmpi eq, %iota3A, %eq3A_399 : vector<16xi32>
    %select_n3A_401 = arith.select %eq3A_400, %broadcast_in_dim3A_8, %broadcast_in_dim3A_10 : vector<16xi1>, vector<16xf32>
    %swap3A_402 = arith.constant 39 : i32
    %swap3A_403 = arith.index_cast %swap3A_402 : i32 to index
    %swap3A_404 = arith.constant 16 : index
    %swap3A_405 = tpu.vector_load %arg9[%swap3A_403, %swap3A_404] {strides = array<i32>} : memref<128x128xf32, #tpu.memory_space<vmem>>, vector<1x16xf32>,
    %swap3A_406 = vector.shape_cast %swap3A_405 : vector<1x16xf32> to vector<16xf32>
    %swap3A_407 = vector.shape_cast %select_n3A_401 : vector<16xf32> to vector<1x16xf32>
    tpu.vector_store %arg9[%swap3A_403, %swap3A_404], %swap3A_407 {strides = array<i32>} : memref<128x128xf32, #tpu.memory_space<vmem>>, vector<1x16xf32>,
    %eq3A_408 = arith.constant 8 : i32
    %eq3A_409 = vector.broadcast %eq3A_408 : i32 to vector<16xi32>
    %eq3A_410 = arith.cmpi eq, %iota3A, %eq3A_409 : vector<16xi32>
    %select_n3A_411 = arith.select %eq3A_410, %broadcast_in_dim3A_8, %broadcast_in_dim3A_10 : vector<16xi1>, vector<16xf32>
    %swap3A_412 = arith.constant 40 : i32
    %swap3A_413 = arith.index_cast %swap3A_412 : i32 to index
    %swap3A_414 = arith.constant 16 : index
    %swap3A_415 = tpu.vector_load %arg9[%swap3A_413, %swap3A_414] {strides = array<i32>} : memref<128x128xf32, #tpu.memory_space<vmem>>, vector<1x16xf32>,
    %swap3A_416 = vector.shape_cast %swap3A_415 : vector<1x16xf32> to vector<16xf32>
    %swap3A_417 = vector.shape_cast %select_n3A_411 : vector<16xf32> to vector<1x16xf32>
    tpu.vector_store %arg9[%swap3A_413, %swap3A_414], %swap3A_417 {strides = array<i32>} : memref<128x128xf32, #tpu.memory_space<vmem>>, vector<1x16xf32>,
    %eq3A_418 = arith.constant 9 : i32
    %eq3A_419 = vector.broadcast %eq3A_418 : i32 to vector<16xi32>
    %eq3A_420 = arith.cmpi eq, %iota3A, %eq3A_419 : vector<16xi32>
    %select_n3A_421 = arith.select %eq3A_420, %broadcast_in_dim3A_8, %broadcast_in_dim3A_10 : vector<16xi1>, vector<16xf32>
    %swap3A_422 = arith.constant 41 : i32
    %swap3A_423 = arith.index_cast %swap3A_422 : i32 to index
    %swap3A_424 = arith.constant 16 : index
    %swap3A_425 = tpu.vector_load %arg9[%swap3A_423, %swap3A_424] {strides = array<i32>} : memref<128x128xf32, #tpu.memory_space<vmem>>, vector<1x16xf32>,
    %swap3A_426 = vector.shape_cast %swap3A_425 : vector<1x16xf32> to vector<16xf32>
    %swap3A_427 = vector.shape_cast %select_n3A_421 : vector<16xf32> to vector<1x16xf32>
    tpu.vector_store %arg9[%swap3A_423, %swap3A_424], %swap3A_427 {strides = array<i32>} : memref<128x128xf32, #tpu.memory_space<vmem>>, vector<1x16xf32>,
    %eq3A_428 = arith.constant 10 : i32
    %eq3A_429 = vector.broadcast %eq3A_428 : i32 to vector<16xi32>
    %eq3A_430 = arith.cmpi eq, %iota3A, %eq3A_429 : vector<16xi32>
    %select_n3A_431 = arith.select %eq3A_430, %broadcast_in_dim3A_8, %broadcast_in_dim3A_10 : vector<16xi1>, vector<16xf32>
    %swap3A_432 = arith.constant 42 : i32
    %swap3A_433 = arith.index_cast %swap3A_432 : i32 to index
    %swap3A_434 = arith.constant 16 : index
    %swap3A_435 = tpu.vector_load %arg9[%swap3A_433, %swap3A_434] {strides = array<i32>} : memref<128x128xf32, #tpu.memory_space<vmem>>, vector<1x16xf32>,
    %swap3A_436 = vector.shape_cast %swap3A_435 : vector<1x16xf32> to vector<16xf32>
    %swap3A_437 = vector.shape_cast %select_n3A_431 : vector<16xf32> to vector<1x16xf32>
    tpu.vector_store %arg9[%swap3A_433, %swap3A_434], %swap3A_437 {strides = array<i32>} : memref<128x128xf32, #tpu.memory_space<vmem>>, vector<1x16xf32>,
    %eq3A_438 = arith.constant 11 : i32
    %eq3A_439 = vector.broadcast %eq3A_438 : i32 to vector<16xi32>
    %eq3A_440 = arith.cmpi eq, %iota3A, %eq3A_439 : vector<16xi32>
    %select_n3A_441 = arith.select %eq3A_440, %broadcast_in_dim3A_8, %broadcast_in_dim3A_10 : vector<16xi1>, vector<16xf32>
    %swap3A_442 = arith.constant 43 : i32
    %swap3A_443 = arith.index_cast %swap3A_442 : i32 to index
    %swap3A_444 = arith.constant 16 : index
    %swap3A_445 = tpu.vector_load %arg9[%swap3A_443, %swap3A_444] {strides = array<i32>} : memref<128x128xf32, #tpu.memory_space<vmem>>, vector<1x16xf32>,
    %swap3A_446 = vector.shape_cast %swap3A_445 : vector<1x16xf32> to vector<16xf32>
    %swap3A_447 = vector.shape_cast %select_n3A_441 : vector<16xf32> to vector<1x16xf32>
    tpu.vector_store %arg9[%swap3A_443, %swap3A_444], %swap3A_447 {strides = array<i32>} : memref<128x128xf32, #tpu.memory_space<vmem>>, vector<1x16xf32>,
    %eq3A_448 = arith.constant 12 : i32
    %eq3A_449 = vector.broadcast %eq3A_448 : i32 to vector<16xi32>
    %eq3A_450 = arith.cmpi eq, %iota3A, %eq3A_449 : vector<16xi32>
    %select_n3A_451 = arith.select %eq3A_450, %broadcast_in_dim3A_8, %broadcast_in_dim3A_10 : vector<16xi1>, vector<16xf32>
    %swap3A_452 = arith.constant 44 : i32
    %swap3A_453 = arith.index_cast %swap3A_452 : i32 to index
    %swap3A_454 = arith.constant 16 : index
    %swap3A_455 = tpu.vector_load %arg9[%swap3A_453, %swap3A_454] {strides = array<i32>} : memref<128x128xf32, #tpu.memory_space<vmem>>, vector<1x16xf32>,
    %swap3A_456 = vector.shape_cast %swap3A_455 : vector<1x16xf32> to vector<16xf32>
    %swap3A_457 = vector.shape_cast %select_n3A_451 : vector<16xf32> to vector<1x16xf32>
    tpu.vector_store %arg9[%swap3A_453, %swap3A_454], %swap3A_457 {strides = array<i32>} : memref<128x128xf32, #tpu.memory_space<vmem>>, vector<1x16xf32>,
    %eq3A_458 = arith.constant 13 : i32
    %eq3A_459 = vector.broadcast %eq3A_458 : i32 to vector<16xi32>
    %eq3A_460 = arith.cmpi eq, %iota3A, %eq3A_459 : vector<16xi32>
    %select_n3A_461 = arith.select %eq3A_460, %broadcast_in_dim3A_8, %broadcast_in_dim3A_10 : vector<16xi1>, vector<16xf32>
    %swap3A_462 = arith.constant 45 : i32
    %swap3A_463 = arith.index_cast %swap3A_462 : i32 to index
    %swap3A_464 = arith.constant 16 : index
    %swap3A_465 = tpu.vector_load %arg9[%swap3A_463, %swap3A_464] {strides = array<i32>} : memref<128x128xf32, #tpu.memory_space<vmem>>, vector<1x16xf32>,
    %swap3A_466 = vector.shape_cast %swap3A_465 : vector<1x16xf32> to vector<16xf32>
    %swap3A_467 = vector.shape_cast %select_n3A_461 : vector<16xf32> to vector<1x16xf32>
    tpu.vector_store %arg9[%swap3A_463, %swap3A_464], %swap3A_467 {strides = array<i32>} : memref<128x128xf32, #tpu.memory_space<vmem>>, vector<1x16xf32>,
    %eq3A_468 = arith.constant 14 : i32
    %eq3A_469 = vector.broadcast %eq3A_468 : i32 to vector<16xi32>
    %eq3A_470 = arith.cmpi eq, %iota3A, %eq3A_469 : vector<16xi32>
    %select_n3A_471 = arith.select %eq3A_470, %broadcast_in_dim3A_8, %broadcast_in_dim3A_10 : vector<16xi1>, vector<16xf32>
    %swap3A_472 = arith.constant 46 : i32
    %swap3A_473 = arith.index_cast %swap3A_472 : i32 to index
    %swap3A_474 = arith.constant 16 : index
    %swap3A_475 = tpu.vector_load %arg9[%swap3A_473, %swap3A_474] {strides = array<i32>} : memref<128x128xf32, #tpu.memory_space<vmem>>, vector<1x16xf32>,
    %swap3A_476 = vector.shape_cast %swap3A_475 : vector<1x16xf32> to vector<16xf32>
    %swap3A_477 = vector.shape_cast %select_n3A_471 : vector<16xf32> to vector<1x16xf32>
    tpu.vector_store %arg9[%swap3A_473, %swap3A_474], %swap3A_477 {strides = array<i32>} : memref<128x128xf32, #tpu.memory_space<vmem>>, vector<1x16xf32>,
    %eq3A_478 = arith.constant 15 : i32
    %eq3A_479 = vector.broadcast %eq3A_478 : i32 to vector<16xi32>
    %eq3A_480 = arith.cmpi eq, %iota3A, %eq3A_479 : vector<16xi32>
    %select_n3A_481 = arith.select %eq3A_480, %broadcast_in_dim3A_8, %broadcast_in_dim3A_10 : vector<16xi1>, vector<16xf32>
    %swap3A_482 = arith.constant 47 : i32
    %swap3A_483 = arith.index_cast %swap3A_482 : i32 to index
    %swap3A_484 = arith.constant 16 : index
    %swap3A_485 = tpu.vector_load %arg9[%swap3A_483, %swap3A_484] {strides = array<i32>} : memref<128x128xf32, #tpu.memory_space<vmem>>, vector<1x16xf32>,
    %swap3A_486 = vector.shape_cast %swap3A_485 : vector<1x16xf32> to vector<16xf32>
    %swap3A_487 = vector.shape_cast %select_n3A_481 : vector<16xf32> to vector<1x16xf32>
    tpu.vector_store %arg9[%swap3A_483, %swap3A_484], %swap3A_487 {strides = array<i32>} : memref<128x128xf32, #tpu.memory_space<vmem>>, vector<1x16xf32>,
    %eq3A_488 = arith.constant 0 : i32
    %eq3A_489 = vector.broadcast %eq3A_488 : i32 to vector<16xi32>
    %eq3A_490 = arith.cmpi eq, %iota3A, %eq3A_489 : vector<16xi32>
    %select_n3A_491 = arith.select %eq3A_490, %broadcast_in_dim3A_8, %broadcast_in_dim3A_10 : vector<16xi1>, vector<16xf32>
    %swap3A_492 = arith.constant 48 : i32
    %swap3A_493 = arith.index_cast %swap3A_492 : i32 to index
    %swap3A_494 = arith.constant 16 : index
    %swap3A_495 = tpu.vector_load %arg9[%swap3A_493, %swap3A_494] {strides = array<i32>} : memref<128x128xf32, #tpu.memory_space<vmem>>, vector<1x16xf32>,
    %swap3A_496 = vector.shape_cast %swap3A_495 : vector<1x16xf32> to vector<16xf32>
    %swap3A_497 = vector.shape_cast %select_n3A_491 : vector<16xf32> to vector<1x16xf32>
    tpu.vector_store %arg9[%swap3A_493, %swap3A_494], %swap3A_497 {strides = array<i32>} : memref<128x128xf32, #tpu.memory_space<vmem>>, vector<1x16xf32>,
    %eq3A_498 = arith.constant 1 : i32
    %eq3A_499 = vector.broadcast %eq3A_498 : i32 to vector<16xi32>
    %eq3A_500 = arith.cmpi eq, %iota3A, %eq3A_499 : vector<16xi32>
    %select_n3A_501 = arith.select %eq3A_500, %broadcast_in_dim3A_8, %broadcast_in_dim3A_10 : vector<16xi1>, vector<16xf32>
    %swap3A_502 = arith.constant 49 : i32
    %swap3A_503 = arith.index_cast %swap3A_502 : i32 to index
    %swap3A_504 = arith.constant 16 : index
    %swap3A_505 = tpu.vector_load %arg9[%swap3A_503, %swap3A_504] {strides = array<i32>} : memref<128x128xf32, #tpu.memory_space<vmem>>, vector<1x16xf32>,
    %swap3A_506 = vector.shape_cast %swap3A_505 : vector<1x16xf32> to vector<16xf32>
    %swap3A_507 = vector.shape_cast %select_n3A_501 : vector<16xf32> to vector<1x16xf32>
    tpu.vector_store %arg9[%swap3A_503, %swap3A_504], %swap3A_507 {strides = array<i32>} : memref<128x128xf32, #tpu.memory_space<vmem>>, vector<1x16xf32>,
    %eq3A_508 = arith.constant 2 : i32
    %eq3A_509 = vector.broadcast %eq3A_508 : i32 to vector<16xi32>
    %eq3A_510 = arith.cmpi eq, %iota3A, %eq3A_509 : vector<16xi32>
    %select_n3A_511 = arith.select %eq3A_510, %broadcast_in_dim3A_8, %broadcast_in_dim3A_10 : vector<16xi1>, vector<16xf32>
    %swap3A_512 = arith.constant 50 : i32
    %swap3A_513 = arith.index_cast %swap3A_512 : i32 to index
    %swap3A_514 = arith.constant 16 : index
    %swap3A_515 = tpu.vector_load %arg9[%swap3A_513, %swap3A_514] {strides = array<i32>} : memref<128x128xf32, #tpu.memory_space<vmem>>, vector<1x16xf32>,
    %swap3A_516 = vector.shape_cast %swap3A_515 : vector<1x16xf32> to vector<16xf32>
    %swap3A_517 = vector.shape_cast %select_n3A_511 : vector<16xf32> to vector<1x16xf32>
    tpu.vector_store %arg9[%swap3A_513, %swap3A_514], %swap3A_517 {strides = array<i32>} : memref<128x128xf32, #tpu.memory_space<vmem>>, vector<1x16xf32>,
    %eq3A_518 = arith.constant 3 : i32
    %eq3A_519 = vector.broadcast %eq3A_518 : i32 to vector<16xi32>
    %eq3A_520 = arith.cmpi eq, %iota3A, %eq3A_519 : vector<16xi32>
    %select_n3A_521 = arith.select %eq3A_520, %broadcast_in_dim3A_8, %broadcast_in_dim3A_10 : vector<16xi1>, vector<16xf32>
    %swap3A_522 = arith.constant 51 : i32
    %swap3A_523 = arith.index_cast %swap3A_522 : i32 to index
    %swap3A_524 = arith.constant 16 : index
    %swap3A_525 = tpu.vector_load %arg9[%swap3A_523, %swap3A_524] {strides = array<i32>} : memref<128x128xf32, #tpu.memory_space<vmem>>, vector<1x16xf32>,
    %swap3A_526 = vector.shape_cast %swap3A_525 : vector<1x16xf32> to vector<16xf32>
    %swap3A_527 = vector.shape_cast %select_n3A_521 : vector<16xf32> to vector<1x16xf32>
    tpu.vector_store %arg9[%swap3A_523, %swap3A_524], %swap3A_527 {strides = array<i32>} : memref<128x128xf32, #tpu.memory_space<vmem>>, vector<1x16xf32>,
    %eq3A_528 = arith.constant 4 : i32
    %eq3A_529 = vector.broadcast %eq3A_528 : i32 to vector<16xi32>
    %eq3A_530 = arith.cmpi eq, %iota3A, %eq3A_529 : vector<16xi32>
    %select_n3A_531 = arith.select %eq3A_530, %broadcast_in_dim3A_8, %broadcast_in_dim3A_10 : vector<16xi1>, vector<16xf32>
    %swap3A_532 = arith.constant 52 : i32
    %swap3A_533 = arith.index_cast %swap3A_532 : i32 to index
    %swap3A_534 = arith.constant 16 : index
    %swap3A_535 = tpu.vector_load %arg9[%swap3A_533, %swap3A_534] {strides = array<i32>} : memref<128x128xf32, #tpu.memory_space<vmem>>, vector<1x16xf32>,
    %swap3A_536 = vector.shape_cast %swap3A_535 : vector<1x16xf32> to vector<16xf32>
    %swap3A_537 = vector.shape_cast %select_n3A_531 : vector<16xf32> to vector<1x16xf32>
    tpu.vector_store %arg9[%swap3A_533, %swap3A_534], %swap3A_537 {strides = array<i32>} : memref<128x128xf32, #tpu.memory_space<vmem>>, vector<1x16xf32>,
    %eq3A_538 = arith.constant 5 : i32
    %eq3A_539 = vector.broadcast %eq3A_538 : i32 to vector<16xi32>
    %eq3A_540 = arith.cmpi eq, %iota3A, %eq3A_539 : vector<16xi32>
    %select_n3A_541 = arith.select %eq3A_540, %broadcast_in_dim3A_8, %broadcast_in_dim3A_10 : vector<16xi1>, vector<16xf32>
    %swap3A_542 = arith.constant 53 : i32
    %swap3A_543 = arith.index_cast %swap3A_542 : i32 to index
    %swap3A_544 = arith.constant 16 : index
    %swap3A_545 = tpu.vector_load %arg9[%swap3A_543, %swap3A_544] {strides = array<i32>} : memref<128x128xf32, #tpu.memory_space<vmem>>, vector<1x16xf32>,
    %swap3A_546 = vector.shape_cast %swap3A_545 : vector<1x16xf32> to vector<16xf32>
    %swap3A_547 = vector.shape_cast %select_n3A_541 : vector<16xf32> to vector<1x16xf32>
    tpu.vector_store %arg9[%swap3A_543, %swap3A_544], %swap3A_547 {strides = array<i32>} : memref<128x128xf32, #tpu.memory_space<vmem>>, vector<1x16xf32>,
    %eq3A_548 = arith.constant 6 : i32
    %eq3A_549 = vector.broadcast %eq3A_548 : i32 to vector<16xi32>
    %eq3A_550 = arith.cmpi eq, %iota3A, %eq3A_549 : vector<16xi32>
    %select_n3A_551 = arith.select %eq3A_550, %broadcast_in_dim3A_8, %broadcast_in_dim3A_10 : vector<16xi1>, vector<16xf32>
    %swap3A_552 = arith.constant 54 : i32
    %swap3A_553 = arith.index_cast %swap3A_552 : i32 to index
    %swap3A_554 = arith.constant 16 : index
    %swap3A_555 = tpu.vector_load %arg9[%swap3A_553, %swap3A_554] {strides = array<i32>} : memref<128x128xf32, #tpu.memory_space<vmem>>, vector<1x16xf32>,
    %swap3A_556 = vector.shape_cast %swap3A_555 : vector<1x16xf32> to vector<16xf32>
    %swap3A_557 = vector.shape_cast %select_n3A_551 : vector<16xf32> to vector<1x16xf32>
    tpu.vector_store %arg9[%swap3A_553, %swap3A_554], %swap3A_557 {strides = array<i32>} : memref<128x128xf32, #tpu.memory_space<vmem>>, vector<1x16xf32>,
    %eq3A_558 = arith.constant 7 : i32
    %eq3A_559 = vector.broadcast %eq3A_558 : i32 to vector<16xi32>
    %eq3A_560 = arith.cmpi eq, %iota3A, %eq3A_559 : vector<16xi32>
    %select_n3A_561 = arith.select %eq3A_560, %broadcast_in_dim3A_8, %broadcast_in_dim3A_10 : vector<16xi1>, vector<16xf32>
    %swap3A_562 = arith.constant 55 : i32
    %swap3A_563 = arith.index_cast %swap3A_562 : i32 to index
    %swap3A_564 = arith.constant 16 : index
    %swap3A_565 = tpu.vector_load %arg9[%swap3A_563, %swap3A_564] {strides = array<i32>} : memref<128x128xf32, #tpu.memory_space<vmem>>, vector<1x16xf32>,
    %swap3A_566 = vector.shape_cast %swap3A_565 : vector<1x16xf32> to vector<16xf32>
    %swap3A_567 = vector.shape_cast %select_n3A_561 : vector<16xf32> to vector<1x16xf32>
    tpu.vector_store %arg9[%swap3A_563, %swap3A_564], %swap3A_567 {strides = array<i32>} : memref<128x128xf32, #tpu.memory_space<vmem>>, vector<1x16xf32>,
    %eq3A_568 = arith.constant 8 : i32
    %eq3A_569 = vector.broadcast %eq3A_568 : i32 to vector<16xi32>
    %eq3A_570 = arith.cmpi eq, %iota3A, %eq3A_569 : vector<16xi32>
    %select_n3A_571 = arith.select %eq3A_570, %broadcast_in_dim3A_8, %broadcast_in_dim3A_10 : vector<16xi1>, vector<16xf32>
    %swap3A_572 = arith.constant 56 : i32
    %swap3A_573 = arith.index_cast %swap3A_572 : i32 to index
    %swap3A_574 = arith.constant 16 : index
    %swap3A_575 = tpu.vector_load %arg9[%swap3A_573, %swap3A_574] {strides = array<i32>} : memref<128x128xf32, #tpu.memory_space<vmem>>, vector<1x16xf32>,
    %swap3A_576 = vector.shape_cast %swap3A_575 : vector<1x16xf32> to vector<16xf32>
    %swap3A_577 = vector.shape_cast %select_n3A_571 : vector<16xf32> to vector<1x16xf32>
    tpu.vector_store %arg9[%swap3A_573, %swap3A_574], %swap3A_577 {strides = array<i32>} : memref<128x128xf32, #tpu.memory_space<vmem>>, vector<1x16xf32>,
    %eq3A_578 = arith.constant 9 : i32
    %eq3A_579 = vector.broadcast %eq3A_578 : i32 to vector<16xi32>
    %eq3A_580 = arith.cmpi eq, %iota3A, %eq3A_579 : vector<16xi32>
    %select_n3A_581 = arith.select %eq3A_580, %broadcast_in_dim3A_8, %broadcast_in_dim3A_10 : vector<16xi1>, vector<16xf32>
    %swap3A_582 = arith.constant 57 : i32
    %swap3A_583 = arith.index_cast %swap3A_582 : i32 to index
    %swap3A_584 = arith.constant 16 : index
    %swap3A_585 = tpu.vector_load %arg9[%swap3A_583, %swap3A_584] {strides = array<i32>} : memref<128x128xf32, #tpu.memory_space<vmem>>, vector<1x16xf32>,
    %swap3A_586 = vector.shape_cast %swap3A_585 : vector<1x16xf32> to vector<16xf32>
    %swap3A_587 = vector.shape_cast %select_n3A_581 : vector<16xf32> to vector<1x16xf32>
    tpu.vector_store %arg9[%swap3A_583, %swap3A_584], %swap3A_587 {strides = array<i32>} : memref<128x128xf32, #tpu.memory_space<vmem>>, vector<1x16xf32>,
    %eq3A_588 = arith.constant 10 : i32
    %eq3A_589 = vector.broadcast %eq3A_588 : i32 to vector<16xi32>
    %eq3A_590 = arith.cmpi eq, %iota3A, %eq3A_589 : vector<16xi32>
    %select_n3A_591 = arith.select %eq3A_590, %broadcast_in_dim3A_8, %broadcast_in_dim3A_10 : vector<16xi1>, vector<16xf32>
    %swap3A_592 = arith.constant 58 : i32
    %swap3A_593 = arith.index_cast %swap3A_592 : i32 to index
    %swap3A_594 = arith.constant 16 : index
    %swap3A_595 = tpu.vector_load %arg9[%swap3A_593, %swap3A_594] {strides = array<i32>} : memref<128x128xf32, #tpu.memory_space<vmem>>, vector<1x16xf32>,
    %swap3A_596 = vector.shape_cast %swap3A_595 : vector<1x16xf32> to vector<16xf32>
    %swap3A_597 = vector.shape_cast %select_n3A_591 : vector<16xf32> to vector<1x16xf32>
    tpu.vector_store %arg9[%swap3A_593, %swap3A_594], %swap3A_597 {strides = array<i32>} : memref<128x128xf32, #tpu.memory_space<vmem>>, vector<1x16xf32>,
    %eq3A_598 = arith.constant 11 : i32
    %eq3A_599 = vector.broadcast %eq3A_598 : i32 to vector<16xi32>
    %eq3A_600 = arith.cmpi eq, %iota3A, %eq3A_599 : vector<16xi32>
    %select_n3A_601 = arith.select %eq3A_600, %broadcast_in_dim3A_8, %broadcast_in_dim3A_10 : vector<16xi1>, vector<16xf32>
    %swap3A_602 = arith.constant 59 : i32
    %swap3A_603 = arith.index_cast %swap3A_602 : i32 to index
    %swap3A_604 = arith.constant 16 : index
    %swap3A_605 = tpu.vector_load %arg9[%swap3A_603, %swap3A_604] {strides = array<i32>} : memref<128x128xf32, #tpu.memory_space<vmem>>, vector<1x16xf32>,
    %swap3A_606 = vector.shape_cast %swap3A_605 : vector<1x16xf32> to vector<16xf32>
    %swap3A_607 = vector.shape_cast %select_n3A_601 : vector<16xf32> to vector<1x16xf32>
    tpu.vector_store %arg9[%swap3A_603, %swap3A_604], %swap3A_607 {strides = array<i32>} : memref<128x128xf32, #tpu.memory_space<vmem>>, vector<1x16xf32>,
    %eq3A_608 = arith.constant 12 : i32
    %eq3A_609 = vector.broadcast %eq3A_608 : i32 to vector<16xi32>
    %eq3A_610 = arith.cmpi eq, %iota3A, %eq3A_609 : vector<16xi32>
    %select_n3A_611 = arith.select %eq3A_610, %broadcast_in_dim3A_8, %broadcast_in_dim3A_10 : vector<16xi1>, vector<16xf32>
    %swap3A_612 = arith.constant 60 : i32
    %swap3A_613 = arith.index_cast %swap3A_612 : i32 to index
    %swap3A_614 = arith.constant 16 : index
    %swap3A_615 = tpu.vector_load %arg9[%swap3A_613, %swap3A_614] {strides = array<i32>} : memref<128x128xf32, #tpu.memory_space<vmem>>, vector<1x16xf32>,
    %swap3A_616 = vector.shape_cast %swap3A_615 : vector<1x16xf32> to vector<16xf32>
    %swap3A_617 = vector.shape_cast %select_n3A_611 : vector<16xf32> to vector<1x16xf32>
    tpu.vector_store %arg9[%swap3A_613, %swap3A_614], %swap3A_617 {strides = array<i32>} : memref<128x128xf32, #tpu.memory_space<vmem>>, vector<1x16xf32>,
    %eq3A_618 = arith.constant 13 : i32
    %eq3A_619 = vector.broadcast %eq3A_618 : i32 to vector<16xi32>
    %eq3A_620 = arith.cmpi eq, %iota3A, %eq3A_619 : vector<16xi32>
    %select_n3A_621 = arith.select %eq3A_620, %broadcast_in_dim3A_8, %broadcast_in_dim3A_10 : vector<16xi1>, vector<16xf32>
    %swap3A_622 = arith.constant 61 : i32
    %swap3A_623 = arith.index_cast %swap3A_622 : i32 to index
    %swap3A_624 = arith.constant 16 : index
    %swap3A_625 = tpu.vector_load %arg9[%swap3A_623, %swap3A_624] {strides = array<i32>} : memref<128x128xf32, #tpu.memory_space<vmem>>, vector<1x16xf32>,
    %swap3A_626 = vector.shape_cast %swap3A_625 : vector<1x16xf32> to vector<16xf32>
    %swap3A_627 = vector.shape_cast %select_n3A_621 : vector<16xf32> to vector<1x16xf32>
    tpu.vector_store %arg9[%swap3A_623, %swap3A_624], %swap3A_627 {strides = array<i32>} : memref<128x128xf32, #tpu.memory_space<vmem>>, vector<1x16xf32>,
    %eq3A_628 = arith.constant 14 : i32
    %eq3A_629 = vector.broadcast %eq3A_628 : i32 to vector<16xi32>
    %eq3A_630 = arith.cmpi eq, %iota3A, %eq3A_629 : vector<16xi32>
    %select_n3A_631 = arith.select %eq3A_630, %broadcast_in_dim3A_8, %broadcast_in_dim3A_10 : vector<16xi1>, vector<16xf32>
    %swap3A_632 = arith.constant 62 : i32
    %swap3A_633 = arith.index_cast %swap3A_632 : i32 to index
    %swap3A_634 = arith.constant 16 : index
    %swap3A_635 = tpu.vector_load %arg9[%swap3A_633, %swap3A_634] {strides = array<i32>} : memref<128x128xf32, #tpu.memory_space<vmem>>, vector<1x16xf32>,
    %swap3A_636 = vector.shape_cast %swap3A_635 : vector<1x16xf32> to vector<16xf32>
    %swap3A_637 = vector.shape_cast %select_n3A_631 : vector<16xf32> to vector<1x16xf32>
    tpu.vector_store %arg9[%swap3A_633, %swap3A_634], %swap3A_637 {strides = array<i32>} : memref<128x128xf32, #tpu.memory_space<vmem>>, vector<1x16xf32>,
    %eq3A_638 = arith.constant 15 : i32
    %eq3A_639 = vector.broadcast %eq3A_638 : i32 to vector<16xi32>
    %eq3A_640 = arith.cmpi eq, %iota3A, %eq3A_639 : vector<16xi32>
    %select_n3A_641 = arith.select %eq3A_640, %broadcast_in_dim3A_8, %broadcast_in_dim3A_10 : vector<16xi1>, vector<16xf32>
    %swap3A_642 = arith.constant 63 : i32
    %swap3A_643 = arith.index_cast %swap3A_642 : i32 to index
    %swap3A_644 = arith.constant 16 : index
    %swap3A_645 = tpu.vector_load %arg9[%swap3A_643, %swap3A_644] {strides = array<i32>} : memref<128x128xf32, #tpu.memory_space<vmem>>, vector<1x16xf32>,
    %swap3A_646 = vector.shape_cast %swap3A_645 : vector<1x16xf32> to vector<16xf32>
    %swap3A_647 = vector.shape_cast %select_n3A_641 : vector<16xf32> to vector<1x16xf32>
    tpu.vector_store %arg9[%swap3A_643, %swap3A_644], %swap3A_647 {strides = array<i32>} : memref<128x128xf32, #tpu.memory_space<vmem>>, vector<1x16xf32>,
    %eq3A_648 = arith.constant 0 : i32
    %eq3A_649 = vector.broadcast %eq3A_648 : i32 to vector<16xi32>
    %eq3A_650 = arith.cmpi eq, %iota3A, %eq3A_649 : vector<16xi32>
    %select_n3A_651 = arith.select %eq3A_650, %broadcast_in_dim3A_8, %broadcast_in_dim3A_10 : vector<16xi1>, vector<16xf32>
    %swap3A_652 = arith.constant 64 : i32
    %swap3A_653 = arith.index_cast %swap3A_652 : i32 to index
    %swap3A_654 = arith.constant 16 : index
    %swap3A_655 = tpu.vector_load %arg9[%swap3A_653, %swap3A_654] {strides = array<i32>} : memref<128x128xf32, #tpu.memory_space<vmem>>, vector<1x16xf32>,
    %swap3A_656 = vector.shape_cast %swap3A_655 : vector<1x16xf32> to vector<16xf32>
    %swap3A_657 = vector.shape_cast %select_n3A_651 : vector<16xf32> to vector<1x16xf32>
    tpu.vector_store %arg9[%swap3A_653, %swap3A_654], %swap3A_657 {strides = array<i32>} : memref<128x128xf32, #tpu.memory_space<vmem>>, vector<1x16xf32>,
    %eq3A_658 = arith.constant 1 : i32
    %eq3A_659 = vector.broadcast %eq3A_658 : i32 to vector<16xi32>
    %eq3A_660 = arith.cmpi eq, %iota3A, %eq3A_659 : vector<16xi32>
    %select_n3A_661 = arith.select %eq3A_660, %broadcast_in_dim3A_8, %broadcast_in_dim3A_10 : vector<16xi1>, vector<16xf32>
    %swap3A_662 = arith.constant 65 : i32
    %swap3A_663 = arith.index_cast %swap3A_662 : i32 to index
    %swap3A_664 = arith.constant 16 : index
    %swap3A_665 = tpu.vector_load %arg9[%swap3A_663, %swap3A_664] {strides = array<i32>} : memref<128x128xf32, #tpu.memory_space<vmem>>, vector<1x16xf32>,
    %swap3A_666 = vector.shape_cast %swap3A_665 : vector<1x16xf32> to vector<16xf32>
    %swap3A_667 = vector.shape_cast %select_n3A_661 : vector<16xf32> to vector<1x16xf32>
    tpu.vector_store %arg9[%swap3A_663, %swap3A_664], %swap3A_667 {strides = array<i32>} : memref<128x128xf32, #tpu.memory_space<vmem>>, vector<1x16xf32>,
    %eq3A_668 = arith.constant 2 : i32
    %eq3A_669 = vector.broadcast %eq3A_668 : i32 to vector<16xi32>
    %eq3A_670 = arith.cmpi eq, %iota3A, %eq3A_669 : vector<16xi32>
    %select_n3A_671 = arith.select %eq3A_670, %broadcast_in_dim3A_8, %broadcast_in_dim3A_10 : vector<16xi1>, vector<16xf32>
    %swap3A_672 = arith.constant 66 : i32
    %swap3A_673 = arith.index_cast %swap3A_672 : i32 to index
    %swap3A_674 = arith.constant 16 : index
    %swap3A_675 = tpu.vector_load %arg9[%swap3A_673, %swap3A_674] {strides = array<i32>} : memref<128x128xf32, #tpu.memory_space<vmem>>, vector<1x16xf32>,
    %swap3A_676 = vector.shape_cast %swap3A_675 : vector<1x16xf32> to vector<16xf32>
    %swap3A_677 = vector.shape_cast %select_n3A_671 : vector<16xf32> to vector<1x16xf32>
    tpu.vector_store %arg9[%swap3A_673, %swap3A_674], %swap3A_677 {strides = array<i32>} : memref<128x128xf32, #tpu.memory_space<vmem>>, vector<1x16xf32>,
    %eq3A_678 = arith.constant 3 : i32
    %eq3A_679 = vector.broadcast %eq3A_678 : i32 to vector<16xi32>
    %eq3A_680 = arith.cmpi eq, %iota3A, %eq3A_679 : vector<16xi32>
    %select_n3A_681 = arith.select %eq3A_680, %broadcast_in_dim3A_8, %broadcast_in_dim3A_10 : vector<16xi1>, vector<16xf32>
    %swap3A_682 = arith.constant 67 : i32
    %swap3A_683 = arith.index_cast %swap3A_682 : i32 to index
    %swap3A_684 = arith.constant 16 : index
    %swap3A_685 = tpu.vector_load %arg9[%swap3A_683, %swap3A_684] {strides = array<i32>} : memref<128x128xf32, #tpu.memory_space<vmem>>, vector<1x16xf32>,
    %swap3A_686 = vector.shape_cast %swap3A_685 : vector<1x16xf32> to vector<16xf32>
    %swap3A_687 = vector.shape_cast %select_n3A_681 : vector<16xf32> to vector<1x16xf32>
    tpu.vector_store %arg9[%swap3A_683, %swap3A_684], %swap3A_687 {strides = array<i32>} : memref<128x128xf32, #tpu.memory_space<vmem>>, vector<1x16xf32>,
    %eq3A_688 = arith.constant 4 : i32
    %eq3A_689 = vector.broadcast %eq3A_688 : i32 to vector<16xi32>
    %eq3A_690 = arith.cmpi eq, %iota3A, %eq3A_689 : vector<16xi32>
    %select_n3A_691 = arith.select %eq3A_690, %broadcast_in_dim3A_8, %broadcast_in_dim3A_10 : vector<16xi1>, vector<16xf32>
    %swap3A_692 = arith.constant 68 : i32
    %swap3A_693 = arith.index_cast %swap3A_692 : i32 to index
    %swap3A_694 = arith.constant 16 : index
    %swap3A_695 = tpu.vector_load %arg9[%swap3A_693, %swap3A_694] {strides = array<i32>} : memref<128x128xf32, #tpu.memory_space<vmem>>, vector<1x16xf32>,
    %swap3A_696 = vector.shape_cast %swap3A_695 : vector<1x16xf32> to vector<16xf32>
    %swap3A_697 = vector.shape_cast %select_n3A_691 : vector<16xf32> to vector<1x16xf32>
    tpu.vector_store %arg9[%swap3A_693, %swap3A_694], %swap3A_697 {strides = array<i32>} : memref<128x128xf32, #tpu.memory_space<vmem>>, vector<1x16xf32>,
    %eq3A_698 = arith.constant 5 : i32
    %eq3A_699 = vector.broadcast %eq3A_698 : i32 to vector<16xi32>
    %eq3A_700 = arith.cmpi eq, %iota3A, %eq3A_699 : vector<16xi32>
    %select_n3A_701 = arith.select %eq3A_700, %broadcast_in_dim3A_8, %broadcast_in_dim3A_10 : vector<16xi1>, vector<16xf32>
    %swap3A_702 = arith.constant 69 : i32
    %swap3A_703 = arith.index_cast %swap3A_702 : i32 to index
    %swap3A_704 = arith.constant 16 : index
    %swap3A_705 = tpu.vector_load %arg9[%swap3A_703, %swap3A_704] {strides = array<i32>} : memref<128x128xf32, #tpu.memory_space<vmem>>, vector<1x16xf32>,
    %swap3A_706 = vector.shape_cast %swap3A_705 : vector<1x16xf32> to vector<16xf32>
    %swap3A_707 = vector.shape_cast %select_n3A_701 : vector<16xf32> to vector<1x16xf32>
    tpu.vector_store %arg9[%swap3A_703, %swap3A_704], %swap3A_707 {strides = array<i32>} : memref<128x128xf32, #tpu.memory_space<vmem>>, vector<1x16xf32>,
    %eq3A_708 = arith.constant 6 : i32
    %eq3A_709 = vector.broadcast %eq3A_708 : i32 to vector<16xi32>
    %eq3A_710 = arith.cmpi eq, %iota3A, %eq3A_709 : vector<16xi32>
    %select_n3A_711 = arith.select %eq3A_710, %broadcast_in_dim3A_8, %broadcast_in_dim3A_10 : vector<16xi1>, vector<16xf32>
    %swap3A_712 = arith.constant 70 : i32
    %swap3A_713 = arith.index_cast %swap3A_712 : i32 to index
    %swap3A_714 = arith.constant 16 : index
    %swap3A_715 = tpu.vector_load %arg9[%swap3A_713, %swap3A_714] {strides = array<i32>} : memref<128x128xf32, #tpu.memory_space<vmem>>, vector<1x16xf32>,
    %swap3A_716 = vector.shape_cast %swap3A_715 : vector<1x16xf32> to vector<16xf32>
    %swap3A_717 = vector.shape_cast %select_n3A_711 : vector<16xf32> to vector<1x16xf32>
    tpu.vector_store %arg9[%swap3A_713, %swap3A_714], %swap3A_717 {strides = array<i32>} : memref<128x128xf32, #tpu.memory_space<vmem>>, vector<1x16xf32>,
    %eq3A_718 = arith.constant 7 : i32
    %eq3A_719 = vector.broadcast %eq3A_718 : i32 to vector<16xi32>
    %eq3A_720 = arith.cmpi eq, %iota3A, %eq3A_719 : vector<16xi32>
    %select_n3A_721 = arith.select %eq3A_720, %broadcast_in_dim3A_8, %broadcast_in_dim3A_10 : vector<16xi1>, vector<16xf32>
    %swap3A_722 = arith.constant 71 : i32
    %swap3A_723 = arith.index_cast %swap3A_722 : i32 to index
    %swap3A_724 = arith.constant 16 : index
    %swap3A_725 = tpu.vector_load %arg9[%swap3A_723, %swap3A_724] {strides = array<i32>} : memref<128x128xf32, #tpu.memory_space<vmem>>, vector<1x16xf32>,
    %swap3A_726 = vector.shape_cast %swap3A_725 : vector<1x16xf32> to vector<16xf32>
    %swap3A_727 = vector.shape_cast %select_n3A_721 : vector<16xf32> to vector<1x16xf32>
    tpu.vector_store %arg9[%swap3A_723, %swap3A_724], %swap3A_727 {strides = array<i32>} : memref<128x128xf32, #tpu.memory_space<vmem>>, vector<1x16xf32>,
    %eq3A_728 = arith.constant 8 : i32
    %eq3A_729 = vector.broadcast %eq3A_728 : i32 to vector<16xi32>
    %eq3A_730 = arith.cmpi eq, %iota3A, %eq3A_729 : vector<16xi32>
    %select_n3A_731 = arith.select %eq3A_730, %broadcast_in_dim3A_8, %broadcast_in_dim3A_10 : vector<16xi1>, vector<16xf32>
    %swap3A_732 = arith.constant 72 : i32
    %swap3A_733 = arith.index_cast %swap3A_732 : i32 to index
    %swap3A_734 = arith.constant 16 : index
    %swap3A_735 = tpu.vector_load %arg9[%swap3A_733, %swap3A_734] {strides = array<i32>} : memref<128x128xf32, #tpu.memory_space<vmem>>, vector<1x16xf32>,
    %swap3A_736 = vector.shape_cast %swap3A_735 : vector<1x16xf32> to vector<16xf32>
    %swap3A_737 = vector.shape_cast %select_n3A_731 : vector<16xf32> to vector<1x16xf32>
    tpu.vector_store %arg9[%swap3A_733, %swap3A_734], %swap3A_737 {strides = array<i32>} : memref<128x128xf32, #tpu.memory_space<vmem>>, vector<1x16xf32>,
    %eq3A_738 = arith.constant 9 : i32
    %eq3A_739 = vector.broadcast %eq3A_738 : i32 to vector<16xi32>
    %eq3A_740 = arith.cmpi eq, %iota3A, %eq3A_739 : vector<16xi32>
    %select_n3A_741 = arith.select %eq3A_740, %broadcast_in_dim3A_8, %broadcast_in_dim3A_10 : vector<16xi1>, vector<16xf32>
    %swap3A_742 = arith.constant 73 : i32
    %swap3A_743 = arith.index_cast %swap3A_742 : i32 to index
    %swap3A_744 = arith.constant 16 : index
    %swap3A_745 = tpu.vector_load %arg9[%swap3A_743, %swap3A_744] {strides = array<i32>} : memref<128x128xf32, #tpu.memory_space<vmem>>, vector<1x16xf32>,
    %swap3A_746 = vector.shape_cast %swap3A_745 : vector<1x16xf32> to vector<16xf32>
    %swap3A_747 = vector.shape_cast %select_n3A_741 : vector<16xf32> to vector<1x16xf32>
    tpu.vector_store %arg9[%swap3A_743, %swap3A_744], %swap3A_747 {strides = array<i32>} : memref<128x128xf32, #tpu.memory_space<vmem>>, vector<1x16xf32>,
    %eq3A_748 = arith.constant 10 : i32
    %eq3A_749 = vector.broadcast %eq3A_748 : i32 to vector<16xi32>
    %eq3A_750 = arith.cmpi eq, %iota3A, %eq3A_749 : vector<16xi32>
    %select_n3A_751 = arith.select %eq3A_750, %broadcast_in_dim3A_8, %broadcast_in_dim3A_10 : vector<16xi1>, vector<16xf32>
    %swap3A_752 = arith.constant 74 : i32
    %swap3A_753 = arith.index_cast %swap3A_752 : i32 to index
    %swap3A_754 = arith.constant 16 : index
    %swap3A_755 = tpu.vector_load %arg9[%swap3A_753, %swap3A_754] {strides = array<i32>} : memref<128x128xf32, #tpu.memory_space<vmem>>, vector<1x16xf32>,
    %swap3A_756 = vector.shape_cast %swap3A_755 : vector<1x16xf32> to vector<16xf32>
    %swap3A_757 = vector.shape_cast %select_n3A_751 : vector<16xf32> to vector<1x16xf32>
    tpu.vector_store %arg9[%swap3A_753, %swap3A_754], %swap3A_757 {strides = array<i32>} : memref<128x128xf32, #tpu.memory_space<vmem>>, vector<1x16xf32>,
    %eq3A_758 = arith.constant 11 : i32
    %eq3A_759 = vector.broadcast %eq3A_758 : i32 to vector<16xi32>
    %eq3A_760 = arith.cmpi eq, %iota3A, %eq3A_759 : vector<16xi32>
    %select_n3A_761 = arith.select %eq3A_760, %broadcast_in_dim3A_8, %broadcast_in_dim3A_10 : vector<16xi1>, vector<16xf32>
    %swap3A_762 = arith.constant 75 : i32
    %swap3A_763 = arith.index_cast %swap3A_762 : i32 to index
    %swap3A_764 = arith.constant 16 : index
    %swap3A_765 = tpu.vector_load %arg9[%swap3A_763, %swap3A_764] {strides = array<i32>} : memref<128x128xf32, #tpu.memory_space<vmem>>, vector<1x16xf32>,
    %swap3A_766 = vector.shape_cast %swap3A_765 : vector<1x16xf32> to vector<16xf32>
    %swap3A_767 = vector.shape_cast %select_n3A_761 : vector<16xf32> to vector<1x16xf32>
    tpu.vector_store %arg9[%swap3A_763, %swap3A_764], %swap3A_767 {strides = array<i32>} : memref<128x128xf32, #tpu.memory_space<vmem>>, vector<1x16xf32>,
    %eq3A_768 = arith.constant 12 : i32
    %eq3A_769 = vector.broadcast %eq3A_768 : i32 to vector<16xi32>
    %eq3A_770 = arith.cmpi eq, %iota3A, %eq3A_769 : vector<16xi32>
    %select_n3A_771 = arith.select %eq3A_770, %broadcast_in_dim3A_8, %broadcast_in_dim3A_10 : vector<16xi1>, vector<16xf32>
    %swap3A_772 = arith.constant 76 : i32
    %swap3A_773 = arith.index_cast %swap3A_772 : i32 to index
    %swap3A_774 = arith.constant 16 : index
    %swap3A_775 = tpu.vector_load %arg9[%swap3A_773, %swap3A_774] {strides = array<i32>} : memref<128x128xf32, #tpu.memory_space<vmem>>, vector<1x16xf32>,
    %swap3A_776 = vector.shape_cast %swap3A_775 : vector<1x16xf32> to vector<16xf32>
    %swap3A_777 = vector.shape_cast %select_n3A_771 : vector<16xf32> to vector<1x16xf32>
    tpu.vector_store %arg9[%swap3A_773, %swap3A_774], %swap3A_777 {strides = array<i32>} : memref<128x128xf32, #tpu.memory_space<vmem>>, vector<1x16xf32>,
    %eq3A_778 = arith.constant 13 : i32
    %eq3A_779 = vector.broadcast %eq3A_778 : i32 to vector<16xi32>
    %eq3A_780 = arith.cmpi eq, %iota3A, %eq3A_779 : vector<16xi32>
    %select_n3A_781 = arith.select %eq3A_780, %broadcast_in_dim3A_8, %broadcast_in_dim3A_10 : vector<16xi1>, vector<16xf32>
    %swap3A_782 = arith.constant 77 : i32
    %swap3A_783 = arith.index_cast %swap3A_782 : i32 to index
    %swap3A_784 = arith.constant 16 : index
    %swap3A_785 = tpu.vector_load %arg9[%swap3A_783, %swap3A_784] {strides = array<i32>} : memref<128x128xf32, #tpu.memory_space<vmem>>, vector<1x16xf32>,
    %swap3A_786 = vector.shape_cast %swap3A_785 : vector<1x16xf32> to vector<16xf32>
    %swap3A_787 = vector.shape_cast %select_n3A_781 : vector<16xf32> to vector<1x16xf32>
    tpu.vector_store %arg9[%swap3A_783, %swap3A_784], %swap3A_787 {strides = array<i32>} : memref<128x128xf32, #tpu.memory_space<vmem>>, vector<1x16xf32>,
    %eq3A_788 = arith.constant 14 : i32
    %eq3A_789 = vector.broadcast %eq3A_788 : i32 to vector<16xi32>
    %eq3A_790 = arith.cmpi eq, %iota3A, %eq3A_789 : vector<16xi32>
    %select_n3A_791 = arith.select %eq3A_790, %broadcast_in_dim3A_8, %broadcast_in_dim3A_10 : vector<16xi1>, vector<16xf32>
    %swap3A_792 = arith.constant 78 : i32
    %swap3A_793 = arith.index_cast %swap3A_792 : i32 to index
    %swap3A_794 = arith.constant 16 : index
    %swap3A_795 = tpu.vector_load %arg9[%swap3A_793, %swap3A_794] {strides = array<i32>} : memref<128x128xf32, #tpu.memory_space<vmem>>, vector<1x16xf32>,
    %swap3A_796 = vector.shape_cast %swap3A_795 : vector<1x16xf32> to vector<16xf32>
    %swap3A_797 = vector.shape_cast %select_n3A_791 : vector<16xf32> to vector<1x16xf32>
    tpu.vector_store %arg9[%swap3A_793, %swap3A_794], %swap3A_797 {strides = array<i32>} : memref<128x128xf32, #tpu.memory_space<vmem>>, vector<1x16xf32>,
    %eq3A_798 = arith.constant 15 : i32
    %eq3A_799 = vector.broadcast %eq3A_798 : i32 to vector<16xi32>
    %eq3A_800 = arith.cmpi eq, %iota3A, %eq3A_799 : vector<16xi32>
    %select_n3A_801 = arith.select %eq3A_800, %broadcast_in_dim3A_8, %broadcast_in_dim3A_10 : vector<16xi1>, vector<16xf32>
    %swap3A_802 = arith.constant 79 : i32
    %swap3A_803 = arith.index_cast %swap3A_802 : i32 to index
    %swap3A_804 = arith.constant 16 : index
    %swap3A_805 = tpu.vector_load %arg9[%swap3A_803, %swap3A_804] {strides = array<i32>} : memref<128x128xf32, #tpu.memory_space<vmem>>, vector<1x16xf32>,
    %swap3A_806 = vector.shape_cast %swap3A_805 : vector<1x16xf32> to vector<16xf32>
    %swap3A_807 = vector.shape_cast %select_n3A_801 : vector<16xf32> to vector<1x16xf32>
    tpu.vector_store %arg9[%swap3A_803, %swap3A_804], %swap3A_807 {strides = array<i32>} : memref<128x128xf32, #tpu.memory_space<vmem>>, vector<1x16xf32>,
    %eq3A_808 = arith.constant 0 : i32
    %eq3A_809 = vector.broadcast %eq3A_808 : i32 to vector<16xi32>
    %eq3A_810 = arith.cmpi eq, %iota3A, %eq3A_809 : vector<16xi32>
    %select_n3A_811 = arith.select %eq3A_810, %broadcast_in_dim3A_8, %broadcast_in_dim3A_10 : vector<16xi1>, vector<16xf32>
    %swap3A_812 = arith.constant 80 : i32
    %swap3A_813 = arith.index_cast %swap3A_812 : i32 to index
    %swap3A_814 = arith.constant 16 : index
    %swap3A_815 = tpu.vector_load %arg9[%swap3A_813, %swap3A_814] {strides = array<i32>} : memref<128x128xf32, #tpu.memory_space<vmem>>, vector<1x16xf32>,
    %swap3A_816 = vector.shape_cast %swap3A_815 : vector<1x16xf32> to vector<16xf32>
    %swap3A_817 = vector.shape_cast %select_n3A_811 : vector<16xf32> to vector<1x16xf32>
    tpu.vector_store %arg9[%swap3A_813, %swap3A_814], %swap3A_817 {strides = array<i32>} : memref<128x128xf32, #tpu.memory_space<vmem>>, vector<1x16xf32>,
    %eq3A_818 = arith.constant 1 : i32
    %eq3A_819 = vector.broadcast %eq3A_818 : i32 to vector<16xi32>
    %eq3A_820 = arith.cmpi eq, %iota3A, %eq3A_819 : vector<16xi32>
    %select_n3A_821 = arith.select %eq3A_820, %broadcast_in_dim3A_8, %broadcast_in_dim3A_10 : vector<16xi1>, vector<16xf32>
    %swap3A_822 = arith.constant 81 : i32
    %swap3A_823 = arith.index_cast %swap3A_822 : i32 to index
    %swap3A_824 = arith.constant 16 : index
    %swap3A_825 = tpu.vector_load %arg9[%swap3A_823, %swap3A_824] {strides = array<i32>} : memref<128x128xf32, #tpu.memory_space<vmem>>, vector<1x16xf32>,
    %swap3A_826 = vector.shape_cast %swap3A_825 : vector<1x16xf32> to vector<16xf32>
    %swap3A_827 = vector.shape_cast %select_n3A_821 : vector<16xf32> to vector<1x16xf32>
    tpu.vector_store %arg9[%swap3A_823, %swap3A_824], %swap3A_827 {strides = array<i32>} : memref<128x128xf32, #tpu.memory_space<vmem>>, vector<1x16xf32>,
    %eq3A_828 = arith.constant 2 : i32
    %eq3A_829 = vector.broadcast %eq3A_828 : i32 to vector<16xi32>
    %eq3A_830 = arith.cmpi eq, %iota3A, %eq3A_829 : vector<16xi32>
    %select_n3A_831 = arith.select %eq3A_830, %broadcast_in_dim3A_8, %broadcast_in_dim3A_10 : vector<16xi1>, vector<16xf32>
    %swap3A_832 = arith.constant 82 : i32
    %swap3A_833 = arith.index_cast %swap3A_832 : i32 to index
    %swap3A_834 = arith.constant 16 : index
    %swap3A_835 = tpu.vector_load %arg9[%swap3A_833, %swap3A_834] {strides = array<i32>} : memref<128x128xf32, #tpu.memory_space<vmem>>, vector<1x16xf32>,
    %swap3A_836 = vector.shape_cast %swap3A_835 : vector<1x16xf32> to vector<16xf32>
    %swap3A_837 = vector.shape_cast %select_n3A_831 : vector<16xf32> to vector<1x16xf32>
    tpu.vector_store %arg9[%swap3A_833, %swap3A_834], %swap3A_837 {strides = array<i32>} : memref<128x128xf32, #tpu.memory_space<vmem>>, vector<1x16xf32>,
    %eq3A_838 = arith.constant 3 : i32
    %eq3A_839 = vector.broadcast %eq3A_838 : i32 to vector<16xi32>
    %eq3A_840 = arith.cmpi eq, %iota3A, %eq3A_839 : vector<16xi32>
    %select_n3A_841 = arith.select %eq3A_840, %broadcast_in_dim3A_8, %broadcast_in_dim3A_10 : vector<16xi1>, vector<16xf32>
    %swap3A_842 = arith.constant 83 : i32
    %swap3A_843 = arith.index_cast %swap3A_842 : i32 to index
    %swap3A_844 = arith.constant 16 : index
    %swap3A_845 = tpu.vector_load %arg9[%swap3A_843, %swap3A_844] {strides = array<i32>} : memref<128x128xf32, #tpu.memory_space<vmem>>, vector<1x16xf32>,
    %swap3A_846 = vector.shape_cast %swap3A_845 : vector<1x16xf32> to vector<16xf32>
    %swap3A_847 = vector.shape_cast %select_n3A_841 : vector<16xf32> to vector<1x16xf32>
    tpu.vector_store %arg9[%swap3A_843, %swap3A_844], %swap3A_847 {strides = array<i32>} : memref<128x128xf32, #tpu.memory_space<vmem>>, vector<1x16xf32>,
    %eq3A_848 = arith.constant 4 : i32
    %eq3A_849 = vector.broadcast %eq3A_848 : i32 to vector<16xi32>
    %eq3A_850 = arith.cmpi eq, %iota3A, %eq3A_849 : vector<16xi32>
    %select_n3A_851 = arith.select %eq3A_850, %broadcast_in_dim3A_8, %broadcast_in_dim3A_10 : vector<16xi1>, vector<16xf32>
    %swap3A_852 = arith.constant 84 : i32
    %swap3A_853 = arith.index_cast %swap3A_852 : i32 to index
    %swap3A_854 = arith.constant 16 : index
    %swap3A_855 = tpu.vector_load %arg9[%swap3A_853, %swap3A_854] {strides = array<i32>} : memref<128x128xf32, #tpu.memory_space<vmem>>, vector<1x16xf32>,
    %swap3A_856 = vector.shape_cast %swap3A_855 : vector<1x16xf32> to vector<16xf32>
    %swap3A_857 = vector.shape_cast %select_n3A_851 : vector<16xf32> to vector<1x16xf32>
    tpu.vector_store %arg9[%swap3A_853, %swap3A_854], %swap3A_857 {strides = array<i32>} : memref<128x128xf32, #tpu.memory_space<vmem>>, vector<1x16xf32>,
    %eq3A_858 = arith.constant 5 : i32
    %eq3A_859 = vector.broadcast %eq3A_858 : i32 to vector<16xi32>
    %eq3A_860 = arith.cmpi eq, %iota3A, %eq3A_859 : vector<16xi32>
    %select_n3A_861 = arith.select %eq3A_860, %broadcast_in_dim3A_8, %broadcast_in_dim3A_10 : vector<16xi1>, vector<16xf32>
    %swap3A_862 = arith.constant 85 : i32
    %swap3A_863 = arith.index_cast %swap3A_862 : i32 to index
    %swap3A_864 = arith.constant 16 : index
    %swap3A_865 = tpu.vector_load %arg9[%swap3A_863, %swap3A_864] {strides = array<i32>} : memref<128x128xf32, #tpu.memory_space<vmem>>, vector<1x16xf32>,
    %swap3A_866 = vector.shape_cast %swap3A_865 : vector<1x16xf32> to vector<16xf32>
    %swap3A_867 = vector.shape_cast %select_n3A_861 : vector<16xf32> to vector<1x16xf32>
    tpu.vector_store %arg9[%swap3A_863, %swap3A_864], %swap3A_867 {strides = array<i32>} : memref<128x128xf32, #tpu.memory_space<vmem>>, vector<1x16xf32>,
    %eq3A_868 = arith.constant 6 : i32
    %eq3A_869 = vector.broadcast %eq3A_868 : i32 to vector<16xi32>
    %eq3A_870 = arith.cmpi eq, %iota3A, %eq3A_869 : vector<16xi32>
    %select_n3A_871 = arith.select %eq3A_870, %broadcast_in_dim3A_8, %broadcast_in_dim3A_10 : vector<16xi1>, vector<16xf32>
    %swap3A_872 = arith.constant 86 : i32
    %swap3A_873 = arith.index_cast %swap3A_872 : i32 to index
    %swap3A_874 = arith.constant 16 : index
    %swap3A_875 = tpu.vector_load %arg9[%swap3A_873, %swap3A_874] {strides = array<i32>} : memref<128x128xf32, #tpu.memory_space<vmem>>, vector<1x16xf32>,
    %swap3A_876 = vector.shape_cast %swap3A_875 : vector<1x16xf32> to vector<16xf32>
    %swap3A_877 = vector.shape_cast %select_n3A_871 : vector<16xf32> to vector<1x16xf32>
    tpu.vector_store %arg9[%swap3A_873, %swap3A_874], %swap3A_877 {strides = array<i32>} : memref<128x128xf32, #tpu.memory_space<vmem>>, vector<1x16xf32>,
    %eq3A_878 = arith.constant 7 : i32
    %eq3A_879 = vector.broadcast %eq3A_878 : i32 to vector<16xi32>
    %eq3A_880 = arith.cmpi eq, %iota3A, %eq3A_879 : vector<16xi32>
    %select_n3A_881 = arith.select %eq3A_880, %broadcast_in_dim3A_8, %broadcast_in_dim3A_10 : vector<16xi1>, vector<16xf32>
    %swap3A_882 = arith.constant 87 : i32
    %swap3A_883 = arith.index_cast %swap3A_882 : i32 to index
    %swap3A_884 = arith.constant 16 : index
    %swap3A_885 = tpu.vector_load %arg9[%swap3A_883, %swap3A_884] {strides = array<i32>} : memref<128x128xf32, #tpu.memory_space<vmem>>, vector<1x16xf32>,
    %swap3A_886 = vector.shape_cast %swap3A_885 : vector<1x16xf32> to vector<16xf32>
    %swap3A_887 = vector.shape_cast %select_n3A_881 : vector<16xf32> to vector<1x16xf32>
    tpu.vector_store %arg9[%swap3A_883, %swap3A_884], %swap3A_887 {strides = array<i32>} : memref<128x128xf32, #tpu.memory_space<vmem>>, vector<1x16xf32>,
    %eq3A_888 = arith.constant 8 : i32
    %eq3A_889 = vector.broadcast %eq3A_888 : i32 to vector<16xi32>
    %eq3A_890 = arith.cmpi eq, %iota3A, %eq3A_889 : vector<16xi32>
    %select_n3A_891 = arith.select %eq3A_890, %broadcast_in_dim3A_8, %broadcast_in_dim3A_10 : vector<16xi1>, vector<16xf32>
    %swap3A_892 = arith.constant 88 : i32
    %swap3A_893 = arith.index_cast %swap3A_892 : i32 to index
    %swap3A_894 = arith.constant 16 : index
    %swap3A_895 = tpu.vector_load %arg9[%swap3A_893, %swap3A_894] {strides = array<i32>} : memref<128x128xf32, #tpu.memory_space<vmem>>, vector<1x16xf32>,
    %swap3A_896 = vector.shape_cast %swap3A_895 : vector<1x16xf32> to vector<16xf32>
    %swap3A_897 = vector.shape_cast %select_n3A_891 : vector<16xf32> to vector<1x16xf32>
    tpu.vector_store %arg9[%swap3A_893, %swap3A_894], %swap3A_897 {strides = array<i32>} : memref<128x128xf32, #tpu.memory_space<vmem>>, vector<1x16xf32>,
    %eq3A_898 = arith.constant 9 : i32
    %eq3A_899 = vector.broadcast %eq3A_898 : i32 to vector<16xi32>
    %eq3A_900 = arith.cmpi eq, %iota3A, %eq3A_899 : vector<16xi32>
    %select_n3A_901 = arith.select %eq3A_900, %broadcast_in_dim3A_8, %broadcast_in_dim3A_10 : vector<16xi1>, vector<16xf32>
    %swap3A_902 = arith.constant 89 : i32
    %swap3A_903 = arith.index_cast %swap3A_902 : i32 to index
    %swap3A_904 = arith.constant 16 : index
    %swap3A_905 = tpu.vector_load %arg9[%swap3A_903, %swap3A_904] {strides = array<i32>} : memref<128x128xf32, #tpu.memory_space<vmem>>, vector<1x16xf32>,
    %swap3A_906 = vector.shape_cast %swap3A_905 : vector<1x16xf32> to vector<16xf32>
    %swap3A_907 = vector.shape_cast %select_n3A_901 : vector<16xf32> to vector<1x16xf32>
    tpu.vector_store %arg9[%swap3A_903, %swap3A_904], %swap3A_907 {strides = array<i32>} : memref<128x128xf32, #tpu.memory_space<vmem>>, vector<1x16xf32>,
    %eq3A_908 = arith.constant 10 : i32
    %eq3A_909 = vector.broadcast %eq3A_908 : i32 to vector<16xi32>
    %eq3A_910 = arith.cmpi eq, %iota3A, %eq3A_909 : vector<16xi32>
    %select_n3A_911 = arith.select %eq3A_910, %broadcast_in_dim3A_8, %broadcast_in_dim3A_10 : vector<16xi1>, vector<16xf32>
    %swap3A_912 = arith.constant 90 : i32
    %swap3A_913 = arith.index_cast %swap3A_912 : i32 to index
    %swap3A_914 = arith.constant 16 : index
    %swap3A_915 = tpu.vector_load %arg9[%swap3A_913, %swap3A_914] {strides = array<i32>} : memref<128x128xf32, #tpu.memory_space<vmem>>, vector<1x16xf32>,
    %swap3A_916 = vector.shape_cast %swap3A_915 : vector<1x16xf32> to vector<16xf32>
    %swap3A_917 = vector.shape_cast %select_n3A_911 : vector<16xf32> to vector<1x16xf32>
    tpu.vector_store %arg9[%swap3A_913, %swap3A_914], %swap3A_917 {strides = array<i32>} : memref<128x128xf32, #tpu.memory_space<vmem>>, vector<1x16xf32>,
    %eq3A_918 = arith.constant 11 : i32
    %eq3A_919 = vector.broadcast %eq3A_918 : i32 to vector<16xi32>
    %eq3A_920 = arith.cmpi eq, %iota3A, %eq3A_919 : vector<16xi32>
    %select_n3A_921 = arith.select %eq3A_920, %broadcast_in_dim3A_8, %broadcast_in_dim3A_10 : vector<16xi1>, vector<16xf32>
    %swap3A_922 = arith.constant 91 : i32
    %swap3A_923 = arith.index_cast %swap3A_922 : i32 to index
    %swap3A_924 = arith.constant 16 : index
    %swap3A_925 = tpu.vector_load %arg9[%swap3A_923, %swap3A_924] {strides = array<i32>} : memref<128x128xf32, #tpu.memory_space<vmem>>, vector<1x16xf32>,
    %swap3A_926 = vector.shape_cast %swap3A_925 : vector<1x16xf32> to vector<16xf32>
    %swap3A_927 = vector.shape_cast %select_n3A_921 : vector<16xf32> to vector<1x16xf32>
    tpu.vector_store %arg9[%swap3A_923, %swap3A_924], %swap3A_927 {strides = array<i32>} : memref<128x128xf32, #tpu.memory_space<vmem>>, vector<1x16xf32>,
    %eq3A_928 = arith.constant 12 : i32
    %eq3A_929 = vector.broadcast %eq3A_928 : i32 to vector<16xi32>
    %eq3A_930 = arith.cmpi eq, %iota3A, %eq3A_929 : vector<16xi32>
    %select_n3A_931 = arith.select %eq3A_930, %broadcast_in_dim3A_8, %broadcast_in_dim3A_10 : vector<16xi1>, vector<16xf32>
    %swap3A_932 = arith.constant 92 : i32
    %swap3A_933 = arith.index_cast %swap3A_932 : i32 to index
    %swap3A_934 = arith.constant 16 : index
    %swap3A_935 = tpu.vector_load %arg9[%swap3A_933, %swap3A_934] {strides = array<i32>} : memref<128x128xf32, #tpu.memory_space<vmem>>, vector<1x16xf32>,
    %swap3A_936 = vector.shape_cast %swap3A_935 : vector<1x16xf32> to vector<16xf32>
    %swap3A_937 = vector.shape_cast %select_n3A_931 : vector<16xf32> to vector<1x16xf32>
    tpu.vector_store %arg9[%swap3A_933, %swap3A_934], %swap3A_937 {strides = array<i32>} : memref<128x128xf32, #tpu.memory_space<vmem>>, vector<1x16xf32>,
    %eq3A_938 = arith.constant 13 : i32
    %eq3A_939 = vector.broadcast %eq3A_938 : i32 to vector<16xi32>
    %eq3A_940 = arith.cmpi eq, %iota3A, %eq3A_939 : vector<16xi32>
    %select_n3A_941 = arith.select %eq3A_940, %broadcast_in_dim3A_8, %broadcast_in_dim3A_10 : vector<16xi1>, vector<16xf32>
    %swap3A_942 = arith.constant 93 : i32
    %swap3A_943 = arith.index_cast %swap3A_942 : i32 to index
    %swap3A_944 = arith.constant 16 : index
    %swap3A_945 = tpu.vector_load %arg9[%swap3A_943, %swap3A_944] {strides = array<i32>} : memref<128x128xf32, #tpu.memory_space<vmem>>, vector<1x16xf32>,
    %swap3A_946 = vector.shape_cast %swap3A_945 : vector<1x16xf32> to vector<16xf32>
    %swap3A_947 = vector.shape_cast %select_n3A_941 : vector<16xf32> to vector<1x16xf32>
    tpu.vector_store %arg9[%swap3A_943, %swap3A_944], %swap3A_947 {strides = array<i32>} : memref<128x128xf32, #tpu.memory_space<vmem>>, vector<1x16xf32>,
    %eq3A_948 = arith.constant 14 : i32
    %eq3A_949 = vector.broadcast %eq3A_948 : i32 to vector<16xi32>
    %eq3A_950 = arith.cmpi eq, %iota3A, %eq3A_949 : vector<16xi32>
    %select_n3A_951 = arith.select %eq3A_950, %broadcast_in_dim3A_8, %broadcast_in_dim3A_10 : vector<16xi1>, vector<16xf32>
    %swap3A_952 = arith.constant 94 : i32
    %swap3A_953 = arith.index_cast %swap3A_952 : i32 to index
    %swap3A_954 = arith.constant 16 : index
    %swap3A_955 = tpu.vector_load %arg9[%swap3A_953, %swap3A_954] {strides = array<i32>} : memref<128x128xf32, #tpu.memory_space<vmem>>, vector<1x16xf32>,
    %swap3A_956 = vector.shape_cast %swap3A_955 : vector<1x16xf32> to vector<16xf32>
    %swap3A_957 = vector.shape_cast %select_n3A_951 : vector<16xf32> to vector<1x16xf32>
    tpu.vector_store %arg9[%swap3A_953, %swap3A_954], %swap3A_957 {strides = array<i32>} : memref<128x128xf32, #tpu.memory_space<vmem>>, vector<1x16xf32>,
    %eq3A_958 = arith.constant 15 : i32
    %eq3A_959 = vector.broadcast %eq3A_958 : i32 to vector<16xi32>
    %eq3A_960 = arith.cmpi eq, %iota3A, %eq3A_959 : vector<16xi32>
    %select_n3A_961 = arith.select %eq3A_960, %broadcast_in_dim3A_8, %broadcast_in_dim3A_10 : vector<16xi1>, vector<16xf32>
    %swap3A_962 = arith.constant 95 : i32
    %swap3A_963 = arith.index_cast %swap3A_962 : i32 to index
    %swap3A_964 = arith.constant 16 : index
    %swap3A_965 = tpu.vector_load %arg9[%swap3A_963, %swap3A_964] {strides = array<i32>} : memref<128x128xf32, #tpu.memory_space<vmem>>, vector<1x16xf32>,
    %swap3A_966 = vector.shape_cast %swap3A_965 : vector<1x16xf32> to vector<16xf32>
    %swap3A_967 = vector.shape_cast %select_n3A_961 : vector<16xf32> to vector<1x16xf32>
    tpu.vector_store %arg9[%swap3A_963, %swap3A_964], %swap3A_967 {strides = array<i32>} : memref<128x128xf32, #tpu.memory_space<vmem>>, vector<1x16xf32>,
    %eq3A_968 = arith.constant 0 : i32
    %eq3A_969 = vector.broadcast %eq3A_968 : i32 to vector<16xi32>
    %eq3A_970 = arith.cmpi eq, %iota3A, %eq3A_969 : vector<16xi32>
    %select_n3A_971 = arith.select %eq3A_970, %broadcast_in_dim3A_8, %broadcast_in_dim3A_10 : vector<16xi1>, vector<16xf32>
    %swap3A_972 = arith.constant 96 : i32
    %swap3A_973 = arith.index_cast %swap3A_972 : i32 to index
    %swap3A_974 = arith.constant 16 : index
    %swap3A_975 = tpu.vector_load %arg9[%swap3A_973, %swap3A_974] {strides = array<i32>} : memref<128x128xf32, #tpu.memory_space<vmem>>, vector<1x16xf32>,
    %swap3A_976 = vector.shape_cast %swap3A_975 : vector<1x16xf32> to vector<16xf32>
    %swap3A_977 = vector.shape_cast %select_n3A_971 : vector<16xf32> to vector<1x16xf32>
    tpu.vector_store %arg9[%swap3A_973, %swap3A_974], %swap3A_977 {strides = array<i32>} : memref<128x128xf32, #tpu.memory_space<vmem>>, vector<1x16xf32>,
    %eq3A_978 = arith.constant 1 : i32
    %eq3A_979 = vector.broadcast %eq3A_978 : i32 to vector<16xi32>
    %eq3A_980 = arith.cmpi eq, %iota3A, %eq3A_979 : vector<16xi32>
    %select_n3A_981 = arith.select %eq3A_980, %broadcast_in_dim3A_8, %broadcast_in_dim3A_10 : vector<16xi1>, vector<16xf32>
    %swap3A_982 = arith.constant 97 : i32
    %swap3A_983 = arith.index_cast %swap3A_982 : i32 to index
    %swap3A_984 = arith.constant 16 : index
    %swap3A_985 = tpu.vector_load %arg9[%swap3A_983, %swap3A_984] {strides = array<i32>} : memref<128x128xf32, #tpu.memory_space<vmem>>, vector<1x16xf32>,
    %swap3A_986 = vector.shape_cast %swap3A_985 : vector<1x16xf32> to vector<16xf32>
    %swap3A_987 = vector.shape_cast %select_n3A_981 : vector<16xf32> to vector<1x16xf32>
    tpu.vector_store %arg9[%swap3A_983, %swap3A_984], %swap3A_987 {strides = array<i32>} : memref<128x128xf32, #tpu.memory_space<vmem>>, vector<1x16xf32>,
    %eq3A_988 = arith.constant 2 : i32
    %eq3A_989 = vector.broadcast %eq3A_988 : i32 to vector<16xi32>
    %eq3A_990 = arith.cmpi eq, %iota3A, %eq3A_989 : vector<16xi32>
    %select_n3A_991 = arith.select %eq3A_990, %broadcast_in_dim3A_8, %broadcast_in_dim3A_10 : vector<16xi1>, vector<16xf32>
    %swap3A_992 = arith.constant 98 : i32
    %swap3A_993 = arith.index_cast %swap3A_992 : i32 to index
    %swap3A_994 = arith.constant 16 : index
    %swap3A_995 = tpu.vector_load %arg9[%swap3A_993, %swap3A_994] {strides = array<i32>} : memref<128x128xf32, #tpu.memory_space<vmem>>, vector<1x16xf32>,
    %swap3A_996 = vector.shape_cast %swap3A_995 : vector<1x16xf32> to vector<16xf32>
    %swap3A_997 = vector.shape_cast %select_n3A_991 : vector<16xf32> to vector<1x16xf32>
    tpu.vector_store %arg9[%swap3A_993, %swap3A_994], %swap3A_997 {strides = array<i32>} : memref<128x128xf32, #tpu.memory_space<vmem>>, vector<1x16xf32>,
    %eq3A_998 = arith.constant 3 : i32
    %eq3A_999 = vector.broadcast %eq3A_998 : i32 to vector<16xi32>
    %eq3A_1000 = arith.cmpi eq, %iota3A, %eq3A_999 : vector<16xi32>
    %select_n3A_1001 = arith.select %eq3A_1000, %broadcast_in_dim3A_8, %broadcast_in_dim3A_10 : vector<16xi1>, vector<16xf32>
    %swap3A_1002 = arith.constant 99 : i32
    %swap3A_1003 = arith.index_cast %swap3A_1002 : i32 to index
    %swap3A_1004 = arith.constant 16 : index
    %swap3A_1005 = tpu.vector_load %arg9[%swap3A_1003, %swap3A_1004] {strides = array<i32>} : memref<128x128xf32, #tpu.memory_space<vmem>>, vector<1x16xf32>,
    %swap3A_1006 = vector.shape_cast %swap3A_1005 : vector<1x16xf32> to vector<16xf32>
    %swap3A_1007 = vector.shape_cast %select_n3A_1001 : vector<16xf32> to vector<1x16xf32>
    tpu.vector_store %arg9[%swap3A_1003, %swap3A_1004], %swap3A_1007 {strides = array<i32>} : memref<128x128xf32, #tpu.memory_space<vmem>>, vector<1x16xf32>,
    %eq3A_1008 = arith.constant 4 : i32
    %eq3A_1009 = vector.broadcast %eq3A_1008 : i32 to vector<16xi32>
    %eq3A_1010 = arith.cmpi eq, %iota3A, %eq3A_1009 : vector<16xi32>
    %select_n3A_1011 = arith.select %eq3A_1010, %broadcast_in_dim3A_8, %broadcast_in_dim3A_10 : vector<16xi1>, vector<16xf32>
    %swap3A_1012 = arith.constant 100 : i32
    %swap3A_1013 = arith.index_cast %swap3A_1012 : i32 to index
    %swap3A_1014 = arith.constant 16 : index
    %swap3A_1015 = tpu.vector_load %arg9[%swap3A_1013, %swap3A_1014] {strides = array<i32>} : memref<128x128xf32, #tpu.memory_space<vmem>>, vector<1x16xf32>,
    %swap3A_1016 = vector.shape_cast %swap3A_1015 : vector<1x16xf32> to vector<16xf32>
    %swap3A_1017 = vector.shape_cast %select_n3A_1011 : vector<16xf32> to vector<1x16xf32>
    tpu.vector_store %arg9[%swap3A_1013, %swap3A_1014], %swap3A_1017 {strides = array<i32>} : memref<128x128xf32, #tpu.memory_space<vmem>>, vector<1x16xf32>,
    %eq3A_1018 = arith.constant 5 : i32
    %eq3A_1019 = vector.broadcast %eq3A_1018 : i32 to vector<16xi32>
    %eq3A_1020 = arith.cmpi eq, %iota3A, %eq3A_1019 : vector<16xi32>
    %select_n3A_1021 = arith.select %eq3A_1020, %broadcast_in_dim3A_8, %broadcast_in_dim3A_10 : vector<16xi1>, vector<16xf32>
    %swap3A_1022 = arith.constant 101 : i32
    %swap3A_1023 = arith.index_cast %swap3A_1022 : i32 to index
    %swap3A_1024 = arith.constant 16 : index
    %swap3A_1025 = tpu.vector_load %arg9[%swap3A_1023, %swap3A_1024] {strides = array<i32>} : memref<128x128xf32, #tpu.memory_space<vmem>>, vector<1x16xf32>,
    %swap3A_1026 = vector.shape_cast %swap3A_1025 : vector<1x16xf32> to vector<16xf32>
    %swap3A_1027 = vector.shape_cast %select_n3A_1021 : vector<16xf32> to vector<1x16xf32>
    tpu.vector_store %arg9[%swap3A_1023, %swap3A_1024], %swap3A_1027 {strides = array<i32>} : memref<128x128xf32, #tpu.memory_space<vmem>>, vector<1x16xf32>,
    %eq3A_1028 = arith.constant 6 : i32
    %eq3A_1029 = vector.broadcast %eq3A_1028 : i32 to vector<16xi32>
    %eq3A_1030 = arith.cmpi eq, %iota3A, %eq3A_1029 : vector<16xi32>
    %select_n3A_1031 = arith.select %eq3A_1030, %broadcast_in_dim3A_8, %broadcast_in_dim3A_10 : vector<16xi1>, vector<16xf32>
    %swap3A_1032 = arith.constant 102 : i32
    %swap3A_1033 = arith.index_cast %swap3A_1032 : i32 to index
    %swap3A_1034 = arith.constant 16 : index
    %swap3A_1035 = tpu.vector_load %arg9[%swap3A_1033, %swap3A_1034] {strides = array<i32>} : memref<128x128xf32, #tpu.memory_space<vmem>>, vector<1x16xf32>,
    %swap3A_1036 = vector.shape_cast %swap3A_1035 : vector<1x16xf32> to vector<16xf32>
    %swap3A_1037 = vector.shape_cast %select_n3A_1031 : vector<16xf32> to vector<1x16xf32>
    tpu.vector_store %arg9[%swap3A_1033, %swap3A_1034], %swap3A_1037 {strides = array<i32>} : memref<128x128xf32, #tpu.memory_space<vmem>>, vector<1x16xf32>,
    %eq3A_1038 = arith.constant 7 : i32
    %eq3A_1039 = vector.broadcast %eq3A_1038 : i32 to vector<16xi32>
    %eq3A_1040 = arith.cmpi eq, %iota3A, %eq3A_1039 : vector<16xi32>
    %select_n3A_1041 = arith.select %eq3A_1040, %broadcast_in_dim3A_8, %broadcast_in_dim3A_10 : vector<16xi1>, vector<16xf32>
    %swap3A_1042 = arith.constant 103 : i32
    %swap3A_1043 = arith.index_cast %swap3A_1042 : i32 to index
    %swap3A_1044 = arith.constant 16 : index
    %swap3A_1045 = tpu.vector_load %arg9[%swap3A_1043, %swap3A_1044] {strides = array<i32>} : memref<128x128xf32, #tpu.memory_space<vmem>>, vector<1x16xf32>,
    %swap3A_1046 = vector.shape_cast %swap3A_1045 : vector<1x16xf32> to vector<16xf32>
    %swap3A_1047 = vector.shape_cast %select_n3A_1041 : vector<16xf32> to vector<1x16xf32>
    tpu.vector_store %arg9[%swap3A_1043, %swap3A_1044], %swap3A_1047 {strides = array<i32>} : memref<128x128xf32, #tpu.memory_space<vmem>>, vector<1x16xf32>,
    %eq3A_1048 = arith.constant 8 : i32
    %eq3A_1049 = vector.broadcast %eq3A_1048 : i32 to vector<16xi32>
    %eq3A_1050 = arith.cmpi eq, %iota3A, %eq3A_1049 : vector<16xi32>
    %select_n3A_1051 = arith.select %eq3A_1050, %broadcast_in_dim3A_8, %broadcast_in_dim3A_10 : vector<16xi1>, vector<16xf32>
    %swap3A_1052 = arith.constant 104 : i32
    %swap3A_1053 = arith.index_cast %swap3A_1052 : i32 to index
    %swap3A_1054 = arith.constant 16 : index
    %swap3A_1055 = tpu.vector_load %arg9[%swap3A_1053, %swap3A_1054] {strides = array<i32>} : memref<128x128xf32, #tpu.memory_space<vmem>>, vector<1x16xf32>,
    %swap3A_1056 = vector.shape_cast %swap3A_1055 : vector<1x16xf32> to vector<16xf32>
    %swap3A_1057 = vector.shape_cast %select_n3A_1051 : vector<16xf32> to vector<1x16xf32>
    tpu.vector_store %arg9[%swap3A_1053, %swap3A_1054], %swap3A_1057 {strides = array<i32>} : memref<128x128xf32, #tpu.memory_space<vmem>>, vector<1x16xf32>,
    %eq3A_1058 = arith.constant 9 : i32
    %eq3A_1059 = vector.broadcast %eq3A_1058 : i32 to vector<16xi32>
    %eq3A_1060 = arith.cmpi eq, %iota3A, %eq3A_1059 : vector<16xi32>
    %select_n3A_1061 = arith.select %eq3A_1060, %broadcast_in_dim3A_8, %broadcast_in_dim3A_10 : vector<16xi1>, vector<16xf32>
    %swap3A_1062 = arith.constant 105 : i32
    %swap3A_1063 = arith.index_cast %swap3A_1062 : i32 to index
    %swap3A_1064 = arith.constant 16 : index
    %swap3A_1065 = tpu.vector_load %arg9[%swap3A_1063, %swap3A_1064] {strides = array<i32>} : memref<128x128xf32, #tpu.memory_space<vmem>>, vector<1x16xf32>,
    %swap3A_1066 = vector.shape_cast %swap3A_1065 : vector<1x16xf32> to vector<16xf32>
    %swap3A_1067 = vector.shape_cast %select_n3A_1061 : vector<16xf32> to vector<1x16xf32>
    tpu.vector_store %arg9[%swap3A_1063, %swap3A_1064], %swap3A_1067 {strides = array<i32>} : memref<128x128xf32, #tpu.memory_space<vmem>>, vector<1x16xf32>,
    %eq3A_1068 = arith.constant 10 : i32
    %eq3A_1069 = vector.broadcast %eq3A_1068 : i32 to vector<16xi32>
    %eq3A_1070 = arith.cmpi eq, %iota3A, %eq3A_1069 : vector<16xi32>
    %select_n3A_1071 = arith.select %eq3A_1070, %broadcast_in_dim3A_8, %broadcast_in_dim3A_10 : vector<16xi1>, vector<16xf32>
    %swap3A_1072 = arith.constant 106 : i32
    %swap3A_1073 = arith.index_cast %swap3A_1072 : i32 to index
    %swap3A_1074 = arith.constant 16 : index
    %swap3A_1075 = tpu.vector_load %arg9[%swap3A_1073, %swap3A_1074] {strides = array<i32>} : memref<128x128xf32, #tpu.memory_space<vmem>>, vector<1x16xf32>,
    %swap3A_1076 = vector.shape_cast %swap3A_1075 : vector<1x16xf32> to vector<16xf32>
    %swap3A_1077 = vector.shape_cast %select_n3A_1071 : vector<16xf32> to vector<1x16xf32>
    tpu.vector_store %arg9[%swap3A_1073, %swap3A_1074], %swap3A_1077 {strides = array<i32>} : memref<128x128xf32, #tpu.memory_space<vmem>>, vector<1x16xf32>,
    %eq3A_1078 = arith.constant 11 : i32
    %eq3A_1079 = vector.broadcast %eq3A_1078 : i32 to vector<16xi32>
    %eq3A_1080 = arith.cmpi eq, %iota3A, %eq3A_1079 : vector<16xi32>
    %select_n3A_1081 = arith.select %eq3A_1080, %broadcast_in_dim3A_8, %broadcast_in_dim3A_10 : vector<16xi1>, vector<16xf32>
    %swap3A_1082 = arith.constant 107 : i32
    %swap3A_1083 = arith.index_cast %swap3A_1082 : i32 to index
    %swap3A_1084 = arith.constant 16 : index
    %swap3A_1085 = tpu.vector_load %arg9[%swap3A_1083, %swap3A_1084] {strides = array<i32>} : memref<128x128xf32, #tpu.memory_space<vmem>>, vector<1x16xf32>,
    %swap3A_1086 = vector.shape_cast %swap3A_1085 : vector<1x16xf32> to vector<16xf32>
    %swap3A_1087 = vector.shape_cast %select_n3A_1081 : vector<16xf32> to vector<1x16xf32>
    tpu.vector_store %arg9[%swap3A_1083, %swap3A_1084], %swap3A_1087 {strides = array<i32>} : memref<128x128xf32, #tpu.memory_space<vmem>>, vector<1x16xf32>,
    %eq3A_1088 = arith.constant 12 : i32
    %eq3A_1089 = vector.broadcast %eq3A_1088 : i32 to vector<16xi32>
    %eq3A_1090 = arith.cmpi eq, %iota3A, %eq3A_1089 : vector<16xi32>
    %select_n3A_1091 = arith.select %eq3A_1090, %broadcast_in_dim3A_8, %broadcast_in_dim3A_10 : vector<16xi1>, vector<16xf32>
    %swap3A_1092 = arith.constant 108 : i32
    %swap3A_1093 = arith.index_cast %swap3A_1092 : i32 to index
    %swap3A_1094 = arith.constant 16 : index
    %swap3A_1095 = tpu.vector_load %arg9[%swap3A_1093, %swap3A_1094] {strides = array<i32>} : memref<128x128xf32, #tpu.memory_space<vmem>>, vector<1x16xf32>,
    %swap3A_1096 = vector.shape_cast %swap3A_1095 : vector<1x16xf32> to vector<16xf32>
    %swap3A_1097 = vector.shape_cast %select_n3A_1091 : vector<16xf32> to vector<1x16xf32>
    tpu.vector_store %arg9[%swap3A_1093, %swap3A_1094], %swap3A_1097 {strides = array<i32>} : memref<128x128xf32, #tpu.memory_space<vmem>>, vector<1x16xf32>,
    %eq3A_1098 = arith.constant 13 : i32
    %eq3A_1099 = vector.broadcast %eq3A_1098 : i32 to vector<16xi32>
    %eq3A_1100 = arith.cmpi eq, %iota3A, %eq3A_1099 : vector<16xi32>
    %select_n3A_1101 = arith.select %eq3A_1100, %broadcast_in_dim3A_8, %broadcast_in_dim3A_10 : vector<16xi1>, vector<16xf32>
    %swap3A_1102 = arith.constant 109 : i32
    %swap3A_1103 = arith.index_cast %swap3A_1102 : i32 to index
    %swap3A_1104 = arith.constant 16 : index
    %swap3A_1105 = tpu.vector_load %arg9[%swap3A_1103, %swap3A_1104] {strides = array<i32>} : memref<128x128xf32, #tpu.memory_space<vmem>>, vector<1x16xf32>,
    %swap3A_1106 = vector.shape_cast %swap3A_1105 : vector<1x16xf32> to vector<16xf32>
    %swap3A_1107 = vector.shape_cast %select_n3A_1101 : vector<16xf32> to vector<1x16xf32>
    tpu.vector_store %arg9[%swap3A_1103, %swap3A_1104], %swap3A_1107 {strides = array<i32>} : memref<128x128xf32, #tpu.memory_space<vmem>>, vector<1x16xf32>,
    %eq3A_1108 = arith.constant 14 : i32
    %eq3A_1109 = vector.broadcast %eq3A_1108 : i32 to vector<16xi32>
    %eq3A_1110 = arith.cmpi eq, %iota3A, %eq3A_1109 : vector<16xi32>
    %select_n3A_1111 = arith.select %eq3A_1110, %broadcast_in_dim3A_8, %broadcast_in_dim3A_10 : vector<16xi1>, vector<16xf32>
    %swap3A_1112 = arith.constant 110 : i32
    %swap3A_1113 = arith.index_cast %swap3A_1112 : i32 to index
    %swap3A_1114 = arith.constant 16 : index
    %swap3A_1115 = tpu.vector_load %arg9[%swap3A_1113, %swap3A_1114] {strides = array<i32>} : memref<128x128xf32, #tpu.memory_space<vmem>>, vector<1x16xf32>,
    %swap3A_1116 = vector.shape_cast %swap3A_1115 : vector<1x16xf32> to vector<16xf32>
    %swap3A_1117 = vector.shape_cast %select_n3A_1111 : vector<16xf32> to vector<1x16xf32>
    tpu.vector_store %arg9[%swap3A_1113, %swap3A_1114], %swap3A_1117 {strides = array<i32>} : memref<128x128xf32, #tpu.memory_space<vmem>>, vector<1x16xf32>,
    %eq3A_1118 = arith.constant 15 : i32
    %eq3A_1119 = vector.broadcast %eq3A_1118 : i32 to vector<16xi32>
    %eq3A_1120 = arith.cmpi eq, %iota3A, %eq3A_1119 : vector<16xi32>
    %select_n3A_1121 = arith.select %eq3A_1120, %broadcast_in_dim3A_8, %broadcast_in_dim3A_10 : vector<16xi1>, vector<16xf32>
    %swap3A_1122 = arith.constant 111 : i32
    %swap3A_1123 = arith.index_cast %swap3A_1122 : i32 to index
    %swap3A_1124 = arith.constant 16 : index
    %swap3A_1125 = tpu.vector_load %arg9[%swap3A_1123, %swap3A_1124] {strides = array<i32>} : memref<128x128xf32, #tpu.memory_space<vmem>>, vector<1x16xf32>,
    %swap3A_1126 = vector.shape_cast %swap3A_1125 : vector<1x16xf32> to vector<16xf32>
    %swap3A_1127 = vector.shape_cast %select_n3A_1121 : vector<16xf32> to vector<1x16xf32>
    tpu.vector_store %arg9[%swap3A_1123, %swap3A_1124], %swap3A_1127 {strides = array<i32>} : memref<128x128xf32, #tpu.memory_space<vmem>>, vector<1x16xf32>,
    %eq3A_1128 = arith.constant 0 : i32
    %eq3A_1129 = vector.broadcast %eq3A_1128 : i32 to vector<16xi32>
    %eq3A_1130 = arith.cmpi eq, %iota3A, %eq3A_1129 : vector<16xi32>
    %select_n3A_1131 = arith.select %eq3A_1130, %broadcast_in_dim3A_8, %broadcast_in_dim3A_10 : vector<16xi1>, vector<16xf32>
    %swap3A_1132 = arith.constant 112 : i32
    %swap3A_1133 = arith.index_cast %swap3A_1132 : i32 to index
    %swap3A_1134 = arith.constant 16 : index
    %swap3A_1135 = tpu.vector_load %arg9[%swap3A_1133, %swap3A_1134] {strides = array<i32>} : memref<128x128xf32, #tpu.memory_space<vmem>>, vector<1x16xf32>,
    %swap3A_1136 = vector.shape_cast %swap3A_1135 : vector<1x16xf32> to vector<16xf32>
    %swap3A_1137 = vector.shape_cast %select_n3A_1131 : vector<16xf32> to vector<1x16xf32>
    tpu.vector_store %arg9[%swap3A_1133, %swap3A_1134], %swap3A_1137 {strides = array<i32>} : memref<128x128xf32, #tpu.memory_space<vmem>>, vector<1x16xf32>,
    %eq3A_1138 = arith.constant 1 : i32
    %eq3A_1139 = vector.broadcast %eq3A_1138 : i32 to vector<16xi32>
    %eq3A_1140 = arith.cmpi eq, %iota3A, %eq3A_1139 : vector<16xi32>
    %select_n3A_1141 = arith.select %eq3A_1140, %broadcast_in_dim3A_8, %broadcast_in_dim3A_10 : vector<16xi1>, vector<16xf32>
    %swap3A_1142 = arith.constant 113 : i32
    %swap3A_1143 = arith.index_cast %swap3A_1142 : i32 to index
    %swap3A_1144 = arith.constant 16 : index
    %swap3A_1145 = tpu.vector_load %arg9[%swap3A_1143, %swap3A_1144] {strides = array<i32>} : memref<128x128xf32, #tpu.memory_space<vmem>>, vector<1x16xf32>,
    %swap3A_1146 = vector.shape_cast %swap3A_1145 : vector<1x16xf32> to vector<16xf32>
    %swap3A_1147 = vector.shape_cast %select_n3A_1141 : vector<16xf32> to vector<1x16xf32>
    tpu.vector_store %arg9[%swap3A_1143, %swap3A_1144], %swap3A_1147 {strides = array<i32>} : memref<128x128xf32, #tpu.memory_space<vmem>>, vector<1x16xf32>,
    %eq3A_1148 = arith.constant 2 : i32
    %eq3A_1149 = vector.broadcast %eq3A_1148 : i32 to vector<16xi32>
    %eq3A_1150 = arith.cmpi eq, %iota3A, %eq3A_1149 : vector<16xi32>
    %select_n3A_1151 = arith.select %eq3A_1150, %broadcast_in_dim3A_8, %broadcast_in_dim3A_10 : vector<16xi1>, vector<16xf32>
    %swap3A_1152 = arith.constant 114 : i32
    %swap3A_1153 = arith.index_cast %swap3A_1152 : i32 to index
    %swap3A_1154 = arith.constant 16 : index
    %swap3A_1155 = tpu.vector_load %arg9[%swap3A_1153, %swap3A_1154] {strides = array<i32>} : memref<128x128xf32, #tpu.memory_space<vmem>>, vector<1x16xf32>,
    %swap3A_1156 = vector.shape_cast %swap3A_1155 : vector<1x16xf32> to vector<16xf32>
    %swap3A_1157 = vector.shape_cast %select_n3A_1151 : vector<16xf32> to vector<1x16xf32>
    tpu.vector_store %arg9[%swap3A_1153, %swap3A_1154], %swap3A_1157 {strides = array<i32>} : memref<128x128xf32, #tpu.memory_space<vmem>>, vector<1x16xf32>,
    %eq3A_1158 = arith.constant 3 : i32
    %eq3A_1159 = vector.broadcast %eq3A_1158 : i32 to vector<16xi32>
    %eq3A_1160 = arith.cmpi eq, %iota3A, %eq3A_1159 : vector<16xi32>
    %select_n3A_1161 = arith.select %eq3A_1160, %broadcast_in_dim3A_8, %broadcast_in_dim3A_10 : vector<16xi1>, vector<16xf32>
    %swap3A_1162 = arith.constant 115 : i32
    %swap3A_1163 = arith.index_cast %swap3A_1162 : i32 to index
    %swap3A_1164 = arith.constant 16 : index
    %swap3A_1165 = tpu.vector_load %arg9[%swap3A_1163, %swap3A_1164] {strides = array<i32>} : memref<128x128xf32, #tpu.memory_space<vmem>>, vector<1x16xf32>,
    %swap3A_1166 = vector.shape_cast %swap3A_1165 : vector<1x16xf32> to vector<16xf32>
    %swap3A_1167 = vector.shape_cast %select_n3A_1161 : vector<16xf32> to vector<1x16xf32>
    tpu.vector_store %arg9[%swap3A_1163, %swap3A_1164], %swap3A_1167 {strides = array<i32>} : memref<128x128xf32, #tpu.memory_space<vmem>>, vector<1x16xf32>,
    %eq3A_1168 = arith.constant 4 : i32
    %eq3A_1169 = vector.broadcast %eq3A_1168 : i32 to vector<16xi32>
    %eq3A_1170 = arith.cmpi eq, %iota3A, %eq3A_1169 : vector<16xi32>
    %select_n3A_1171 = arith.select %eq3A_1170, %broadcast_in_dim3A_8, %broadcast_in_dim3A_10 : vector<16xi1>, vector<16xf32>
    %swap3A_1172 = arith.constant 116 : i32
    %swap3A_1173 = arith.index_cast %swap3A_1172 : i32 to index
    %swap3A_1174 = arith.constant 16 : index
    %swap3A_1175 = tpu.vector_load %arg9[%swap3A_1173, %swap3A_1174] {strides = array<i32>} : memref<128x128xf32, #tpu.memory_space<vmem>>, vector<1x16xf32>,
    %swap3A_1176 = vector.shape_cast %swap3A_1175 : vector<1x16xf32> to vector<16xf32>
    %swap3A_1177 = vector.shape_cast %select_n3A_1171 : vector<16xf32> to vector<1x16xf32>
    tpu.vector_store %arg9[%swap3A_1173, %swap3A_1174], %swap3A_1177 {strides = array<i32>} : memref<128x128xf32, #tpu.memory_space<vmem>>, vector<1x16xf32>,
    %eq3A_1178 = arith.constant 5 : i32
    %eq3A_1179 = vector.broadcast %eq3A_1178 : i32 to vector<16xi32>
    %eq3A_1180 = arith.cmpi eq, %iota3A, %eq3A_1179 : vector<16xi32>
    %select_n3A_1181 = arith.select %eq3A_1180, %broadcast_in_dim3A_8, %broadcast_in_dim3A_10 : vector<16xi1>, vector<16xf32>
    %swap3A_1182 = arith.constant 117 : i32
    %swap3A_1183 = arith.index_cast %swap3A_1182 : i32 to index
    %swap3A_1184 = arith.constant 16 : index
    %swap3A_1185 = tpu.vector_load %arg9[%swap3A_1183, %swap3A_1184] {strides = array<i32>} : memref<128x128xf32, #tpu.memory_space<vmem>>, vector<1x16xf32>,
    %swap3A_1186 = vector.shape_cast %swap3A_1185 : vector<1x16xf32> to vector<16xf32>
    %swap3A_1187 = vector.shape_cast %select_n3A_1181 : vector<16xf32> to vector<1x16xf32>
    tpu.vector_store %arg9[%swap3A_1183, %swap3A_1184], %swap3A_1187 {strides = array<i32>} : memref<128x128xf32, #tpu.memory_space<vmem>>, vector<1x16xf32>,
    %eq3A_1188 = arith.constant 6 : i32
    %eq3A_1189 = vector.broadcast %eq3A_1188 : i32 to vector<16xi32>
    %eq3A_1190 = arith.cmpi eq, %iota3A, %eq3A_1189 : vector<16xi32>
    %select_n3A_1191 = arith.select %eq3A_1190, %broadcast_in_dim3A_8, %broadcast_in_dim3A_10 : vector<16xi1>, vector<16xf32>
    %swap3A_1192 = arith.constant 118 : i32
    %swap3A_1193 = arith.index_cast %swap3A_1192 : i32 to index
    %swap3A_1194 = arith.constant 16 : index
    %swap3A_1195 = tpu.vector_load %arg9[%swap3A_1193, %swap3A_1194] {strides = array<i32>} : memref<128x128xf32, #tpu.memory_space<vmem>>, vector<1x16xf32>,
    %swap3A_1196 = vector.shape_cast %swap3A_1195 : vector<1x16xf32> to vector<16xf32>
    %swap3A_1197 = vector.shape_cast %select_n3A_1191 : vector<16xf32> to vector<1x16xf32>
    tpu.vector_store %arg9[%swap3A_1193, %swap3A_1194], %swap3A_1197 {strides = array<i32>} : memref<128x128xf32, #tpu.memory_space<vmem>>, vector<1x16xf32>,
    %eq3A_1198 = arith.constant 7 : i32
    %eq3A_1199 = vector.broadcast %eq3A_1198 : i32 to vector<16xi32>
    %eq3A_1200 = arith.cmpi eq, %iota3A, %eq3A_1199 : vector<16xi32>
    %select_n3A_1201 = arith.select %eq3A_1200, %broadcast_in_dim3A_8, %broadcast_in_dim3A_10 : vector<16xi1>, vector<16xf32>
    %swap3A_1202 = arith.constant 119 : i32
    %swap3A_1203 = arith.index_cast %swap3A_1202 : i32 to index
    %swap3A_1204 = arith.constant 16 : index
    %swap3A_1205 = tpu.vector_load %arg9[%swap3A_1203, %swap3A_1204] {strides = array<i32>} : memref<128x128xf32, #tpu.memory_space<vmem>>, vector<1x16xf32>,
    %swap3A_1206 = vector.shape_cast %swap3A_1205 : vector<1x16xf32> to vector<16xf32>
    %swap3A_1207 = vector.shape_cast %select_n3A_1201 : vector<16xf32> to vector<1x16xf32>
    tpu.vector_store %arg9[%swap3A_1203, %swap3A_1204], %swap3A_1207 {strides = array<i32>} : memref<128x128xf32, #tpu.memory_space<vmem>>, vector<1x16xf32>,
    %eq3A_1208 = arith.constant 8 : i32
    %eq3A_1209 = vector.broadcast %eq3A_1208 : i32 to vector<16xi32>
    %eq3A_1210 = arith.cmpi eq, %iota3A, %eq3A_1209 : vector<16xi32>
    %select_n3A_1211 = arith.select %eq3A_1210, %broadcast_in_dim3A_8, %broadcast_in_dim3A_10 : vector<16xi1>, vector<16xf32>
    %swap3A_1212 = arith.constant 120 : i32
    %swap3A_1213 = arith.index_cast %swap3A_1212 : i32 to index
    %swap3A_1214 = arith.constant 16 : index
    %swap3A_1215 = tpu.vector_load %arg9[%swap3A_1213, %swap3A_1214] {strides = array<i32>} : memref<128x128xf32, #tpu.memory_space<vmem>>, vector<1x16xf32>,
    %swap3A_1216 = vector.shape_cast %swap3A_1215 : vector<1x16xf32> to vector<16xf32>
    %swap3A_1217 = vector.shape_cast %select_n3A_1211 : vector<16xf32> to vector<1x16xf32>
    tpu.vector_store %arg9[%swap3A_1213, %swap3A_1214], %swap3A_1217 {strides = array<i32>} : memref<128x128xf32, #tpu.memory_space<vmem>>, vector<1x16xf32>,
    %eq3A_1218 = arith.constant 9 : i32
    %eq3A_1219 = vector.broadcast %eq3A_1218 : i32 to vector<16xi32>
    %eq3A_1220 = arith.cmpi eq, %iota3A, %eq3A_1219 : vector<16xi32>
    %select_n3A_1221 = arith.select %eq3A_1220, %broadcast_in_dim3A_8, %broadcast_in_dim3A_10 : vector<16xi1>, vector<16xf32>
    %swap3A_1222 = arith.constant 121 : i32
    %swap3A_1223 = arith.index_cast %swap3A_1222 : i32 to index
    %swap3A_1224 = arith.constant 16 : index
    %swap3A_1225 = tpu.vector_load %arg9[%swap3A_1223, %swap3A_1224] {strides = array<i32>} : memref<128x128xf32, #tpu.memory_space<vmem>>, vector<1x16xf32>,
    %swap3A_1226 = vector.shape_cast %swap3A_1225 : vector<1x16xf32> to vector<16xf32>
    %swap3A_1227 = vector.shape_cast %select_n3A_1221 : vector<16xf32> to vector<1x16xf32>
    tpu.vector_store %arg9[%swap3A_1223, %swap3A_1224], %swap3A_1227 {strides = array<i32>} : memref<128x128xf32, #tpu.memory_space<vmem>>, vector<1x16xf32>,
    %eq3A_1228 = arith.constant 10 : i32
    %eq3A_1229 = vector.broadcast %eq3A_1228 : i32 to vector<16xi32>
    %eq3A_1230 = arith.cmpi eq, %iota3A, %eq3A_1229 : vector<16xi32>
    %select_n3A_1231 = arith.select %eq3A_1230, %broadcast_in_dim3A_8, %broadcast_in_dim3A_10 : vector<16xi1>, vector<16xf32>
    %swap3A_1232 = arith.constant 122 : i32
    %swap3A_1233 = arith.index_cast %swap3A_1232 : i32 to index
    %swap3A_1234 = arith.constant 16 : index
    %swap3A_1235 = tpu.vector_load %arg9[%swap3A_1233, %swap3A_1234] {strides = array<i32>} : memref<128x128xf32, #tpu.memory_space<vmem>>, vector<1x16xf32>,
    %swap3A_1236 = vector.shape_cast %swap3A_1235 : vector<1x16xf32> to vector<16xf32>
    %swap3A_1237 = vector.shape_cast %select_n3A_1231 : vector<16xf32> to vector<1x16xf32>
    tpu.vector_store %arg9[%swap3A_1233, %swap3A_1234], %swap3A_1237 {strides = array<i32>} : memref<128x128xf32, #tpu.memory_space<vmem>>, vector<1x16xf32>,
    %eq3A_1238 = arith.constant 11 : i32
    %eq3A_1239 = vector.broadcast %eq3A_1238 : i32 to vector<16xi32>
    %eq3A_1240 = arith.cmpi eq, %iota3A, %eq3A_1239 : vector<16xi32>
    %select_n3A_1241 = arith.select %eq3A_1240, %broadcast_in_dim3A_8, %broadcast_in_dim3A_10 : vector<16xi1>, vector<16xf32>
    %swap3A_1242 = arith.constant 123 : i32
    %swap3A_1243 = arith.index_cast %swap3A_1242 : i32 to index
    %swap3A_1244 = arith.constant 16 : index
    %swap3A_1245 = tpu.vector_load %arg9[%swap3A_1243, %swap3A_1244] {strides = array<i32>} : memref<128x128xf32, #tpu.memory_space<vmem>>, vector<1x16xf32>,
    %swap3A_1246 = vector.shape_cast %swap3A_1245 : vector<1x16xf32> to vector<16xf32>
    %swap3A_1247 = vector.shape_cast %select_n3A_1241 : vector<16xf32> to vector<1x16xf32>
    tpu.vector_store %arg9[%swap3A_1243, %swap3A_1244], %swap3A_1247 {strides = array<i32>} : memref<128x128xf32, #tpu.memory_space<vmem>>, vector<1x16xf32>,
    %eq3A_1248 = arith.constant 12 : i32
    %eq3A_1249 = vector.broadcast %eq3A_1248 : i32 to vector<16xi32>
    %eq3A_1250 = arith.cmpi eq, %iota3A, %eq3A_1249 : vector<16xi32>
    %select_n3A_1251 = arith.select %eq3A_1250, %broadcast_in_dim3A_8, %broadcast_in_dim3A_10 : vector<16xi1>, vector<16xf32>
    %swap3A_1252 = arith.constant 124 : i32
    %swap3A_1253 = arith.index_cast %swap3A_1252 : i32 to index
    %swap3A_1254 = arith.constant 16 : index
    %swap3A_1255 = tpu.vector_load %arg9[%swap3A_1253, %swap3A_1254] {strides = array<i32>} : memref<128x128xf32, #tpu.memory_space<vmem>>, vector<1x16xf32>,
    %swap3A_1256 = vector.shape_cast %swap3A_1255 : vector<1x16xf32> to vector<16xf32>
    %swap3A_1257 = vector.shape_cast %select_n3A_1251 : vector<16xf32> to vector<1x16xf32>
    tpu.vector_store %arg9[%swap3A_1253, %swap3A_1254], %swap3A_1257 {strides = array<i32>} : memref<128x128xf32, #tpu.memory_space<vmem>>, vector<1x16xf32>,
    %eq3A_1258 = arith.constant 13 : i32
    %eq3A_1259 = vector.broadcast %eq3A_1258 : i32 to vector<16xi32>
    %eq3A_1260 = arith.cmpi eq, %iota3A, %eq3A_1259 : vector<16xi32>
    %select_n3A_1261 = arith.select %eq3A_1260, %broadcast_in_dim3A_8, %broadcast_in_dim3A_10 : vector<16xi1>, vector<16xf32>
    %swap3A_1262 = arith.constant 125 : i32
    %swap3A_1263 = arith.index_cast %swap3A_1262 : i32 to index
    %swap3A_1264 = arith.constant 16 : index
    %swap3A_1265 = tpu.vector_load %arg9[%swap3A_1263, %swap3A_1264] {strides = array<i32>} : memref<128x128xf32, #tpu.memory_space<vmem>>, vector<1x16xf32>,
    %swap3A_1266 = vector.shape_cast %swap3A_1265 : vector<1x16xf32> to vector<16xf32>
    %swap3A_1267 = vector.shape_cast %select_n3A_1261 : vector<16xf32> to vector<1x16xf32>
    tpu.vector_store %arg9[%swap3A_1263, %swap3A_1264], %swap3A_1267 {strides = array<i32>} : memref<128x128xf32, #tpu.memory_space<vmem>>, vector<1x16xf32>,
    %eq3A_1268 = arith.constant 14 : i32
    %eq3A_1269 = vector.broadcast %eq3A_1268 : i32 to vector<16xi32>
    %eq3A_1270 = arith.cmpi eq, %iota3A, %eq3A_1269 : vector<16xi32>
    %select_n3A_1271 = arith.select %eq3A_1270, %broadcast_in_dim3A_8, %broadcast_in_dim3A_10 : vector<16xi1>, vector<16xf32>
    %swap3A_1272 = arith.constant 126 : i32
    %swap3A_1273 = arith.index_cast %swap3A_1272 : i32 to index
    %swap3A_1274 = arith.constant 16 : index
    %swap3A_1275 = tpu.vector_load %arg9[%swap3A_1273, %swap3A_1274] {strides = array<i32>} : memref<128x128xf32, #tpu.memory_space<vmem>>, vector<1x16xf32>,
    %swap3A_1276 = vector.shape_cast %swap3A_1275 : vector<1x16xf32> to vector<16xf32>
    %swap3A_1277 = vector.shape_cast %select_n3A_1271 : vector<16xf32> to vector<1x16xf32>
    tpu.vector_store %arg9[%swap3A_1273, %swap3A_1274], %swap3A_1277 {strides = array<i32>} : memref<128x128xf32, #tpu.memory_space<vmem>>, vector<1x16xf32>,
    %eq3A_1278 = arith.constant 15 : i32
    %eq3A_1279 = vector.broadcast %eq3A_1278 : i32 to vector<16xi32>
    %eq3A_1280 = arith.cmpi eq, %iota3A, %eq3A_1279 : vector<16xi32>
    %select_n3A_1281 = arith.select %eq3A_1280, %broadcast_in_dim3A_8, %broadcast_in_dim3A_10 : vector<16xi1>, vector<16xf32>
    %swap3A_1282 = arith.constant 127 : i32
    %swap3A_1283 = arith.index_cast %swap3A_1282 : i32 to index
    %swap3A_1284 = arith.constant 16 : index
    %swap3A_1285 = tpu.vector_load %arg9[%swap3A_1283, %swap3A_1284] {strides = array<i32>} : memref<128x128xf32, #tpu.memory_space<vmem>>, vector<1x16xf32>,
    %swap3A_1286 = vector.shape_cast %swap3A_1285 : vector<1x16xf32> to vector<16xf32>
    %swap3A_1287 = vector.shape_cast %select_n3A_1281 : vector<16xf32> to vector<1x16xf32>
    tpu.vector_store %arg9[%swap3A_1283, %swap3A_1284], %swap3A_1287 {strides = array<i32>} : memref<128x128xf32, #tpu.memory_space<vmem>>, vector<1x16xf32>,
    %scan3A_1288 = arith.constant 0 : i32
    %scan3A_1289 = arith.constant 0 : i32
    %scan3A_1290 = arith.constant 80 : i32
    %scan3A_1291 = arith.addi %scan3A_1289, %scan3A_1290 : i32
    %scan3A_1292 = arith.constant 1 : i32
    scf.for %scan3A_1301 = %scan3A_1289 to %scan3A_1291 step %scan3A_1292  : i32 {
      "tpu.region"() ({
        %run_scoped3A_2621 = tpu.sem_alloc : memref<!tpu.dma_semaphore, #tpu.memory_space<semaphore_mem>>
        %dma_start3A = arith.constant 0 : i32
        %dma_start3A_2622 = arith.constant 0 : i32
        %dma_start3A_2623 = tpu.memref_slice %arg3[%add3A, %scan3A_1301, %dma_start3A, %dma_start3A_2622] : memref<32x80x2x128xi32, #tpu.memory_space<hbm>> -> memref<1x1x2x128xi32, #tpu.memory_space<hbm>>
        %dma_start3A_2624 = tpu.memref_squeeze %dma_start3A_2623 : memref<1x1x2x128xi32, #tpu.memory_space<hbm>> -> memref<2x128xi32, #tpu.memory_space<hbm>>
        %dma_start3A_2625 = arith.constant 0 : i32
        %dma_start3A_2626 = arith.constant 0 : i32
        %dma_start3A_2627 = tpu.memref_slice %arg3[%add3A, %scan3A_1301, %dma_start3A_2625, %dma_start3A_2626] : memref<32x80x2x128xi32, #tpu.memory_space<hbm>> -> memref<1x1x2x128xi32, #tpu.memory_space<hbm>>
        %dma_start3A_2628 = tpu.memref_squeeze %dma_start3A_2627 : memref<1x1x2x128xi32, #tpu.memory_space<hbm>> -> memref<2x128xi32, #tpu.memory_space<hbm>>
        tpu.enqueue_dma source(%dma_start3A_2628 : memref<2x128xi32, #tpu.memory_space<hbm>>) target(%arg7 : memref<2x128xi32, #tpu.memory_space<vmem>>) target_semaphore(%run_scoped3A_2621 : memref<!tpu.dma_semaphore, #tpu.memory_space<semaphore_mem>>)
        %dma_wait3A = arith.constant 0 : i32
        %dma_wait3A_2629 = arith.constant 0 : i32
        %dma_wait3A_2630 = tpu.memref_slice %arg3[%add3A, %scan3A_1301, %dma_wait3A, %dma_wait3A_2629] : memref<32x80x2x128xi32, #tpu.memory_space<hbm>> -> memref<1x1x2x128xi32, #tpu.memory_space<hbm>>
        %dma_wait3A_2631 = tpu.memref_squeeze %dma_wait3A_2630 : memref<1x1x2x128xi32, #tpu.memory_space<hbm>> -> memref<2x128xi32, #tpu.memory_space<hbm>>
        %dma_wait3A_2632 = arith.constant 0 : i32
        %dma_wait3A_2633 = arith.constant 0 : i32
        %dma_wait3A_2634 = tpu.memref_slice %arg3[%add3A, %scan3A_1301, %dma_wait3A_2632, %dma_wait3A_2633] : memref<32x80x2x128xi32, #tpu.memory_space<hbm>> -> memref<1x1x2x128xi32, #tpu.memory_space<hbm>>
        %dma_wait3A_2635 = tpu.memref_squeeze %dma_wait3A_2634 : memref<1x1x2x128xi32, #tpu.memory_space<hbm>> -> memref<2x128xi32, #tpu.memory_space<hbm>>
        tpu.wait_dma2 semaphore(%run_scoped3A_2621 : memref<!tpu.dma_semaphore, #tpu.memory_space<semaphore_mem>>) src(%dma_wait3A_2635 : memref<2x128xi32, #tpu.memory_space<hbm>>) dst(%arg7 : memref<2x128xi32, #tpu.memory_space<vmem>>)
        tpu.yield
      }) : () -> ()
      "tpu.region"() ({
        %run_scoped3A_2621 = tpu.sem_alloc : memref<!tpu.dma_semaphore, #tpu.memory_space<semaphore_mem>>
        %dma_start3A = arith.constant 0 : i32
        %dma_start3A_2622 = arith.constant 0 : i32
        %dma_start3A_2623 = tpu.memref_slice %arg2[%add3A, %scan3A_1301, %dma_start3A, %dma_start3A_2622] : memref<32x80x8x16xf32, #tpu.memory_space<hbm>> -> memref<1x1x8x16xf32, #tpu.memory_space<hbm>>
        %dma_start3A_2624 = tpu.memref_squeeze %dma_start3A_2623 : memref<1x1x8x16xf32, #tpu.memory_space<hbm>> -> memref<8x16xf32, #tpu.memory_space<hbm>>
        %dma_start3A_2625 = arith.constant 0 : i32
        %dma_start3A_2626 = arith.constant 0 : i32
        %dma_start3A_2627 = tpu.memref_slice %arg2[%add3A, %scan3A_1301, %dma_start3A_2625, %dma_start3A_2626] : memref<32x80x8x16xf32, #tpu.memory_space<hbm>> -> memref<1x1x8x16xf32, #tpu.memory_space<hbm>>
        %dma_start3A_2628 = tpu.memref_squeeze %dma_start3A_2627 : memref<1x1x8x16xf32, #tpu.memory_space<hbm>> -> memref<8x16xf32, #tpu.memory_space<hbm>>
        tpu.enqueue_dma source(%dma_start3A_2628 : memref<8x16xf32, #tpu.memory_space<hbm>>) target(%arg8 : memref<8x16xf32, #tpu.memory_space<vmem>>) target_semaphore(%run_scoped3A_2621 : memref<!tpu.dma_semaphore, #tpu.memory_space<semaphore_mem>>)
        %dma_wait3A = arith.constant 0 : i32
        %dma_wait3A_2629 = arith.constant 0 : i32
        %dma_wait3A_2630 = tpu.memref_slice %arg2[%add3A, %scan3A_1301, %dma_wait3A, %dma_wait3A_2629] : memref<32x80x8x16xf32, #tpu.memory_space<hbm>> -> memref<1x1x8x16xf32, #tpu.memory_space<hbm>>
        %dma_wait3A_2631 = tpu.memref_squeeze %dma_wait3A_2630 : memref<1x1x8x16xf32, #tpu.memory_space<hbm>> -> memref<8x16xf32, #tpu.memory_space<hbm>>
        %dma_wait3A_2632 = arith.constant 0 : i32
        %dma_wait3A_2633 = arith.constant 0 : i32
        %dma_wait3A_2634 = tpu.memref_slice %arg2[%add3A, %scan3A_1301, %dma_wait3A_2632, %dma_wait3A_2633] : memref<32x80x8x16xf32, #tpu.memory_space<hbm>> -> memref<1x1x8x16xf32, #tpu.memory_space<hbm>>
        %dma_wait3A_2635 = tpu.memref_squeeze %dma_wait3A_2634 : memref<1x1x8x16xf32, #tpu.memory_space<hbm>> -> memref<8x16xf32, #tpu.memory_space<hbm>>
        tpu.wait_dma2 semaphore(%run_scoped3A_2621 : memref<!tpu.dma_semaphore, #tpu.memory_space<semaphore_mem>>) src(%dma_wait3A_2635 : memref<8x16xf32, #tpu.memory_space<hbm>>) dst(%arg8 : memref<8x16xf32, #tpu.memory_space<vmem>>)
        tpu.yield
      }) : () -> ()
      %get3A = arith.constant 0 : i32
      %get3A_1302 = arith.index_cast %get3A : i32 to index
      %get3A_1303 = arith.constant 0 : index
      %get3A_1304 = tpu.vector_load %arg8[%get3A_1302, %get3A_1303] {strides = array<i32>} : memref<8x16xf32, #tpu.memory_space<vmem>>, vector<1x16xf32>,
      %get3A_1305 = vector.shape_cast %get3A_1304 : vector<1x16xf32> to vector<16xf32>
      %eq3A_1306 = arith.constant 0 : i32
      %eq3A_1307 = vector.broadcast %eq3A_1306 : i32 to vector<16xi32>
      %eq3A_1308 = arith.cmpi eq, %iota3A, %eq3A_1307 : vector<16xi32>
      %select_n3A_1309 = arith.select %eq3A_1308, %get3A_1305, %broadcast_in_dim3A_10 : vector<16xi1>, vector<16xf32>
      %swap3A_1310 = arith.constant 0 : i32
      %swap3A_1311 = arith.index_cast %swap3A_1310 : i32 to index
      %swap3A_1312 = arith.constant 0 : index
      %swap3A_1313 = tpu.vector_load %arg9[%swap3A_1311, %swap3A_1312] {strides = array<i32>} : memref<128x128xf32, #tpu.memory_space<vmem>>, vector<1x16xf32>,
      %swap3A_1314 = vector.shape_cast %swap3A_1313 : vector<1x16xf32> to vector<16xf32>
      %swap3A_1315 = vector.shape_cast %select_n3A_1309 : vector<16xf32> to vector<1x16xf32>
      tpu.vector_store %arg9[%swap3A_1311, %swap3A_1312], %swap3A_1315 {strides = array<i32>} : memref<128x128xf32, #tpu.memory_space<vmem>>, vector<1x16xf32>,
      %eq3A_1316 = arith.constant 1 : i32
      %eq3A_1317 = vector.broadcast %eq3A_1316 : i32 to vector<16xi32>
      %eq3A_1318 = arith.cmpi eq, %iota3A, %eq3A_1317 : vector<16xi32>
      %select_n3A_1319 = arith.select %eq3A_1318, %get3A_1305, %broadcast_in_dim3A_10 : vector<16xi1>, vector<16xf32>
      %swap3A_1320 = arith.constant 1 : i32
      %swap3A_1321 = arith.index_cast %swap3A_1320 : i32 to index
      %swap3A_1322 = arith.constant 0 : index
      %swap3A_1323 = tpu.vector_load %arg9[%swap3A_1321, %swap3A_1322] {strides = array<i32>} : memref<128x128xf32, #tpu.memory_space<vmem>>, vector<1x16xf32>,
      %swap3A_1324 = vector.shape_cast %swap3A_1323 : vector<1x16xf32> to vector<16xf32>
      %swap3A_1325 = vector.shape_cast %select_n3A_1319 : vector<16xf32> to vector<1x16xf32>
      tpu.vector_store %arg9[%swap3A_1321, %swap3A_1322], %swap3A_1325 {strides = array<i32>} : memref<128x128xf32, #tpu.memory_space<vmem>>, vector<1x16xf32>,
      %eq3A_1326 = arith.constant 2 : i32
      %eq3A_1327 = vector.broadcast %eq3A_1326 : i32 to vector<16xi32>
      %eq3A_1328 = arith.cmpi eq, %iota3A, %eq3A_1327 : vector<16xi32>
      %select_n3A_1329 = arith.select %eq3A_1328, %get3A_1305, %broadcast_in_dim3A_10 : vector<16xi1>, vector<16xf32>
      %swap3A_1330 = arith.constant 2 : i32
      %swap3A_1331 = arith.index_cast %swap3A_1330 : i32 to index
      %swap3A_1332 = arith.constant 0 : index
      %swap3A_1333 = tpu.vector_load %arg9[%swap3A_1331, %swap3A_1332] {strides = array<i32>} : memref<128x128xf32, #tpu.memory_space<vmem>>, vector<1x16xf32>,
      %swap3A_1334 = vector.shape_cast %swap3A_1333 : vector<1x16xf32> to vector<16xf32>
      %swap3A_1335 = vector.shape_cast %select_n3A_1329 : vector<16xf32> to vector<1x16xf32>
      tpu.vector_store %arg9[%swap3A_1331, %swap3A_1332], %swap3A_1335 {strides = array<i32>} : memref<128x128xf32, #tpu.memory_space<vmem>>, vector<1x16xf32>,
      %eq3A_1336 = arith.constant 3 : i32
      %eq3A_1337 = vector.broadcast %eq3A_1336 : i32 to vector<16xi32>
      %eq3A_1338 = arith.cmpi eq, %iota3A, %eq3A_1337 : vector<16xi32>
      %select_n3A_1339 = arith.select %eq3A_1338, %get3A_1305, %broadcast_in_dim3A_10 : vector<16xi1>, vector<16xf32>
      %swap3A_1340 = arith.constant 3 : i32
      %swap3A_1341 = arith.index_cast %swap3A_1340 : i32 to index
      %swap3A_1342 = arith.constant 0 : index
      %swap3A_1343 = tpu.vector_load %arg9[%swap3A_1341, %swap3A_1342] {strides = array<i32>} : memref<128x128xf32, #tpu.memory_space<vmem>>, vector<1x16xf32>,
      %swap3A_1344 = vector.shape_cast %swap3A_1343 : vector<1x16xf32> to vector<16xf32>
      %swap3A_1345 = vector.shape_cast %select_n3A_1339 : vector<16xf32> to vector<1x16xf32>
      tpu.vector_store %arg9[%swap3A_1341, %swap3A_1342], %swap3A_1345 {strides = array<i32>} : memref<128x128xf32, #tpu.memory_space<vmem>>, vector<1x16xf32>,
      %eq3A_1346 = arith.constant 4 : i32
      %eq3A_1347 = vector.broadcast %eq3A_1346 : i32 to vector<16xi32>
      %eq3A_1348 = arith.cmpi eq, %iota3A, %eq3A_1347 : vector<16xi32>
      %select_n3A_1349 = arith.select %eq3A_1348, %get3A_1305, %broadcast_in_dim3A_10 : vector<16xi1>, vector<16xf32>
      %swap3A_1350 = arith.constant 4 : i32
      %swap3A_1351 = arith.index_cast %swap3A_1350 : i32 to index
      %swap3A_1352 = arith.constant 0 : index
      %swap3A_1353 = tpu.vector_load %arg9[%swap3A_1351, %swap3A_1352] {strides = array<i32>} : memref<128x128xf32, #tpu.memory_space<vmem>>, vector<1x16xf32>,
      %swap3A_1354 = vector.shape_cast %swap3A_1353 : vector<1x16xf32> to vector<16xf32>
      %swap3A_1355 = vector.shape_cast %select_n3A_1349 : vector<16xf32> to vector<1x16xf32>
      tpu.vector_store %arg9[%swap3A_1351, %swap3A_1352], %swap3A_1355 {strides = array<i32>} : memref<128x128xf32, #tpu.memory_space<vmem>>, vector<1x16xf32>,
      %eq3A_1356 = arith.constant 5 : i32
      %eq3A_1357 = vector.broadcast %eq3A_1356 : i32 to vector<16xi32>
      %eq3A_1358 = arith.cmpi eq, %iota3A, %eq3A_1357 : vector<16xi32>
      %select_n3A_1359 = arith.select %eq3A_1358, %get3A_1305, %broadcast_in_dim3A_10 : vector<16xi1>, vector<16xf32>
      %swap3A_1360 = arith.constant 5 : i32
      %swap3A_1361 = arith.index_cast %swap3A_1360 : i32 to index
      %swap3A_1362 = arith.constant 0 : index
      %swap3A_1363 = tpu.vector_load %arg9[%swap3A_1361, %swap3A_1362] {strides = array<i32>} : memref<128x128xf32, #tpu.memory_space<vmem>>, vector<1x16xf32>,
      %swap3A_1364 = vector.shape_cast %swap3A_1363 : vector<1x16xf32> to vector<16xf32>
      %swap3A_1365 = vector.shape_cast %select_n3A_1359 : vector<16xf32> to vector<1x16xf32>
      tpu.vector_store %arg9[%swap3A_1361, %swap3A_1362], %swap3A_1365 {strides = array<i32>} : memref<128x128xf32, #tpu.memory_space<vmem>>, vector<1x16xf32>,
      %eq3A_1366 = arith.constant 6 : i32
      %eq3A_1367 = vector.broadcast %eq3A_1366 : i32 to vector<16xi32>
      %eq3A_1368 = arith.cmpi eq, %iota3A, %eq3A_1367 : vector<16xi32>
      %select_n3A_1369 = arith.select %eq3A_1368, %get3A_1305, %broadcast_in_dim3A_10 : vector<16xi1>, vector<16xf32>
      %swap3A_1370 = arith.constant 6 : i32
      %swap3A_1371 = arith.index_cast %swap3A_1370 : i32 to index
      %swap3A_1372 = arith.constant 0 : index
      %swap3A_1373 = tpu.vector_load %arg9[%swap3A_1371, %swap3A_1372] {strides = array<i32>} : memref<128x128xf32, #tpu.memory_space<vmem>>, vector<1x16xf32>,
      %swap3A_1374 = vector.shape_cast %swap3A_1373 : vector<1x16xf32> to vector<16xf32>
      %swap3A_1375 = vector.shape_cast %select_n3A_1369 : vector<16xf32> to vector<1x16xf32>
      tpu.vector_store %arg9[%swap3A_1371, %swap3A_1372], %swap3A_1375 {strides = array<i32>} : memref<128x128xf32, #tpu.memory_space<vmem>>, vector<1x16xf32>,
      %eq3A_1376 = arith.constant 7 : i32
      %eq3A_1377 = vector.broadcast %eq3A_1376 : i32 to vector<16xi32>
      %eq3A_1378 = arith.cmpi eq, %iota3A, %eq3A_1377 : vector<16xi32>
      %select_n3A_1379 = arith.select %eq3A_1378, %get3A_1305, %broadcast_in_dim3A_10 : vector<16xi1>, vector<16xf32>
      %swap3A_1380 = arith.constant 7 : i32
      %swap3A_1381 = arith.index_cast %swap3A_1380 : i32 to index
      %swap3A_1382 = arith.constant 0 : index
      %swap3A_1383 = tpu.vector_load %arg9[%swap3A_1381, %swap3A_1382] {strides = array<i32>} : memref<128x128xf32, #tpu.memory_space<vmem>>, vector<1x16xf32>,
      %swap3A_1384 = vector.shape_cast %swap3A_1383 : vector<1x16xf32> to vector<16xf32>
      %swap3A_1385 = vector.shape_cast %select_n3A_1379 : vector<16xf32> to vector<1x16xf32>
      tpu.vector_store %arg9[%swap3A_1381, %swap3A_1382], %swap3A_1385 {strides = array<i32>} : memref<128x128xf32, #tpu.memory_space<vmem>>, vector<1x16xf32>,
      %eq3A_1386 = arith.constant 8 : i32
      %eq3A_1387 = vector.broadcast %eq3A_1386 : i32 to vector<16xi32>
      %eq3A_1388 = arith.cmpi eq, %iota3A, %eq3A_1387 : vector<16xi32>
      %select_n3A_1389 = arith.select %eq3A_1388, %get3A_1305, %broadcast_in_dim3A_10 : vector<16xi1>, vector<16xf32>
      %swap3A_1390 = arith.constant 8 : i32
      %swap3A_1391 = arith.index_cast %swap3A_1390 : i32 to index
      %swap3A_1392 = arith.constant 0 : index
      %swap3A_1393 = tpu.vector_load %arg9[%swap3A_1391, %swap3A_1392] {strides = array<i32>} : memref<128x128xf32, #tpu.memory_space<vmem>>, vector<1x16xf32>,
      %swap3A_1394 = vector.shape_cast %swap3A_1393 : vector<1x16xf32> to vector<16xf32>
      %swap3A_1395 = vector.shape_cast %select_n3A_1389 : vector<16xf32> to vector<1x16xf32>
      tpu.vector_store %arg9[%swap3A_1391, %swap3A_1392], %swap3A_1395 {strides = array<i32>} : memref<128x128xf32, #tpu.memory_space<vmem>>, vector<1x16xf32>,
      %eq3A_1396 = arith.constant 9 : i32
      %eq3A_1397 = vector.broadcast %eq3A_1396 : i32 to vector<16xi32>
      %eq3A_1398 = arith.cmpi eq, %iota3A, %eq3A_1397 : vector<16xi32>
      %select_n3A_1399 = arith.select %eq3A_1398, %get3A_1305, %broadcast_in_dim3A_10 : vector<16xi1>, vector<16xf32>
      %swap3A_1400 = arith.constant 9 : i32
      %swap3A_1401 = arith.index_cast %swap3A_1400 : i32 to index
      %swap3A_1402 = arith.constant 0 : index
      %swap3A_1403 = tpu.vector_load %arg9[%swap3A_1401, %swap3A_1402] {strides = array<i32>} : memref<128x128xf32, #tpu.memory_space<vmem>>, vector<1x16xf32>,
      %swap3A_1404 = vector.shape_cast %swap3A_1403 : vector<1x16xf32> to vector<16xf32>
      %swap3A_1405 = vector.shape_cast %select_n3A_1399 : vector<16xf32> to vector<1x16xf32>
      tpu.vector_store %arg9[%swap3A_1401, %swap3A_1402], %swap3A_1405 {strides = array<i32>} : memref<128x128xf32, #tpu.memory_space<vmem>>, vector<1x16xf32>,
      %eq3A_1406 = arith.constant 10 : i32
      %eq3A_1407 = vector.broadcast %eq3A_1406 : i32 to vector<16xi32>
      %eq3A_1408 = arith.cmpi eq, %iota3A, %eq3A_1407 : vector<16xi32>
      %select_n3A_1409 = arith.select %eq3A_1408, %get3A_1305, %broadcast_in_dim3A_10 : vector<16xi1>, vector<16xf32>
      %swap3A_1410 = arith.constant 10 : i32
      %swap3A_1411 = arith.index_cast %swap3A_1410 : i32 to index
      %swap3A_1412 = arith.constant 0 : index
      %swap3A_1413 = tpu.vector_load %arg9[%swap3A_1411, %swap3A_1412] {strides = array<i32>} : memref<128x128xf32, #tpu.memory_space<vmem>>, vector<1x16xf32>,
      %swap3A_1414 = vector.shape_cast %swap3A_1413 : vector<1x16xf32> to vector<16xf32>
      %swap3A_1415 = vector.shape_cast %select_n3A_1409 : vector<16xf32> to vector<1x16xf32>
      tpu.vector_store %arg9[%swap3A_1411, %swap3A_1412], %swap3A_1415 {strides = array<i32>} : memref<128x128xf32, #tpu.memory_space<vmem>>, vector<1x16xf32>,
      %eq3A_1416 = arith.constant 11 : i32
      %eq3A_1417 = vector.broadcast %eq3A_1416 : i32 to vector<16xi32>
      %eq3A_1418 = arith.cmpi eq, %iota3A, %eq3A_1417 : vector<16xi32>
      %select_n3A_1419 = arith.select %eq3A_1418, %get3A_1305, %broadcast_in_dim3A_10 : vector<16xi1>, vector<16xf32>
      %swap3A_1420 = arith.constant 11 : i32
      %swap3A_1421 = arith.index_cast %swap3A_1420 : i32 to index
      %swap3A_1422 = arith.constant 0 : index
      %swap3A_1423 = tpu.vector_load %arg9[%swap3A_1421, %swap3A_1422] {strides = array<i32>} : memref<128x128xf32, #tpu.memory_space<vmem>>, vector<1x16xf32>,
      %swap3A_1424 = vector.shape_cast %swap3A_1423 : vector<1x16xf32> to vector<16xf32>
      %swap3A_1425 = vector.shape_cast %select_n3A_1419 : vector<16xf32> to vector<1x16xf32>
      tpu.vector_store %arg9[%swap3A_1421, %swap3A_1422], %swap3A_1425 {strides = array<i32>} : memref<128x128xf32, #tpu.memory_space<vmem>>, vector<1x16xf32>,
      %eq3A_1426 = arith.constant 12 : i32
      %eq3A_1427 = vector.broadcast %eq3A_1426 : i32 to vector<16xi32>
      %eq3A_1428 = arith.cmpi eq, %iota3A, %eq3A_1427 : vector<16xi32>
      %select_n3A_1429 = arith.select %eq3A_1428, %get3A_1305, %broadcast_in_dim3A_10 : vector<16xi1>, vector<16xf32>
      %swap3A_1430 = arith.constant 12 : i32
      %swap3A_1431 = arith.index_cast %swap3A_1430 : i32 to index
      %swap3A_1432 = arith.constant 0 : index
      %swap3A_1433 = tpu.vector_load %arg9[%swap3A_1431, %swap3A_1432] {strides = array<i32>} : memref<128x128xf32, #tpu.memory_space<vmem>>, vector<1x16xf32>,
      %swap3A_1434 = vector.shape_cast %swap3A_1433 : vector<1x16xf32> to vector<16xf32>
      %swap3A_1435 = vector.shape_cast %select_n3A_1429 : vector<16xf32> to vector<1x16xf32>
      tpu.vector_store %arg9[%swap3A_1431, %swap3A_1432], %swap3A_1435 {strides = array<i32>} : memref<128x128xf32, #tpu.memory_space<vmem>>, vector<1x16xf32>,
      %eq3A_1436 = arith.constant 13 : i32
      %eq3A_1437 = vector.broadcast %eq3A_1436 : i32 to vector<16xi32>
      %eq3A_1438 = arith.cmpi eq, %iota3A, %eq3A_1437 : vector<16xi32>
      %select_n3A_1439 = arith.select %eq3A_1438, %get3A_1305, %broadcast_in_dim3A_10 : vector<16xi1>, vector<16xf32>
      %swap3A_1440 = arith.constant 13 : i32
      %swap3A_1441 = arith.index_cast %swap3A_1440 : i32 to index
      %swap3A_1442 = arith.constant 0 : index
      %swap3A_1443 = tpu.vector_load %arg9[%swap3A_1441, %swap3A_1442] {strides = array<i32>} : memref<128x128xf32, #tpu.memory_space<vmem>>, vector<1x16xf32>,
      %swap3A_1444 = vector.shape_cast %swap3A_1443 : vector<1x16xf32> to vector<16xf32>
      %swap3A_1445 = vector.shape_cast %select_n3A_1439 : vector<16xf32> to vector<1x16xf32>
      tpu.vector_store %arg9[%swap3A_1441, %swap3A_1442], %swap3A_1445 {strides = array<i32>} : memref<128x128xf32, #tpu.memory_space<vmem>>, vector<1x16xf32>,
      %eq3A_1446 = arith.constant 14 : i32
      %eq3A_1447 = vector.broadcast %eq3A_1446 : i32 to vector<16xi32>
      %eq3A_1448 = arith.cmpi eq, %iota3A, %eq3A_1447 : vector<16xi32>
      %select_n3A_1449 = arith.select %eq3A_1448, %get3A_1305, %broadcast_in_dim3A_10 : vector<16xi1>, vector<16xf32>
      %swap3A_1450 = arith.constant 14 : i32
      %swap3A_1451 = arith.index_cast %swap3A_1450 : i32 to index
      %swap3A_1452 = arith.constant 0 : index
      %swap3A_1453 = tpu.vector_load %arg9[%swap3A_1451, %swap3A_1452] {strides = array<i32>} : memref<128x128xf32, #tpu.memory_space<vmem>>, vector<1x16xf32>,
      %swap3A_1454 = vector.shape_cast %swap3A_1453 : vector<1x16xf32> to vector<16xf32>
      %swap3A_1455 = vector.shape_cast %select_n3A_1449 : vector<16xf32> to vector<1x16xf32>
      tpu.vector_store %arg9[%swap3A_1451, %swap3A_1452], %swap3A_1455 {strides = array<i32>} : memref<128x128xf32, #tpu.memory_space<vmem>>, vector<1x16xf32>,
      %eq3A_1456 = arith.constant 15 : i32
      %eq3A_1457 = vector.broadcast %eq3A_1456 : i32 to vector<16xi32>
      %eq3A_1458 = arith.cmpi eq, %iota3A, %eq3A_1457 : vector<16xi32>
      %select_n3A_1459 = arith.select %eq3A_1458, %get3A_1305, %broadcast_in_dim3A_10 : vector<16xi1>, vector<16xf32>
      %swap3A_1460 = arith.constant 15 : i32
      %swap3A_1461 = arith.index_cast %swap3A_1460 : i32 to index
      %swap3A_1462 = arith.constant 0 : index
      %swap3A_1463 = tpu.vector_load %arg9[%swap3A_1461, %swap3A_1462] {strides = array<i32>} : memref<128x128xf32, #tpu.memory_space<vmem>>, vector<1x16xf32>,
      %swap3A_1464 = vector.shape_cast %swap3A_1463 : vector<1x16xf32> to vector<16xf32>
      %swap3A_1465 = vector.shape_cast %select_n3A_1459 : vector<16xf32> to vector<1x16xf32>
      tpu.vector_store %arg9[%swap3A_1461, %swap3A_1462], %swap3A_1465 {strides = array<i32>} : memref<128x128xf32, #tpu.memory_space<vmem>>, vector<1x16xf32>,
      %get3A_1466 = arith.constant 1 : i32
      %get3A_1467 = arith.index_cast %get3A_1466 : i32 to index
      %get3A_1468 = arith.constant 0 : index
      %get3A_1469 = tpu.vector_load %arg8[%get3A_1467, %get3A_1468] {strides = array<i32>} : memref<8x16xf32, #tpu.memory_space<vmem>>, vector<1x16xf32>,
      %get3A_1470 = vector.shape_cast %get3A_1469 : vector<1x16xf32> to vector<16xf32>
      %eq3A_1471 = arith.constant 0 : i32
      %eq3A_1472 = vector.broadcast %eq3A_1471 : i32 to vector<16xi32>
      %eq3A_1473 = arith.cmpi eq, %iota3A, %eq3A_1472 : vector<16xi32>
      %select_n3A_1474 = arith.select %eq3A_1473, %get3A_1470, %broadcast_in_dim3A_10 : vector<16xi1>, vector<16xf32>
      %swap3A_1475 = arith.constant 16 : i32
      %swap3A_1476 = arith.index_cast %swap3A_1475 : i32 to index
      %swap3A_1477 = arith.constant 0 : index
      %swap3A_1478 = tpu.vector_load %arg9[%swap3A_1476, %swap3A_1477] {strides = array<i32>} : memref<128x128xf32, #tpu.memory_space<vmem>>, vector<1x16xf32>,
      %swap3A_1479 = vector.shape_cast %swap3A_1478 : vector<1x16xf32> to vector<16xf32>
      %swap3A_1480 = vector.shape_cast %select_n3A_1474 : vector<16xf32> to vector<1x16xf32>
      tpu.vector_store %arg9[%swap3A_1476, %swap3A_1477], %swap3A_1480 {strides = array<i32>} : memref<128x128xf32, #tpu.memory_space<vmem>>, vector<1x16xf32>,
      %eq3A_1481 = arith.constant 1 : i32
      %eq3A_1482 = vector.broadcast %eq3A_1481 : i32 to vector<16xi32>
      %eq3A_1483 = arith.cmpi eq, %iota3A, %eq3A_1482 : vector<16xi32>
      %select_n3A_1484 = arith.select %eq3A_1483, %get3A_1470, %broadcast_in_dim3A_10 : vector<16xi1>, vector<16xf32>
      %swap3A_1485 = arith.constant 17 : i32
      %swap3A_1486 = arith.index_cast %swap3A_1485 : i32 to index
      %swap3A_1487 = arith.constant 0 : index
      %swap3A_1488 = tpu.vector_load %arg9[%swap3A_1486, %swap3A_1487] {strides = array<i32>} : memref<128x128xf32, #tpu.memory_space<vmem>>, vector<1x16xf32>,
      %swap3A_1489 = vector.shape_cast %swap3A_1488 : vector<1x16xf32> to vector<16xf32>
      %swap3A_1490 = vector.shape_cast %select_n3A_1484 : vector<16xf32> to vector<1x16xf32>
      tpu.vector_store %arg9[%swap3A_1486, %swap3A_1487], %swap3A_1490 {strides = array<i32>} : memref<128x128xf32, #tpu.memory_space<vmem>>, vector<1x16xf32>,
      %eq3A_1491 = arith.constant 2 : i32
      %eq3A_1492 = vector.broadcast %eq3A_1491 : i32 to vector<16xi32>
      %eq3A_1493 = arith.cmpi eq, %iota3A, %eq3A_1492 : vector<16xi32>
      %select_n3A_1494 = arith.select %eq3A_1493, %get3A_1470, %broadcast_in_dim3A_10 : vector<16xi1>, vector<16xf32>
      %swap3A_1495 = arith.constant 18 : i32
      %swap3A_1496 = arith.index_cast %swap3A_1495 : i32 to index
      %swap3A_1497 = arith.constant 0 : index
      %swap3A_1498 = tpu.vector_load %arg9[%swap3A_1496, %swap3A_1497] {strides = array<i32>} : memref<128x128xf32, #tpu.memory_space<vmem>>, vector<1x16xf32>,
      %swap3A_1499 = vector.shape_cast %swap3A_1498 : vector<1x16xf32> to vector<16xf32>
      %swap3A_1500 = vector.shape_cast %select_n3A_1494 : vector<16xf32> to vector<1x16xf32>
      tpu.vector_store %arg9[%swap3A_1496, %swap3A_1497], %swap3A_1500 {strides = array<i32>} : memref<128x128xf32, #tpu.memory_space<vmem>>, vector<1x16xf32>,
      %eq3A_1501 = arith.constant 3 : i32
      %eq3A_1502 = vector.broadcast %eq3A_1501 : i32 to vector<16xi32>
      %eq3A_1503 = arith.cmpi eq, %iota3A, %eq3A_1502 : vector<16xi32>
      %select_n3A_1504 = arith.select %eq3A_1503, %get3A_1470, %broadcast_in_dim3A_10 : vector<16xi1>, vector<16xf32>
      %swap3A_1505 = arith.constant 19 : i32
      %swap3A_1506 = arith.index_cast %swap3A_1505 : i32 to index
      %swap3A_1507 = arith.constant 0 : index
      %swap3A_1508 = tpu.vector_load %arg9[%swap3A_1506, %swap3A_1507] {strides = array<i32>} : memref<128x128xf32, #tpu.memory_space<vmem>>, vector<1x16xf32>,
      %swap3A_1509 = vector.shape_cast %swap3A_1508 : vector<1x16xf32> to vector<16xf32>
      %swap3A_1510 = vector.shape_cast %select_n3A_1504 : vector<16xf32> to vector<1x16xf32>
      tpu.vector_store %arg9[%swap3A_1506, %swap3A_1507], %swap3A_1510 {strides = array<i32>} : memref<128x128xf32, #tpu.memory_space<vmem>>, vector<1x16xf32>,
      %eq3A_1511 = arith.constant 4 : i32
      %eq3A_1512 = vector.broadcast %eq3A_1511 : i32 to vector<16xi32>
      %eq3A_1513 = arith.cmpi eq, %iota3A, %eq3A_1512 : vector<16xi32>
      %select_n3A_1514 = arith.select %eq3A_1513, %get3A_1470, %broadcast_in_dim3A_10 : vector<16xi1>, vector<16xf32>
      %swap3A_1515 = arith.constant 20 : i32
      %swap3A_1516 = arith.index_cast %swap3A_1515 : i32 to index
      %swap3A_1517 = arith.constant 0 : index
      %swap3A_1518 = tpu.vector_load %arg9[%swap3A_1516, %swap3A_1517] {strides = array<i32>} : memref<128x128xf32, #tpu.memory_space<vmem>>, vector<1x16xf32>,
      %swap3A_1519 = vector.shape_cast %swap3A_1518 : vector<1x16xf32> to vector<16xf32>
      %swap3A_1520 = vector.shape_cast %select_n3A_1514 : vector<16xf32> to vector<1x16xf32>
      tpu.vector_store %arg9[%swap3A_1516, %swap3A_1517], %swap3A_1520 {strides = array<i32>} : memref<128x128xf32, #tpu.memory_space<vmem>>, vector<1x16xf32>,
      %eq3A_1521 = arith.constant 5 : i32
      %eq3A_1522 = vector.broadcast %eq3A_1521 : i32 to vector<16xi32>
      %eq3A_1523 = arith.cmpi eq, %iota3A, %eq3A_1522 : vector<16xi32>
      %select_n3A_1524 = arith.select %eq3A_1523, %get3A_1470, %broadcast_in_dim3A_10 : vector<16xi1>, vector<16xf32>
      %swap3A_1525 = arith.constant 21 : i32
      %swap3A_1526 = arith.index_cast %swap3A_1525 : i32 to index
      %swap3A_1527 = arith.constant 0 : index
      %swap3A_1528 = tpu.vector_load %arg9[%swap3A_1526, %swap3A_1527] {strides = array<i32>} : memref<128x128xf32, #tpu.memory_space<vmem>>, vector<1x16xf32>,
      %swap3A_1529 = vector.shape_cast %swap3A_1528 : vector<1x16xf32> to vector<16xf32>
      %swap3A_1530 = vector.shape_cast %select_n3A_1524 : vector<16xf32> to vector<1x16xf32>
      tpu.vector_store %arg9[%swap3A_1526, %swap3A_1527], %swap3A_1530 {strides = array<i32>} : memref<128x128xf32, #tpu.memory_space<vmem>>, vector<1x16xf32>,
      %eq3A_1531 = arith.constant 6 : i32
      %eq3A_1532 = vector.broadcast %eq3A_1531 : i32 to vector<16xi32>
      %eq3A_1533 = arith.cmpi eq, %iota3A, %eq3A_1532 : vector<16xi32>
      %select_n3A_1534 = arith.select %eq3A_1533, %get3A_1470, %broadcast_in_dim3A_10 : vector<16xi1>, vector<16xf32>
      %swap3A_1535 = arith.constant 22 : i32
      %swap3A_1536 = arith.index_cast %swap3A_1535 : i32 to index
      %swap3A_1537 = arith.constant 0 : index
      %swap3A_1538 = tpu.vector_load %arg9[%swap3A_1536, %swap3A_1537] {strides = array<i32>} : memref<128x128xf32, #tpu.memory_space<vmem>>, vector<1x16xf32>,
      %swap3A_1539 = vector.shape_cast %swap3A_1538 : vector<1x16xf32> to vector<16xf32>
      %swap3A_1540 = vector.shape_cast %select_n3A_1534 : vector<16xf32> to vector<1x16xf32>
      tpu.vector_store %arg9[%swap3A_1536, %swap3A_1537], %swap3A_1540 {strides = array<i32>} : memref<128x128xf32, #tpu.memory_space<vmem>>, vector<1x16xf32>,
      %eq3A_1541 = arith.constant 7 : i32
      %eq3A_1542 = vector.broadcast %eq3A_1541 : i32 to vector<16xi32>
      %eq3A_1543 = arith.cmpi eq, %iota3A, %eq3A_1542 : vector<16xi32>
      %select_n3A_1544 = arith.select %eq3A_1543, %get3A_1470, %broadcast_in_dim3A_10 : vector<16xi1>, vector<16xf32>
      %swap3A_1545 = arith.constant 23 : i32
      %swap3A_1546 = arith.index_cast %swap3A_1545 : i32 to index
      %swap3A_1547 = arith.constant 0 : index
      %swap3A_1548 = tpu.vector_load %arg9[%swap3A_1546, %swap3A_1547] {strides = array<i32>} : memref<128x128xf32, #tpu.memory_space<vmem>>, vector<1x16xf32>,
      %swap3A_1549 = vector.shape_cast %swap3A_1548 : vector<1x16xf32> to vector<16xf32>
      %swap3A_1550 = vector.shape_cast %select_n3A_1544 : vector<16xf32> to vector<1x16xf32>
      tpu.vector_store %arg9[%swap3A_1546, %swap3A_1547], %swap3A_1550 {strides = array<i32>} : memref<128x128xf32, #tpu.memory_space<vmem>>, vector<1x16xf32>,
      %eq3A_1551 = arith.constant 8 : i32
      %eq3A_1552 = vector.broadcast %eq3A_1551 : i32 to vector<16xi32>
      %eq3A_1553 = arith.cmpi eq, %iota3A, %eq3A_1552 : vector<16xi32>
      %select_n3A_1554 = arith.select %eq3A_1553, %get3A_1470, %broadcast_in_dim3A_10 : vector<16xi1>, vector<16xf32>
      %swap3A_1555 = arith.constant 24 : i32
      %swap3A_1556 = arith.index_cast %swap3A_1555 : i32 to index
      %swap3A_1557 = arith.constant 0 : index
      %swap3A_1558 = tpu.vector_load %arg9[%swap3A_1556, %swap3A_1557] {strides = array<i32>} : memref<128x128xf32, #tpu.memory_space<vmem>>, vector<1x16xf32>,
      %swap3A_1559 = vector.shape_cast %swap3A_1558 : vector<1x16xf32> to vector<16xf32>
      %swap3A_1560 = vector.shape_cast %select_n3A_1554 : vector<16xf32> to vector<1x16xf32>
      tpu.vector_store %arg9[%swap3A_1556, %swap3A_1557], %swap3A_1560 {strides = array<i32>} : memref<128x128xf32, #tpu.memory_space<vmem>>, vector<1x16xf32>,
      %eq3A_1561 = arith.constant 9 : i32
      %eq3A_1562 = vector.broadcast %eq3A_1561 : i32 to vector<16xi32>
      %eq3A_1563 = arith.cmpi eq, %iota3A, %eq3A_1562 : vector<16xi32>
      %select_n3A_1564 = arith.select %eq3A_1563, %get3A_1470, %broadcast_in_dim3A_10 : vector<16xi1>, vector<16xf32>
      %swap3A_1565 = arith.constant 25 : i32
      %swap3A_1566 = arith.index_cast %swap3A_1565 : i32 to index
      %swap3A_1567 = arith.constant 0 : index
      %swap3A_1568 = tpu.vector_load %arg9[%swap3A_1566, %swap3A_1567] {strides = array<i32>} : memref<128x128xf32, #tpu.memory_space<vmem>>, vector<1x16xf32>,
      %swap3A_1569 = vector.shape_cast %swap3A_1568 : vector<1x16xf32> to vector<16xf32>
      %swap3A_1570 = vector.shape_cast %select_n3A_1564 : vector<16xf32> to vector<1x16xf32>
      tpu.vector_store %arg9[%swap3A_1566, %swap3A_1567], %swap3A_1570 {strides = array<i32>} : memref<128x128xf32, #tpu.memory_space<vmem>>, vector<1x16xf32>,
      %eq3A_1571 = arith.constant 10 : i32
      %eq3A_1572 = vector.broadcast %eq3A_1571 : i32 to vector<16xi32>
      %eq3A_1573 = arith.cmpi eq, %iota3A, %eq3A_1572 : vector<16xi32>
      %select_n3A_1574 = arith.select %eq3A_1573, %get3A_1470, %broadcast_in_dim3A_10 : vector<16xi1>, vector<16xf32>
      %swap3A_1575 = arith.constant 26 : i32
      %swap3A_1576 = arith.index_cast %swap3A_1575 : i32 to index
      %swap3A_1577 = arith.constant 0 : index
      %swap3A_1578 = tpu.vector_load %arg9[%swap3A_1576, %swap3A_1577] {strides = array<i32>} : memref<128x128xf32, #tpu.memory_space<vmem>>, vector<1x16xf32>,
      %swap3A_1579 = vector.shape_cast %swap3A_1578 : vector<1x16xf32> to vector<16xf32>
      %swap3A_1580 = vector.shape_cast %select_n3A_1574 : vector<16xf32> to vector<1x16xf32>
      tpu.vector_store %arg9[%swap3A_1576, %swap3A_1577], %swap3A_1580 {strides = array<i32>} : memref<128x128xf32, #tpu.memory_space<vmem>>, vector<1x16xf32>,
      %eq3A_1581 = arith.constant 11 : i32
      %eq3A_1582 = vector.broadcast %eq3A_1581 : i32 to vector<16xi32>
      %eq3A_1583 = arith.cmpi eq, %iota3A, %eq3A_1582 : vector<16xi32>
      %select_n3A_1584 = arith.select %eq3A_1583, %get3A_1470, %broadcast_in_dim3A_10 : vector<16xi1>, vector<16xf32>
      %swap3A_1585 = arith.constant 27 : i32
      %swap3A_1586 = arith.index_cast %swap3A_1585 : i32 to index
      %swap3A_1587 = arith.constant 0 : index
      %swap3A_1588 = tpu.vector_load %arg9[%swap3A_1586, %swap3A_1587] {strides = array<i32>} : memref<128x128xf32, #tpu.memory_space<vmem>>, vector<1x16xf32>,
      %swap3A_1589 = vector.shape_cast %swap3A_1588 : vector<1x16xf32> to vector<16xf32>
      %swap3A_1590 = vector.shape_cast %select_n3A_1584 : vector<16xf32> to vector<1x16xf32>
      tpu.vector_store %arg9[%swap3A_1586, %swap3A_1587], %swap3A_1590 {strides = array<i32>} : memref<128x128xf32, #tpu.memory_space<vmem>>, vector<1x16xf32>,
      %eq3A_1591 = arith.constant 12 : i32
      %eq3A_1592 = vector.broadcast %eq3A_1591 : i32 to vector<16xi32>
      %eq3A_1593 = arith.cmpi eq, %iota3A, %eq3A_1592 : vector<16xi32>
      %select_n3A_1594 = arith.select %eq3A_1593, %get3A_1470, %broadcast_in_dim3A_10 : vector<16xi1>, vector<16xf32>
      %swap3A_1595 = arith.constant 28 : i32
      %swap3A_1596 = arith.index_cast %swap3A_1595 : i32 to index
      %swap3A_1597 = arith.constant 0 : index
      %swap3A_1598 = tpu.vector_load %arg9[%swap3A_1596, %swap3A_1597] {strides = array<i32>} : memref<128x128xf32, #tpu.memory_space<vmem>>, vector<1x16xf32>,
      %swap3A_1599 = vector.shape_cast %swap3A_1598 : vector<1x16xf32> to vector<16xf32>
      %swap3A_1600 = vector.shape_cast %select_n3A_1594 : vector<16xf32> to vector<1x16xf32>
      tpu.vector_store %arg9[%swap3A_1596, %swap3A_1597], %swap3A_1600 {strides = array<i32>} : memref<128x128xf32, #tpu.memory_space<vmem>>, vector<1x16xf32>,
      %eq3A_1601 = arith.constant 13 : i32
      %eq3A_1602 = vector.broadcast %eq3A_1601 : i32 to vector<16xi32>
      %eq3A_1603 = arith.cmpi eq, %iota3A, %eq3A_1602 : vector<16xi32>
      %select_n3A_1604 = arith.select %eq3A_1603, %get3A_1470, %broadcast_in_dim3A_10 : vector<16xi1>, vector<16xf32>
      %swap3A_1605 = arith.constant 29 : i32
      %swap3A_1606 = arith.index_cast %swap3A_1605 : i32 to index
      %swap3A_1607 = arith.constant 0 : index
      %swap3A_1608 = tpu.vector_load %arg9[%swap3A_1606, %swap3A_1607] {strides = array<i32>} : memref<128x128xf32, #tpu.memory_space<vmem>>, vector<1x16xf32>,
      %swap3A_1609 = vector.shape_cast %swap3A_1608 : vector<1x16xf32> to vector<16xf32>
      %swap3A_1610 = vector.shape_cast %select_n3A_1604 : vector<16xf32> to vector<1x16xf32>
      tpu.vector_store %arg9[%swap3A_1606, %swap3A_1607], %swap3A_1610 {strides = array<i32>} : memref<128x128xf32, #tpu.memory_space<vmem>>, vector<1x16xf32>,
      %eq3A_1611 = arith.constant 14 : i32
      %eq3A_1612 = vector.broadcast %eq3A_1611 : i32 to vector<16xi32>
      %eq3A_1613 = arith.cmpi eq, %iota3A, %eq3A_1612 : vector<16xi32>
      %select_n3A_1614 = arith.select %eq3A_1613, %get3A_1470, %broadcast_in_dim3A_10 : vector<16xi1>, vector<16xf32>
      %swap3A_1615 = arith.constant 30 : i32
      %swap3A_1616 = arith.index_cast %swap3A_1615 : i32 to index
      %swap3A_1617 = arith.constant 0 : index
      %swap3A_1618 = tpu.vector_load %arg9[%swap3A_1616, %swap3A_1617] {strides = array<i32>} : memref<128x128xf32, #tpu.memory_space<vmem>>, vector<1x16xf32>,
      %swap3A_1619 = vector.shape_cast %swap3A_1618 : vector<1x16xf32> to vector<16xf32>
      %swap3A_1620 = vector.shape_cast %select_n3A_1614 : vector<16xf32> to vector<1x16xf32>
      tpu.vector_store %arg9[%swap3A_1616, %swap3A_1617], %swap3A_1620 {strides = array<i32>} : memref<128x128xf32, #tpu.memory_space<vmem>>, vector<1x16xf32>,
      %eq3A_1621 = arith.constant 15 : i32
      %eq3A_1622 = vector.broadcast %eq3A_1621 : i32 to vector<16xi32>
      %eq3A_1623 = arith.cmpi eq, %iota3A, %eq3A_1622 : vector<16xi32>
      %select_n3A_1624 = arith.select %eq3A_1623, %get3A_1470, %broadcast_in_dim3A_10 : vector<16xi1>, vector<16xf32>
      %swap3A_1625 = arith.constant 31 : i32
      %swap3A_1626 = arith.index_cast %swap3A_1625 : i32 to index
      %swap3A_1627 = arith.constant 0 : index
      %swap3A_1628 = tpu.vector_load %arg9[%swap3A_1626, %swap3A_1627] {strides = array<i32>} : memref<128x128xf32, #tpu.memory_space<vmem>>, vector<1x16xf32>,
      %swap3A_1629 = vector.shape_cast %swap3A_1628 : vector<1x16xf32> to vector<16xf32>
      %swap3A_1630 = vector.shape_cast %select_n3A_1624 : vector<16xf32> to vector<1x16xf32>
      tpu.vector_store %arg9[%swap3A_1626, %swap3A_1627], %swap3A_1630 {strides = array<i32>} : memref<128x128xf32, #tpu.memory_space<vmem>>, vector<1x16xf32>,
      %get3A_1631 = arith.constant 2 : i32
      %get3A_1632 = arith.index_cast %get3A_1631 : i32 to index
      %get3A_1633 = arith.constant 0 : index
      %get3A_1634 = tpu.vector_load %arg8[%get3A_1632, %get3A_1633] {strides = array<i32>} : memref<8x16xf32, #tpu.memory_space<vmem>>, vector<1x16xf32>,
      %get3A_1635 = vector.shape_cast %get3A_1634 : vector<1x16xf32> to vector<16xf32>
      %eq3A_1636 = arith.constant 0 : i32
      %eq3A_1637 = vector.broadcast %eq3A_1636 : i32 to vector<16xi32>
      %eq3A_1638 = arith.cmpi eq, %iota3A, %eq3A_1637 : vector<16xi32>
      %select_n3A_1639 = arith.select %eq3A_1638, %get3A_1635, %broadcast_in_dim3A_10 : vector<16xi1>, vector<16xf32>
      %swap3A_1640 = arith.constant 32 : i32
      %swap3A_1641 = arith.index_cast %swap3A_1640 : i32 to index
      %swap3A_1642 = arith.constant 0 : index
      %swap3A_1643 = tpu.vector_load %arg9[%swap3A_1641, %swap3A_1642] {strides = array<i32>} : memref<128x128xf32, #tpu.memory_space<vmem>>, vector<1x16xf32>,
      %swap3A_1644 = vector.shape_cast %swap3A_1643 : vector<1x16xf32> to vector<16xf32>
      %swap3A_1645 = vector.shape_cast %select_n3A_1639 : vector<16xf32> to vector<1x16xf32>
      tpu.vector_store %arg9[%swap3A_1641, %swap3A_1642], %swap3A_1645 {strides = array<i32>} : memref<128x128xf32, #tpu.memory_space<vmem>>, vector<1x16xf32>,
      %eq3A_1646 = arith.constant 1 : i32
      %eq3A_1647 = vector.broadcast %eq3A_1646 : i32 to vector<16xi32>
      %eq3A_1648 = arith.cmpi eq, %iota3A, %eq3A_1647 : vector<16xi32>
      %select_n3A_1649 = arith.select %eq3A_1648, %get3A_1635, %broadcast_in_dim3A_10 : vector<16xi1>, vector<16xf32>
      %swap3A_1650 = arith.constant 33 : i32
      %swap3A_1651 = arith.index_cast %swap3A_1650 : i32 to index
      %swap3A_1652 = arith.constant 0 : index
      %swap3A_1653 = tpu.vector_load %arg9[%swap3A_1651, %swap3A_1652] {strides = array<i32>} : memref<128x128xf32, #tpu.memory_space<vmem>>, vector<1x16xf32>,
      %swap3A_1654 = vector.shape_cast %swap3A_1653 : vector<1x16xf32> to vector<16xf32>
      %swap3A_1655 = vector.shape_cast %select_n3A_1649 : vector<16xf32> to vector<1x16xf32>
      tpu.vector_store %arg9[%swap3A_1651, %swap3A_1652], %swap3A_1655 {strides = array<i32>} : memref<128x128xf32, #tpu.memory_space<vmem>>, vector<1x16xf32>,
      %eq3A_1656 = arith.constant 2 : i32
      %eq3A_1657 = vector.broadcast %eq3A_1656 : i32 to vector<16xi32>
      %eq3A_1658 = arith.cmpi eq, %iota3A, %eq3A_1657 : vector<16xi32>
      %select_n3A_1659 = arith.select %eq3A_1658, %get3A_1635, %broadcast_in_dim3A_10 : vector<16xi1>, vector<16xf32>
      %swap3A_1660 = arith.constant 34 : i32
      %swap3A_1661 = arith.index_cast %swap3A_1660 : i32 to index
      %swap3A_1662 = arith.constant 0 : index
      %swap3A_1663 = tpu.vector_load %arg9[%swap3A_1661, %swap3A_1662] {strides = array<i32>} : memref<128x128xf32, #tpu.memory_space<vmem>>, vector<1x16xf32>,
      %swap3A_1664 = vector.shape_cast %swap3A_1663 : vector<1x16xf32> to vector<16xf32>
      %swap3A_1665 = vector.shape_cast %select_n3A_1659 : vector<16xf32> to vector<1x16xf32>
      tpu.vector_store %arg9[%swap3A_1661, %swap3A_1662], %swap3A_1665 {strides = array<i32>} : memref<128x128xf32, #tpu.memory_space<vmem>>, vector<1x16xf32>,
      %eq3A_1666 = arith.constant 3 : i32
      %eq3A_1667 = vector.broadcast %eq3A_1666 : i32 to vector<16xi32>
      %eq3A_1668 = arith.cmpi eq, %iota3A, %eq3A_1667 : vector<16xi32>
      %select_n3A_1669 = arith.select %eq3A_1668, %get3A_1635, %broadcast_in_dim3A_10 : vector<16xi1>, vector<16xf32>
      %swap3A_1670 = arith.constant 35 : i32
      %swap3A_1671 = arith.index_cast %swap3A_1670 : i32 to index
      %swap3A_1672 = arith.constant 0 : index
      %swap3A_1673 = tpu.vector_load %arg9[%swap3A_1671, %swap3A_1672] {strides = array<i32>} : memref<128x128xf32, #tpu.memory_space<vmem>>, vector<1x16xf32>,
      %swap3A_1674 = vector.shape_cast %swap3A_1673 : vector<1x16xf32> to vector<16xf32>
      %swap3A_1675 = vector.shape_cast %select_n3A_1669 : vector<16xf32> to vector<1x16xf32>
      tpu.vector_store %arg9[%swap3A_1671, %swap3A_1672], %swap3A_1675 {strides = array<i32>} : memref<128x128xf32, #tpu.memory_space<vmem>>, vector<1x16xf32>,
      %eq3A_1676 = arith.constant 4 : i32
      %eq3A_1677 = vector.broadcast %eq3A_1676 : i32 to vector<16xi32>
      %eq3A_1678 = arith.cmpi eq, %iota3A, %eq3A_1677 : vector<16xi32>
      %select_n3A_1679 = arith.select %eq3A_1678, %get3A_1635, %broadcast_in_dim3A_10 : vector<16xi1>, vector<16xf32>
      %swap3A_1680 = arith.constant 36 : i32
      %swap3A_1681 = arith.index_cast %swap3A_1680 : i32 to index
      %swap3A_1682 = arith.constant 0 : index
      %swap3A_1683 = tpu.vector_load %arg9[%swap3A_1681, %swap3A_1682] {strides = array<i32>} : memref<128x128xf32, #tpu.memory_space<vmem>>, vector<1x16xf32>,
      %swap3A_1684 = vector.shape_cast %swap3A_1683 : vector<1x16xf32> to vector<16xf32>
      %swap3A_1685 = vector.shape_cast %select_n3A_1679 : vector<16xf32> to vector<1x16xf32>
      tpu.vector_store %arg9[%swap3A_1681, %swap3A_1682], %swap3A_1685 {strides = array<i32>} : memref<128x128xf32, #tpu.memory_space<vmem>>, vector<1x16xf32>,
      %eq3A_1686 = arith.constant 5 : i32
      %eq3A_1687 = vector.broadcast %eq3A_1686 : i32 to vector<16xi32>
      %eq3A_1688 = arith.cmpi eq, %iota3A, %eq3A_1687 : vector<16xi32>
      %select_n3A_1689 = arith.select %eq3A_1688, %get3A_1635, %broadcast_in_dim3A_10 : vector<16xi1>, vector<16xf32>
      %swap3A_1690 = arith.constant 37 : i32
      %swap3A_1691 = arith.index_cast %swap3A_1690 : i32 to index
      %swap3A_1692 = arith.constant 0 : index
      %swap3A_1693 = tpu.vector_load %arg9[%swap3A_1691, %swap3A_1692] {strides = array<i32>} : memref<128x128xf32, #tpu.memory_space<vmem>>, vector<1x16xf32>,
      %swap3A_1694 = vector.shape_cast %swap3A_1693 : vector<1x16xf32> to vector<16xf32>
      %swap3A_1695 = vector.shape_cast %select_n3A_1689 : vector<16xf32> to vector<1x16xf32>
      tpu.vector_store %arg9[%swap3A_1691, %swap3A_1692], %swap3A_1695 {strides = array<i32>} : memref<128x128xf32, #tpu.memory_space<vmem>>, vector<1x16xf32>,
      %eq3A_1696 = arith.constant 6 : i32
      %eq3A_1697 = vector.broadcast %eq3A_1696 : i32 to vector<16xi32>
      %eq3A_1698 = arith.cmpi eq, %iota3A, %eq3A_1697 : vector<16xi32>
      %select_n3A_1699 = arith.select %eq3A_1698, %get3A_1635, %broadcast_in_dim3A_10 : vector<16xi1>, vector<16xf32>
      %swap3A_1700 = arith.constant 38 : i32
      %swap3A_1701 = arith.index_cast %swap3A_1700 : i32 to index
      %swap3A_1702 = arith.constant 0 : index
      %swap3A_1703 = tpu.vector_load %arg9[%swap3A_1701, %swap3A_1702] {strides = array<i32>} : memref<128x128xf32, #tpu.memory_space<vmem>>, vector<1x16xf32>,
      %swap3A_1704 = vector.shape_cast %swap3A_1703 : vector<1x16xf32> to vector<16xf32>
      %swap3A_1705 = vector.shape_cast %select_n3A_1699 : vector<16xf32> to vector<1x16xf32>
      tpu.vector_store %arg9[%swap3A_1701, %swap3A_1702], %swap3A_1705 {strides = array<i32>} : memref<128x128xf32, #tpu.memory_space<vmem>>, vector<1x16xf32>,
      %eq3A_1706 = arith.constant 7 : i32
      %eq3A_1707 = vector.broadcast %eq3A_1706 : i32 to vector<16xi32>
      %eq3A_1708 = arith.cmpi eq, %iota3A, %eq3A_1707 : vector<16xi32>
      %select_n3A_1709 = arith.select %eq3A_1708, %get3A_1635, %broadcast_in_dim3A_10 : vector<16xi1>, vector<16xf32>
      %swap3A_1710 = arith.constant 39 : i32
      %swap3A_1711 = arith.index_cast %swap3A_1710 : i32 to index
      %swap3A_1712 = arith.constant 0 : index
      %swap3A_1713 = tpu.vector_load %arg9[%swap3A_1711, %swap3A_1712] {strides = array<i32>} : memref<128x128xf32, #tpu.memory_space<vmem>>, vector<1x16xf32>,
      %swap3A_1714 = vector.shape_cast %swap3A_1713 : vector<1x16xf32> to vector<16xf32>
      %swap3A_1715 = vector.shape_cast %select_n3A_1709 : vector<16xf32> to vector<1x16xf32>
      tpu.vector_store %arg9[%swap3A_1711, %swap3A_1712], %swap3A_1715 {strides = array<i32>} : memref<128x128xf32, #tpu.memory_space<vmem>>, vector<1x16xf32>,
      %eq3A_1716 = arith.constant 8 : i32
      %eq3A_1717 = vector.broadcast %eq3A_1716 : i32 to vector<16xi32>
      %eq3A_1718 = arith.cmpi eq, %iota3A, %eq3A_1717 : vector<16xi32>
      %select_n3A_1719 = arith.select %eq3A_1718, %get3A_1635, %broadcast_in_dim3A_10 : vector<16xi1>, vector<16xf32>
      %swap3A_1720 = arith.constant 40 : i32
      %swap3A_1721 = arith.index_cast %swap3A_1720 : i32 to index
      %swap3A_1722 = arith.constant 0 : index
      %swap3A_1723 = tpu.vector_load %arg9[%swap3A_1721, %swap3A_1722] {strides = array<i32>} : memref<128x128xf32, #tpu.memory_space<vmem>>, vector<1x16xf32>,
      %swap3A_1724 = vector.shape_cast %swap3A_1723 : vector<1x16xf32> to vector<16xf32>
      %swap3A_1725 = vector.shape_cast %select_n3A_1719 : vector<16xf32> to vector<1x16xf32>
      tpu.vector_store %arg9[%swap3A_1721, %swap3A_1722], %swap3A_1725 {strides = array<i32>} : memref<128x128xf32, #tpu.memory_space<vmem>>, vector<1x16xf32>,
      %eq3A_1726 = arith.constant 9 : i32
      %eq3A_1727 = vector.broadcast %eq3A_1726 : i32 to vector<16xi32>
      %eq3A_1728 = arith.cmpi eq, %iota3A, %eq3A_1727 : vector<16xi32>
      %select_n3A_1729 = arith.select %eq3A_1728, %get3A_1635, %broadcast_in_dim3A_10 : vector<16xi1>, vector<16xf32>
      %swap3A_1730 = arith.constant 41 : i32
      %swap3A_1731 = arith.index_cast %swap3A_1730 : i32 to index
      %swap3A_1732 = arith.constant 0 : index
      %swap3A_1733 = tpu.vector_load %arg9[%swap3A_1731, %swap3A_1732] {strides = array<i32>} : memref<128x128xf32, #tpu.memory_space<vmem>>, vector<1x16xf32>,
      %swap3A_1734 = vector.shape_cast %swap3A_1733 : vector<1x16xf32> to vector<16xf32>
      %swap3A_1735 = vector.shape_cast %select_n3A_1729 : vector<16xf32> to vector<1x16xf32>
      tpu.vector_store %arg9[%swap3A_1731, %swap3A_1732], %swap3A_1735 {strides = array<i32>} : memref<128x128xf32, #tpu.memory_space<vmem>>, vector<1x16xf32>,
      %eq3A_1736 = arith.constant 10 : i32
      %eq3A_1737 = vector.broadcast %eq3A_1736 : i32 to vector<16xi32>
      %eq3A_1738 = arith.cmpi eq, %iota3A, %eq3A_1737 : vector<16xi32>
      %select_n3A_1739 = arith.select %eq3A_1738, %get3A_1635, %broadcast_in_dim3A_10 : vector<16xi1>, vector<16xf32>
      %swap3A_1740 = arith.constant 42 : i32
      %swap3A_1741 = arith.index_cast %swap3A_1740 : i32 to index
      %swap3A_1742 = arith.constant 0 : index
      %swap3A_1743 = tpu.vector_load %arg9[%swap3A_1741, %swap3A_1742] {strides = array<i32>} : memref<128x128xf32, #tpu.memory_space<vmem>>, vector<1x16xf32>,
      %swap3A_1744 = vector.shape_cast %swap3A_1743 : vector<1x16xf32> to vector<16xf32>
      %swap3A_1745 = vector.shape_cast %select_n3A_1739 : vector<16xf32> to vector<1x16xf32>
      tpu.vector_store %arg9[%swap3A_1741, %swap3A_1742], %swap3A_1745 {strides = array<i32>} : memref<128x128xf32, #tpu.memory_space<vmem>>, vector<1x16xf32>,
      %eq3A_1746 = arith.constant 11 : i32
      %eq3A_1747 = vector.broadcast %eq3A_1746 : i32 to vector<16xi32>
      %eq3A_1748 = arith.cmpi eq, %iota3A, %eq3A_1747 : vector<16xi32>
      %select_n3A_1749 = arith.select %eq3A_1748, %get3A_1635, %broadcast_in_dim3A_10 : vector<16xi1>, vector<16xf32>
      %swap3A_1750 = arith.constant 43 : i32
      %swap3A_1751 = arith.index_cast %swap3A_1750 : i32 to index
      %swap3A_1752 = arith.constant 0 : index
      %swap3A_1753 = tpu.vector_load %arg9[%swap3A_1751, %swap3A_1752] {strides = array<i32>} : memref<128x128xf32, #tpu.memory_space<vmem>>, vector<1x16xf32>,
      %swap3A_1754 = vector.shape_cast %swap3A_1753 : vector<1x16xf32> to vector<16xf32>
      %swap3A_1755 = vector.shape_cast %select_n3A_1749 : vector<16xf32> to vector<1x16xf32>
      tpu.vector_store %arg9[%swap3A_1751, %swap3A_1752], %swap3A_1755 {strides = array<i32>} : memref<128x128xf32, #tpu.memory_space<vmem>>, vector<1x16xf32>,
      %eq3A_1756 = arith.constant 12 : i32
      %eq3A_1757 = vector.broadcast %eq3A_1756 : i32 to vector<16xi32>
      %eq3A_1758 = arith.cmpi eq, %iota3A, %eq3A_1757 : vector<16xi32>
      %select_n3A_1759 = arith.select %eq3A_1758, %get3A_1635, %broadcast_in_dim3A_10 : vector<16xi1>, vector<16xf32>
      %swap3A_1760 = arith.constant 44 : i32
      %swap3A_1761 = arith.index_cast %swap3A_1760 : i32 to index
      %swap3A_1762 = arith.constant 0 : index
      %swap3A_1763 = tpu.vector_load %arg9[%swap3A_1761, %swap3A_1762] {strides = array<i32>} : memref<128x128xf32, #tpu.memory_space<vmem>>, vector<1x16xf32>,
      %swap3A_1764 = vector.shape_cast %swap3A_1763 : vector<1x16xf32> to vector<16xf32>
      %swap3A_1765 = vector.shape_cast %select_n3A_1759 : vector<16xf32> to vector<1x16xf32>
      tpu.vector_store %arg9[%swap3A_1761, %swap3A_1762], %swap3A_1765 {strides = array<i32>} : memref<128x128xf32, #tpu.memory_space<vmem>>, vector<1x16xf32>,
      %eq3A_1766 = arith.constant 13 : i32
      %eq3A_1767 = vector.broadcast %eq3A_1766 : i32 to vector<16xi32>
      %eq3A_1768 = arith.cmpi eq, %iota3A, %eq3A_1767 : vector<16xi32>
      %select_n3A_1769 = arith.select %eq3A_1768, %get3A_1635, %broadcast_in_dim3A_10 : vector<16xi1>, vector<16xf32>
      %swap3A_1770 = arith.constant 45 : i32
      %swap3A_1771 = arith.index_cast %swap3A_1770 : i32 to index
      %swap3A_1772 = arith.constant 0 : index
      %swap3A_1773 = tpu.vector_load %arg9[%swap3A_1771, %swap3A_1772] {strides = array<i32>} : memref<128x128xf32, #tpu.memory_space<vmem>>, vector<1x16xf32>,
      %swap3A_1774 = vector.shape_cast %swap3A_1773 : vector<1x16xf32> to vector<16xf32>
      %swap3A_1775 = vector.shape_cast %select_n3A_1769 : vector<16xf32> to vector<1x16xf32>
      tpu.vector_store %arg9[%swap3A_1771, %swap3A_1772], %swap3A_1775 {strides = array<i32>} : memref<128x128xf32, #tpu.memory_space<vmem>>, vector<1x16xf32>,
      %eq3A_1776 = arith.constant 14 : i32
      %eq3A_1777 = vector.broadcast %eq3A_1776 : i32 to vector<16xi32>
      %eq3A_1778 = arith.cmpi eq, %iota3A, %eq3A_1777 : vector<16xi32>
      %select_n3A_1779 = arith.select %eq3A_1778, %get3A_1635, %broadcast_in_dim3A_10 : vector<16xi1>, vector<16xf32>
      %swap3A_1780 = arith.constant 46 : i32
      %swap3A_1781 = arith.index_cast %swap3A_1780 : i32 to index
      %swap3A_1782 = arith.constant 0 : index
      %swap3A_1783 = tpu.vector_load %arg9[%swap3A_1781, %swap3A_1782] {strides = array<i32>} : memref<128x128xf32, #tpu.memory_space<vmem>>, vector<1x16xf32>,
      %swap3A_1784 = vector.shape_cast %swap3A_1783 : vector<1x16xf32> to vector<16xf32>
      %swap3A_1785 = vector.shape_cast %select_n3A_1779 : vector<16xf32> to vector<1x16xf32>
      tpu.vector_store %arg9[%swap3A_1781, %swap3A_1782], %swap3A_1785 {strides = array<i32>} : memref<128x128xf32, #tpu.memory_space<vmem>>, vector<1x16xf32>,
      %eq3A_1786 = arith.constant 15 : i32
      %eq3A_1787 = vector.broadcast %eq3A_1786 : i32 to vector<16xi32>
      %eq3A_1788 = arith.cmpi eq, %iota3A, %eq3A_1787 : vector<16xi32>
      %select_n3A_1789 = arith.select %eq3A_1788, %get3A_1635, %broadcast_in_dim3A_10 : vector<16xi1>, vector<16xf32>
      %swap3A_1790 = arith.constant 47 : i32
      %swap3A_1791 = arith.index_cast %swap3A_1790 : i32 to index
      %swap3A_1792 = arith.constant 0 : index
      %swap3A_1793 = tpu.vector_load %arg9[%swap3A_1791, %swap3A_1792] {strides = array<i32>} : memref<128x128xf32, #tpu.memory_space<vmem>>, vector<1x16xf32>,
      %swap3A_1794 = vector.shape_cast %swap3A_1793 : vector<1x16xf32> to vector<16xf32>
      %swap3A_1795 = vector.shape_cast %select_n3A_1789 : vector<16xf32> to vector<1x16xf32>
      tpu.vector_store %arg9[%swap3A_1791, %swap3A_1792], %swap3A_1795 {strides = array<i32>} : memref<128x128xf32, #tpu.memory_space<vmem>>, vector<1x16xf32>,
      %get3A_1796 = arith.constant 3 : i32
      %get3A_1797 = arith.index_cast %get3A_1796 : i32 to index
      %get3A_1798 = arith.constant 0 : index
      %get3A_1799 = tpu.vector_load %arg8[%get3A_1797, %get3A_1798] {strides = array<i32>} : memref<8x16xf32, #tpu.memory_space<vmem>>, vector<1x16xf32>,
      %get3A_1800 = vector.shape_cast %get3A_1799 : vector<1x16xf32> to vector<16xf32>
      %eq3A_1801 = arith.constant 0 : i32
      %eq3A_1802 = vector.broadcast %eq3A_1801 : i32 to vector<16xi32>
      %eq3A_1803 = arith.cmpi eq, %iota3A, %eq3A_1802 : vector<16xi32>
      %select_n3A_1804 = arith.select %eq3A_1803, %get3A_1800, %broadcast_in_dim3A_10 : vector<16xi1>, vector<16xf32>
      %swap3A_1805 = arith.constant 48 : i32
      %swap3A_1806 = arith.index_cast %swap3A_1805 : i32 to index
      %swap3A_1807 = arith.constant 0 : index
      %swap3A_1808 = tpu.vector_load %arg9[%swap3A_1806, %swap3A_1807] {strides = array<i32>} : memref<128x128xf32, #tpu.memory_space<vmem>>, vector<1x16xf32>,
      %swap3A_1809 = vector.shape_cast %swap3A_1808 : vector<1x16xf32> to vector<16xf32>
      %swap3A_1810 = vector.shape_cast %select_n3A_1804 : vector<16xf32> to vector<1x16xf32>
      tpu.vector_store %arg9[%swap3A_1806, %swap3A_1807], %swap3A_1810 {strides = array<i32>} : memref<128x128xf32, #tpu.memory_space<vmem>>, vector<1x16xf32>,
      %eq3A_1811 = arith.constant 1 : i32
      %eq3A_1812 = vector.broadcast %eq3A_1811 : i32 to vector<16xi32>
      %eq3A_1813 = arith.cmpi eq, %iota3A, %eq3A_1812 : vector<16xi32>
      %select_n3A_1814 = arith.select %eq3A_1813, %get3A_1800, %broadcast_in_dim3A_10 : vector<16xi1>, vector<16xf32>
      %swap3A_1815 = arith.constant 49 : i32
      %swap3A_1816 = arith.index_cast %swap3A_1815 : i32 to index
      %swap3A_1817 = arith.constant 0 : index
      %swap3A_1818 = tpu.vector_load %arg9[%swap3A_1816, %swap3A_1817] {strides = array<i32>} : memref<128x128xf32, #tpu.memory_space<vmem>>, vector<1x16xf32>,
      %swap3A_1819 = vector.shape_cast %swap3A_1818 : vector<1x16xf32> to vector<16xf32>
      %swap3A_1820 = vector.shape_cast %select_n3A_1814 : vector<16xf32> to vector<1x16xf32>
      tpu.vector_store %arg9[%swap3A_1816, %swap3A_1817], %swap3A_1820 {strides = array<i32>} : memref<128x128xf32, #tpu.memory_space<vmem>>, vector<1x16xf32>,
      %eq3A_1821 = arith.constant 2 : i32
      %eq3A_1822 = vector.broadcast %eq3A_1821 : i32 to vector<16xi32>
      %eq3A_1823 = arith.cmpi eq, %iota3A, %eq3A_1822 : vector<16xi32>
      %select_n3A_1824 = arith.select %eq3A_1823, %get3A_1800, %broadcast_in_dim3A_10 : vector<16xi1>, vector<16xf32>
      %swap3A_1825 = arith.constant 50 : i32
      %swap3A_1826 = arith.index_cast %swap3A_1825 : i32 to index
      %swap3A_1827 = arith.constant 0 : index
      %swap3A_1828 = tpu.vector_load %arg9[%swap3A_1826, %swap3A_1827] {strides = array<i32>} : memref<128x128xf32, #tpu.memory_space<vmem>>, vector<1x16xf32>,
      %swap3A_1829 = vector.shape_cast %swap3A_1828 : vector<1x16xf32> to vector<16xf32>
      %swap3A_1830 = vector.shape_cast %select_n3A_1824 : vector<16xf32> to vector<1x16xf32>
      tpu.vector_store %arg9[%swap3A_1826, %swap3A_1827], %swap3A_1830 {strides = array<i32>} : memref<128x128xf32, #tpu.memory_space<vmem>>, vector<1x16xf32>,
      %eq3A_1831 = arith.constant 3 : i32
      %eq3A_1832 = vector.broadcast %eq3A_1831 : i32 to vector<16xi32>
      %eq3A_1833 = arith.cmpi eq, %iota3A, %eq3A_1832 : vector<16xi32>
      %select_n3A_1834 = arith.select %eq3A_1833, %get3A_1800, %broadcast_in_dim3A_10 : vector<16xi1>, vector<16xf32>
      %swap3A_1835 = arith.constant 51 : i32
      %swap3A_1836 = arith.index_cast %swap3A_1835 : i32 to index
      %swap3A_1837 = arith.constant 0 : index
      %swap3A_1838 = tpu.vector_load %arg9[%swap3A_1836, %swap3A_1837] {strides = array<i32>} : memref<128x128xf32, #tpu.memory_space<vmem>>, vector<1x16xf32>,
      %swap3A_1839 = vector.shape_cast %swap3A_1838 : vector<1x16xf32> to vector<16xf32>
      %swap3A_1840 = vector.shape_cast %select_n3A_1834 : vector<16xf32> to vector<1x16xf32>
      tpu.vector_store %arg9[%swap3A_1836, %swap3A_1837], %swap3A_1840 {strides = array<i32>} : memref<128x128xf32, #tpu.memory_space<vmem>>, vector<1x16xf32>,
      %eq3A_1841 = arith.constant 4 : i32
      %eq3A_1842 = vector.broadcast %eq3A_1841 : i32 to vector<16xi32>
      %eq3A_1843 = arith.cmpi eq, %iota3A, %eq3A_1842 : vector<16xi32>
      %select_n3A_1844 = arith.select %eq3A_1843, %get3A_1800, %broadcast_in_dim3A_10 : vector<16xi1>, vector<16xf32>
      %swap3A_1845 = arith.constant 52 : i32
      %swap3A_1846 = arith.index_cast %swap3A_1845 : i32 to index
      %swap3A_1847 = arith.constant 0 : index
      %swap3A_1848 = tpu.vector_load %arg9[%swap3A_1846, %swap3A_1847] {strides = array<i32>} : memref<128x128xf32, #tpu.memory_space<vmem>>, vector<1x16xf32>,
      %swap3A_1849 = vector.shape_cast %swap3A_1848 : vector<1x16xf32> to vector<16xf32>
      %swap3A_1850 = vector.shape_cast %select_n3A_1844 : vector<16xf32> to vector<1x16xf32>
      tpu.vector_store %arg9[%swap3A_1846, %swap3A_1847], %swap3A_1850 {strides = array<i32>} : memref<128x128xf32, #tpu.memory_space<vmem>>, vector<1x16xf32>,
      %eq3A_1851 = arith.constant 5 : i32
      %eq3A_1852 = vector.broadcast %eq3A_1851 : i32 to vector<16xi32>
      %eq3A_1853 = arith.cmpi eq, %iota3A, %eq3A_1852 : vector<16xi32>
      %select_n3A_1854 = arith.select %eq3A_1853, %get3A_1800, %broadcast_in_dim3A_10 : vector<16xi1>, vector<16xf32>
      %swap3A_1855 = arith.constant 53 : i32
      %swap3A_1856 = arith.index_cast %swap3A_1855 : i32 to index
      %swap3A_1857 = arith.constant 0 : index
      %swap3A_1858 = tpu.vector_load %arg9[%swap3A_1856, %swap3A_1857] {strides = array<i32>} : memref<128x128xf32, #tpu.memory_space<vmem>>, vector<1x16xf32>,
      %swap3A_1859 = vector.shape_cast %swap3A_1858 : vector<1x16xf32> to vector<16xf32>
      %swap3A_1860 = vector.shape_cast %select_n3A_1854 : vector<16xf32> to vector<1x16xf32>
      tpu.vector_store %arg9[%swap3A_1856, %swap3A_1857], %swap3A_1860 {strides = array<i32>} : memref<128x128xf32, #tpu.memory_space<vmem>>, vector<1x16xf32>,
      %eq3A_1861 = arith.constant 6 : i32
      %eq3A_1862 = vector.broadcast %eq3A_1861 : i32 to vector<16xi32>
      %eq3A_1863 = arith.cmpi eq, %iota3A, %eq3A_1862 : vector<16xi32>
      %select_n3A_1864 = arith.select %eq3A_1863, %get3A_1800, %broadcast_in_dim3A_10 : vector<16xi1>, vector<16xf32>
      %swap3A_1865 = arith.constant 54 : i32
      %swap3A_1866 = arith.index_cast %swap3A_1865 : i32 to index
      %swap3A_1867 = arith.constant 0 : index
      %swap3A_1868 = tpu.vector_load %arg9[%swap3A_1866, %swap3A_1867] {strides = array<i32>} : memref<128x128xf32, #tpu.memory_space<vmem>>, vector<1x16xf32>,
      %swap3A_1869 = vector.shape_cast %swap3A_1868 : vector<1x16xf32> to vector<16xf32>
      %swap3A_1870 = vector.shape_cast %select_n3A_1864 : vector<16xf32> to vector<1x16xf32>
      tpu.vector_store %arg9[%swap3A_1866, %swap3A_1867], %swap3A_1870 {strides = array<i32>} : memref<128x128xf32, #tpu.memory_space<vmem>>, vector<1x16xf32>,
      %eq3A_1871 = arith.constant 7 : i32
      %eq3A_1872 = vector.broadcast %eq3A_1871 : i32 to vector<16xi32>
      %eq3A_1873 = arith.cmpi eq, %iota3A, %eq3A_1872 : vector<16xi32>
      %select_n3A_1874 = arith.select %eq3A_1873, %get3A_1800, %broadcast_in_dim3A_10 : vector<16xi1>, vector<16xf32>
      %swap3A_1875 = arith.constant 55 : i32
      %swap3A_1876 = arith.index_cast %swap3A_1875 : i32 to index
      %swap3A_1877 = arith.constant 0 : index
      %swap3A_1878 = tpu.vector_load %arg9[%swap3A_1876, %swap3A_1877] {strides = array<i32>} : memref<128x128xf32, #tpu.memory_space<vmem>>, vector<1x16xf32>,
      %swap3A_1879 = vector.shape_cast %swap3A_1878 : vector<1x16xf32> to vector<16xf32>
      %swap3A_1880 = vector.shape_cast %select_n3A_1874 : vector<16xf32> to vector<1x16xf32>
      tpu.vector_store %arg9[%swap3A_1876, %swap3A_1877], %swap3A_1880 {strides = array<i32>} : memref<128x128xf32, #tpu.memory_space<vmem>>, vector<1x16xf32>,
      %eq3A_1881 = arith.constant 8 : i32
      %eq3A_1882 = vector.broadcast %eq3A_1881 : i32 to vector<16xi32>
      %eq3A_1883 = arith.cmpi eq, %iota3A, %eq3A_1882 : vector<16xi32>
      %select_n3A_1884 = arith.select %eq3A_1883, %get3A_1800, %broadcast_in_dim3A_10 : vector<16xi1>, vector<16xf32>
      %swap3A_1885 = arith.constant 56 : i32
      %swap3A_1886 = arith.index_cast %swap3A_1885 : i32 to index
      %swap3A_1887 = arith.constant 0 : index
      %swap3A_1888 = tpu.vector_load %arg9[%swap3A_1886, %swap3A_1887] {strides = array<i32>} : memref<128x128xf32, #tpu.memory_space<vmem>>, vector<1x16xf32>,
      %swap3A_1889 = vector.shape_cast %swap3A_1888 : vector<1x16xf32> to vector<16xf32>
      %swap3A_1890 = vector.shape_cast %select_n3A_1884 : vector<16xf32> to vector<1x16xf32>
      tpu.vector_store %arg9[%swap3A_1886, %swap3A_1887], %swap3A_1890 {strides = array<i32>} : memref<128x128xf32, #tpu.memory_space<vmem>>, vector<1x16xf32>,
      %eq3A_1891 = arith.constant 9 : i32
      %eq3A_1892 = vector.broadcast %eq3A_1891 : i32 to vector<16xi32>
      %eq3A_1893 = arith.cmpi eq, %iota3A, %eq3A_1892 : vector<16xi32>
      %select_n3A_1894 = arith.select %eq3A_1893, %get3A_1800, %broadcast_in_dim3A_10 : vector<16xi1>, vector<16xf32>
      %swap3A_1895 = arith.constant 57 : i32
      %swap3A_1896 = arith.index_cast %swap3A_1895 : i32 to index
      %swap3A_1897 = arith.constant 0 : index
      %swap3A_1898 = tpu.vector_load %arg9[%swap3A_1896, %swap3A_1897] {strides = array<i32>} : memref<128x128xf32, #tpu.memory_space<vmem>>, vector<1x16xf32>,
      %swap3A_1899 = vector.shape_cast %swap3A_1898 : vector<1x16xf32> to vector<16xf32>
      %swap3A_1900 = vector.shape_cast %select_n3A_1894 : vector<16xf32> to vector<1x16xf32>
      tpu.vector_store %arg9[%swap3A_1896, %swap3A_1897], %swap3A_1900 {strides = array<i32>} : memref<128x128xf32, #tpu.memory_space<vmem>>, vector<1x16xf32>,
      %eq3A_1901 = arith.constant 10 : i32
      %eq3A_1902 = vector.broadcast %eq3A_1901 : i32 to vector<16xi32>
      %eq3A_1903 = arith.cmpi eq, %iota3A, %eq3A_1902 : vector<16xi32>
      %select_n3A_1904 = arith.select %eq3A_1903, %get3A_1800, %broadcast_in_dim3A_10 : vector<16xi1>, vector<16xf32>
      %swap3A_1905 = arith.constant 58 : i32
      %swap3A_1906 = arith.index_cast %swap3A_1905 : i32 to index
      %swap3A_1907 = arith.constant 0 : index
      %swap3A_1908 = tpu.vector_load %arg9[%swap3A_1906, %swap3A_1907] {strides = array<i32>} : memref<128x128xf32, #tpu.memory_space<vmem>>, vector<1x16xf32>,
      %swap3A_1909 = vector.shape_cast %swap3A_1908 : vector<1x16xf32> to vector<16xf32>
      %swap3A_1910 = vector.shape_cast %select_n3A_1904 : vector<16xf32> to vector<1x16xf32>
      tpu.vector_store %arg9[%swap3A_1906, %swap3A_1907], %swap3A_1910 {strides = array<i32>} : memref<128x128xf32, #tpu.memory_space<vmem>>, vector<1x16xf32>,
      %eq3A_1911 = arith.constant 11 : i32
      %eq3A_1912 = vector.broadcast %eq3A_1911 : i32 to vector<16xi32>
      %eq3A_1913 = arith.cmpi eq, %iota3A, %eq3A_1912 : vector<16xi32>
      %select_n3A_1914 = arith.select %eq3A_1913, %get3A_1800, %broadcast_in_dim3A_10 : vector<16xi1>, vector<16xf32>
      %swap3A_1915 = arith.constant 59 : i32
      %swap3A_1916 = arith.index_cast %swap3A_1915 : i32 to index
      %swap3A_1917 = arith.constant 0 : index
      %swap3A_1918 = tpu.vector_load %arg9[%swap3A_1916, %swap3A_1917] {strides = array<i32>} : memref<128x128xf32, #tpu.memory_space<vmem>>, vector<1x16xf32>,
      %swap3A_1919 = vector.shape_cast %swap3A_1918 : vector<1x16xf32> to vector<16xf32>
      %swap3A_1920 = vector.shape_cast %select_n3A_1914 : vector<16xf32> to vector<1x16xf32>
      tpu.vector_store %arg9[%swap3A_1916, %swap3A_1917], %swap3A_1920 {strides = array<i32>} : memref<128x128xf32, #tpu.memory_space<vmem>>, vector<1x16xf32>,
      %eq3A_1921 = arith.constant 12 : i32
      %eq3A_1922 = vector.broadcast %eq3A_1921 : i32 to vector<16xi32>
      %eq3A_1923 = arith.cmpi eq, %iota3A, %eq3A_1922 : vector<16xi32>
      %select_n3A_1924 = arith.select %eq3A_1923, %get3A_1800, %broadcast_in_dim3A_10 : vector<16xi1>, vector<16xf32>
      %swap3A_1925 = arith.constant 60 : i32
      %swap3A_1926 = arith.index_cast %swap3A_1925 : i32 to index
      %swap3A_1927 = arith.constant 0 : index
      %swap3A_1928 = tpu.vector_load %arg9[%swap3A_1926, %swap3A_1927] {strides = array<i32>} : memref<128x128xf32, #tpu.memory_space<vmem>>, vector<1x16xf32>,
      %swap3A_1929 = vector.shape_cast %swap3A_1928 : vector<1x16xf32> to vector<16xf32>
      %swap3A_1930 = vector.shape_cast %select_n3A_1924 : vector<16xf32> to vector<1x16xf32>
      tpu.vector_store %arg9[%swap3A_1926, %swap3A_1927], %swap3A_1930 {strides = array<i32>} : memref<128x128xf32, #tpu.memory_space<vmem>>, vector<1x16xf32>,
      %eq3A_1931 = arith.constant 13 : i32
      %eq3A_1932 = vector.broadcast %eq3A_1931 : i32 to vector<16xi32>
      %eq3A_1933 = arith.cmpi eq, %iota3A, %eq3A_1932 : vector<16xi32>
      %select_n3A_1934 = arith.select %eq3A_1933, %get3A_1800, %broadcast_in_dim3A_10 : vector<16xi1>, vector<16xf32>
      %swap3A_1935 = arith.constant 61 : i32
      %swap3A_1936 = arith.index_cast %swap3A_1935 : i32 to index
      %swap3A_1937 = arith.constant 0 : index
      %swap3A_1938 = tpu.vector_load %arg9[%swap3A_1936, %swap3A_1937] {strides = array<i32>} : memref<128x128xf32, #tpu.memory_space<vmem>>, vector<1x16xf32>,
      %swap3A_1939 = vector.shape_cast %swap3A_1938 : vector<1x16xf32> to vector<16xf32>
      %swap3A_1940 = vector.shape_cast %select_n3A_1934 : vector<16xf32> to vector<1x16xf32>
      tpu.vector_store %arg9[%swap3A_1936, %swap3A_1937], %swap3A_1940 {strides = array<i32>} : memref<128x128xf32, #tpu.memory_space<vmem>>, vector<1x16xf32>,
      %eq3A_1941 = arith.constant 14 : i32
      %eq3A_1942 = vector.broadcast %eq3A_1941 : i32 to vector<16xi32>
      %eq3A_1943 = arith.cmpi eq, %iota3A, %eq3A_1942 : vector<16xi32>
      %select_n3A_1944 = arith.select %eq3A_1943, %get3A_1800, %broadcast_in_dim3A_10 : vector<16xi1>, vector<16xf32>
      %swap3A_1945 = arith.constant 62 : i32
      %swap3A_1946 = arith.index_cast %swap3A_1945 : i32 to index
      %swap3A_1947 = arith.constant 0 : index
      %swap3A_1948 = tpu.vector_load %arg9[%swap3A_1946, %swap3A_1947] {strides = array<i32>} : memref<128x128xf32, #tpu.memory_space<vmem>>, vector<1x16xf32>,
      %swap3A_1949 = vector.shape_cast %swap3A_1948 : vector<1x16xf32> to vector<16xf32>
      %swap3A_1950 = vector.shape_cast %select_n3A_1944 : vector<16xf32> to vector<1x16xf32>
      tpu.vector_store %arg9[%swap3A_1946, %swap3A_1947], %swap3A_1950 {strides = array<i32>} : memref<128x128xf32, #tpu.memory_space<vmem>>, vector<1x16xf32>,
      %eq3A_1951 = arith.constant 15 : i32
      %eq3A_1952 = vector.broadcast %eq3A_1951 : i32 to vector<16xi32>
      %eq3A_1953 = arith.cmpi eq, %iota3A, %eq3A_1952 : vector<16xi32>
      %select_n3A_1954 = arith.select %eq3A_1953, %get3A_1800, %broadcast_in_dim3A_10 : vector<16xi1>, vector<16xf32>
      %swap3A_1955 = arith.constant 63 : i32
      %swap3A_1956 = arith.index_cast %swap3A_1955 : i32 to index
      %swap3A_1957 = arith.constant 0 : index
      %swap3A_1958 = tpu.vector_load %arg9[%swap3A_1956, %swap3A_1957] {strides = array<i32>} : memref<128x128xf32, #tpu.memory_space<vmem>>, vector<1x16xf32>,
      %swap3A_1959 = vector.shape_cast %swap3A_1958 : vector<1x16xf32> to vector<16xf32>
      %swap3A_1960 = vector.shape_cast %select_n3A_1954 : vector<16xf32> to vector<1x16xf32>
      tpu.vector_store %arg9[%swap3A_1956, %swap3A_1957], %swap3A_1960 {strides = array<i32>} : memref<128x128xf32, #tpu.memory_space<vmem>>, vector<1x16xf32>,
      %get3A_1961 = arith.constant 4 : i32
      %get3A_1962 = arith.index_cast %get3A_1961 : i32 to index
      %get3A_1963 = arith.constant 0 : index
      %get3A_1964 = tpu.vector_load %arg8[%get3A_1962, %get3A_1963] {strides = array<i32>} : memref<8x16xf32, #tpu.memory_space<vmem>>, vector<1x16xf32>,
      %get3A_1965 = vector.shape_cast %get3A_1964 : vector<1x16xf32> to vector<16xf32>
      %eq3A_1966 = arith.constant 0 : i32
      %eq3A_1967 = vector.broadcast %eq3A_1966 : i32 to vector<16xi32>
      %eq3A_1968 = arith.cmpi eq, %iota3A, %eq3A_1967 : vector<16xi32>
      %select_n3A_1969 = arith.select %eq3A_1968, %get3A_1965, %broadcast_in_dim3A_10 : vector<16xi1>, vector<16xf32>
      %swap3A_1970 = arith.constant 64 : i32
      %swap3A_1971 = arith.index_cast %swap3A_1970 : i32 to index
      %swap3A_1972 = arith.constant 0 : index
      %swap3A_1973 = tpu.vector_load %arg9[%swap3A_1971, %swap3A_1972] {strides = array<i32>} : memref<128x128xf32, #tpu.memory_space<vmem>>, vector<1x16xf32>,
      %swap3A_1974 = vector.shape_cast %swap3A_1973 : vector<1x16xf32> to vector<16xf32>
      %swap3A_1975 = vector.shape_cast %select_n3A_1969 : vector<16xf32> to vector<1x16xf32>
      tpu.vector_store %arg9[%swap3A_1971, %swap3A_1972], %swap3A_1975 {strides = array<i32>} : memref<128x128xf32, #tpu.memory_space<vmem>>, vector<1x16xf32>,
      %eq3A_1976 = arith.constant 1 : i32
      %eq3A_1977 = vector.broadcast %eq3A_1976 : i32 to vector<16xi32>
      %eq3A_1978 = arith.cmpi eq, %iota3A, %eq3A_1977 : vector<16xi32>
      %select_n3A_1979 = arith.select %eq3A_1978, %get3A_1965, %broadcast_in_dim3A_10 : vector<16xi1>, vector<16xf32>
      %swap3A_1980 = arith.constant 65 : i32
      %swap3A_1981 = arith.index_cast %swap3A_1980 : i32 to index
      %swap3A_1982 = arith.constant 0 : index
      %swap3A_1983 = tpu.vector_load %arg9[%swap3A_1981, %swap3A_1982] {strides = array<i32>} : memref<128x128xf32, #tpu.memory_space<vmem>>, vector<1x16xf32>,
      %swap3A_1984 = vector.shape_cast %swap3A_1983 : vector<1x16xf32> to vector<16xf32>
      %swap3A_1985 = vector.shape_cast %select_n3A_1979 : vector<16xf32> to vector<1x16xf32>
      tpu.vector_store %arg9[%swap3A_1981, %swap3A_1982], %swap3A_1985 {strides = array<i32>} : memref<128x128xf32, #tpu.memory_space<vmem>>, vector<1x16xf32>,
      %eq3A_1986 = arith.constant 2 : i32
      %eq3A_1987 = vector.broadcast %eq3A_1986 : i32 to vector<16xi32>
      %eq3A_1988 = arith.cmpi eq, %iota3A, %eq3A_1987 : vector<16xi32>
      %select_n3A_1989 = arith.select %eq3A_1988, %get3A_1965, %broadcast_in_dim3A_10 : vector<16xi1>, vector<16xf32>
      %swap3A_1990 = arith.constant 66 : i32
      %swap3A_1991 = arith.index_cast %swap3A_1990 : i32 to index
      %swap3A_1992 = arith.constant 0 : index
      %swap3A_1993 = tpu.vector_load %arg9[%swap3A_1991, %swap3A_1992] {strides = array<i32>} : memref<128x128xf32, #tpu.memory_space<vmem>>, vector<1x16xf32>,
      %swap3A_1994 = vector.shape_cast %swap3A_1993 : vector<1x16xf32> to vector<16xf32>
      %swap3A_1995 = vector.shape_cast %select_n3A_1989 : vector<16xf32> to vector<1x16xf32>
      tpu.vector_store %arg9[%swap3A_1991, %swap3A_1992], %swap3A_1995 {strides = array<i32>} : memref<128x128xf32, #tpu.memory_space<vmem>>, vector<1x16xf32>,
      %eq3A_1996 = arith.constant 3 : i32
      %eq3A_1997 = vector.broadcast %eq3A_1996 : i32 to vector<16xi32>
      %eq3A_1998 = arith.cmpi eq, %iota3A, %eq3A_1997 : vector<16xi32>
      %select_n3A_1999 = arith.select %eq3A_1998, %get3A_1965, %broadcast_in_dim3A_10 : vector<16xi1>, vector<16xf32>
      %swap3A_2000 = arith.constant 67 : i32
      %swap3A_2001 = arith.index_cast %swap3A_2000 : i32 to index
      %swap3A_2002 = arith.constant 0 : index
      %swap3A_2003 = tpu.vector_load %arg9[%swap3A_2001, %swap3A_2002] {strides = array<i32>} : memref<128x128xf32, #tpu.memory_space<vmem>>, vector<1x16xf32>,
      %swap3A_2004 = vector.shape_cast %swap3A_2003 : vector<1x16xf32> to vector<16xf32>
      %swap3A_2005 = vector.shape_cast %select_n3A_1999 : vector<16xf32> to vector<1x16xf32>
      tpu.vector_store %arg9[%swap3A_2001, %swap3A_2002], %swap3A_2005 {strides = array<i32>} : memref<128x128xf32, #tpu.memory_space<vmem>>, vector<1x16xf32>,
      %eq3A_2006 = arith.constant 4 : i32
      %eq3A_2007 = vector.broadcast %eq3A_2006 : i32 to vector<16xi32>
      %eq3A_2008 = arith.cmpi eq, %iota3A, %eq3A_2007 : vector<16xi32>
      %select_n3A_2009 = arith.select %eq3A_2008, %get3A_1965, %broadcast_in_dim3A_10 : vector<16xi1>, vector<16xf32>
      %swap3A_2010 = arith.constant 68 : i32
      %swap3A_2011 = arith.index_cast %swap3A_2010 : i32 to index
      %swap3A_2012 = arith.constant 0 : index
      %swap3A_2013 = tpu.vector_load %arg9[%swap3A_2011, %swap3A_2012] {strides = array<i32>} : memref<128x128xf32, #tpu.memory_space<vmem>>, vector<1x16xf32>,
      %swap3A_2014 = vector.shape_cast %swap3A_2013 : vector<1x16xf32> to vector<16xf32>
      %swap3A_2015 = vector.shape_cast %select_n3A_2009 : vector<16xf32> to vector<1x16xf32>
      tpu.vector_store %arg9[%swap3A_2011, %swap3A_2012], %swap3A_2015 {strides = array<i32>} : memref<128x128xf32, #tpu.memory_space<vmem>>, vector<1x16xf32>,
      %eq3A_2016 = arith.constant 5 : i32
      %eq3A_2017 = vector.broadcast %eq3A_2016 : i32 to vector<16xi32>
      %eq3A_2018 = arith.cmpi eq, %iota3A, %eq3A_2017 : vector<16xi32>
      %select_n3A_2019 = arith.select %eq3A_2018, %get3A_1965, %broadcast_in_dim3A_10 : vector<16xi1>, vector<16xf32>
      %swap3A_2020 = arith.constant 69 : i32
      %swap3A_2021 = arith.index_cast %swap3A_2020 : i32 to index
      %swap3A_2022 = arith.constant 0 : index
      %swap3A_2023 = tpu.vector_load %arg9[%swap3A_2021, %swap3A_2022] {strides = array<i32>} : memref<128x128xf32, #tpu.memory_space<vmem>>, vector<1x16xf32>,
      %swap3A_2024 = vector.shape_cast %swap3A_2023 : vector<1x16xf32> to vector<16xf32>
      %swap3A_2025 = vector.shape_cast %select_n3A_2019 : vector<16xf32> to vector<1x16xf32>
      tpu.vector_store %arg9[%swap3A_2021, %swap3A_2022], %swap3A_2025 {strides = array<i32>} : memref<128x128xf32, #tpu.memory_space<vmem>>, vector<1x16xf32>,
      %eq3A_2026 = arith.constant 6 : i32
      %eq3A_2027 = vector.broadcast %eq3A_2026 : i32 to vector<16xi32>
      %eq3A_2028 = arith.cmpi eq, %iota3A, %eq3A_2027 : vector<16xi32>
      %select_n3A_2029 = arith.select %eq3A_2028, %get3A_1965, %broadcast_in_dim3A_10 : vector<16xi1>, vector<16xf32>
      %swap3A_2030 = arith.constant 70 : i32
      %swap3A_2031 = arith.index_cast %swap3A_2030 : i32 to index
      %swap3A_2032 = arith.constant 0 : index
      %swap3A_2033 = tpu.vector_load %arg9[%swap3A_2031, %swap3A_2032] {strides = array<i32>} : memref<128x128xf32, #tpu.memory_space<vmem>>, vector<1x16xf32>,
      %swap3A_2034 = vector.shape_cast %swap3A_2033 : vector<1x16xf32> to vector<16xf32>
      %swap3A_2035 = vector.shape_cast %select_n3A_2029 : vector<16xf32> to vector<1x16xf32>
      tpu.vector_store %arg9[%swap3A_2031, %swap3A_2032], %swap3A_2035 {strides = array<i32>} : memref<128x128xf32, #tpu.memory_space<vmem>>, vector<1x16xf32>,
      %eq3A_2036 = arith.constant 7 : i32
      %eq3A_2037 = vector.broadcast %eq3A_2036 : i32 to vector<16xi32>
      %eq3A_2038 = arith.cmpi eq, %iota3A, %eq3A_2037 : vector<16xi32>
      %select_n3A_2039 = arith.select %eq3A_2038, %get3A_1965, %broadcast_in_dim3A_10 : vector<16xi1>, vector<16xf32>
      %swap3A_2040 = arith.constant 71 : i32
      %swap3A_2041 = arith.index_cast %swap3A_2040 : i32 to index
      %swap3A_2042 = arith.constant 0 : index
      %swap3A_2043 = tpu.vector_load %arg9[%swap3A_2041, %swap3A_2042] {strides = array<i32>} : memref<128x128xf32, #tpu.memory_space<vmem>>, vector<1x16xf32>,
      %swap3A_2044 = vector.shape_cast %swap3A_2043 : vector<1x16xf32> to vector<16xf32>
      %swap3A_2045 = vector.shape_cast %select_n3A_2039 : vector<16xf32> to vector<1x16xf32>
      tpu.vector_store %arg9[%swap3A_2041, %swap3A_2042], %swap3A_2045 {strides = array<i32>} : memref<128x128xf32, #tpu.memory_space<vmem>>, vector<1x16xf32>,
      %eq3A_2046 = arith.constant 8 : i32
      %eq3A_2047 = vector.broadcast %eq3A_2046 : i32 to vector<16xi32>
      %eq3A_2048 = arith.cmpi eq, %iota3A, %eq3A_2047 : vector<16xi32>
      %select_n3A_2049 = arith.select %eq3A_2048, %get3A_1965, %broadcast_in_dim3A_10 : vector<16xi1>, vector<16xf32>
      %swap3A_2050 = arith.constant 72 : i32
      %swap3A_2051 = arith.index_cast %swap3A_2050 : i32 to index
      %swap3A_2052 = arith.constant 0 : index
      %swap3A_2053 = tpu.vector_load %arg9[%swap3A_2051, %swap3A_2052] {strides = array<i32>} : memref<128x128xf32, #tpu.memory_space<vmem>>, vector<1x16xf32>,
      %swap3A_2054 = vector.shape_cast %swap3A_2053 : vector<1x16xf32> to vector<16xf32>
      %swap3A_2055 = vector.shape_cast %select_n3A_2049 : vector<16xf32> to vector<1x16xf32>
      tpu.vector_store %arg9[%swap3A_2051, %swap3A_2052], %swap3A_2055 {strides = array<i32>} : memref<128x128xf32, #tpu.memory_space<vmem>>, vector<1x16xf32>,
      %eq3A_2056 = arith.constant 9 : i32
      %eq3A_2057 = vector.broadcast %eq3A_2056 : i32 to vector<16xi32>
      %eq3A_2058 = arith.cmpi eq, %iota3A, %eq3A_2057 : vector<16xi32>
      %select_n3A_2059 = arith.select %eq3A_2058, %get3A_1965, %broadcast_in_dim3A_10 : vector<16xi1>, vector<16xf32>
      %swap3A_2060 = arith.constant 73 : i32
      %swap3A_2061 = arith.index_cast %swap3A_2060 : i32 to index
      %swap3A_2062 = arith.constant 0 : index
      %swap3A_2063 = tpu.vector_load %arg9[%swap3A_2061, %swap3A_2062] {strides = array<i32>} : memref<128x128xf32, #tpu.memory_space<vmem>>, vector<1x16xf32>,
      %swap3A_2064 = vector.shape_cast %swap3A_2063 : vector<1x16xf32> to vector<16xf32>
      %swap3A_2065 = vector.shape_cast %select_n3A_2059 : vector<16xf32> to vector<1x16xf32>
      tpu.vector_store %arg9[%swap3A_2061, %swap3A_2062], %swap3A_2065 {strides = array<i32>} : memref<128x128xf32, #tpu.memory_space<vmem>>, vector<1x16xf32>,
      %eq3A_2066 = arith.constant 10 : i32
      %eq3A_2067 = vector.broadcast %eq3A_2066 : i32 to vector<16xi32>
      %eq3A_2068 = arith.cmpi eq, %iota3A, %eq3A_2067 : vector<16xi32>
      %select_n3A_2069 = arith.select %eq3A_2068, %get3A_1965, %broadcast_in_dim3A_10 : vector<16xi1>, vector<16xf32>
      %swap3A_2070 = arith.constant 74 : i32
      %swap3A_2071 = arith.index_cast %swap3A_2070 : i32 to index
      %swap3A_2072 = arith.constant 0 : index
      %swap3A_2073 = tpu.vector_load %arg9[%swap3A_2071, %swap3A_2072] {strides = array<i32>} : memref<128x128xf32, #tpu.memory_space<vmem>>, vector<1x16xf32>,
      %swap3A_2074 = vector.shape_cast %swap3A_2073 : vector<1x16xf32> to vector<16xf32>
      %swap3A_2075 = vector.shape_cast %select_n3A_2069 : vector<16xf32> to vector<1x16xf32>
      tpu.vector_store %arg9[%swap3A_2071, %swap3A_2072], %swap3A_2075 {strides = array<i32>} : memref<128x128xf32, #tpu.memory_space<vmem>>, vector<1x16xf32>,
      %eq3A_2076 = arith.constant 11 : i32
      %eq3A_2077 = vector.broadcast %eq3A_2076 : i32 to vector<16xi32>
      %eq3A_2078 = arith.cmpi eq, %iota3A, %eq3A_2077 : vector<16xi32>
      %select_n3A_2079 = arith.select %eq3A_2078, %get3A_1965, %broadcast_in_dim3A_10 : vector<16xi1>, vector<16xf32>
      %swap3A_2080 = arith.constant 75 : i32
      %swap3A_2081 = arith.index_cast %swap3A_2080 : i32 to index
      %swap3A_2082 = arith.constant 0 : index
      %swap3A_2083 = tpu.vector_load %arg9[%swap3A_2081, %swap3A_2082] {strides = array<i32>} : memref<128x128xf32, #tpu.memory_space<vmem>>, vector<1x16xf32>,
      %swap3A_2084 = vector.shape_cast %swap3A_2083 : vector<1x16xf32> to vector<16xf32>
      %swap3A_2085 = vector.shape_cast %select_n3A_2079 : vector<16xf32> to vector<1x16xf32>
      tpu.vector_store %arg9[%swap3A_2081, %swap3A_2082], %swap3A_2085 {strides = array<i32>} : memref<128x128xf32, #tpu.memory_space<vmem>>, vector<1x16xf32>,
      %eq3A_2086 = arith.constant 12 : i32
      %eq3A_2087 = vector.broadcast %eq3A_2086 : i32 to vector<16xi32>
      %eq3A_2088 = arith.cmpi eq, %iota3A, %eq3A_2087 : vector<16xi32>
      %select_n3A_2089 = arith.select %eq3A_2088, %get3A_1965, %broadcast_in_dim3A_10 : vector<16xi1>, vector<16xf32>
      %swap3A_2090 = arith.constant 76 : i32
      %swap3A_2091 = arith.index_cast %swap3A_2090 : i32 to index
      %swap3A_2092 = arith.constant 0 : index
      %swap3A_2093 = tpu.vector_load %arg9[%swap3A_2091, %swap3A_2092] {strides = array<i32>} : memref<128x128xf32, #tpu.memory_space<vmem>>, vector<1x16xf32>,
      %swap3A_2094 = vector.shape_cast %swap3A_2093 : vector<1x16xf32> to vector<16xf32>
      %swap3A_2095 = vector.shape_cast %select_n3A_2089 : vector<16xf32> to vector<1x16xf32>
      tpu.vector_store %arg9[%swap3A_2091, %swap3A_2092], %swap3A_2095 {strides = array<i32>} : memref<128x128xf32, #tpu.memory_space<vmem>>, vector<1x16xf32>,
      %eq3A_2096 = arith.constant 13 : i32
      %eq3A_2097 = vector.broadcast %eq3A_2096 : i32 to vector<16xi32>
      %eq3A_2098 = arith.cmpi eq, %iota3A, %eq3A_2097 : vector<16xi32>
      %select_n3A_2099 = arith.select %eq3A_2098, %get3A_1965, %broadcast_in_dim3A_10 : vector<16xi1>, vector<16xf32>
      %swap3A_2100 = arith.constant 77 : i32
      %swap3A_2101 = arith.index_cast %swap3A_2100 : i32 to index
      %swap3A_2102 = arith.constant 0 : index
      %swap3A_2103 = tpu.vector_load %arg9[%swap3A_2101, %swap3A_2102] {strides = array<i32>} : memref<128x128xf32, #tpu.memory_space<vmem>>, vector<1x16xf32>,
      %swap3A_2104 = vector.shape_cast %swap3A_2103 : vector<1x16xf32> to vector<16xf32>
      %swap3A_2105 = vector.shape_cast %select_n3A_2099 : vector<16xf32> to vector<1x16xf32>
      tpu.vector_store %arg9[%swap3A_2101, %swap3A_2102], %swap3A_2105 {strides = array<i32>} : memref<128x128xf32, #tpu.memory_space<vmem>>, vector<1x16xf32>,
      %eq3A_2106 = arith.constant 14 : i32
      %eq3A_2107 = vector.broadcast %eq3A_2106 : i32 to vector<16xi32>
      %eq3A_2108 = arith.cmpi eq, %iota3A, %eq3A_2107 : vector<16xi32>
      %select_n3A_2109 = arith.select %eq3A_2108, %get3A_1965, %broadcast_in_dim3A_10 : vector<16xi1>, vector<16xf32>
      %swap3A_2110 = arith.constant 78 : i32
      %swap3A_2111 = arith.index_cast %swap3A_2110 : i32 to index
      %swap3A_2112 = arith.constant 0 : index
      %swap3A_2113 = tpu.vector_load %arg9[%swap3A_2111, %swap3A_2112] {strides = array<i32>} : memref<128x128xf32, #tpu.memory_space<vmem>>, vector<1x16xf32>,
      %swap3A_2114 = vector.shape_cast %swap3A_2113 : vector<1x16xf32> to vector<16xf32>
      %swap3A_2115 = vector.shape_cast %select_n3A_2109 : vector<16xf32> to vector<1x16xf32>
      tpu.vector_store %arg9[%swap3A_2111, %swap3A_2112], %swap3A_2115 {strides = array<i32>} : memref<128x128xf32, #tpu.memory_space<vmem>>, vector<1x16xf32>,
      %eq3A_2116 = arith.constant 15 : i32
      %eq3A_2117 = vector.broadcast %eq3A_2116 : i32 to vector<16xi32>
      %eq3A_2118 = arith.cmpi eq, %iota3A, %eq3A_2117 : vector<16xi32>
      %select_n3A_2119 = arith.select %eq3A_2118, %get3A_1965, %broadcast_in_dim3A_10 : vector<16xi1>, vector<16xf32>
      %swap3A_2120 = arith.constant 79 : i32
      %swap3A_2121 = arith.index_cast %swap3A_2120 : i32 to index
      %swap3A_2122 = arith.constant 0 : index
      %swap3A_2123 = tpu.vector_load %arg9[%swap3A_2121, %swap3A_2122] {strides = array<i32>} : memref<128x128xf32, #tpu.memory_space<vmem>>, vector<1x16xf32>,
      %swap3A_2124 = vector.shape_cast %swap3A_2123 : vector<1x16xf32> to vector<16xf32>
      %swap3A_2125 = vector.shape_cast %select_n3A_2119 : vector<16xf32> to vector<1x16xf32>
      tpu.vector_store %arg9[%swap3A_2121, %swap3A_2122], %swap3A_2125 {strides = array<i32>} : memref<128x128xf32, #tpu.memory_space<vmem>>, vector<1x16xf32>,
      %get3A_2126 = arith.constant 5 : i32
      %get3A_2127 = arith.index_cast %get3A_2126 : i32 to index
      %get3A_2128 = arith.constant 0 : index
      %get3A_2129 = tpu.vector_load %arg8[%get3A_2127, %get3A_2128] {strides = array<i32>} : memref<8x16xf32, #tpu.memory_space<vmem>>, vector<1x16xf32>,
      %get3A_2130 = vector.shape_cast %get3A_2129 : vector<1x16xf32> to vector<16xf32>
      %eq3A_2131 = arith.constant 0 : i32
      %eq3A_2132 = vector.broadcast %eq3A_2131 : i32 to vector<16xi32>
      %eq3A_2133 = arith.cmpi eq, %iota3A, %eq3A_2132 : vector<16xi32>
      %select_n3A_2134 = arith.select %eq3A_2133, %get3A_2130, %broadcast_in_dim3A_10 : vector<16xi1>, vector<16xf32>
      %swap3A_2135 = arith.constant 80 : i32
      %swap3A_2136 = arith.index_cast %swap3A_2135 : i32 to index
      %swap3A_2137 = arith.constant 0 : index
      %swap3A_2138 = tpu.vector_load %arg9[%swap3A_2136, %swap3A_2137] {strides = array<i32>} : memref<128x128xf32, #tpu.memory_space<vmem>>, vector<1x16xf32>,
      %swap3A_2139 = vector.shape_cast %swap3A_2138 : vector<1x16xf32> to vector<16xf32>
      %swap3A_2140 = vector.shape_cast %select_n3A_2134 : vector<16xf32> to vector<1x16xf32>
      tpu.vector_store %arg9[%swap3A_2136, %swap3A_2137], %swap3A_2140 {strides = array<i32>} : memref<128x128xf32, #tpu.memory_space<vmem>>, vector<1x16xf32>,
      %eq3A_2141 = arith.constant 1 : i32
      %eq3A_2142 = vector.broadcast %eq3A_2141 : i32 to vector<16xi32>
      %eq3A_2143 = arith.cmpi eq, %iota3A, %eq3A_2142 : vector<16xi32>
      %select_n3A_2144 = arith.select %eq3A_2143, %get3A_2130, %broadcast_in_dim3A_10 : vector<16xi1>, vector<16xf32>
      %swap3A_2145 = arith.constant 81 : i32
      %swap3A_2146 = arith.index_cast %swap3A_2145 : i32 to index
      %swap3A_2147 = arith.constant 0 : index
      %swap3A_2148 = tpu.vector_load %arg9[%swap3A_2146, %swap3A_2147] {strides = array<i32>} : memref<128x128xf32, #tpu.memory_space<vmem>>, vector<1x16xf32>,
      %swap3A_2149 = vector.shape_cast %swap3A_2148 : vector<1x16xf32> to vector<16xf32>
      %swap3A_2150 = vector.shape_cast %select_n3A_2144 : vector<16xf32> to vector<1x16xf32>
      tpu.vector_store %arg9[%swap3A_2146, %swap3A_2147], %swap3A_2150 {strides = array<i32>} : memref<128x128xf32, #tpu.memory_space<vmem>>, vector<1x16xf32>,
      %eq3A_2151 = arith.constant 2 : i32
      %eq3A_2152 = vector.broadcast %eq3A_2151 : i32 to vector<16xi32>
      %eq3A_2153 = arith.cmpi eq, %iota3A, %eq3A_2152 : vector<16xi32>
      %select_n3A_2154 = arith.select %eq3A_2153, %get3A_2130, %broadcast_in_dim3A_10 : vector<16xi1>, vector<16xf32>
      %swap3A_2155 = arith.constant 82 : i32
      %swap3A_2156 = arith.index_cast %swap3A_2155 : i32 to index
      %swap3A_2157 = arith.constant 0 : index
      %swap3A_2158 = tpu.vector_load %arg9[%swap3A_2156, %swap3A_2157] {strides = array<i32>} : memref<128x128xf32, #tpu.memory_space<vmem>>, vector<1x16xf32>,
      %swap3A_2159 = vector.shape_cast %swap3A_2158 : vector<1x16xf32> to vector<16xf32>
      %swap3A_2160 = vector.shape_cast %select_n3A_2154 : vector<16xf32> to vector<1x16xf32>
      tpu.vector_store %arg9[%swap3A_2156, %swap3A_2157], %swap3A_2160 {strides = array<i32>} : memref<128x128xf32, #tpu.memory_space<vmem>>, vector<1x16xf32>,
      %eq3A_2161 = arith.constant 3 : i32
      %eq3A_2162 = vector.broadcast %eq3A_2161 : i32 to vector<16xi32>
      %eq3A_2163 = arith.cmpi eq, %iota3A, %eq3A_2162 : vector<16xi32>
      %select_n3A_2164 = arith.select %eq3A_2163, %get3A_2130, %broadcast_in_dim3A_10 : vector<16xi1>, vector<16xf32>
      %swap3A_2165 = arith.constant 83 : i32
      %swap3A_2166 = arith.index_cast %swap3A_2165 : i32 to index
      %swap3A_2167 = arith.constant 0 : index
      %swap3A_2168 = tpu.vector_load %arg9[%swap3A_2166, %swap3A_2167] {strides = array<i32>} : memref<128x128xf32, #tpu.memory_space<vmem>>, vector<1x16xf32>,
      %swap3A_2169 = vector.shape_cast %swap3A_2168 : vector<1x16xf32> to vector<16xf32>
      %swap3A_2170 = vector.shape_cast %select_n3A_2164 : vector<16xf32> to vector<1x16xf32>
      tpu.vector_store %arg9[%swap3A_2166, %swap3A_2167], %swap3A_2170 {strides = array<i32>} : memref<128x128xf32, #tpu.memory_space<vmem>>, vector<1x16xf32>,
      %eq3A_2171 = arith.constant 4 : i32
      %eq3A_2172 = vector.broadcast %eq3A_2171 : i32 to vector<16xi32>
      %eq3A_2173 = arith.cmpi eq, %iota3A, %eq3A_2172 : vector<16xi32>
      %select_n3A_2174 = arith.select %eq3A_2173, %get3A_2130, %broadcast_in_dim3A_10 : vector<16xi1>, vector<16xf32>
      %swap3A_2175 = arith.constant 84 : i32
      %swap3A_2176 = arith.index_cast %swap3A_2175 : i32 to index
      %swap3A_2177 = arith.constant 0 : index
      %swap3A_2178 = tpu.vector_load %arg9[%swap3A_2176, %swap3A_2177] {strides = array<i32>} : memref<128x128xf32, #tpu.memory_space<vmem>>, vector<1x16xf32>,
      %swap3A_2179 = vector.shape_cast %swap3A_2178 : vector<1x16xf32> to vector<16xf32>
      %swap3A_2180 = vector.shape_cast %select_n3A_2174 : vector<16xf32> to vector<1x16xf32>
      tpu.vector_store %arg9[%swap3A_2176, %swap3A_2177], %swap3A_2180 {strides = array<i32>} : memref<128x128xf32, #tpu.memory_space<vmem>>, vector<1x16xf32>,
      %eq3A_2181 = arith.constant 5 : i32
      %eq3A_2182 = vector.broadcast %eq3A_2181 : i32 to vector<16xi32>
      %eq3A_2183 = arith.cmpi eq, %iota3A, %eq3A_2182 : vector<16xi32>
      %select_n3A_2184 = arith.select %eq3A_2183, %get3A_2130, %broadcast_in_dim3A_10 : vector<16xi1>, vector<16xf32>
      %swap3A_2185 = arith.constant 85 : i32
      %swap3A_2186 = arith.index_cast %swap3A_2185 : i32 to index
      %swap3A_2187 = arith.constant 0 : index
      %swap3A_2188 = tpu.vector_load %arg9[%swap3A_2186, %swap3A_2187] {strides = array<i32>} : memref<128x128xf32, #tpu.memory_space<vmem>>, vector<1x16xf32>,
      %swap3A_2189 = vector.shape_cast %swap3A_2188 : vector<1x16xf32> to vector<16xf32>
      %swap3A_2190 = vector.shape_cast %select_n3A_2184 : vector<16xf32> to vector<1x16xf32>
      tpu.vector_store %arg9[%swap3A_2186, %swap3A_2187], %swap3A_2190 {strides = array<i32>} : memref<128x128xf32, #tpu.memory_space<vmem>>, vector<1x16xf32>,
      %eq3A_2191 = arith.constant 6 : i32
      %eq3A_2192 = vector.broadcast %eq3A_2191 : i32 to vector<16xi32>
      %eq3A_2193 = arith.cmpi eq, %iota3A, %eq3A_2192 : vector<16xi32>
      %select_n3A_2194 = arith.select %eq3A_2193, %get3A_2130, %broadcast_in_dim3A_10 : vector<16xi1>, vector<16xf32>
      %swap3A_2195 = arith.constant 86 : i32
      %swap3A_2196 = arith.index_cast %swap3A_2195 : i32 to index
      %swap3A_2197 = arith.constant 0 : index
      %swap3A_2198 = tpu.vector_load %arg9[%swap3A_2196, %swap3A_2197] {strides = array<i32>} : memref<128x128xf32, #tpu.memory_space<vmem>>, vector<1x16xf32>,
      %swap3A_2199 = vector.shape_cast %swap3A_2198 : vector<1x16xf32> to vector<16xf32>
      %swap3A_2200 = vector.shape_cast %select_n3A_2194 : vector<16xf32> to vector<1x16xf32>
      tpu.vector_store %arg9[%swap3A_2196, %swap3A_2197], %swap3A_2200 {strides = array<i32>} : memref<128x128xf32, #tpu.memory_space<vmem>>, vector<1x16xf32>,
      %eq3A_2201 = arith.constant 7 : i32
      %eq3A_2202 = vector.broadcast %eq3A_2201 : i32 to vector<16xi32>
      %eq3A_2203 = arith.cmpi eq, %iota3A, %eq3A_2202 : vector<16xi32>
      %select_n3A_2204 = arith.select %eq3A_2203, %get3A_2130, %broadcast_in_dim3A_10 : vector<16xi1>, vector<16xf32>
      %swap3A_2205 = arith.constant 87 : i32
      %swap3A_2206 = arith.index_cast %swap3A_2205 : i32 to index
      %swap3A_2207 = arith.constant 0 : index
      %swap3A_2208 = tpu.vector_load %arg9[%swap3A_2206, %swap3A_2207] {strides = array<i32>} : memref<128x128xf32, #tpu.memory_space<vmem>>, vector<1x16xf32>,
      %swap3A_2209 = vector.shape_cast %swap3A_2208 : vector<1x16xf32> to vector<16xf32>
      %swap3A_2210 = vector.shape_cast %select_n3A_2204 : vector<16xf32> to vector<1x16xf32>
      tpu.vector_store %arg9[%swap3A_2206, %swap3A_2207], %swap3A_2210 {strides = array<i32>} : memref<128x128xf32, #tpu.memory_space<vmem>>, vector<1x16xf32>,
      %eq3A_2211 = arith.constant 8 : i32
      %eq3A_2212 = vector.broadcast %eq3A_2211 : i32 to vector<16xi32>
      %eq3A_2213 = arith.cmpi eq, %iota3A, %eq3A_2212 : vector<16xi32>
      %select_n3A_2214 = arith.select %eq3A_2213, %get3A_2130, %broadcast_in_dim3A_10 : vector<16xi1>, vector<16xf32>
      %swap3A_2215 = arith.constant 88 : i32
      %swap3A_2216 = arith.index_cast %swap3A_2215 : i32 to index
      %swap3A_2217 = arith.constant 0 : index
      %swap3A_2218 = tpu.vector_load %arg9[%swap3A_2216, %swap3A_2217] {strides = array<i32>} : memref<128x128xf32, #tpu.memory_space<vmem>>, vector<1x16xf32>,
      %swap3A_2219 = vector.shape_cast %swap3A_2218 : vector<1x16xf32> to vector<16xf32>
      %swap3A_2220 = vector.shape_cast %select_n3A_2214 : vector<16xf32> to vector<1x16xf32>
      tpu.vector_store %arg9[%swap3A_2216, %swap3A_2217], %swap3A_2220 {strides = array<i32>} : memref<128x128xf32, #tpu.memory_space<vmem>>, vector<1x16xf32>,
      %eq3A_2221 = arith.constant 9 : i32
      %eq3A_2222 = vector.broadcast %eq3A_2221 : i32 to vector<16xi32>
      %eq3A_2223 = arith.cmpi eq, %iota3A, %eq3A_2222 : vector<16xi32>
      %select_n3A_2224 = arith.select %eq3A_2223, %get3A_2130, %broadcast_in_dim3A_10 : vector<16xi1>, vector<16xf32>
      %swap3A_2225 = arith.constant 89 : i32
      %swap3A_2226 = arith.index_cast %swap3A_2225 : i32 to index
      %swap3A_2227 = arith.constant 0 : index
      %swap3A_2228 = tpu.vector_load %arg9[%swap3A_2226, %swap3A_2227] {strides = array<i32>} : memref<128x128xf32, #tpu.memory_space<vmem>>, vector<1x16xf32>,
      %swap3A_2229 = vector.shape_cast %swap3A_2228 : vector<1x16xf32> to vector<16xf32>
      %swap3A_2230 = vector.shape_cast %select_n3A_2224 : vector<16xf32> to vector<1x16xf32>
      tpu.vector_store %arg9[%swap3A_2226, %swap3A_2227], %swap3A_2230 {strides = array<i32>} : memref<128x128xf32, #tpu.memory_space<vmem>>, vector<1x16xf32>,
      %eq3A_2231 = arith.constant 10 : i32
      %eq3A_2232 = vector.broadcast %eq3A_2231 : i32 to vector<16xi32>
      %eq3A_2233 = arith.cmpi eq, %iota3A, %eq3A_2232 : vector<16xi32>
      %select_n3A_2234 = arith.select %eq3A_2233, %get3A_2130, %broadcast_in_dim3A_10 : vector<16xi1>, vector<16xf32>
      %swap3A_2235 = arith.constant 90 : i32
      %swap3A_2236 = arith.index_cast %swap3A_2235 : i32 to index
      %swap3A_2237 = arith.constant 0 : index
      %swap3A_2238 = tpu.vector_load %arg9[%swap3A_2236, %swap3A_2237] {strides = array<i32>} : memref<128x128xf32, #tpu.memory_space<vmem>>, vector<1x16xf32>,
      %swap3A_2239 = vector.shape_cast %swap3A_2238 : vector<1x16xf32> to vector<16xf32>
      %swap3A_2240 = vector.shape_cast %select_n3A_2234 : vector<16xf32> to vector<1x16xf32>
      tpu.vector_store %arg9[%swap3A_2236, %swap3A_2237], %swap3A_2240 {strides = array<i32>} : memref<128x128xf32, #tpu.memory_space<vmem>>, vector<1x16xf32>,
      %eq3A_2241 = arith.constant 11 : i32
      %eq3A_2242 = vector.broadcast %eq3A_2241 : i32 to vector<16xi32>
      %eq3A_2243 = arith.cmpi eq, %iota3A, %eq3A_2242 : vector<16xi32>
      %select_n3A_2244 = arith.select %eq3A_2243, %get3A_2130, %broadcast_in_dim3A_10 : vector<16xi1>, vector<16xf32>
      %swap3A_2245 = arith.constant 91 : i32
      %swap3A_2246 = arith.index_cast %swap3A_2245 : i32 to index
      %swap3A_2247 = arith.constant 0 : index
      %swap3A_2248 = tpu.vector_load %arg9[%swap3A_2246, %swap3A_2247] {strides = array<i32>} : memref<128x128xf32, #tpu.memory_space<vmem>>, vector<1x16xf32>,
      %swap3A_2249 = vector.shape_cast %swap3A_2248 : vector<1x16xf32> to vector<16xf32>
      %swap3A_2250 = vector.shape_cast %select_n3A_2244 : vector<16xf32> to vector<1x16xf32>
      tpu.vector_store %arg9[%swap3A_2246, %swap3A_2247], %swap3A_2250 {strides = array<i32>} : memref<128x128xf32, #tpu.memory_space<vmem>>, vector<1x16xf32>,
      %eq3A_2251 = arith.constant 12 : i32
      %eq3A_2252 = vector.broadcast %eq3A_2251 : i32 to vector<16xi32>
      %eq3A_2253 = arith.cmpi eq, %iota3A, %eq3A_2252 : vector<16xi32>
      %select_n3A_2254 = arith.select %eq3A_2253, %get3A_2130, %broadcast_in_dim3A_10 : vector<16xi1>, vector<16xf32>
      %swap3A_2255 = arith.constant 92 : i32
      %swap3A_2256 = arith.index_cast %swap3A_2255 : i32 to index
      %swap3A_2257 = arith.constant 0 : index
      %swap3A_2258 = tpu.vector_load %arg9[%swap3A_2256, %swap3A_2257] {strides = array<i32>} : memref<128x128xf32, #tpu.memory_space<vmem>>, vector<1x16xf32>,
      %swap3A_2259 = vector.shape_cast %swap3A_2258 : vector<1x16xf32> to vector<16xf32>
      %swap3A_2260 = vector.shape_cast %select_n3A_2254 : vector<16xf32> to vector<1x16xf32>
      tpu.vector_store %arg9[%swap3A_2256, %swap3A_2257], %swap3A_2260 {strides = array<i32>} : memref<128x128xf32, #tpu.memory_space<vmem>>, vector<1x16xf32>,
      %eq3A_2261 = arith.constant 13 : i32
      %eq3A_2262 = vector.broadcast %eq3A_2261 : i32 to vector<16xi32>
      %eq3A_2263 = arith.cmpi eq, %iota3A, %eq3A_2262 : vector<16xi32>
      %select_n3A_2264 = arith.select %eq3A_2263, %get3A_2130, %broadcast_in_dim3A_10 : vector<16xi1>, vector<16xf32>
      %swap3A_2265 = arith.constant 93 : i32
      %swap3A_2266 = arith.index_cast %swap3A_2265 : i32 to index
      %swap3A_2267 = arith.constant 0 : index
      %swap3A_2268 = tpu.vector_load %arg9[%swap3A_2266, %swap3A_2267] {strides = array<i32>} : memref<128x128xf32, #tpu.memory_space<vmem>>, vector<1x16xf32>,
      %swap3A_2269 = vector.shape_cast %swap3A_2268 : vector<1x16xf32> to vector<16xf32>
      %swap3A_2270 = vector.shape_cast %select_n3A_2264 : vector<16xf32> to vector<1x16xf32>
      tpu.vector_store %arg9[%swap3A_2266, %swap3A_2267], %swap3A_2270 {strides = array<i32>} : memref<128x128xf32, #tpu.memory_space<vmem>>, vector<1x16xf32>,
      %eq3A_2271 = arith.constant 14 : i32
      %eq3A_2272 = vector.broadcast %eq3A_2271 : i32 to vector<16xi32>
      %eq3A_2273 = arith.cmpi eq, %iota3A, %eq3A_2272 : vector<16xi32>
      %select_n3A_2274 = arith.select %eq3A_2273, %get3A_2130, %broadcast_in_dim3A_10 : vector<16xi1>, vector<16xf32>
      %swap3A_2275 = arith.constant 94 : i32
      %swap3A_2276 = arith.index_cast %swap3A_2275 : i32 to index
      %swap3A_2277 = arith.constant 0 : index
      %swap3A_2278 = tpu.vector_load %arg9[%swap3A_2276, %swap3A_2277] {strides = array<i32>} : memref<128x128xf32, #tpu.memory_space<vmem>>, vector<1x16xf32>,
      %swap3A_2279 = vector.shape_cast %swap3A_2278 : vector<1x16xf32> to vector<16xf32>
      %swap3A_2280 = vector.shape_cast %select_n3A_2274 : vector<16xf32> to vector<1x16xf32>
      tpu.vector_store %arg9[%swap3A_2276, %swap3A_2277], %swap3A_2280 {strides = array<i32>} : memref<128x128xf32, #tpu.memory_space<vmem>>, vector<1x16xf32>,
      %eq3A_2281 = arith.constant 15 : i32
      %eq3A_2282 = vector.broadcast %eq3A_2281 : i32 to vector<16xi32>
      %eq3A_2283 = arith.cmpi eq, %iota3A, %eq3A_2282 : vector<16xi32>
      %select_n3A_2284 = arith.select %eq3A_2283, %get3A_2130, %broadcast_in_dim3A_10 : vector<16xi1>, vector<16xf32>
      %swap3A_2285 = arith.constant 95 : i32
      %swap3A_2286 = arith.index_cast %swap3A_2285 : i32 to index
      %swap3A_2287 = arith.constant 0 : index
      %swap3A_2288 = tpu.vector_load %arg9[%swap3A_2286, %swap3A_2287] {strides = array<i32>} : memref<128x128xf32, #tpu.memory_space<vmem>>, vector<1x16xf32>,
      %swap3A_2289 = vector.shape_cast %swap3A_2288 : vector<1x16xf32> to vector<16xf32>
      %swap3A_2290 = vector.shape_cast %select_n3A_2284 : vector<16xf32> to vector<1x16xf32>
      tpu.vector_store %arg9[%swap3A_2286, %swap3A_2287], %swap3A_2290 {strides = array<i32>} : memref<128x128xf32, #tpu.memory_space<vmem>>, vector<1x16xf32>,
      %get3A_2291 = arith.constant 6 : i32
      %get3A_2292 = arith.index_cast %get3A_2291 : i32 to index
      %get3A_2293 = arith.constant 0 : index
      %get3A_2294 = tpu.vector_load %arg8[%get3A_2292, %get3A_2293] {strides = array<i32>} : memref<8x16xf32, #tpu.memory_space<vmem>>, vector<1x16xf32>,
      %get3A_2295 = vector.shape_cast %get3A_2294 : vector<1x16xf32> to vector<16xf32>
      %eq3A_2296 = arith.constant 0 : i32
      %eq3A_2297 = vector.broadcast %eq3A_2296 : i32 to vector<16xi32>
      %eq3A_2298 = arith.cmpi eq, %iota3A, %eq3A_2297 : vector<16xi32>
      %select_n3A_2299 = arith.select %eq3A_2298, %get3A_2295, %broadcast_in_dim3A_10 : vector<16xi1>, vector<16xf32>
      %swap3A_2300 = arith.constant 96 : i32
      %swap3A_2301 = arith.index_cast %swap3A_2300 : i32 to index
      %swap3A_2302 = arith.constant 0 : index
      %swap3A_2303 = tpu.vector_load %arg9[%swap3A_2301, %swap3A_2302] {strides = array<i32>} : memref<128x128xf32, #tpu.memory_space<vmem>>, vector<1x16xf32>,
      %swap3A_2304 = vector.shape_cast %swap3A_2303 : vector<1x16xf32> to vector<16xf32>
      %swap3A_2305 = vector.shape_cast %select_n3A_2299 : vector<16xf32> to vector<1x16xf32>
      tpu.vector_store %arg9[%swap3A_2301, %swap3A_2302], %swap3A_2305 {strides = array<i32>} : memref<128x128xf32, #tpu.memory_space<vmem>>, vector<1x16xf32>,
      %eq3A_2306 = arith.constant 1 : i32
      %eq3A_2307 = vector.broadcast %eq3A_2306 : i32 to vector<16xi32>
      %eq3A_2308 = arith.cmpi eq, %iota3A, %eq3A_2307 : vector<16xi32>
      %select_n3A_2309 = arith.select %eq3A_2308, %get3A_2295, %broadcast_in_dim3A_10 : vector<16xi1>, vector<16xf32>
      %swap3A_2310 = arith.constant 97 : i32
      %swap3A_2311 = arith.index_cast %swap3A_2310 : i32 to index
      %swap3A_2312 = arith.constant 0 : index
      %swap3A_2313 = tpu.vector_load %arg9[%swap3A_2311, %swap3A_2312] {strides = array<i32>} : memref<128x128xf32, #tpu.memory_space<vmem>>, vector<1x16xf32>,
      %swap3A_2314 = vector.shape_cast %swap3A_2313 : vector<1x16xf32> to vector<16xf32>
      %swap3A_2315 = vector.shape_cast %select_n3A_2309 : vector<16xf32> to vector<1x16xf32>
      tpu.vector_store %arg9[%swap3A_2311, %swap3A_2312], %swap3A_2315 {strides = array<i32>} : memref<128x128xf32, #tpu.memory_space<vmem>>, vector<1x16xf32>,
      %eq3A_2316 = arith.constant 2 : i32
      %eq3A_2317 = vector.broadcast %eq3A_2316 : i32 to vector<16xi32>
      %eq3A_2318 = arith.cmpi eq, %iota3A, %eq3A_2317 : vector<16xi32>
      %select_n3A_2319 = arith.select %eq3A_2318, %get3A_2295, %broadcast_in_dim3A_10 : vector<16xi1>, vector<16xf32>
      %swap3A_2320 = arith.constant 98 : i32
      %swap3A_2321 = arith.index_cast %swap3A_2320 : i32 to index
      %swap3A_2322 = arith.constant 0 : index
      %swap3A_2323 = tpu.vector_load %arg9[%swap3A_2321, %swap3A_2322] {strides = array<i32>} : memref<128x128xf32, #tpu.memory_space<vmem>>, vector<1x16xf32>,
      %swap3A_2324 = vector.shape_cast %swap3A_2323 : vector<1x16xf32> to vector<16xf32>
      %swap3A_2325 = vector.shape_cast %select_n3A_2319 : vector<16xf32> to vector<1x16xf32>
      tpu.vector_store %arg9[%swap3A_2321, %swap3A_2322], %swap3A_2325 {strides = array<i32>} : memref<128x128xf32, #tpu.memory_space<vmem>>, vector<1x16xf32>,
      %eq3A_2326 = arith.constant 3 : i32
      %eq3A_2327 = vector.broadcast %eq3A_2326 : i32 to vector<16xi32>
      %eq3A_2328 = arith.cmpi eq, %iota3A, %eq3A_2327 : vector<16xi32>
      %select_n3A_2329 = arith.select %eq3A_2328, %get3A_2295, %broadcast_in_dim3A_10 : vector<16xi1>, vector<16xf32>
      %swap3A_2330 = arith.constant 99 : i32
      %swap3A_2331 = arith.index_cast %swap3A_2330 : i32 to index
      %swap3A_2332 = arith.constant 0 : index
      %swap3A_2333 = tpu.vector_load %arg9[%swap3A_2331, %swap3A_2332] {strides = array<i32>} : memref<128x128xf32, #tpu.memory_space<vmem>>, vector<1x16xf32>,
      %swap3A_2334 = vector.shape_cast %swap3A_2333 : vector<1x16xf32> to vector<16xf32>
      %swap3A_2335 = vector.shape_cast %select_n3A_2329 : vector<16xf32> to vector<1x16xf32>
      tpu.vector_store %arg9[%swap3A_2331, %swap3A_2332], %swap3A_2335 {strides = array<i32>} : memref<128x128xf32, #tpu.memory_space<vmem>>, vector<1x16xf32>,
      %eq3A_2336 = arith.constant 4 : i32
      %eq3A_2337 = vector.broadcast %eq3A_2336 : i32 to vector<16xi32>
      %eq3A_2338 = arith.cmpi eq, %iota3A, %eq3A_2337 : vector<16xi32>
      %select_n3A_2339 = arith.select %eq3A_2338, %get3A_2295, %broadcast_in_dim3A_10 : vector<16xi1>, vector<16xf32>
      %swap3A_2340 = arith.constant 100 : i32
      %swap3A_2341 = arith.index_cast %swap3A_2340 : i32 to index
      %swap3A_2342 = arith.constant 0 : index
      %swap3A_2343 = tpu.vector_load %arg9[%swap3A_2341, %swap3A_2342] {strides = array<i32>} : memref<128x128xf32, #tpu.memory_space<vmem>>, vector<1x16xf32>,
      %swap3A_2344 = vector.shape_cast %swap3A_2343 : vector<1x16xf32> to vector<16xf32>
      %swap3A_2345 = vector.shape_cast %select_n3A_2339 : vector<16xf32> to vector<1x16xf32>
      tpu.vector_store %arg9[%swap3A_2341, %swap3A_2342], %swap3A_2345 {strides = array<i32>} : memref<128x128xf32, #tpu.memory_space<vmem>>, vector<1x16xf32>,
      %eq3A_2346 = arith.constant 5 : i32
      %eq3A_2347 = vector.broadcast %eq3A_2346 : i32 to vector<16xi32>
      %eq3A_2348 = arith.cmpi eq, %iota3A, %eq3A_2347 : vector<16xi32>
      %select_n3A_2349 = arith.select %eq3A_2348, %get3A_2295, %broadcast_in_dim3A_10 : vector<16xi1>, vector<16xf32>
      %swap3A_2350 = arith.constant 101 : i32
      %swap3A_2351 = arith.index_cast %swap3A_2350 : i32 to index
      %swap3A_2352 = arith.constant 0 : index
      %swap3A_2353 = tpu.vector_load %arg9[%swap3A_2351, %swap3A_2352] {strides = array<i32>} : memref<128x128xf32, #tpu.memory_space<vmem>>, vector<1x16xf32>,
      %swap3A_2354 = vector.shape_cast %swap3A_2353 : vector<1x16xf32> to vector<16xf32>
      %swap3A_2355 = vector.shape_cast %select_n3A_2349 : vector<16xf32> to vector<1x16xf32>
      tpu.vector_store %arg9[%swap3A_2351, %swap3A_2352], %swap3A_2355 {strides = array<i32>} : memref<128x128xf32, #tpu.memory_space<vmem>>, vector<1x16xf32>,
      %eq3A_2356 = arith.constant 6 : i32
      %eq3A_2357 = vector.broadcast %eq3A_2356 : i32 to vector<16xi32>
      %eq3A_2358 = arith.cmpi eq, %iota3A, %eq3A_2357 : vector<16xi32>
      %select_n3A_2359 = arith.select %eq3A_2358, %get3A_2295, %broadcast_in_dim3A_10 : vector<16xi1>, vector<16xf32>
      %swap3A_2360 = arith.constant 102 : i32
      %swap3A_2361 = arith.index_cast %swap3A_2360 : i32 to index
      %swap3A_2362 = arith.constant 0 : index
      %swap3A_2363 = tpu.vector_load %arg9[%swap3A_2361, %swap3A_2362] {strides = array<i32>} : memref<128x128xf32, #tpu.memory_space<vmem>>, vector<1x16xf32>,
      %swap3A_2364 = vector.shape_cast %swap3A_2363 : vector<1x16xf32> to vector<16xf32>
      %swap3A_2365 = vector.shape_cast %select_n3A_2359 : vector<16xf32> to vector<1x16xf32>
      tpu.vector_store %arg9[%swap3A_2361, %swap3A_2362], %swap3A_2365 {strides = array<i32>} : memref<128x128xf32, #tpu.memory_space<vmem>>, vector<1x16xf32>,
      %eq3A_2366 = arith.constant 7 : i32
      %eq3A_2367 = vector.broadcast %eq3A_2366 : i32 to vector<16xi32>
      %eq3A_2368 = arith.cmpi eq, %iota3A, %eq3A_2367 : vector<16xi32>
      %select_n3A_2369 = arith.select %eq3A_2368, %get3A_2295, %broadcast_in_dim3A_10 : vector<16xi1>, vector<16xf32>
      %swap3A_2370 = arith.constant 103 : i32
      %swap3A_2371 = arith.index_cast %swap3A_2370 : i32 to index
      %swap3A_2372 = arith.constant 0 : index
      %swap3A_2373 = tpu.vector_load %arg9[%swap3A_2371, %swap3A_2372] {strides = array<i32>} : memref<128x128xf32, #tpu.memory_space<vmem>>, vector<1x16xf32>,
      %swap3A_2374 = vector.shape_cast %swap3A_2373 : vector<1x16xf32> to vector<16xf32>
      %swap3A_2375 = vector.shape_cast %select_n3A_2369 : vector<16xf32> to vector<1x16xf32>
      tpu.vector_store %arg9[%swap3A_2371, %swap3A_2372], %swap3A_2375 {strides = array<i32>} : memref<128x128xf32, #tpu.memory_space<vmem>>, vector<1x16xf32>,
      %eq3A_2376 = arith.constant 8 : i32
      %eq3A_2377 = vector.broadcast %eq3A_2376 : i32 to vector<16xi32>
      %eq3A_2378 = arith.cmpi eq, %iota3A, %eq3A_2377 : vector<16xi32>
      %select_n3A_2379 = arith.select %eq3A_2378, %get3A_2295, %broadcast_in_dim3A_10 : vector<16xi1>, vector<16xf32>
      %swap3A_2380 = arith.constant 104 : i32
      %swap3A_2381 = arith.index_cast %swap3A_2380 : i32 to index
      %swap3A_2382 = arith.constant 0 : index
      %swap3A_2383 = tpu.vector_load %arg9[%swap3A_2381, %swap3A_2382] {strides = array<i32>} : memref<128x128xf32, #tpu.memory_space<vmem>>, vector<1x16xf32>,
      %swap3A_2384 = vector.shape_cast %swap3A_2383 : vector<1x16xf32> to vector<16xf32>
      %swap3A_2385 = vector.shape_cast %select_n3A_2379 : vector<16xf32> to vector<1x16xf32>
      tpu.vector_store %arg9[%swap3A_2381, %swap3A_2382], %swap3A_2385 {strides = array<i32>} : memref<128x128xf32, #tpu.memory_space<vmem>>, vector<1x16xf32>,
      %eq3A_2386 = arith.constant 9 : i32
      %eq3A_2387 = vector.broadcast %eq3A_2386 : i32 to vector<16xi32>
      %eq3A_2388 = arith.cmpi eq, %iota3A, %eq3A_2387 : vector<16xi32>
      %select_n3A_2389 = arith.select %eq3A_2388, %get3A_2295, %broadcast_in_dim3A_10 : vector<16xi1>, vector<16xf32>
      %swap3A_2390 = arith.constant 105 : i32
      %swap3A_2391 = arith.index_cast %swap3A_2390 : i32 to index
      %swap3A_2392 = arith.constant 0 : index
      %swap3A_2393 = tpu.vector_load %arg9[%swap3A_2391, %swap3A_2392] {strides = array<i32>} : memref<128x128xf32, #tpu.memory_space<vmem>>, vector<1x16xf32>,
      %swap3A_2394 = vector.shape_cast %swap3A_2393 : vector<1x16xf32> to vector<16xf32>
      %swap3A_2395 = vector.shape_cast %select_n3A_2389 : vector<16xf32> to vector<1x16xf32>
      tpu.vector_store %arg9[%swap3A_2391, %swap3A_2392], %swap3A_2395 {strides = array<i32>} : memref<128x128xf32, #tpu.memory_space<vmem>>, vector<1x16xf32>,
      %eq3A_2396 = arith.constant 10 : i32
      %eq3A_2397 = vector.broadcast %eq3A_2396 : i32 to vector<16xi32>
      %eq3A_2398 = arith.cmpi eq, %iota3A, %eq3A_2397 : vector<16xi32>
      %select_n3A_2399 = arith.select %eq3A_2398, %get3A_2295, %broadcast_in_dim3A_10 : vector<16xi1>, vector<16xf32>
      %swap3A_2400 = arith.constant 106 : i32
      %swap3A_2401 = arith.index_cast %swap3A_2400 : i32 to index
      %swap3A_2402 = arith.constant 0 : index
      %swap3A_2403 = tpu.vector_load %arg9[%swap3A_2401, %swap3A_2402] {strides = array<i32>} : memref<128x128xf32, #tpu.memory_space<vmem>>, vector<1x16xf32>,
      %swap3A_2404 = vector.shape_cast %swap3A_2403 : vector<1x16xf32> to vector<16xf32>
      %swap3A_2405 = vector.shape_cast %select_n3A_2399 : vector<16xf32> to vector<1x16xf32>
      tpu.vector_store %arg9[%swap3A_2401, %swap3A_2402], %swap3A_2405 {strides = array<i32>} : memref<128x128xf32, #tpu.memory_space<vmem>>, vector<1x16xf32>,
      %eq3A_2406 = arith.constant 11 : i32
      %eq3A_2407 = vector.broadcast %eq3A_2406 : i32 to vector<16xi32>
      %eq3A_2408 = arith.cmpi eq, %iota3A, %eq3A_2407 : vector<16xi32>
      %select_n3A_2409 = arith.select %eq3A_2408, %get3A_2295, %broadcast_in_dim3A_10 : vector<16xi1>, vector<16xf32>
      %swap3A_2410 = arith.constant 107 : i32
      %swap3A_2411 = arith.index_cast %swap3A_2410 : i32 to index
      %swap3A_2412 = arith.constant 0 : index
      %swap3A_2413 = tpu.vector_load %arg9[%swap3A_2411, %swap3A_2412] {strides = array<i32>} : memref<128x128xf32, #tpu.memory_space<vmem>>, vector<1x16xf32>,
      %swap3A_2414 = vector.shape_cast %swap3A_2413 : vector<1x16xf32> to vector<16xf32>
      %swap3A_2415 = vector.shape_cast %select_n3A_2409 : vector<16xf32> to vector<1x16xf32>
      tpu.vector_store %arg9[%swap3A_2411, %swap3A_2412], %swap3A_2415 {strides = array<i32>} : memref<128x128xf32, #tpu.memory_space<vmem>>, vector<1x16xf32>,
      %eq3A_2416 = arith.constant 12 : i32
      %eq3A_2417 = vector.broadcast %eq3A_2416 : i32 to vector<16xi32>
      %eq3A_2418 = arith.cmpi eq, %iota3A, %eq3A_2417 : vector<16xi32>
      %select_n3A_2419 = arith.select %eq3A_2418, %get3A_2295, %broadcast_in_dim3A_10 : vector<16xi1>, vector<16xf32>
      %swap3A_2420 = arith.constant 108 : i32
      %swap3A_2421 = arith.index_cast %swap3A_2420 : i32 to index
      %swap3A_2422 = arith.constant 0 : index
      %swap3A_2423 = tpu.vector_load %arg9[%swap3A_2421, %swap3A_2422] {strides = array<i32>} : memref<128x128xf32, #tpu.memory_space<vmem>>, vector<1x16xf32>,
      %swap3A_2424 = vector.shape_cast %swap3A_2423 : vector<1x16xf32> to vector<16xf32>
      %swap3A_2425 = vector.shape_cast %select_n3A_2419 : vector<16xf32> to vector<1x16xf32>
      tpu.vector_store %arg9[%swap3A_2421, %swap3A_2422], %swap3A_2425 {strides = array<i32>} : memref<128x128xf32, #tpu.memory_space<vmem>>, vector<1x16xf32>,
      %eq3A_2426 = arith.constant 13 : i32
      %eq3A_2427 = vector.broadcast %eq3A_2426 : i32 to vector<16xi32>
      %eq3A_2428 = arith.cmpi eq, %iota3A, %eq3A_2427 : vector<16xi32>
      %select_n3A_2429 = arith.select %eq3A_2428, %get3A_2295, %broadcast_in_dim3A_10 : vector<16xi1>, vector<16xf32>
      %swap3A_2430 = arith.constant 109 : i32
      %swap3A_2431 = arith.index_cast %swap3A_2430 : i32 to index
      %swap3A_2432 = arith.constant 0 : index
      %swap3A_2433 = tpu.vector_load %arg9[%swap3A_2431, %swap3A_2432] {strides = array<i32>} : memref<128x128xf32, #tpu.memory_space<vmem>>, vector<1x16xf32>,
      %swap3A_2434 = vector.shape_cast %swap3A_2433 : vector<1x16xf32> to vector<16xf32>
      %swap3A_2435 = vector.shape_cast %select_n3A_2429 : vector<16xf32> to vector<1x16xf32>
      tpu.vector_store %arg9[%swap3A_2431, %swap3A_2432], %swap3A_2435 {strides = array<i32>} : memref<128x128xf32, #tpu.memory_space<vmem>>, vector<1x16xf32>,
      %eq3A_2436 = arith.constant 14 : i32
      %eq3A_2437 = vector.broadcast %eq3A_2436 : i32 to vector<16xi32>
      %eq3A_2438 = arith.cmpi eq, %iota3A, %eq3A_2437 : vector<16xi32>
      %select_n3A_2439 = arith.select %eq3A_2438, %get3A_2295, %broadcast_in_dim3A_10 : vector<16xi1>, vector<16xf32>
      %swap3A_2440 = arith.constant 110 : i32
      %swap3A_2441 = arith.index_cast %swap3A_2440 : i32 to index
      %swap3A_2442 = arith.constant 0 : index
      %swap3A_2443 = tpu.vector_load %arg9[%swap3A_2441, %swap3A_2442] {strides = array<i32>} : memref<128x128xf32, #tpu.memory_space<vmem>>, vector<1x16xf32>,
      %swap3A_2444 = vector.shape_cast %swap3A_2443 : vector<1x16xf32> to vector<16xf32>
      %swap3A_2445 = vector.shape_cast %select_n3A_2439 : vector<16xf32> to vector<1x16xf32>
      tpu.vector_store %arg9[%swap3A_2441, %swap3A_2442], %swap3A_2445 {strides = array<i32>} : memref<128x128xf32, #tpu.memory_space<vmem>>, vector<1x16xf32>,
      %eq3A_2446 = arith.constant 15 : i32
      %eq3A_2447 = vector.broadcast %eq3A_2446 : i32 to vector<16xi32>
      %eq3A_2448 = arith.cmpi eq, %iota3A, %eq3A_2447 : vector<16xi32>
      %select_n3A_2449 = arith.select %eq3A_2448, %get3A_2295, %broadcast_in_dim3A_10 : vector<16xi1>, vector<16xf32>
      %swap3A_2450 = arith.constant 111 : i32
      %swap3A_2451 = arith.index_cast %swap3A_2450 : i32 to index
      %swap3A_2452 = arith.constant 0 : index
      %swap3A_2453 = tpu.vector_load %arg9[%swap3A_2451, %swap3A_2452] {strides = array<i32>} : memref<128x128xf32, #tpu.memory_space<vmem>>, vector<1x16xf32>,
      %swap3A_2454 = vector.shape_cast %swap3A_2453 : vector<1x16xf32> to vector<16xf32>
      %swap3A_2455 = vector.shape_cast %select_n3A_2449 : vector<16xf32> to vector<1x16xf32>
      tpu.vector_store %arg9[%swap3A_2451, %swap3A_2452], %swap3A_2455 {strides = array<i32>} : memref<128x128xf32, #tpu.memory_space<vmem>>, vector<1x16xf32>,
      %get3A_2456 = arith.constant 7 : i32
      %get3A_2457 = arith.index_cast %get3A_2456 : i32 to index
      %get3A_2458 = arith.constant 0 : index
      %get3A_2459 = tpu.vector_load %arg8[%get3A_2457, %get3A_2458] {strides = array<i32>} : memref<8x16xf32, #tpu.memory_space<vmem>>, vector<1x16xf32>,
      %get3A_2460 = vector.shape_cast %get3A_2459 : vector<1x16xf32> to vector<16xf32>
      %eq3A_2461 = arith.constant 0 : i32
      %eq3A_2462 = vector.broadcast %eq3A_2461 : i32 to vector<16xi32>
      %eq3A_2463 = arith.cmpi eq, %iota3A, %eq3A_2462 : vector<16xi32>
      %select_n3A_2464 = arith.select %eq3A_2463, %get3A_2460, %broadcast_in_dim3A_10 : vector<16xi1>, vector<16xf32>
      %swap3A_2465 = arith.constant 112 : i32
      %swap3A_2466 = arith.index_cast %swap3A_2465 : i32 to index
      %swap3A_2467 = arith.constant 0 : index
      %swap3A_2468 = tpu.vector_load %arg9[%swap3A_2466, %swap3A_2467] {strides = array<i32>} : memref<128x128xf32, #tpu.memory_space<vmem>>, vector<1x16xf32>,
      %swap3A_2469 = vector.shape_cast %swap3A_2468 : vector<1x16xf32> to vector<16xf32>
      %swap3A_2470 = vector.shape_cast %select_n3A_2464 : vector<16xf32> to vector<1x16xf32>
      tpu.vector_store %arg9[%swap3A_2466, %swap3A_2467], %swap3A_2470 {strides = array<i32>} : memref<128x128xf32, #tpu.memory_space<vmem>>, vector<1x16xf32>,
      %eq3A_2471 = arith.constant 1 : i32
      %eq3A_2472 = vector.broadcast %eq3A_2471 : i32 to vector<16xi32>
      %eq3A_2473 = arith.cmpi eq, %iota3A, %eq3A_2472 : vector<16xi32>
      %select_n3A_2474 = arith.select %eq3A_2473, %get3A_2460, %broadcast_in_dim3A_10 : vector<16xi1>, vector<16xf32>
      %swap3A_2475 = arith.constant 113 : i32
      %swap3A_2476 = arith.index_cast %swap3A_2475 : i32 to index
      %swap3A_2477 = arith.constant 0 : index
      %swap3A_2478 = tpu.vector_load %arg9[%swap3A_2476, %swap3A_2477] {strides = array<i32>} : memref<128x128xf32, #tpu.memory_space<vmem>>, vector<1x16xf32>,
      %swap3A_2479 = vector.shape_cast %swap3A_2478 : vector<1x16xf32> to vector<16xf32>
      %swap3A_2480 = vector.shape_cast %select_n3A_2474 : vector<16xf32> to vector<1x16xf32>
      tpu.vector_store %arg9[%swap3A_2476, %swap3A_2477], %swap3A_2480 {strides = array<i32>} : memref<128x128xf32, #tpu.memory_space<vmem>>, vector<1x16xf32>,
      %eq3A_2481 = arith.constant 2 : i32
      %eq3A_2482 = vector.broadcast %eq3A_2481 : i32 to vector<16xi32>
      %eq3A_2483 = arith.cmpi eq, %iota3A, %eq3A_2482 : vector<16xi32>
      %select_n3A_2484 = arith.select %eq3A_2483, %get3A_2460, %broadcast_in_dim3A_10 : vector<16xi1>, vector<16xf32>
      %swap3A_2485 = arith.constant 114 : i32
      %swap3A_2486 = arith.index_cast %swap3A_2485 : i32 to index
      %swap3A_2487 = arith.constant 0 : index
      %swap3A_2488 = tpu.vector_load %arg9[%swap3A_2486, %swap3A_2487] {strides = array<i32>} : memref<128x128xf32, #tpu.memory_space<vmem>>, vector<1x16xf32>,
      %swap3A_2489 = vector.shape_cast %swap3A_2488 : vector<1x16xf32> to vector<16xf32>
      %swap3A_2490 = vector.shape_cast %select_n3A_2484 : vector<16xf32> to vector<1x16xf32>
      tpu.vector_store %arg9[%swap3A_2486, %swap3A_2487], %swap3A_2490 {strides = array<i32>} : memref<128x128xf32, #tpu.memory_space<vmem>>, vector<1x16xf32>,
      %eq3A_2491 = arith.constant 3 : i32
      %eq3A_2492 = vector.broadcast %eq3A_2491 : i32 to vector<16xi32>
      %eq3A_2493 = arith.cmpi eq, %iota3A, %eq3A_2492 : vector<16xi32>
      %select_n3A_2494 = arith.select %eq3A_2493, %get3A_2460, %broadcast_in_dim3A_10 : vector<16xi1>, vector<16xf32>
      %swap3A_2495 = arith.constant 115 : i32
      %swap3A_2496 = arith.index_cast %swap3A_2495 : i32 to index
      %swap3A_2497 = arith.constant 0 : index
      %swap3A_2498 = tpu.vector_load %arg9[%swap3A_2496, %swap3A_2497] {strides = array<i32>} : memref<128x128xf32, #tpu.memory_space<vmem>>, vector<1x16xf32>,
      %swap3A_2499 = vector.shape_cast %swap3A_2498 : vector<1x16xf32> to vector<16xf32>
      %swap3A_2500 = vector.shape_cast %select_n3A_2494 : vector<16xf32> to vector<1x16xf32>
      tpu.vector_store %arg9[%swap3A_2496, %swap3A_2497], %swap3A_2500 {strides = array<i32>} : memref<128x128xf32, #tpu.memory_space<vmem>>, vector<1x16xf32>,
      %eq3A_2501 = arith.constant 4 : i32
      %eq3A_2502 = vector.broadcast %eq3A_2501 : i32 to vector<16xi32>
      %eq3A_2503 = arith.cmpi eq, %iota3A, %eq3A_2502 : vector<16xi32>
      %select_n3A_2504 = arith.select %eq3A_2503, %get3A_2460, %broadcast_in_dim3A_10 : vector<16xi1>, vector<16xf32>
      %swap3A_2505 = arith.constant 116 : i32
      %swap3A_2506 = arith.index_cast %swap3A_2505 : i32 to index
      %swap3A_2507 = arith.constant 0 : index
      %swap3A_2508 = tpu.vector_load %arg9[%swap3A_2506, %swap3A_2507] {strides = array<i32>} : memref<128x128xf32, #tpu.memory_space<vmem>>, vector<1x16xf32>,
      %swap3A_2509 = vector.shape_cast %swap3A_2508 : vector<1x16xf32> to vector<16xf32>
      %swap3A_2510 = vector.shape_cast %select_n3A_2504 : vector<16xf32> to vector<1x16xf32>
      tpu.vector_store %arg9[%swap3A_2506, %swap3A_2507], %swap3A_2510 {strides = array<i32>} : memref<128x128xf32, #tpu.memory_space<vmem>>, vector<1x16xf32>,
      %eq3A_2511 = arith.constant 5 : i32
      %eq3A_2512 = vector.broadcast %eq3A_2511 : i32 to vector<16xi32>
      %eq3A_2513 = arith.cmpi eq, %iota3A, %eq3A_2512 : vector<16xi32>
      %select_n3A_2514 = arith.select %eq3A_2513, %get3A_2460, %broadcast_in_dim3A_10 : vector<16xi1>, vector<16xf32>
      %swap3A_2515 = arith.constant 117 : i32
      %swap3A_2516 = arith.index_cast %swap3A_2515 : i32 to index
      %swap3A_2517 = arith.constant 0 : index
      %swap3A_2518 = tpu.vector_load %arg9[%swap3A_2516, %swap3A_2517] {strides = array<i32>} : memref<128x128xf32, #tpu.memory_space<vmem>>, vector<1x16xf32>,
      %swap3A_2519 = vector.shape_cast %swap3A_2518 : vector<1x16xf32> to vector<16xf32>
      %swap3A_2520 = vector.shape_cast %select_n3A_2514 : vector<16xf32> to vector<1x16xf32>
      tpu.vector_store %arg9[%swap3A_2516, %swap3A_2517], %swap3A_2520 {strides = array<i32>} : memref<128x128xf32, #tpu.memory_space<vmem>>, vector<1x16xf32>,
      %eq3A_2521 = arith.constant 6 : i32
      %eq3A_2522 = vector.broadcast %eq3A_2521 : i32 to vector<16xi32>
      %eq3A_2523 = arith.cmpi eq, %iota3A, %eq3A_2522 : vector<16xi32>
      %select_n3A_2524 = arith.select %eq3A_2523, %get3A_2460, %broadcast_in_dim3A_10 : vector<16xi1>, vector<16xf32>
      %swap3A_2525 = arith.constant 118 : i32
      %swap3A_2526 = arith.index_cast %swap3A_2525 : i32 to index
      %swap3A_2527 = arith.constant 0 : index
      %swap3A_2528 = tpu.vector_load %arg9[%swap3A_2526, %swap3A_2527] {strides = array<i32>} : memref<128x128xf32, #tpu.memory_space<vmem>>, vector<1x16xf32>,
      %swap3A_2529 = vector.shape_cast %swap3A_2528 : vector<1x16xf32> to vector<16xf32>
      %swap3A_2530 = vector.shape_cast %select_n3A_2524 : vector<16xf32> to vector<1x16xf32>
      tpu.vector_store %arg9[%swap3A_2526, %swap3A_2527], %swap3A_2530 {strides = array<i32>} : memref<128x128xf32, #tpu.memory_space<vmem>>, vector<1x16xf32>,
      %eq3A_2531 = arith.constant 7 : i32
      %eq3A_2532 = vector.broadcast %eq3A_2531 : i32 to vector<16xi32>
      %eq3A_2533 = arith.cmpi eq, %iota3A, %eq3A_2532 : vector<16xi32>
      %select_n3A_2534 = arith.select %eq3A_2533, %get3A_2460, %broadcast_in_dim3A_10 : vector<16xi1>, vector<16xf32>
      %swap3A_2535 = arith.constant 119 : i32
      %swap3A_2536 = arith.index_cast %swap3A_2535 : i32 to index
      %swap3A_2537 = arith.constant 0 : index
      %swap3A_2538 = tpu.vector_load %arg9[%swap3A_2536, %swap3A_2537] {strides = array<i32>} : memref<128x128xf32, #tpu.memory_space<vmem>>, vector<1x16xf32>,
      %swap3A_2539 = vector.shape_cast %swap3A_2538 : vector<1x16xf32> to vector<16xf32>
      %swap3A_2540 = vector.shape_cast %select_n3A_2534 : vector<16xf32> to vector<1x16xf32>
      tpu.vector_store %arg9[%swap3A_2536, %swap3A_2537], %swap3A_2540 {strides = array<i32>} : memref<128x128xf32, #tpu.memory_space<vmem>>, vector<1x16xf32>,
      %eq3A_2541 = arith.constant 8 : i32
      %eq3A_2542 = vector.broadcast %eq3A_2541 : i32 to vector<16xi32>
      %eq3A_2543 = arith.cmpi eq, %iota3A, %eq3A_2542 : vector<16xi32>
      %select_n3A_2544 = arith.select %eq3A_2543, %get3A_2460, %broadcast_in_dim3A_10 : vector<16xi1>, vector<16xf32>
      %swap3A_2545 = arith.constant 120 : i32
      %swap3A_2546 = arith.index_cast %swap3A_2545 : i32 to index
      %swap3A_2547 = arith.constant 0 : index
      %swap3A_2548 = tpu.vector_load %arg9[%swap3A_2546, %swap3A_2547] {strides = array<i32>} : memref<128x128xf32, #tpu.memory_space<vmem>>, vector<1x16xf32>,
      %swap3A_2549 = vector.shape_cast %swap3A_2548 : vector<1x16xf32> to vector<16xf32>
      %swap3A_2550 = vector.shape_cast %select_n3A_2544 : vector<16xf32> to vector<1x16xf32>
      tpu.vector_store %arg9[%swap3A_2546, %swap3A_2547], %swap3A_2550 {strides = array<i32>} : memref<128x128xf32, #tpu.memory_space<vmem>>, vector<1x16xf32>,
      %eq3A_2551 = arith.constant 9 : i32
      %eq3A_2552 = vector.broadcast %eq3A_2551 : i32 to vector<16xi32>
      %eq3A_2553 = arith.cmpi eq, %iota3A, %eq3A_2552 : vector<16xi32>
      %select_n3A_2554 = arith.select %eq3A_2553, %get3A_2460, %broadcast_in_dim3A_10 : vector<16xi1>, vector<16xf32>
      %swap3A_2555 = arith.constant 121 : i32
      %swap3A_2556 = arith.index_cast %swap3A_2555 : i32 to index
      %swap3A_2557 = arith.constant 0 : index
      %swap3A_2558 = tpu.vector_load %arg9[%swap3A_2556, %swap3A_2557] {strides = array<i32>} : memref<128x128xf32, #tpu.memory_space<vmem>>, vector<1x16xf32>,
      %swap3A_2559 = vector.shape_cast %swap3A_2558 : vector<1x16xf32> to vector<16xf32>
      %swap3A_2560 = vector.shape_cast %select_n3A_2554 : vector<16xf32> to vector<1x16xf32>
      tpu.vector_store %arg9[%swap3A_2556, %swap3A_2557], %swap3A_2560 {strides = array<i32>} : memref<128x128xf32, #tpu.memory_space<vmem>>, vector<1x16xf32>,
      %eq3A_2561 = arith.constant 10 : i32
      %eq3A_2562 = vector.broadcast %eq3A_2561 : i32 to vector<16xi32>
      %eq3A_2563 = arith.cmpi eq, %iota3A, %eq3A_2562 : vector<16xi32>
      %select_n3A_2564 = arith.select %eq3A_2563, %get3A_2460, %broadcast_in_dim3A_10 : vector<16xi1>, vector<16xf32>
      %swap3A_2565 = arith.constant 122 : i32
      %swap3A_2566 = arith.index_cast %swap3A_2565 : i32 to index
      %swap3A_2567 = arith.constant 0 : index
      %swap3A_2568 = tpu.vector_load %arg9[%swap3A_2566, %swap3A_2567] {strides = array<i32>} : memref<128x128xf32, #tpu.memory_space<vmem>>, vector<1x16xf32>,
      %swap3A_2569 = vector.shape_cast %swap3A_2568 : vector<1x16xf32> to vector<16xf32>
      %swap3A_2570 = vector.shape_cast %select_n3A_2564 : vector<16xf32> to vector<1x16xf32>
      tpu.vector_store %arg9[%swap3A_2566, %swap3A_2567], %swap3A_2570 {strides = array<i32>} : memref<128x128xf32, #tpu.memory_space<vmem>>, vector<1x16xf32>,
      %eq3A_2571 = arith.constant 11 : i32
      %eq3A_2572 = vector.broadcast %eq3A_2571 : i32 to vector<16xi32>
      %eq3A_2573 = arith.cmpi eq, %iota3A, %eq3A_2572 : vector<16xi32>
      %select_n3A_2574 = arith.select %eq3A_2573, %get3A_2460, %broadcast_in_dim3A_10 : vector<16xi1>, vector<16xf32>
      %swap3A_2575 = arith.constant 123 : i32
      %swap3A_2576 = arith.index_cast %swap3A_2575 : i32 to index
      %swap3A_2577 = arith.constant 0 : index
      %swap3A_2578 = tpu.vector_load %arg9[%swap3A_2576, %swap3A_2577] {strides = array<i32>} : memref<128x128xf32, #tpu.memory_space<vmem>>, vector<1x16xf32>,
      %swap3A_2579 = vector.shape_cast %swap3A_2578 : vector<1x16xf32> to vector<16xf32>
      %swap3A_2580 = vector.shape_cast %select_n3A_2574 : vector<16xf32> to vector<1x16xf32>
      tpu.vector_store %arg9[%swap3A_2576, %swap3A_2577], %swap3A_2580 {strides = array<i32>} : memref<128x128xf32, #tpu.memory_space<vmem>>, vector<1x16xf32>,
      %eq3A_2581 = arith.constant 12 : i32
      %eq3A_2582 = vector.broadcast %eq3A_2581 : i32 to vector<16xi32>
      %eq3A_2583 = arith.cmpi eq, %iota3A, %eq3A_2582 : vector<16xi32>
      %select_n3A_2584 = arith.select %eq3A_2583, %get3A_2460, %broadcast_in_dim3A_10 : vector<16xi1>, vector<16xf32>
      %swap3A_2585 = arith.constant 124 : i32
      %swap3A_2586 = arith.index_cast %swap3A_2585 : i32 to index
      %swap3A_2587 = arith.constant 0 : index
      %swap3A_2588 = tpu.vector_load %arg9[%swap3A_2586, %swap3A_2587] {strides = array<i32>} : memref<128x128xf32, #tpu.memory_space<vmem>>, vector<1x16xf32>,
      %swap3A_2589 = vector.shape_cast %swap3A_2588 : vector<1x16xf32> to vector<16xf32>
      %swap3A_2590 = vector.shape_cast %select_n3A_2584 : vector<16xf32> to vector<1x16xf32>
      tpu.vector_store %arg9[%swap3A_2586, %swap3A_2587], %swap3A_2590 {strides = array<i32>} : memref<128x128xf32, #tpu.memory_space<vmem>>, vector<1x16xf32>,
      %eq3A_2591 = arith.constant 13 : i32
      %eq3A_2592 = vector.broadcast %eq3A_2591 : i32 to vector<16xi32>
      %eq3A_2593 = arith.cmpi eq, %iota3A, %eq3A_2592 : vector<16xi32>
      %select_n3A_2594 = arith.select %eq3A_2593, %get3A_2460, %broadcast_in_dim3A_10 : vector<16xi1>, vector<16xf32>
      %swap3A_2595 = arith.constant 125 : i32
      %swap3A_2596 = arith.index_cast %swap3A_2595 : i32 to index
      %swap3A_2597 = arith.constant 0 : index
      %swap3A_2598 = tpu.vector_load %arg9[%swap3A_2596, %swap3A_2597] {strides = array<i32>} : memref<128x128xf32, #tpu.memory_space<vmem>>, vector<1x16xf32>,
      %swap3A_2599 = vector.shape_cast %swap3A_2598 : vector<1x16xf32> to vector<16xf32>
      %swap3A_2600 = vector.shape_cast %select_n3A_2594 : vector<16xf32> to vector<1x16xf32>
      tpu.vector_store %arg9[%swap3A_2596, %swap3A_2597], %swap3A_2600 {strides = array<i32>} : memref<128x128xf32, #tpu.memory_space<vmem>>, vector<1x16xf32>,
      %eq3A_2601 = arith.constant 14 : i32
      %eq3A_2602 = vector.broadcast %eq3A_2601 : i32 to vector<16xi32>
      %eq3A_2603 = arith.cmpi eq, %iota3A, %eq3A_2602 : vector<16xi32>
      %select_n3A_2604 = arith.select %eq3A_2603, %get3A_2460, %broadcast_in_dim3A_10 : vector<16xi1>, vector<16xf32>
      %swap3A_2605 = arith.constant 126 : i32
      %swap3A_2606 = arith.index_cast %swap3A_2605 : i32 to index
      %swap3A_2607 = arith.constant 0 : index
      %swap3A_2608 = tpu.vector_load %arg9[%swap3A_2606, %swap3A_2607] {strides = array<i32>} : memref<128x128xf32, #tpu.memory_space<vmem>>, vector<1x16xf32>,
      %swap3A_2609 = vector.shape_cast %swap3A_2608 : vector<1x16xf32> to vector<16xf32>
      %swap3A_2610 = vector.shape_cast %select_n3A_2604 : vector<16xf32> to vector<1x16xf32>
      tpu.vector_store %arg9[%swap3A_2606, %swap3A_2607], %swap3A_2610 {strides = array<i32>} : memref<128x128xf32, #tpu.memory_space<vmem>>, vector<1x16xf32>,
      %eq3A_2611 = arith.constant 15 : i32
      %eq3A_2612 = vector.broadcast %eq3A_2611 : i32 to vector<16xi32>
      %eq3A_2613 = arith.cmpi eq, %iota3A, %eq3A_2612 : vector<16xi32>
      %select_n3A_2614 = arith.select %eq3A_2613, %get3A_2460, %broadcast_in_dim3A_10 : vector<16xi1>, vector<16xf32>
      %swap3A_2615 = arith.constant 127 : i32
      %swap3A_2616 = arith.index_cast %swap3A_2615 : i32 to index
      %swap3A_2617 = arith.constant 0 : index
      %swap3A_2618 = tpu.vector_load %arg9[%swap3A_2616, %swap3A_2617] {strides = array<i32>} : memref<128x128xf32, #tpu.memory_space<vmem>>, vector<1x16xf32>,
      %swap3A_2619 = vector.shape_cast %swap3A_2618 : vector<1x16xf32> to vector<16xf32>
      %swap3A_2620 = vector.shape_cast %select_n3A_2614 : vector<16xf32> to vector<1x16xf32>
      tpu.vector_store %arg9[%swap3A_2616, %swap3A_2617], %swap3A_2620 {strides = array<i32>} : memref<128x128xf32, #tpu.memory_space<vmem>>, vector<1x16xf32>,
      %run_scoped3A = arith.constant 1 : i32
      "tpu.region"() ({
        %run_scoped3A_2621 = tpu.sem_alloc : memref<!tpu.dma_semaphore, #tpu.memory_space<semaphore_mem>>
        %dma_start3A = arith.constant 0 : i32
        %dma_start3A_2622 = tpu.memref_slice %arg7[%run_scoped3A, %dma_start3A] : memref<2x128xi32, #tpu.memory_space<vmem>> -> memref<1x128xi32, #tpu.memory_space<vmem>>
        %dma_start3A_2623 = tpu.memref_squeeze %dma_start3A_2622 : memref<1x128xi32, #tpu.memory_space<vmem>> -> memref<128xi32, #tpu.memory_space<vmem>>
        %dma_start3A_2624 = arith.constant 0 : i32
        %dma_start3A_2625 = arith.constant 0 : i32
        %dma_start3A_2626 = tpu.memref_slice %arg6[%dma_start3A_2624, %dma_start3A_2625] : memref<10240x128xf32, #tpu.memory_space<vmem_shared>> -> memref<10240x128xf32, #tpu.memory_space<vmem_shared>>
        tpu.enqueue_indirect_dma source(%arg9 : memref<128x128xf32, #tpu.memory_space<vmem>>) target(%dma_start3A_2626 : memref<10240x128xf32, #tpu.memory_space<vmem_shared>>) offsets(%dma_start3A_2623 : memref<128xi32, #tpu.memory_space<vmem>>) semaphore(%run_scoped3A_2621 : memref<!tpu.dma_semaphore, #tpu.memory_space<semaphore_mem>>) {add = true}
        %dma_wait3A = arith.constant 0 : i32
        %dma_wait3A_2627 = tpu.memref_slice %arg7[%run_scoped3A, %dma_wait3A] : memref<2x128xi32, #tpu.memory_space<vmem>> -> memref<1x128xi32, #tpu.memory_space<vmem>>
        %dma_wait3A_2628 = tpu.memref_squeeze %dma_wait3A_2627 : memref<1x128xi32, #tpu.memory_space<vmem>> -> memref<128xi32, #tpu.memory_space<vmem>>
        %dma_wait3A_2629 = arith.constant 0 : i32
        %dma_wait3A_2630 = arith.constant 0 : i32
        %dma_wait3A_2631 = tpu.memref_slice %arg6[%dma_wait3A_2629, %dma_wait3A_2630] : memref<10240x128xf32, #tpu.memory_space<vmem_shared>> -> memref<10240x128xf32, #tpu.memory_space<vmem_shared>>
        tpu.wait_indirect_dma semaphore(%run_scoped3A_2621 : memref<!tpu.dma_semaphore, #tpu.memory_space<semaphore_mem>>) src(%arg9 : memref<128x128xf32, #tpu.memory_space<vmem>>) dst(%dma_wait3A_2631 : memref<10240x128xf32, #tpu.memory_space<vmem_shared>>)
        tpu.yield
      }) : () -> ()
    }
    %scan3A_1293 = arith.constant 80 : i32
    %barrier3A_1294 = arith.constant 0 : index
    tpu.barrier barrier_id(%barrier3A_1294)
    %scan3A_1295 = arith.constant 0 : i32
    %scan3A_1296 = arith.constant 0 : i32
    %scan3A_1297 = arith.constant 5 : i32
    %scan3A_1298 = arith.addi %scan3A_1296, %scan3A_1297 : i32
    %scan3A_1299 = arith.constant 1 : i32
    scf.for %scan3A_1301 = %scan3A_1296 to %scan3A_1298 step %scan3A_1299  : i32 {
      %mul3A_1302 = arith.constant 128 : i32
      %mul3A_1303 = arith.muli %scan3A_1301, %mul3A_1302 : i32
      %add3A_1304 = arith.addi %mul3A_2, %mul3A_1303 : i32
      "tpu.region"() ({
        %run_scoped3A = tpu.sem_alloc : memref<!tpu.dma_semaphore, #tpu.memory_space<semaphore_mem>>
        %dma_start3A = arith.constant 0 : i32
        %dma_start3A_1305 = tpu.memref_slice %arg6[%add3A_1304, %dma_start3A] : memref<10240x128xf32, #tpu.memory_space<vmem_shared>> -> memref<128x128xf32, #tpu.memory_space<vmem_shared>>
        %dma_start3A_1306 = arith.constant 0 : i32
        %dma_start3A_1307 = tpu.memref_slice %arg6[%add3A_1304, %dma_start3A_1306] : memref<10240x128xf32, #tpu.memory_space<vmem_shared>> -> memref<128x128xf32, #tpu.memory_space<vmem_shared>>
        tpu.enqueue_dma source(%dma_start3A_1307 : memref<128x128xf32, #tpu.memory_space<vmem_shared>>) target(%arg9 : memref<128x128xf32, #tpu.memory_space<vmem>>) target_semaphore(%run_scoped3A : memref<!tpu.dma_semaphore, #tpu.memory_space<semaphore_mem>>)
        %dma_wait3A = arith.constant 0 : i32
        %dma_wait3A_1308 = tpu.memref_slice %arg6[%add3A_1304, %dma_wait3A] : memref<10240x128xf32, #tpu.memory_space<vmem_shared>> -> memref<128x128xf32, #tpu.memory_space<vmem_shared>>
        %dma_wait3A_1309 = arith.constant 0 : i32
        %dma_wait3A_1310 = tpu.memref_slice %arg6[%add3A_1304, %dma_wait3A_1309] : memref<10240x128xf32, #tpu.memory_space<vmem_shared>> -> memref<128x128xf32, #tpu.memory_space<vmem_shared>>
        tpu.wait_dma2 semaphore(%run_scoped3A : memref<!tpu.dma_semaphore, #tpu.memory_space<semaphore_mem>>) src(%dma_wait3A_1310 : memref<128x128xf32, #tpu.memory_space<vmem_shared>>) dst(%arg9 : memref<128x128xf32, #tpu.memory_space<vmem>>)
        tpu.yield
      }) : () -> ()
      "tpu.region"() ({
        %run_scoped3A = tpu.sem_alloc : memref<!tpu.dma_semaphore, #tpu.memory_space<semaphore_mem>>
        %dma_start3A = arith.constant 0 : i32
        %dma_start3A_1305 = tpu.memref_slice %arg5[%arg0, %add3A_1304, %dma_start3A] : memref<2x10240x128xf32, #tpu.memory_space<hbm>> -> memref<1x128x128xf32, #tpu.memory_space<hbm>>
        %dma_start3A_1306 = tpu.memref_squeeze %dma_start3A_1305 : memref<1x128x128xf32, #tpu.memory_space<hbm>> -> memref<128x128xf32, #tpu.memory_space<hbm>>
        %dma_start3A_1307 = arith.constant 0 : i32
        %dma_start3A_1308 = tpu.memref_slice %arg5[%arg0, %add3A_1304, %dma_start3A_1307] : memref<2x10240x128xf32, #tpu.memory_space<hbm>> -> memref<1x128x128xf32, #tpu.memory_space<hbm>>
        %dma_start3A_1309 = tpu.memref_squeeze %dma_start3A_1308 : memref<1x128x128xf32, #tpu.memory_space<hbm>> -> memref<128x128xf32, #tpu.memory_space<hbm>>
        tpu.enqueue_dma source(%arg9 : memref<128x128xf32, #tpu.memory_space<vmem>>) target(%dma_start3A_1309 : memref<128x128xf32, #tpu.memory_space<hbm>>) target_semaphore(%run_scoped3A : memref<!tpu.dma_semaphore, #tpu.memory_space<semaphore_mem>>)
        %dma_wait3A = arith.constant 0 : i32
        %dma_wait3A_1310 = tpu.memref_slice %arg5[%arg0, %add3A_1304, %dma_wait3A] : memref<2x10240x128xf32, #tpu.memory_space<hbm>> -> memref<1x128x128xf32, #tpu.memory_space<hbm>>
        %dma_wait3A_1311 = tpu.memref_squeeze %dma_wait3A_1310 : memref<1x128x128xf32, #tpu.memory_space<hbm>> -> memref<128x128xf32, #tpu.memory_space<hbm>>
        %dma_wait3A_1312 = arith.constant 0 : i32
        %dma_wait3A_1313 = tpu.memref_slice %arg5[%arg0, %add3A_1304, %dma_wait3A_1312] : memref<2x10240x128xf32, #tpu.memory_space<hbm>> -> memref<1x128x128xf32, #tpu.memory_space<hbm>>
        %dma_wait3A_1314 = tpu.memref_squeeze %dma_wait3A_1313 : memref<1x128x128xf32, #tpu.memory_space<hbm>> -> memref<128x128xf32, #tpu.memory_space<hbm>>
        tpu.wait_dma2 semaphore(%run_scoped3A : memref<!tpu.dma_semaphore, #tpu.memory_space<semaphore_mem>>) src(%arg9 : memref<128x128xf32, #tpu.memory_space<vmem>>) dst(%dma_wait3A_1314 : memref<128x128xf32, #tpu.memory_space<hbm>>)
        tpu.yield
      }) : () -> ()
    }
    %scan3A_1300 = arith.constant 5 : i32
    return
  }
}

#map = affine_map<(d0, d1) -> (0, 0)>
#map1 = affine_map<(d0, d1) -> (0, 0, 0, 0)>
#map2 = affine_map<(d0, d1) -> (0, 0, 0)>
module attributes {stable_mosaic.version = 14 : i64} {
  func.func @seg(%arg0: i32, %arg1: i32, %arg2: memref<10000x128xf32, #tpu.memory_space<hbm>>, %arg3: memref<32x80x2x128xi32, #tpu.memory_space<hbm>>, %arg4: memref<128x128xf32, #tpu.memory_space<hbm>>, %arg5: memref<2x10240x128xf32, #tpu.memory_space<hbm>>, %arg6: memref<10240x128xf32, #tpu.memory_space<vmem_shared>>, %arg7: memref<2x2x128xi32, #tpu.memory_space<vmem>>, %arg8: memref<128x128xf32, #tpu.memory_space<vmem>>, %arg9: memref<128x128xf32, #tpu.memory_space<vmem>>, %arg10: memref<!tpu.dma_semaphore, #tpu.memory_space<semaphore_mem>>, %arg11: memref<!tpu.dma_semaphore, #tpu.memory_space<semaphore_mem>>) attributes {dimension_semantics = [#tpu.dimension_semantics<core_parallel>, #tpu.dimension_semantics<subcore_parallel>], iteration_bounds = array<i64: 2, 16>, scalar_prefetch = 0 : i64, scratch_operands = 6 : i64, tpu.core_type = #tpu.core_type<sc_vector_subcore>, window_params = [{transform_indices = #map}, {transform_indices = #map1}, {transform_indices = #map}, {transform_indices = #map2}]} {
    %mul3A = arith.constant 2 : i32
    %mul3A_0 = arith.muli %arg1, %mul3A : i32
    %add3A = arith.addi %mul3A_0, %arg0 : i32
    %mul3A_1 = arith.constant 640 : i32
    %mul3A_2 = arith.muli %arg1, %mul3A_1 : i32
    "tpu.region"() ({
      %run_scoped3A_28 = tpu.sem_alloc : memref<!tpu.dma_semaphore, #tpu.memory_space<semaphore_mem>>
      tpu.enqueue_dma source(%arg4 : memref<128x128xf32, #tpu.memory_space<hbm>>) target(%arg8 : memref<128x128xf32, #tpu.memory_space<vmem>>) target_semaphore(%run_scoped3A_28 : memref<!tpu.dma_semaphore, #tpu.memory_space<semaphore_mem>>)
      tpu.wait_dma2 semaphore(%run_scoped3A_28 : memref<!tpu.dma_semaphore, #tpu.memory_space<semaphore_mem>>) src(%arg4 : memref<128x128xf32, #tpu.memory_space<hbm>>) dst(%arg8 : memref<128x128xf32, #tpu.memory_space<vmem>>)
      tpu.yield
    }) : () -> ()
    %scan3A = arith.constant 0 : i32
    %scan3A_3 = arith.constant 0 : i32
    %scan3A_4 = arith.constant 5 : i32
    %scan3A_5 = arith.addi %scan3A_3, %scan3A_4 : i32
    %scan3A_6 = arith.constant 1 : i32
    scf.for %scan3A_28 = %scan3A_3 to %scan3A_5 step %scan3A_6  : i32 {
      %mul3A_29 = arith.constant 128 : i32
      %mul3A_30 = arith.muli %scan3A_28, %mul3A_29 : i32
      %add3A_31 = arith.addi %mul3A_2, %mul3A_30 : i32
      "tpu.region"() ({
        %run_scoped3A_32 = tpu.sem_alloc : memref<!tpu.dma_semaphore, #tpu.memory_space<semaphore_mem>>
        %dma_start3A_33 = arith.constant 0 : i32
        %dma_start3A_34 = tpu.memref_slice %arg6[%add3A_31, %dma_start3A_33] : memref<10240x128xf32, #tpu.memory_space<vmem_shared>> -> memref<128x128xf32, #tpu.memory_space<vmem_shared>>
        %dma_start3A_35 = arith.constant 0 : i32
        %dma_start3A_36 = tpu.memref_slice %arg6[%add3A_31, %dma_start3A_35] : memref<10240x128xf32, #tpu.memory_space<vmem_shared>> -> memref<128x128xf32, #tpu.memory_space<vmem_shared>>
        tpu.enqueue_dma source(%arg8 : memref<128x128xf32, #tpu.memory_space<vmem>>) target(%dma_start3A_36 : memref<128x128xf32, #tpu.memory_space<vmem_shared>>) target_semaphore(%run_scoped3A_32 : memref<!tpu.dma_semaphore, #tpu.memory_space<semaphore_mem>>)
        %dma_wait3A = arith.constant 0 : i32
        %dma_wait3A_37 = tpu.memref_slice %arg6[%add3A_31, %dma_wait3A] : memref<10240x128xf32, #tpu.memory_space<vmem_shared>> -> memref<128x128xf32, #tpu.memory_space<vmem_shared>>
        %dma_wait3A_38 = arith.constant 0 : i32
        %dma_wait3A_39 = tpu.memref_slice %arg6[%add3A_31, %dma_wait3A_38] : memref<10240x128xf32, #tpu.memory_space<vmem_shared>> -> memref<128x128xf32, #tpu.memory_space<vmem_shared>>
        tpu.wait_dma2 semaphore(%run_scoped3A_32 : memref<!tpu.dma_semaphore, #tpu.memory_space<semaphore_mem>>) src(%arg8 : memref<128x128xf32, #tpu.memory_space<vmem>>) dst(%dma_wait3A_39 : memref<128x128xf32, #tpu.memory_space<vmem_shared>>)
        tpu.yield
      }) : () -> ()
    }
    %scan3A_7 = arith.constant 5 : i32
    %barrier3A = arith.constant 0 : index
    tpu.barrier barrier_id(%barrier3A)
    %run_scoped3A = arith.constant 0 : i32
    %run_scoped3A_8 = arith.constant 0 : i32
    "tpu.region"() ({
      %run_scoped3A_28 = tpu.sem_alloc : memref<!tpu.dma_semaphore, #tpu.memory_space<semaphore_mem>>
      %dma_start3A_29 = arith.constant 0 : i32
      %dma_start3A_30 = arith.constant 0 : i32
      %dma_start3A_31 = tpu.memref_slice %arg7[%run_scoped3A_8, %dma_start3A_29, %dma_start3A_30] : memref<2x2x128xi32, #tpu.memory_space<vmem>> -> memref<1x2x128xi32, #tpu.memory_space<vmem>>
      %dma_start3A_32 = tpu.memref_squeeze %dma_start3A_31 : memref<1x2x128xi32, #tpu.memory_space<vmem>> -> memref<2x128xi32, #tpu.memory_space<vmem>>
      %dma_start3A_33 = arith.constant 0 : i32
      %dma_start3A_34 = arith.constant 0 : i32
      %dma_start3A_35 = tpu.memref_slice %arg3[%add3A, %run_scoped3A, %dma_start3A_33, %dma_start3A_34] : memref<32x80x2x128xi32, #tpu.memory_space<hbm>> -> memref<1x1x2x128xi32, #tpu.memory_space<hbm>>
      %dma_start3A_36 = tpu.memref_squeeze %dma_start3A_35 : memref<1x1x2x128xi32, #tpu.memory_space<hbm>> -> memref<2x128xi32, #tpu.memory_space<hbm>>
      %dma_start3A_37 = arith.constant 0 : i32
      %dma_start3A_38 = arith.constant 0 : i32
      %dma_start3A_39 = tpu.memref_slice %arg7[%run_scoped3A_8, %dma_start3A_37, %dma_start3A_38] : memref<2x2x128xi32, #tpu.memory_space<vmem>> -> memref<1x2x128xi32, #tpu.memory_space<vmem>>
      %dma_start3A_40 = tpu.memref_squeeze %dma_start3A_39 : memref<1x2x128xi32, #tpu.memory_space<vmem>> -> memref<2x128xi32, #tpu.memory_space<vmem>>
      %dma_start3A_41 = arith.constant 0 : i32
      %dma_start3A_42 = arith.constant 0 : i32
      %dma_start3A_43 = tpu.memref_slice %arg3[%add3A, %run_scoped3A, %dma_start3A_41, %dma_start3A_42] : memref<32x80x2x128xi32, #tpu.memory_space<hbm>> -> memref<1x1x2x128xi32, #tpu.memory_space<hbm>>
      %dma_start3A_44 = tpu.memref_squeeze %dma_start3A_43 : memref<1x1x2x128xi32, #tpu.memory_space<hbm>> -> memref<2x128xi32, #tpu.memory_space<hbm>>
      tpu.enqueue_dma source(%dma_start3A_44 : memref<2x128xi32, #tpu.memory_space<hbm>>) target(%dma_start3A_40 : memref<2x128xi32, #tpu.memory_space<vmem>>) target_semaphore(%run_scoped3A_28 : memref<!tpu.dma_semaphore, #tpu.memory_space<semaphore_mem>>)
      %dma_wait3A = arith.constant 0 : i32
      %dma_wait3A_45 = arith.constant 0 : i32
      %dma_wait3A_46 = tpu.memref_slice %arg7[%run_scoped3A_8, %dma_wait3A, %dma_wait3A_45] : memref<2x2x128xi32, #tpu.memory_space<vmem>> -> memref<1x2x128xi32, #tpu.memory_space<vmem>>
      %dma_wait3A_47 = tpu.memref_squeeze %dma_wait3A_46 : memref<1x2x128xi32, #tpu.memory_space<vmem>> -> memref<2x128xi32, #tpu.memory_space<vmem>>
      %dma_wait3A_48 = arith.constant 0 : i32
      %dma_wait3A_49 = arith.constant 0 : i32
      %dma_wait3A_50 = tpu.memref_slice %arg3[%add3A, %run_scoped3A, %dma_wait3A_48, %dma_wait3A_49] : memref<32x80x2x128xi32, #tpu.memory_space<hbm>> -> memref<1x1x2x128xi32, #tpu.memory_space<hbm>>
      %dma_wait3A_51 = tpu.memref_squeeze %dma_wait3A_50 : memref<1x1x2x128xi32, #tpu.memory_space<hbm>> -> memref<2x128xi32, #tpu.memory_space<hbm>>
      %dma_wait3A_52 = arith.constant 0 : i32
      %dma_wait3A_53 = arith.constant 0 : i32
      %dma_wait3A_54 = tpu.memref_slice %arg7[%run_scoped3A_8, %dma_wait3A_52, %dma_wait3A_53] : memref<2x2x128xi32, #tpu.memory_space<vmem>> -> memref<1x2x128xi32, #tpu.memory_space<vmem>>
      %dma_wait3A_55 = tpu.memref_squeeze %dma_wait3A_54 : memref<1x2x128xi32, #tpu.memory_space<vmem>> -> memref<2x128xi32, #tpu.memory_space<vmem>>
      %dma_wait3A_56 = arith.constant 0 : i32
      %dma_wait3A_57 = arith.constant 0 : i32
      %dma_wait3A_58 = tpu.memref_slice %arg3[%add3A, %run_scoped3A, %dma_wait3A_56, %dma_wait3A_57] : memref<32x80x2x128xi32, #tpu.memory_space<hbm>> -> memref<1x1x2x128xi32, #tpu.memory_space<hbm>>
      %dma_wait3A_59 = tpu.memref_squeeze %dma_wait3A_58 : memref<1x1x2x128xi32, #tpu.memory_space<hbm>> -> memref<2x128xi32, #tpu.memory_space<hbm>>
      tpu.wait_dma2 semaphore(%run_scoped3A_28 : memref<!tpu.dma_semaphore, #tpu.memory_space<semaphore_mem>>) src(%dma_wait3A_59 : memref<2x128xi32, #tpu.memory_space<hbm>>) dst(%dma_wait3A_55 : memref<2x128xi32, #tpu.memory_space<vmem>>)
      tpu.yield
    }) : () -> ()
    %dma_start3A = arith.constant 0 : i32
    %dma_start3A_9 = arith.constant 0 : i32
    %dma_start3A_10 = arith.constant 0 : i32
    %dma_start3A_11 = tpu.memref_slice %arg7[%dma_start3A, %dma_start3A_9, %dma_start3A_10] : memref<2x2x128xi32, #tpu.memory_space<vmem>> -> memref<1x1x128xi32, #tpu.memory_space<vmem>>
    %dma_start3A_12 = tpu.memref_squeeze %dma_start3A_11 : memref<1x1x128xi32, #tpu.memory_space<vmem>> -> memref<128xi32, #tpu.memory_space<vmem>>
    %dma_start3A_13 = arith.constant 0 : i32
    %dma_start3A_14 = arith.constant 0 : i32
    %dma_start3A_15 = tpu.memref_slice %arg2[%dma_start3A_13, %dma_start3A_14] : memref<10000x128xf32, #tpu.memory_space<hbm>> -> memref<10000x128xf32, #tpu.memory_space<hbm>>
    tpu.enqueue_indirect_dma source(%dma_start3A_15 : memref<10000x128xf32, #tpu.memory_space<hbm>>) target(%arg8 : memref<128x128xf32, #tpu.memory_space<vmem>>) offsets(%dma_start3A_12 : memref<128xi32, #tpu.memory_space<vmem>>) semaphore(%arg10 : memref<!tpu.dma_semaphore, #tpu.memory_space<semaphore_mem>>)
    %scan3A_16 = arith.constant 0 : i32
    %scan3A_17 = arith.constant 40 : i32
    %scan3A_18 = arith.addi %scan3A_16, %scan3A_17 : i32
    %scan3A_19 = arith.constant 1 : i32
    scf.for %scan3A_28 = %scan3A_16 to %scan3A_18 step %scan3A_19  : i32 {
      %mul3A_29 = arith.constant 2 : i32
      %mul3A_30 = arith.muli %scan3A_28, %mul3A_29 : i32
      %add3A_31 = arith.constant 0 : i32
      %add3A_32 = arith.addi %add3A_31, %mul3A_30 : i32
      %add3A_33 = arith.constant 0 : i32
      %add3A_34 = arith.addi %add3A_32, %add3A_33 : i32
      %add3A_35 = arith.constant 1 : i32
      %add3A_36 = arith.addi %add3A_34, %add3A_35 : i32
      %lt3A = arith.constant 80 : i32
      %lt3A_37 = arith.cmpi slt, %add3A_36, %lt3A : i32
      %convert_element_type3A = arith.extui %lt3A_37 : i1 to i32
      %cond3A = arith.constant 0 : i32
      %cond3A_38 = arith.cmpi ne, %convert_element_type3A, %cond3A : i32
      scf.if %cond3A_38 {
        %add3A_81 = arith.constant 1 : i32
        %add3A_82 = arith.addi %add3A_34, %add3A_81 : i32
        %run_scoped3A_83 = arith.constant 1 : i32
        "tpu.region"() ({
          %run_scoped3A_84 = tpu.sem_alloc : memref<!tpu.dma_semaphore, #tpu.memory_space<semaphore_mem>>
          %dma_start3A_85 = arith.constant 0 : i32
          %dma_start3A_86 = arith.constant 0 : i32
          %dma_start3A_87 = tpu.memref_slice %arg7[%run_scoped3A_83, %dma_start3A_85, %dma_start3A_86] : memref<2x2x128xi32, #tpu.memory_space<vmem>> -> memref<1x2x128xi32, #tpu.memory_space<vmem>>
          %dma_start3A_88 = tpu.memref_squeeze %dma_start3A_87 : memref<1x2x128xi32, #tpu.memory_space<vmem>> -> memref<2x128xi32, #tpu.memory_space<vmem>>
          %dma_start3A_89 = arith.constant 0 : i32
          %dma_start3A_90 = arith.constant 0 : i32
          %dma_start3A_91 = tpu.memref_slice %arg3[%add3A, %add3A_82, %dma_start3A_89, %dma_start3A_90] : memref<32x80x2x128xi32, #tpu.memory_space<hbm>> -> memref<1x1x2x128xi32, #tpu.memory_space<hbm>>
          %dma_start3A_92 = tpu.memref_squeeze %dma_start3A_91 : memref<1x1x2x128xi32, #tpu.memory_space<hbm>> -> memref<2x128xi32, #tpu.memory_space<hbm>>
          %dma_start3A_93 = arith.constant 0 : i32
          %dma_start3A_94 = arith.constant 0 : i32
          %dma_start3A_95 = tpu.memref_slice %arg7[%run_scoped3A_83, %dma_start3A_93, %dma_start3A_94] : memref<2x2x128xi32, #tpu.memory_space<vmem>> -> memref<1x2x128xi32, #tpu.memory_space<vmem>>
          %dma_start3A_96 = tpu.memref_squeeze %dma_start3A_95 : memref<1x2x128xi32, #tpu.memory_space<vmem>> -> memref<2x128xi32, #tpu.memory_space<vmem>>
          %dma_start3A_97 = arith.constant 0 : i32
          %dma_start3A_98 = arith.constant 0 : i32
          %dma_start3A_99 = tpu.memref_slice %arg3[%add3A, %add3A_82, %dma_start3A_97, %dma_start3A_98] : memref<32x80x2x128xi32, #tpu.memory_space<hbm>> -> memref<1x1x2x128xi32, #tpu.memory_space<hbm>>
          %dma_start3A_100 = tpu.memref_squeeze %dma_start3A_99 : memref<1x1x2x128xi32, #tpu.memory_space<hbm>> -> memref<2x128xi32, #tpu.memory_space<hbm>>
          tpu.enqueue_dma source(%dma_start3A_100 : memref<2x128xi32, #tpu.memory_space<hbm>>) target(%dma_start3A_96 : memref<2x128xi32, #tpu.memory_space<vmem>>) target_semaphore(%run_scoped3A_84 : memref<!tpu.dma_semaphore, #tpu.memory_space<semaphore_mem>>)
          %dma_wait3A_101 = arith.constant 0 : i32
          %dma_wait3A_102 = arith.constant 0 : i32
          %dma_wait3A_103 = tpu.memref_slice %arg7[%run_scoped3A_83, %dma_wait3A_101, %dma_wait3A_102] : memref<2x2x128xi32, #tpu.memory_space<vmem>> -> memref<1x2x128xi32, #tpu.memory_space<vmem>>
          %dma_wait3A_104 = tpu.memref_squeeze %dma_wait3A_103 : memref<1x2x128xi32, #tpu.memory_space<vmem>> -> memref<2x128xi32, #tpu.memory_space<vmem>>
          %dma_wait3A_105 = arith.constant 0 : i32
          %dma_wait3A_106 = arith.constant 0 : i32
          %dma_wait3A_107 = tpu.memref_slice %arg3[%add3A, %add3A_82, %dma_wait3A_105, %dma_wait3A_106] : memref<32x80x2x128xi32, #tpu.memory_space<hbm>> -> memref<1x1x2x128xi32, #tpu.memory_space<hbm>>
          %dma_wait3A_108 = tpu.memref_squeeze %dma_wait3A_107 : memref<1x1x2x128xi32, #tpu.memory_space<hbm>> -> memref<2x128xi32, #tpu.memory_space<hbm>>
          %dma_wait3A_109 = arith.constant 0 : i32
          %dma_wait3A_110 = arith.constant 0 : i32
          %dma_wait3A_111 = tpu.memref_slice %arg7[%run_scoped3A_83, %dma_wait3A_109, %dma_wait3A_110] : memref<2x2x128xi32, #tpu.memory_space<vmem>> -> memref<1x2x128xi32, #tpu.memory_space<vmem>>
          %dma_wait3A_112 = tpu.memref_squeeze %dma_wait3A_111 : memref<1x2x128xi32, #tpu.memory_space<vmem>> -> memref<2x128xi32, #tpu.memory_space<vmem>>
          %dma_wait3A_113 = arith.constant 0 : i32
          %dma_wait3A_114 = arith.constant 0 : i32
          %dma_wait3A_115 = tpu.memref_slice %arg3[%add3A, %add3A_82, %dma_wait3A_113, %dma_wait3A_114] : memref<32x80x2x128xi32, #tpu.memory_space<hbm>> -> memref<1x1x2x128xi32, #tpu.memory_space<hbm>>
          %dma_wait3A_116 = tpu.memref_squeeze %dma_wait3A_115 : memref<1x1x2x128xi32, #tpu.memory_space<hbm>> -> memref<2x128xi32, #tpu.memory_space<hbm>>
          tpu.wait_dma2 semaphore(%run_scoped3A_84 : memref<!tpu.dma_semaphore, #tpu.memory_space<semaphore_mem>>) src(%dma_wait3A_116 : memref<2x128xi32, #tpu.memory_space<hbm>>) dst(%dma_wait3A_112 : memref<2x128xi32, #tpu.memory_space<vmem>>)
          tpu.yield
        }) : () -> ()
      } else {
      }
      %dma_wait3A = arith.constant 0 : i32
      %dma_wait3A_39 = arith.constant 0 : i32
      %dma_wait3A_40 = arith.constant 0 : i32
      %dma_wait3A_41 = tpu.memref_slice %arg7[%dma_wait3A, %dma_wait3A_39, %dma_wait3A_40] : memref<2x2x128xi32, #tpu.memory_space<vmem>> -> memref<1x1x128xi32, #tpu.memory_space<vmem>>
      %dma_wait3A_42 = tpu.memref_squeeze %dma_wait3A_41 : memref<1x1x128xi32, #tpu.memory_space<vmem>> -> memref<128xi32, #tpu.memory_space<vmem>>
      %dma_wait3A_43 = arith.constant 0 : i32
      %dma_wait3A_44 = arith.constant 0 : i32
      %dma_wait3A_45 = tpu.memref_slice %arg2[%dma_wait3A_43, %dma_wait3A_44] : memref<10000x128xf32, #tpu.memory_space<hbm>> -> memref<10000x128xf32, #tpu.memory_space<hbm>>
      tpu.wait_indirect_dma semaphore(%arg10 : memref<!tpu.dma_semaphore, #tpu.memory_space<semaphore_mem>>) src(%dma_wait3A_45 : memref<10000x128xf32, #tpu.memory_space<hbm>>) dst(%arg8 : memref<128x128xf32, #tpu.memory_space<vmem>>)
      %add3A_46 = arith.constant 1 : i32
      %add3A_47 = arith.addi %add3A_34, %add3A_46 : i32
      %lt3A_48 = arith.constant 80 : i32
      %lt3A_49 = arith.cmpi slt, %add3A_47, %lt3A_48 : i32
      %convert_element_type3A_50 = arith.extui %lt3A_49 : i1 to i32
      %cond3A_51 = arith.constant 0 : i32
      %cond3A_52 = arith.cmpi ne, %convert_element_type3A_50, %cond3A_51 : i32
      scf.if %cond3A_52 {
        %dma_start3A_81 = arith.constant 1 : i32
        %dma_start3A_82 = arith.constant 0 : i32
        %dma_start3A_83 = arith.constant 0 : i32
        %dma_start3A_84 = tpu.memref_slice %arg7[%dma_start3A_81, %dma_start3A_82, %dma_start3A_83] : memref<2x2x128xi32, #tpu.memory_space<vmem>> -> memref<1x1x128xi32, #tpu.memory_space<vmem>>
        %dma_start3A_85 = tpu.memref_squeeze %dma_start3A_84 : memref<1x1x128xi32, #tpu.memory_space<vmem>> -> memref<128xi32, #tpu.memory_space<vmem>>
        %dma_start3A_86 = arith.constant 0 : i32
        %dma_start3A_87 = arith.constant 0 : i32
        %dma_start3A_88 = tpu.memref_slice %arg2[%dma_start3A_86, %dma_start3A_87] : memref<10000x128xf32, #tpu.memory_space<hbm>> -> memref<10000x128xf32, #tpu.memory_space<hbm>>
        tpu.enqueue_indirect_dma source(%dma_start3A_88 : memref<10000x128xf32, #tpu.memory_space<hbm>>) target(%arg9 : memref<128x128xf32, #tpu.memory_space<vmem>>) offsets(%dma_start3A_85 : memref<128xi32, #tpu.memory_space<vmem>>) semaphore(%arg11 : memref<!tpu.dma_semaphore, #tpu.memory_space<semaphore_mem>>)
      } else {
      }
      %run_scoped3A_53 = arith.constant 0 : i32
      %run_scoped3A_54 = arith.constant 1 : i32
      "tpu.region"() ({
        %run_scoped3A_81 = tpu.sem_alloc : memref<!tpu.dma_semaphore, #tpu.memory_space<semaphore_mem>>
        %dma_start3A_82 = arith.constant 0 : i32
        %dma_start3A_83 = tpu.memref_slice %arg7[%run_scoped3A_53, %run_scoped3A_54, %dma_start3A_82] : memref<2x2x128xi32, #tpu.memory_space<vmem>> -> memref<1x1x128xi32, #tpu.memory_space<vmem>>
        %dma_start3A_84 = tpu.memref_squeeze %dma_start3A_83 : memref<1x1x128xi32, #tpu.memory_space<vmem>> -> memref<128xi32, #tpu.memory_space<vmem>>
        %dma_start3A_85 = arith.constant 0 : i32
        %dma_start3A_86 = arith.constant 0 : i32
        %dma_start3A_87 = tpu.memref_slice %arg6[%dma_start3A_85, %dma_start3A_86] : memref<10240x128xf32, #tpu.memory_space<vmem_shared>> -> memref<10240x128xf32, #tpu.memory_space<vmem_shared>>
        tpu.enqueue_indirect_dma source(%arg8 : memref<128x128xf32, #tpu.memory_space<vmem>>) target(%dma_start3A_87 : memref<10240x128xf32, #tpu.memory_space<vmem_shared>>) offsets(%dma_start3A_84 : memref<128xi32, #tpu.memory_space<vmem>>) semaphore(%run_scoped3A_81 : memref<!tpu.dma_semaphore, #tpu.memory_space<semaphore_mem>>) {add = true}
        %dma_wait3A_88 = arith.constant 0 : i32
        %dma_wait3A_89 = tpu.memref_slice %arg7[%run_scoped3A_53, %run_scoped3A_54, %dma_wait3A_88] : memref<2x2x128xi32, #tpu.memory_space<vmem>> -> memref<1x1x128xi32, #tpu.memory_space<vmem>>
        %dma_wait3A_90 = tpu.memref_squeeze %dma_wait3A_89 : memref<1x1x128xi32, #tpu.memory_space<vmem>> -> memref<128xi32, #tpu.memory_space<vmem>>
        %dma_wait3A_91 = arith.constant 0 : i32
        %dma_wait3A_92 = arith.constant 0 : i32
        %dma_wait3A_93 = tpu.memref_slice %arg6[%dma_wait3A_91, %dma_wait3A_92] : memref<10240x128xf32, #tpu.memory_space<vmem_shared>> -> memref<10240x128xf32, #tpu.memory_space<vmem_shared>>
        tpu.wait_indirect_dma semaphore(%run_scoped3A_81 : memref<!tpu.dma_semaphore, #tpu.memory_space<semaphore_mem>>) src(%arg8 : memref<128x128xf32, #tpu.memory_space<vmem>>) dst(%dma_wait3A_93 : memref<10240x128xf32, #tpu.memory_space<vmem_shared>>)
        tpu.yield
      }) : () -> ()
      %add3A_55 = arith.constant 1 : i32
      %add3A_56 = arith.addi %add3A_32, %add3A_55 : i32
      %add3A_57 = arith.constant 1 : i32
      %add3A_58 = arith.addi %add3A_56, %add3A_57 : i32
      %lt3A_59 = arith.constant 80 : i32
      %lt3A_60 = arith.cmpi slt, %add3A_58, %lt3A_59 : i32
      %convert_element_type3A_61 = arith.extui %lt3A_60 : i1 to i32
      %cond3A_62 = arith.constant 0 : i32
      %cond3A_63 = arith.cmpi ne, %convert_element_type3A_61, %cond3A_62 : i32
      scf.if %cond3A_63 {
        %add3A_81 = arith.constant 1 : i32
        %add3A_82 = arith.addi %add3A_56, %add3A_81 : i32
        %run_scoped3A_83 = arith.constant 0 : i32
        "tpu.region"() ({
          %run_scoped3A_84 = tpu.sem_alloc : memref<!tpu.dma_semaphore, #tpu.memory_space<semaphore_mem>>
          %dma_start3A_85 = arith.constant 0 : i32
          %dma_start3A_86 = arith.constant 0 : i32
          %dma_start3A_87 = tpu.memref_slice %arg7[%run_scoped3A_83, %dma_start3A_85, %dma_start3A_86] : memref<2x2x128xi32, #tpu.memory_space<vmem>> -> memref<1x2x128xi32, #tpu.memory_space<vmem>>
          %dma_start3A_88 = tpu.memref_squeeze %dma_start3A_87 : memref<1x2x128xi32, #tpu.memory_space<vmem>> -> memref<2x128xi32, #tpu.memory_space<vmem>>
          %dma_start3A_89 = arith.constant 0 : i32
          %dma_start3A_90 = arith.constant 0 : i32
          %dma_start3A_91 = tpu.memref_slice %arg3[%add3A, %add3A_82, %dma_start3A_89, %dma_start3A_90] : memref<32x80x2x128xi32, #tpu.memory_space<hbm>> -> memref<1x1x2x128xi32, #tpu.memory_space<hbm>>
          %dma_start3A_92 = tpu.memref_squeeze %dma_start3A_91 : memref<1x1x2x128xi32, #tpu.memory_space<hbm>> -> memref<2x128xi32, #tpu.memory_space<hbm>>
          %dma_start3A_93 = arith.constant 0 : i32
          %dma_start3A_94 = arith.constant 0 : i32
          %dma_start3A_95 = tpu.memref_slice %arg7[%run_scoped3A_83, %dma_start3A_93, %dma_start3A_94] : memref<2x2x128xi32, #tpu.memory_space<vmem>> -> memref<1x2x128xi32, #tpu.memory_space<vmem>>
          %dma_start3A_96 = tpu.memref_squeeze %dma_start3A_95 : memref<1x2x128xi32, #tpu.memory_space<vmem>> -> memref<2x128xi32, #tpu.memory_space<vmem>>
          %dma_start3A_97 = arith.constant 0 : i32
          %dma_start3A_98 = arith.constant 0 : i32
          %dma_start3A_99 = tpu.memref_slice %arg3[%add3A, %add3A_82, %dma_start3A_97, %dma_start3A_98] : memref<32x80x2x128xi32, #tpu.memory_space<hbm>> -> memref<1x1x2x128xi32, #tpu.memory_space<hbm>>
          %dma_start3A_100 = tpu.memref_squeeze %dma_start3A_99 : memref<1x1x2x128xi32, #tpu.memory_space<hbm>> -> memref<2x128xi32, #tpu.memory_space<hbm>>
          tpu.enqueue_dma source(%dma_start3A_100 : memref<2x128xi32, #tpu.memory_space<hbm>>) target(%dma_start3A_96 : memref<2x128xi32, #tpu.memory_space<vmem>>) target_semaphore(%run_scoped3A_84 : memref<!tpu.dma_semaphore, #tpu.memory_space<semaphore_mem>>)
          %dma_wait3A_101 = arith.constant 0 : i32
          %dma_wait3A_102 = arith.constant 0 : i32
          %dma_wait3A_103 = tpu.memref_slice %arg7[%run_scoped3A_83, %dma_wait3A_101, %dma_wait3A_102] : memref<2x2x128xi32, #tpu.memory_space<vmem>> -> memref<1x2x128xi32, #tpu.memory_space<vmem>>
          %dma_wait3A_104 = tpu.memref_squeeze %dma_wait3A_103 : memref<1x2x128xi32, #tpu.memory_space<vmem>> -> memref<2x128xi32, #tpu.memory_space<vmem>>
          %dma_wait3A_105 = arith.constant 0 : i32
          %dma_wait3A_106 = arith.constant 0 : i32
          %dma_wait3A_107 = tpu.memref_slice %arg3[%add3A, %add3A_82, %dma_wait3A_105, %dma_wait3A_106] : memref<32x80x2x128xi32, #tpu.memory_space<hbm>> -> memref<1x1x2x128xi32, #tpu.memory_space<hbm>>
          %dma_wait3A_108 = tpu.memref_squeeze %dma_wait3A_107 : memref<1x1x2x128xi32, #tpu.memory_space<hbm>> -> memref<2x128xi32, #tpu.memory_space<hbm>>
          %dma_wait3A_109 = arith.constant 0 : i32
          %dma_wait3A_110 = arith.constant 0 : i32
          %dma_wait3A_111 = tpu.memref_slice %arg7[%run_scoped3A_83, %dma_wait3A_109, %dma_wait3A_110] : memref<2x2x128xi32, #tpu.memory_space<vmem>> -> memref<1x2x128xi32, #tpu.memory_space<vmem>>
          %dma_wait3A_112 = tpu.memref_squeeze %dma_wait3A_111 : memref<1x2x128xi32, #tpu.memory_space<vmem>> -> memref<2x128xi32, #tpu.memory_space<vmem>>
          %dma_wait3A_113 = arith.constant 0 : i32
          %dma_wait3A_114 = arith.constant 0 : i32
          %dma_wait3A_115 = tpu.memref_slice %arg3[%add3A, %add3A_82, %dma_wait3A_113, %dma_wait3A_114] : memref<32x80x2x128xi32, #tpu.memory_space<hbm>> -> memref<1x1x2x128xi32, #tpu.memory_space<hbm>>
          %dma_wait3A_116 = tpu.memref_squeeze %dma_wait3A_115 : memref<1x1x2x128xi32, #tpu.memory_space<hbm>> -> memref<2x128xi32, #tpu.memory_space<hbm>>
          tpu.wait_dma2 semaphore(%run_scoped3A_84 : memref<!tpu.dma_semaphore, #tpu.memory_space<semaphore_mem>>) src(%dma_wait3A_116 : memref<2x128xi32, #tpu.memory_space<hbm>>) dst(%dma_wait3A_112 : memref<2x128xi32, #tpu.memory_space<vmem>>)
          tpu.yield
        }) : () -> ()
      } else {
      }
      %dma_wait3A_64 = arith.constant 1 : i32
      %dma_wait3A_65 = arith.constant 0 : i32
      %dma_wait3A_66 = arith.constant 0 : i32
      %dma_wait3A_67 = tpu.memref_slice %arg7[%dma_wait3A_64, %dma_wait3A_65, %dma_wait3A_66] : memref<2x2x128xi32, #tpu.memory_space<vmem>> -> memref<1x1x128xi32, #tpu.memory_space<vmem>>
      %dma_wait3A_68 = tpu.memref_squeeze %dma_wait3A_67 : memref<1x1x128xi32, #tpu.memory_space<vmem>> -> memref<128xi32, #tpu.memory_space<vmem>>
      %dma_wait3A_69 = arith.constant 0 : i32
      %dma_wait3A_70 = arith.constant 0 : i32
      %dma_wait3A_71 = tpu.memref_slice %arg2[%dma_wait3A_69, %dma_wait3A_70] : memref<10000x128xf32, #tpu.memory_space<hbm>> -> memref<10000x128xf32, #tpu.memory_space<hbm>>
      tpu.wait_indirect_dma semaphore(%arg11 : memref<!tpu.dma_semaphore, #tpu.memory_space<semaphore_mem>>) src(%dma_wait3A_71 : memref<10000x128xf32, #tpu.memory_space<hbm>>) dst(%arg9 : memref<128x128xf32, #tpu.memory_space<vmem>>)
      %add3A_72 = arith.constant 1 : i32
      %add3A_73 = arith.addi %add3A_56, %add3A_72 : i32
      %lt3A_74 = arith.constant 80 : i32
      %lt3A_75 = arith.cmpi slt, %add3A_73, %lt3A_74 : i32
      %convert_element_type3A_76 = arith.extui %lt3A_75 : i1 to i32
      %cond3A_77 = arith.constant 0 : i32
      %cond3A_78 = arith.cmpi ne, %convert_element_type3A_76, %cond3A_77 : i32
      scf.if %cond3A_78 {
        %dma_start3A_81 = arith.constant 0 : i32
        %dma_start3A_82 = arith.constant 0 : i32
        %dma_start3A_83 = arith.constant 0 : i32
        %dma_start3A_84 = tpu.memref_slice %arg7[%dma_start3A_81, %dma_start3A_82, %dma_start3A_83] : memref<2x2x128xi32, #tpu.memory_space<vmem>> -> memref<1x1x128xi32, #tpu.memory_space<vmem>>
        %dma_start3A_85 = tpu.memref_squeeze %dma_start3A_84 : memref<1x1x128xi32, #tpu.memory_space<vmem>> -> memref<128xi32, #tpu.memory_space<vmem>>
        %dma_start3A_86 = arith.constant 0 : i32
        %dma_start3A_87 = arith.constant 0 : i32
        %dma_start3A_88 = tpu.memref_slice %arg2[%dma_start3A_86, %dma_start3A_87] : memref<10000x128xf32, #tpu.memory_space<hbm>> -> memref<10000x128xf32, #tpu.memory_space<hbm>>
        tpu.enqueue_indirect_dma source(%dma_start3A_88 : memref<10000x128xf32, #tpu.memory_space<hbm>>) target(%arg8 : memref<128x128xf32, #tpu.memory_space<vmem>>) offsets(%dma_start3A_85 : memref<128xi32, #tpu.memory_space<vmem>>) semaphore(%arg10 : memref<!tpu.dma_semaphore, #tpu.memory_space<semaphore_mem>>)
      } else {
      }
      %run_scoped3A_79 = arith.constant 1 : i32
      %run_scoped3A_80 = arith.constant 1 : i32
      "tpu.region"() ({
        %run_scoped3A_81 = tpu.sem_alloc : memref<!tpu.dma_semaphore, #tpu.memory_space<semaphore_mem>>
        %dma_start3A_82 = arith.constant 0 : i32
        %dma_start3A_83 = tpu.memref_slice %arg7[%run_scoped3A_79, %run_scoped3A_80, %dma_start3A_82] : memref<2x2x128xi32, #tpu.memory_space<vmem>> -> memref<1x1x128xi32, #tpu.memory_space<vmem>>
        %dma_start3A_84 = tpu.memref_squeeze %dma_start3A_83 : memref<1x1x128xi32, #tpu.memory_space<vmem>> -> memref<128xi32, #tpu.memory_space<vmem>>
        %dma_start3A_85 = arith.constant 0 : i32
        %dma_start3A_86 = arith.constant 0 : i32
        %dma_start3A_87 = tpu.memref_slice %arg6[%dma_start3A_85, %dma_start3A_86] : memref<10240x128xf32, #tpu.memory_space<vmem_shared>> -> memref<10240x128xf32, #tpu.memory_space<vmem_shared>>
        tpu.enqueue_indirect_dma source(%arg9 : memref<128x128xf32, #tpu.memory_space<vmem>>) target(%dma_start3A_87 : memref<10240x128xf32, #tpu.memory_space<vmem_shared>>) offsets(%dma_start3A_84 : memref<128xi32, #tpu.memory_space<vmem>>) semaphore(%run_scoped3A_81 : memref<!tpu.dma_semaphore, #tpu.memory_space<semaphore_mem>>) {add = true}
        %dma_wait3A_88 = arith.constant 0 : i32
        %dma_wait3A_89 = tpu.memref_slice %arg7[%run_scoped3A_79, %run_scoped3A_80, %dma_wait3A_88] : memref<2x2x128xi32, #tpu.memory_space<vmem>> -> memref<1x1x128xi32, #tpu.memory_space<vmem>>
        %dma_wait3A_90 = tpu.memref_squeeze %dma_wait3A_89 : memref<1x1x128xi32, #tpu.memory_space<vmem>> -> memref<128xi32, #tpu.memory_space<vmem>>
        %dma_wait3A_91 = arith.constant 0 : i32
        %dma_wait3A_92 = arith.constant 0 : i32
        %dma_wait3A_93 = tpu.memref_slice %arg6[%dma_wait3A_91, %dma_wait3A_92] : memref<10240x128xf32, #tpu.memory_space<vmem_shared>> -> memref<10240x128xf32, #tpu.memory_space<vmem_shared>>
        tpu.wait_indirect_dma semaphore(%run_scoped3A_81 : memref<!tpu.dma_semaphore, #tpu.memory_space<semaphore_mem>>) src(%arg9 : memref<128x128xf32, #tpu.memory_space<vmem>>) dst(%dma_wait3A_93 : memref<10240x128xf32, #tpu.memory_space<vmem_shared>>)
        tpu.yield
      }) : () -> ()
    }
    %scan3A_20 = arith.constant 40 : i32
    %barrier3A_21 = arith.constant 0 : index
    tpu.barrier barrier_id(%barrier3A_21)
    %scan3A_22 = arith.constant 0 : i32
    %scan3A_23 = arith.constant 0 : i32
    %scan3A_24 = arith.constant 5 : i32
    %scan3A_25 = arith.addi %scan3A_23, %scan3A_24 : i32
    %scan3A_26 = arith.constant 1 : i32
    scf.for %scan3A_28 = %scan3A_23 to %scan3A_25 step %scan3A_26  : i32 {
      %mul3A_29 = arith.constant 128 : i32
      %mul3A_30 = arith.muli %scan3A_28, %mul3A_29 : i32
      %add3A_31 = arith.addi %mul3A_2, %mul3A_30 : i32
      "tpu.region"() ({
        %run_scoped3A_32 = tpu.sem_alloc : memref<!tpu.dma_semaphore, #tpu.memory_space<semaphore_mem>>
        %dma_start3A_33 = arith.constant 0 : i32
        %dma_start3A_34 = tpu.memref_slice %arg6[%add3A_31, %dma_start3A_33] : memref<10240x128xf32, #tpu.memory_space<vmem_shared>> -> memref<128x128xf32, #tpu.memory_space<vmem_shared>>
        %dma_start3A_35 = arith.constant 0 : i32
        %dma_start3A_36 = tpu.memref_slice %arg6[%add3A_31, %dma_start3A_35] : memref<10240x128xf32, #tpu.memory_space<vmem_shared>> -> memref<128x128xf32, #tpu.memory_space<vmem_shared>>
        tpu.enqueue_dma source(%dma_start3A_36 : memref<128x128xf32, #tpu.memory_space<vmem_shared>>) target(%arg8 : memref<128x128xf32, #tpu.memory_space<vmem>>) target_semaphore(%run_scoped3A_32 : memref<!tpu.dma_semaphore, #tpu.memory_space<semaphore_mem>>)
        %dma_wait3A = arith.constant 0 : i32
        %dma_wait3A_37 = tpu.memref_slice %arg6[%add3A_31, %dma_wait3A] : memref<10240x128xf32, #tpu.memory_space<vmem_shared>> -> memref<128x128xf32, #tpu.memory_space<vmem_shared>>
        %dma_wait3A_38 = arith.constant 0 : i32
        %dma_wait3A_39 = tpu.memref_slice %arg6[%add3A_31, %dma_wait3A_38] : memref<10240x128xf32, #tpu.memory_space<vmem_shared>> -> memref<128x128xf32, #tpu.memory_space<vmem_shared>>
        tpu.wait_dma2 semaphore(%run_scoped3A_32 : memref<!tpu.dma_semaphore, #tpu.memory_space<semaphore_mem>>) src(%dma_wait3A_39 : memref<128x128xf32, #tpu.memory_space<vmem_shared>>) dst(%arg8 : memref<128x128xf32, #tpu.memory_space<vmem>>)
        tpu.yield
      }) : () -> ()
      "tpu.region"() ({
        %run_scoped3A_32 = tpu.sem_alloc : memref<!tpu.dma_semaphore, #tpu.memory_space<semaphore_mem>>
        %dma_start3A_33 = arith.constant 0 : i32
        %dma_start3A_34 = tpu.memref_slice %arg5[%arg0, %add3A_31, %dma_start3A_33] : memref<2x10240x128xf32, #tpu.memory_space<hbm>> -> memref<1x128x128xf32, #tpu.memory_space<hbm>>
        %dma_start3A_35 = tpu.memref_squeeze %dma_start3A_34 : memref<1x128x128xf32, #tpu.memory_space<hbm>> -> memref<128x128xf32, #tpu.memory_space<hbm>>
        %dma_start3A_36 = arith.constant 0 : i32
        %dma_start3A_37 = tpu.memref_slice %arg5[%arg0, %add3A_31, %dma_start3A_36] : memref<2x10240x128xf32, #tpu.memory_space<hbm>> -> memref<1x128x128xf32, #tpu.memory_space<hbm>>
        %dma_start3A_38 = tpu.memref_squeeze %dma_start3A_37 : memref<1x128x128xf32, #tpu.memory_space<hbm>> -> memref<128x128xf32, #tpu.memory_space<hbm>>
        tpu.enqueue_dma source(%arg8 : memref<128x128xf32, #tpu.memory_space<vmem>>) target(%dma_start3A_38 : memref<128x128xf32, #tpu.memory_space<hbm>>) target_semaphore(%run_scoped3A_32 : memref<!tpu.dma_semaphore, #tpu.memory_space<semaphore_mem>>)
        %dma_wait3A = arith.constant 0 : i32
        %dma_wait3A_39 = tpu.memref_slice %arg5[%arg0, %add3A_31, %dma_wait3A] : memref<2x10240x128xf32, #tpu.memory_space<hbm>> -> memref<1x128x128xf32, #tpu.memory_space<hbm>>
        %dma_wait3A_40 = tpu.memref_squeeze %dma_wait3A_39 : memref<1x128x128xf32, #tpu.memory_space<hbm>> -> memref<128x128xf32, #tpu.memory_space<hbm>>
        %dma_wait3A_41 = arith.constant 0 : i32
        %dma_wait3A_42 = tpu.memref_slice %arg5[%arg0, %add3A_31, %dma_wait3A_41] : memref<2x10240x128xf32, #tpu.memory_space<hbm>> -> memref<1x128x128xf32, #tpu.memory_space<hbm>>
        %dma_wait3A_43 = tpu.memref_squeeze %dma_wait3A_42 : memref<1x128x128xf32, #tpu.memory_space<hbm>> -> memref<128x128xf32, #tpu.memory_space<hbm>>
        tpu.wait_dma2 semaphore(%run_scoped3A_32 : memref<!tpu.dma_semaphore, #tpu.memory_space<semaphore_mem>>) src(%arg8 : memref<128x128xf32, #tpu.memory_space<vmem>>) dst(%dma_wait3A_43 : memref<128x128xf32, #tpu.memory_space<hbm>>)
        tpu.yield
      }) : () -> ()
    }
    %scan3A_27 = arith.constant 5 : i32
    return
  }
}

#map = affine_map<(d0, d1) -> (0, 0)>
#map1 = affine_map<(d0, d1) -> (0, 0, 0, 0)>
#map2 = affine_map<(d0, d1) -> (0, 0, 0)>
module attributes {stable_mosaic.version = 14 : i64} {
  func.func @seg(%arg0: i32, %arg1: i32, %arg2: memref<10000x128xf32, #tpu.memory_space<hbm>>, %arg3: memref<32x80x2x128xi32, #tpu.memory_space<hbm>>, %arg4: memref<128x128xf32, #tpu.memory_space<hbm>>, %arg5: memref<2x10240x128xf32, #tpu.memory_space<hbm>>, %arg6: memref<10240x128xf32, #tpu.memory_space<vmem_shared>>, %arg7: memref<2x2x128xi32, #tpu.memory_space<vmem>>, %arg8: memref<128x128xf32, #tpu.memory_space<vmem>>, %arg9: memref<128x128xf32, #tpu.memory_space<vmem>>, %arg10: memref<!tpu.dma_semaphore, #tpu.memory_space<semaphore_mem>>, %arg11: memref<!tpu.dma_semaphore, #tpu.memory_space<semaphore_mem>>) attributes {dimension_semantics = [#tpu.dimension_semantics<core_parallel>, #tpu.dimension_semantics<subcore_parallel>], iteration_bounds = array<i64: 2, 16>, scalar_prefetch = 0 : i64, scratch_operands = 6 : i64, tpu.core_type = #tpu.core_type<sc_vector_subcore>, window_params = [{transform_indices = #map}, {transform_indices = #map1}, {transform_indices = #map}, {transform_indices = #map2}]} {
    %mul3A = arith.constant 2 : i32
    %mul3A_0 = arith.muli %arg1, %mul3A : i32
    %add3A = arith.addi %mul3A_0, %arg0 : i32
    %mul3A_1 = arith.constant 640 : i32
    %mul3A_2 = arith.muli %arg1, %mul3A_1 : i32
    "tpu.region"() ({
      %run_scoped3A_28 = tpu.sem_alloc : memref<!tpu.dma_semaphore, #tpu.memory_space<semaphore_mem>>
      tpu.enqueue_dma source(%arg4 : memref<128x128xf32, #tpu.memory_space<hbm>>) target(%arg8 : memref<128x128xf32, #tpu.memory_space<vmem>>) target_semaphore(%run_scoped3A_28 : memref<!tpu.dma_semaphore, #tpu.memory_space<semaphore_mem>>)
      tpu.wait_dma2 semaphore(%run_scoped3A_28 : memref<!tpu.dma_semaphore, #tpu.memory_space<semaphore_mem>>) src(%arg4 : memref<128x128xf32, #tpu.memory_space<hbm>>) dst(%arg8 : memref<128x128xf32, #tpu.memory_space<vmem>>)
      tpu.yield
    }) : () -> ()
    %scan3A = arith.constant 0 : i32
    %scan3A_3 = arith.constant 0 : i32
    %scan3A_4 = arith.constant 5 : i32
    %scan3A_5 = arith.addi %scan3A_3, %scan3A_4 : i32
    %scan3A_6 = arith.constant 1 : i32
    scf.for %scan3A_28 = %scan3A_3 to %scan3A_5 step %scan3A_6  : i32 {
      %mul3A_29 = arith.constant 128 : i32
      %mul3A_30 = arith.muli %scan3A_28, %mul3A_29 : i32
      %add3A_31 = arith.addi %mul3A_2, %mul3A_30 : i32
      "tpu.region"() ({
        %run_scoped3A_32 = tpu.sem_alloc : memref<!tpu.dma_semaphore, #tpu.memory_space<semaphore_mem>>
        %dma_start3A_33 = arith.constant 0 : i32
        %dma_start3A_34 = tpu.memref_slice %arg6[%add3A_31, %dma_start3A_33] : memref<10240x128xf32, #tpu.memory_space<vmem_shared>> -> memref<128x128xf32, #tpu.memory_space<vmem_shared>>
        %dma_start3A_35 = arith.constant 0 : i32
        %dma_start3A_36 = tpu.memref_slice %arg6[%add3A_31, %dma_start3A_35] : memref<10240x128xf32, #tpu.memory_space<vmem_shared>> -> memref<128x128xf32, #tpu.memory_space<vmem_shared>>
        tpu.enqueue_dma source(%arg8 : memref<128x128xf32, #tpu.memory_space<vmem>>) target(%dma_start3A_36 : memref<128x128xf32, #tpu.memory_space<vmem_shared>>) target_semaphore(%run_scoped3A_32 : memref<!tpu.dma_semaphore, #tpu.memory_space<semaphore_mem>>)
        %dma_wait3A = arith.constant 0 : i32
        %dma_wait3A_37 = tpu.memref_slice %arg6[%add3A_31, %dma_wait3A] : memref<10240x128xf32, #tpu.memory_space<vmem_shared>> -> memref<128x128xf32, #tpu.memory_space<vmem_shared>>
        %dma_wait3A_38 = arith.constant 0 : i32
        %dma_wait3A_39 = tpu.memref_slice %arg6[%add3A_31, %dma_wait3A_38] : memref<10240x128xf32, #tpu.memory_space<vmem_shared>> -> memref<128x128xf32, #tpu.memory_space<vmem_shared>>
        tpu.wait_dma2 semaphore(%run_scoped3A_32 : memref<!tpu.dma_semaphore, #tpu.memory_space<semaphore_mem>>) src(%arg8 : memref<128x128xf32, #tpu.memory_space<vmem>>) dst(%dma_wait3A_39 : memref<128x128xf32, #tpu.memory_space<vmem_shared>>)
        tpu.yield
      }) : () -> ()
    }
    %scan3A_7 = arith.constant 5 : i32
    %barrier3A = arith.constant 0 : index
    tpu.barrier barrier_id(%barrier3A)
    %run_scoped3A = arith.constant 0 : i32
    %run_scoped3A_8 = arith.constant 0 : i32
    "tpu.region"() ({
      %run_scoped3A_28 = tpu.sem_alloc : memref<!tpu.dma_semaphore, #tpu.memory_space<semaphore_mem>>
      %dma_start3A_29 = arith.constant 0 : i32
      %dma_start3A_30 = arith.constant 0 : i32
      %dma_start3A_31 = tpu.memref_slice %arg7[%run_scoped3A_8, %dma_start3A_29, %dma_start3A_30] : memref<2x2x128xi32, #tpu.memory_space<vmem>> -> memref<1x2x128xi32, #tpu.memory_space<vmem>>
      %dma_start3A_32 = tpu.memref_squeeze %dma_start3A_31 : memref<1x2x128xi32, #tpu.memory_space<vmem>> -> memref<2x128xi32, #tpu.memory_space<vmem>>
      %dma_start3A_33 = arith.constant 0 : i32
      %dma_start3A_34 = arith.constant 0 : i32
      %dma_start3A_35 = tpu.memref_slice %arg3[%add3A, %run_scoped3A, %dma_start3A_33, %dma_start3A_34] : memref<32x80x2x128xi32, #tpu.memory_space<hbm>> -> memref<1x1x2x128xi32, #tpu.memory_space<hbm>>
      %dma_start3A_36 = tpu.memref_squeeze %dma_start3A_35 : memref<1x1x2x128xi32, #tpu.memory_space<hbm>> -> memref<2x128xi32, #tpu.memory_space<hbm>>
      %dma_start3A_37 = arith.constant 0 : i32
      %dma_start3A_38 = arith.constant 0 : i32
      %dma_start3A_39 = tpu.memref_slice %arg7[%run_scoped3A_8, %dma_start3A_37, %dma_start3A_38] : memref<2x2x128xi32, #tpu.memory_space<vmem>> -> memref<1x2x128xi32, #tpu.memory_space<vmem>>
      %dma_start3A_40 = tpu.memref_squeeze %dma_start3A_39 : memref<1x2x128xi32, #tpu.memory_space<vmem>> -> memref<2x128xi32, #tpu.memory_space<vmem>>
      %dma_start3A_41 = arith.constant 0 : i32
      %dma_start3A_42 = arith.constant 0 : i32
      %dma_start3A_43 = tpu.memref_slice %arg3[%add3A, %run_scoped3A, %dma_start3A_41, %dma_start3A_42] : memref<32x80x2x128xi32, #tpu.memory_space<hbm>> -> memref<1x1x2x128xi32, #tpu.memory_space<hbm>>
      %dma_start3A_44 = tpu.memref_squeeze %dma_start3A_43 : memref<1x1x2x128xi32, #tpu.memory_space<hbm>> -> memref<2x128xi32, #tpu.memory_space<hbm>>
      tpu.enqueue_dma source(%dma_start3A_44 : memref<2x128xi32, #tpu.memory_space<hbm>>) target(%dma_start3A_40 : memref<2x128xi32, #tpu.memory_space<vmem>>) target_semaphore(%run_scoped3A_28 : memref<!tpu.dma_semaphore, #tpu.memory_space<semaphore_mem>>)
      %dma_wait3A = arith.constant 0 : i32
      %dma_wait3A_45 = arith.constant 0 : i32
      %dma_wait3A_46 = tpu.memref_slice %arg7[%run_scoped3A_8, %dma_wait3A, %dma_wait3A_45] : memref<2x2x128xi32, #tpu.memory_space<vmem>> -> memref<1x2x128xi32, #tpu.memory_space<vmem>>
      %dma_wait3A_47 = tpu.memref_squeeze %dma_wait3A_46 : memref<1x2x128xi32, #tpu.memory_space<vmem>> -> memref<2x128xi32, #tpu.memory_space<vmem>>
      %dma_wait3A_48 = arith.constant 0 : i32
      %dma_wait3A_49 = arith.constant 0 : i32
      %dma_wait3A_50 = tpu.memref_slice %arg3[%add3A, %run_scoped3A, %dma_wait3A_48, %dma_wait3A_49] : memref<32x80x2x128xi32, #tpu.memory_space<hbm>> -> memref<1x1x2x128xi32, #tpu.memory_space<hbm>>
      %dma_wait3A_51 = tpu.memref_squeeze %dma_wait3A_50 : memref<1x1x2x128xi32, #tpu.memory_space<hbm>> -> memref<2x128xi32, #tpu.memory_space<hbm>>
      %dma_wait3A_52 = arith.constant 0 : i32
      %dma_wait3A_53 = arith.constant 0 : i32
      %dma_wait3A_54 = tpu.memref_slice %arg7[%run_scoped3A_8, %dma_wait3A_52, %dma_wait3A_53] : memref<2x2x128xi32, #tpu.memory_space<vmem>> -> memref<1x2x128xi32, #tpu.memory_space<vmem>>
      %dma_wait3A_55 = tpu.memref_squeeze %dma_wait3A_54 : memref<1x2x128xi32, #tpu.memory_space<vmem>> -> memref<2x128xi32, #tpu.memory_space<vmem>>
      %dma_wait3A_56 = arith.constant 0 : i32
      %dma_wait3A_57 = arith.constant 0 : i32
      %dma_wait3A_58 = tpu.memref_slice %arg3[%add3A, %run_scoped3A, %dma_wait3A_56, %dma_wait3A_57] : memref<32x80x2x128xi32, #tpu.memory_space<hbm>> -> memref<1x1x2x128xi32, #tpu.memory_space<hbm>>
      %dma_wait3A_59 = tpu.memref_squeeze %dma_wait3A_58 : memref<1x1x2x128xi32, #tpu.memory_space<hbm>> -> memref<2x128xi32, #tpu.memory_space<hbm>>
      tpu.wait_dma2 semaphore(%run_scoped3A_28 : memref<!tpu.dma_semaphore, #tpu.memory_space<semaphore_mem>>) src(%dma_wait3A_59 : memref<2x128xi32, #tpu.memory_space<hbm>>) dst(%dma_wait3A_55 : memref<2x128xi32, #tpu.memory_space<vmem>>)
      tpu.yield
    }) : () -> ()
    %dma_start3A = arith.constant 0 : i32
    %dma_start3A_9 = arith.constant 0 : i32
    %dma_start3A_10 = arith.constant 0 : i32
    %dma_start3A_11 = tpu.memref_slice %arg7[%dma_start3A, %dma_start3A_9, %dma_start3A_10] : memref<2x2x128xi32, #tpu.memory_space<vmem>> -> memref<1x1x128xi32, #tpu.memory_space<vmem>>
    %dma_start3A_12 = tpu.memref_squeeze %dma_start3A_11 : memref<1x1x128xi32, #tpu.memory_space<vmem>> -> memref<128xi32, #tpu.memory_space<vmem>>
    %dma_start3A_13 = arith.constant 0 : i32
    %dma_start3A_14 = arith.constant 0 : i32
    %dma_start3A_15 = tpu.memref_slice %arg2[%dma_start3A_13, %dma_start3A_14] : memref<10000x128xf32, #tpu.memory_space<hbm>> -> memref<10000x128xf32, #tpu.memory_space<hbm>>
    tpu.enqueue_indirect_dma source(%dma_start3A_15 : memref<10000x128xf32, #tpu.memory_space<hbm>>) target(%arg8 : memref<128x128xf32, #tpu.memory_space<vmem>>) offsets(%dma_start3A_12 : memref<128xi32, #tpu.memory_space<vmem>>) semaphore(%arg10 : memref<!tpu.dma_semaphore, #tpu.memory_space<semaphore_mem>>)
    %scan3A_16 = arith.constant 0 : i32
    %scan3A_17 = arith.constant 40 : i32
    %scan3A_18 = arith.addi %scan3A_16, %scan3A_17 : i32
    %scan3A_19 = arith.constant 1 : i32
    scf.for %scan3A_28 = %scan3A_16 to %scan3A_18 step %scan3A_19  : i32 {
      %mul3A_29 = arith.constant 2 : i32
      %mul3A_30 = arith.muli %scan3A_28, %mul3A_29 : i32
      %add3A_31 = arith.constant 0 : i32
      %add3A_32 = arith.addi %add3A_31, %mul3A_30 : i32
      %add3A_33 = arith.constant 0 : i32
      %add3A_34 = arith.addi %add3A_32, %add3A_33 : i32
      %add3A_35 = arith.constant 1 : i32
      %add3A_36 = arith.addi %add3A_34, %add3A_35 : i32
      %lt3A = arith.constant 80 : i32
      %lt3A_37 = arith.cmpi slt, %add3A_36, %lt3A : i32
      %convert_element_type3A = arith.extui %lt3A_37 : i1 to i32
      %cond3A = arith.constant 0 : i32
      %cond3A_38 = arith.cmpi ne, %convert_element_type3A, %cond3A : i32
      scf.if %cond3A_38 {
        %add3A_81 = arith.constant 1 : i32
        %add3A_82 = arith.addi %add3A_34, %add3A_81 : i32
        %run_scoped3A_83 = arith.constant 1 : i32
        "tpu.region"() ({
          %run_scoped3A_84 = tpu.sem_alloc : memref<!tpu.dma_semaphore, #tpu.memory_space<semaphore_mem>>
          %dma_start3A_85 = arith.constant 0 : i32
          %dma_start3A_86 = arith.constant 0 : i32
          %dma_start3A_87 = tpu.memref_slice %arg7[%run_scoped3A_83, %dma_start3A_85, %dma_start3A_86] : memref<2x2x128xi32, #tpu.memory_space<vmem>> -> memref<1x2x128xi32, #tpu.memory_space<vmem>>
          %dma_start3A_88 = tpu.memref_squeeze %dma_start3A_87 : memref<1x2x128xi32, #tpu.memory_space<vmem>> -> memref<2x128xi32, #tpu.memory_space<vmem>>
          %dma_start3A_89 = arith.constant 0 : i32
          %dma_start3A_90 = arith.constant 0 : i32
          %dma_start3A_91 = tpu.memref_slice %arg3[%add3A, %add3A_82, %dma_start3A_89, %dma_start3A_90] : memref<32x80x2x128xi32, #tpu.memory_space<hbm>> -> memref<1x1x2x128xi32, #tpu.memory_space<hbm>>
          %dma_start3A_92 = tpu.memref_squeeze %dma_start3A_91 : memref<1x1x2x128xi32, #tpu.memory_space<hbm>> -> memref<2x128xi32, #tpu.memory_space<hbm>>
          %dma_start3A_93 = arith.constant 0 : i32
          %dma_start3A_94 = arith.constant 0 : i32
          %dma_start3A_95 = tpu.memref_slice %arg7[%run_scoped3A_83, %dma_start3A_93, %dma_start3A_94] : memref<2x2x128xi32, #tpu.memory_space<vmem>> -> memref<1x2x128xi32, #tpu.memory_space<vmem>>
          %dma_start3A_96 = tpu.memref_squeeze %dma_start3A_95 : memref<1x2x128xi32, #tpu.memory_space<vmem>> -> memref<2x128xi32, #tpu.memory_space<vmem>>
          %dma_start3A_97 = arith.constant 0 : i32
          %dma_start3A_98 = arith.constant 0 : i32
          %dma_start3A_99 = tpu.memref_slice %arg3[%add3A, %add3A_82, %dma_start3A_97, %dma_start3A_98] : memref<32x80x2x128xi32, #tpu.memory_space<hbm>> -> memref<1x1x2x128xi32, #tpu.memory_space<hbm>>
          %dma_start3A_100 = tpu.memref_squeeze %dma_start3A_99 : memref<1x1x2x128xi32, #tpu.memory_space<hbm>> -> memref<2x128xi32, #tpu.memory_space<hbm>>
          tpu.enqueue_dma source(%dma_start3A_100 : memref<2x128xi32, #tpu.memory_space<hbm>>) target(%dma_start3A_96 : memref<2x128xi32, #tpu.memory_space<vmem>>) target_semaphore(%run_scoped3A_84 : memref<!tpu.dma_semaphore, #tpu.memory_space<semaphore_mem>>)
          %dma_wait3A_101 = arith.constant 0 : i32
          %dma_wait3A_102 = arith.constant 0 : i32
          %dma_wait3A_103 = tpu.memref_slice %arg7[%run_scoped3A_83, %dma_wait3A_101, %dma_wait3A_102] : memref<2x2x128xi32, #tpu.memory_space<vmem>> -> memref<1x2x128xi32, #tpu.memory_space<vmem>>
          %dma_wait3A_104 = tpu.memref_squeeze %dma_wait3A_103 : memref<1x2x128xi32, #tpu.memory_space<vmem>> -> memref<2x128xi32, #tpu.memory_space<vmem>>
          %dma_wait3A_105 = arith.constant 0 : i32
          %dma_wait3A_106 = arith.constant 0 : i32
          %dma_wait3A_107 = tpu.memref_slice %arg3[%add3A, %add3A_82, %dma_wait3A_105, %dma_wait3A_106] : memref<32x80x2x128xi32, #tpu.memory_space<hbm>> -> memref<1x1x2x128xi32, #tpu.memory_space<hbm>>
          %dma_wait3A_108 = tpu.memref_squeeze %dma_wait3A_107 : memref<1x1x2x128xi32, #tpu.memory_space<hbm>> -> memref<2x128xi32, #tpu.memory_space<hbm>>
          %dma_wait3A_109 = arith.constant 0 : i32
          %dma_wait3A_110 = arith.constant 0 : i32
          %dma_wait3A_111 = tpu.memref_slice %arg7[%run_scoped3A_83, %dma_wait3A_109, %dma_wait3A_110] : memref<2x2x128xi32, #tpu.memory_space<vmem>> -> memref<1x2x128xi32, #tpu.memory_space<vmem>>
          %dma_wait3A_112 = tpu.memref_squeeze %dma_wait3A_111 : memref<1x2x128xi32, #tpu.memory_space<vmem>> -> memref<2x128xi32, #tpu.memory_space<vmem>>
          %dma_wait3A_113 = arith.constant 0 : i32
          %dma_wait3A_114 = arith.constant 0 : i32
          %dma_wait3A_115 = tpu.memref_slice %arg3[%add3A, %add3A_82, %dma_wait3A_113, %dma_wait3A_114] : memref<32x80x2x128xi32, #tpu.memory_space<hbm>> -> memref<1x1x2x128xi32, #tpu.memory_space<hbm>>
          %dma_wait3A_116 = tpu.memref_squeeze %dma_wait3A_115 : memref<1x1x2x128xi32, #tpu.memory_space<hbm>> -> memref<2x128xi32, #tpu.memory_space<hbm>>
          tpu.wait_dma2 semaphore(%run_scoped3A_84 : memref<!tpu.dma_semaphore, #tpu.memory_space<semaphore_mem>>) src(%dma_wait3A_116 : memref<2x128xi32, #tpu.memory_space<hbm>>) dst(%dma_wait3A_112 : memref<2x128xi32, #tpu.memory_space<vmem>>)
          tpu.yield
        }) : () -> ()
      } else {
      }
      %dma_wait3A = arith.constant 0 : i32
      %dma_wait3A_39 = arith.constant 0 : i32
      %dma_wait3A_40 = arith.constant 0 : i32
      %dma_wait3A_41 = tpu.memref_slice %arg7[%dma_wait3A, %dma_wait3A_39, %dma_wait3A_40] : memref<2x2x128xi32, #tpu.memory_space<vmem>> -> memref<1x1x128xi32, #tpu.memory_space<vmem>>
      %dma_wait3A_42 = tpu.memref_squeeze %dma_wait3A_41 : memref<1x1x128xi32, #tpu.memory_space<vmem>> -> memref<128xi32, #tpu.memory_space<vmem>>
      %dma_wait3A_43 = arith.constant 0 : i32
      %dma_wait3A_44 = arith.constant 0 : i32
      %dma_wait3A_45 = tpu.memref_slice %arg2[%dma_wait3A_43, %dma_wait3A_44] : memref<10000x128xf32, #tpu.memory_space<hbm>> -> memref<10000x128xf32, #tpu.memory_space<hbm>>
      tpu.wait_indirect_dma semaphore(%arg10 : memref<!tpu.dma_semaphore, #tpu.memory_space<semaphore_mem>>) src(%dma_wait3A_45 : memref<10000x128xf32, #tpu.memory_space<hbm>>) dst(%arg8 : memref<128x128xf32, #tpu.memory_space<vmem>>)
      %add3A_46 = arith.constant 1 : i32
      %add3A_47 = arith.addi %add3A_34, %add3A_46 : i32
      %lt3A_48 = arith.constant 80 : i32
      %lt3A_49 = arith.cmpi slt, %add3A_47, %lt3A_48 : i32
      %convert_element_type3A_50 = arith.extui %lt3A_49 : i1 to i32
      %cond3A_51 = arith.constant 0 : i32
      %cond3A_52 = arith.cmpi ne, %convert_element_type3A_50, %cond3A_51 : i32
      scf.if %cond3A_52 {
        %dma_start3A_81 = arith.constant 1 : i32
        %dma_start3A_82 = arith.constant 0 : i32
        %dma_start3A_83 = arith.constant 0 : i32
        %dma_start3A_84 = tpu.memref_slice %arg7[%dma_start3A_81, %dma_start3A_82, %dma_start3A_83] : memref<2x2x128xi32, #tpu.memory_space<vmem>> -> memref<1x1x128xi32, #tpu.memory_space<vmem>>
        %dma_start3A_85 = tpu.memref_squeeze %dma_start3A_84 : memref<1x1x128xi32, #tpu.memory_space<vmem>> -> memref<128xi32, #tpu.memory_space<vmem>>
        %dma_start3A_86 = arith.constant 0 : i32
        %dma_start3A_87 = arith.constant 0 : i32
        %dma_start3A_88 = tpu.memref_slice %arg2[%dma_start3A_86, %dma_start3A_87] : memref<10000x128xf32, #tpu.memory_space<hbm>> -> memref<10000x128xf32, #tpu.memory_space<hbm>>
        tpu.enqueue_indirect_dma source(%dma_start3A_88 : memref<10000x128xf32, #tpu.memory_space<hbm>>) target(%arg9 : memref<128x128xf32, #tpu.memory_space<vmem>>) offsets(%dma_start3A_85 : memref<128xi32, #tpu.memory_space<vmem>>) semaphore(%arg11 : memref<!tpu.dma_semaphore, #tpu.memory_space<semaphore_mem>>)
      } else {
      }
      %run_scoped3A_53 = arith.constant 0 : i32
      %run_scoped3A_54 = arith.constant 1 : i32
      "tpu.region"() ({
        %run_scoped3A_81 = tpu.sem_alloc : memref<!tpu.dma_semaphore, #tpu.memory_space<semaphore_mem>>
        %dma_start3A_82 = arith.constant 0 : i32
        %dma_start3A_83 = tpu.memref_slice %arg7[%run_scoped3A_53, %run_scoped3A_54, %dma_start3A_82] : memref<2x2x128xi32, #tpu.memory_space<vmem>> -> memref<1x1x128xi32, #tpu.memory_space<vmem>>
        %dma_start3A_84 = tpu.memref_squeeze %dma_start3A_83 : memref<1x1x128xi32, #tpu.memory_space<vmem>> -> memref<128xi32, #tpu.memory_space<vmem>>
        %dma_start3A_85 = arith.constant 0 : i32
        %dma_start3A_86 = arith.constant 0 : i32
        %dma_start3A_87 = tpu.memref_slice %arg6[%dma_start3A_85, %dma_start3A_86] : memref<10240x128xf32, #tpu.memory_space<vmem_shared>> -> memref<10240x128xf32, #tpu.memory_space<vmem_shared>>
        tpu.enqueue_indirect_dma source(%arg8 : memref<128x128xf32, #tpu.memory_space<vmem>>) target(%dma_start3A_87 : memref<10240x128xf32, #tpu.memory_space<vmem_shared>>) offsets(%dma_start3A_84 : memref<128xi32, #tpu.memory_space<vmem>>) semaphore(%run_scoped3A_81 : memref<!tpu.dma_semaphore, #tpu.memory_space<semaphore_mem>>) {add = true}
        %dma_wait3A_88 = arith.constant 0 : i32
        %dma_wait3A_89 = tpu.memref_slice %arg7[%run_scoped3A_53, %run_scoped3A_54, %dma_wait3A_88] : memref<2x2x128xi32, #tpu.memory_space<vmem>> -> memref<1x1x128xi32, #tpu.memory_space<vmem>>
        %dma_wait3A_90 = tpu.memref_squeeze %dma_wait3A_89 : memref<1x1x128xi32, #tpu.memory_space<vmem>> -> memref<128xi32, #tpu.memory_space<vmem>>
        %dma_wait3A_91 = arith.constant 0 : i32
        %dma_wait3A_92 = arith.constant 0 : i32
        %dma_wait3A_93 = tpu.memref_slice %arg6[%dma_wait3A_91, %dma_wait3A_92] : memref<10240x128xf32, #tpu.memory_space<vmem_shared>> -> memref<10240x128xf32, #tpu.memory_space<vmem_shared>>
        tpu.wait_indirect_dma semaphore(%run_scoped3A_81 : memref<!tpu.dma_semaphore, #tpu.memory_space<semaphore_mem>>) src(%arg8 : memref<128x128xf32, #tpu.memory_space<vmem>>) dst(%dma_wait3A_93 : memref<10240x128xf32, #tpu.memory_space<vmem_shared>>)
        tpu.yield
      }) : () -> ()
      %add3A_55 = arith.constant 1 : i32
      %add3A_56 = arith.addi %add3A_32, %add3A_55 : i32
      %add3A_57 = arith.constant 1 : i32
      %add3A_58 = arith.addi %add3A_56, %add3A_57 : i32
      %lt3A_59 = arith.constant 80 : i32
      %lt3A_60 = arith.cmpi slt, %add3A_58, %lt3A_59 : i32
      %convert_element_type3A_61 = arith.extui %lt3A_60 : i1 to i32
      %cond3A_62 = arith.constant 0 : i32
      %cond3A_63 = arith.cmpi ne, %convert_element_type3A_61, %cond3A_62 : i32
      scf.if %cond3A_63 {
        %add3A_81 = arith.constant 1 : i32
        %add3A_82 = arith.addi %add3A_56, %add3A_81 : i32
        %run_scoped3A_83 = arith.constant 0 : i32
        "tpu.region"() ({
          %run_scoped3A_84 = tpu.sem_alloc : memref<!tpu.dma_semaphore, #tpu.memory_space<semaphore_mem>>
          %dma_start3A_85 = arith.constant 0 : i32
          %dma_start3A_86 = arith.constant 0 : i32
          %dma_start3A_87 = tpu.memref_slice %arg7[%run_scoped3A_83, %dma_start3A_85, %dma_start3A_86] : memref<2x2x128xi32, #tpu.memory_space<vmem>> -> memref<1x2x128xi32, #tpu.memory_space<vmem>>
          %dma_start3A_88 = tpu.memref_squeeze %dma_start3A_87 : memref<1x2x128xi32, #tpu.memory_space<vmem>> -> memref<2x128xi32, #tpu.memory_space<vmem>>
          %dma_start3A_89 = arith.constant 0 : i32
          %dma_start3A_90 = arith.constant 0 : i32
          %dma_start3A_91 = tpu.memref_slice %arg3[%add3A, %add3A_82, %dma_start3A_89, %dma_start3A_90] : memref<32x80x2x128xi32, #tpu.memory_space<hbm>> -> memref<1x1x2x128xi32, #tpu.memory_space<hbm>>
          %dma_start3A_92 = tpu.memref_squeeze %dma_start3A_91 : memref<1x1x2x128xi32, #tpu.memory_space<hbm>> -> memref<2x128xi32, #tpu.memory_space<hbm>>
          %dma_start3A_93 = arith.constant 0 : i32
          %dma_start3A_94 = arith.constant 0 : i32
          %dma_start3A_95 = tpu.memref_slice %arg7[%run_scoped3A_83, %dma_start3A_93, %dma_start3A_94] : memref<2x2x128xi32, #tpu.memory_space<vmem>> -> memref<1x2x128xi32, #tpu.memory_space<vmem>>
          %dma_start3A_96 = tpu.memref_squeeze %dma_start3A_95 : memref<1x2x128xi32, #tpu.memory_space<vmem>> -> memref<2x128xi32, #tpu.memory_space<vmem>>
          %dma_start3A_97 = arith.constant 0 : i32
          %dma_start3A_98 = arith.constant 0 : i32
          %dma_start3A_99 = tpu.memref_slice %arg3[%add3A, %add3A_82, %dma_start3A_97, %dma_start3A_98] : memref<32x80x2x128xi32, #tpu.memory_space<hbm>> -> memref<1x1x2x128xi32, #tpu.memory_space<hbm>>
          %dma_start3A_100 = tpu.memref_squeeze %dma_start3A_99 : memref<1x1x2x128xi32, #tpu.memory_space<hbm>> -> memref<2x128xi32, #tpu.memory_space<hbm>>
          tpu.enqueue_dma source(%dma_start3A_100 : memref<2x128xi32, #tpu.memory_space<hbm>>) target(%dma_start3A_96 : memref<2x128xi32, #tpu.memory_space<vmem>>) target_semaphore(%run_scoped3A_84 : memref<!tpu.dma_semaphore, #tpu.memory_space<semaphore_mem>>)
          %dma_wait3A_101 = arith.constant 0 : i32
          %dma_wait3A_102 = arith.constant 0 : i32
          %dma_wait3A_103 = tpu.memref_slice %arg7[%run_scoped3A_83, %dma_wait3A_101, %dma_wait3A_102] : memref<2x2x128xi32, #tpu.memory_space<vmem>> -> memref<1x2x128xi32, #tpu.memory_space<vmem>>
          %dma_wait3A_104 = tpu.memref_squeeze %dma_wait3A_103 : memref<1x2x128xi32, #tpu.memory_space<vmem>> -> memref<2x128xi32, #tpu.memory_space<vmem>>
          %dma_wait3A_105 = arith.constant 0 : i32
          %dma_wait3A_106 = arith.constant 0 : i32
          %dma_wait3A_107 = tpu.memref_slice %arg3[%add3A, %add3A_82, %dma_wait3A_105, %dma_wait3A_106] : memref<32x80x2x128xi32, #tpu.memory_space<hbm>> -> memref<1x1x2x128xi32, #tpu.memory_space<hbm>>
          %dma_wait3A_108 = tpu.memref_squeeze %dma_wait3A_107 : memref<1x1x2x128xi32, #tpu.memory_space<hbm>> -> memref<2x128xi32, #tpu.memory_space<hbm>>
          %dma_wait3A_109 = arith.constant 0 : i32
          %dma_wait3A_110 = arith.constant 0 : i32
          %dma_wait3A_111 = tpu.memref_slice %arg7[%run_scoped3A_83, %dma_wait3A_109, %dma_wait3A_110] : memref<2x2x128xi32, #tpu.memory_space<vmem>> -> memref<1x2x128xi32, #tpu.memory_space<vmem>>
          %dma_wait3A_112 = tpu.memref_squeeze %dma_wait3A_111 : memref<1x2x128xi32, #tpu.memory_space<vmem>> -> memref<2x128xi32, #tpu.memory_space<vmem>>
          %dma_wait3A_113 = arith.constant 0 : i32
          %dma_wait3A_114 = arith.constant 0 : i32
          %dma_wait3A_115 = tpu.memref_slice %arg3[%add3A, %add3A_82, %dma_wait3A_113, %dma_wait3A_114] : memref<32x80x2x128xi32, #tpu.memory_space<hbm>> -> memref<1x1x2x128xi32, #tpu.memory_space<hbm>>
          %dma_wait3A_116 = tpu.memref_squeeze %dma_wait3A_115 : memref<1x1x2x128xi32, #tpu.memory_space<hbm>> -> memref<2x128xi32, #tpu.memory_space<hbm>>
          tpu.wait_dma2 semaphore(%run_scoped3A_84 : memref<!tpu.dma_semaphore, #tpu.memory_space<semaphore_mem>>) src(%dma_wait3A_116 : memref<2x128xi32, #tpu.memory_space<hbm>>) dst(%dma_wait3A_112 : memref<2x128xi32, #tpu.memory_space<vmem>>)
          tpu.yield
        }) : () -> ()
      } else {
      }
      %dma_wait3A_64 = arith.constant 1 : i32
      %dma_wait3A_65 = arith.constant 0 : i32
      %dma_wait3A_66 = arith.constant 0 : i32
      %dma_wait3A_67 = tpu.memref_slice %arg7[%dma_wait3A_64, %dma_wait3A_65, %dma_wait3A_66] : memref<2x2x128xi32, #tpu.memory_space<vmem>> -> memref<1x1x128xi32, #tpu.memory_space<vmem>>
      %dma_wait3A_68 = tpu.memref_squeeze %dma_wait3A_67 : memref<1x1x128xi32, #tpu.memory_space<vmem>> -> memref<128xi32, #tpu.memory_space<vmem>>
      %dma_wait3A_69 = arith.constant 0 : i32
      %dma_wait3A_70 = arith.constant 0 : i32
      %dma_wait3A_71 = tpu.memref_slice %arg2[%dma_wait3A_69, %dma_wait3A_70] : memref<10000x128xf32, #tpu.memory_space<hbm>> -> memref<10000x128xf32, #tpu.memory_space<hbm>>
      tpu.wait_indirect_dma semaphore(%arg11 : memref<!tpu.dma_semaphore, #tpu.memory_space<semaphore_mem>>) src(%dma_wait3A_71 : memref<10000x128xf32, #tpu.memory_space<hbm>>) dst(%arg9 : memref<128x128xf32, #tpu.memory_space<vmem>>)
      %add3A_72 = arith.constant 1 : i32
      %add3A_73 = arith.addi %add3A_56, %add3A_72 : i32
      %lt3A_74 = arith.constant 80 : i32
      %lt3A_75 = arith.cmpi slt, %add3A_73, %lt3A_74 : i32
      %convert_element_type3A_76 = arith.extui %lt3A_75 : i1 to i32
      %cond3A_77 = arith.constant 0 : i32
      %cond3A_78 = arith.cmpi ne, %convert_element_type3A_76, %cond3A_77 : i32
      scf.if %cond3A_78 {
        %dma_start3A_81 = arith.constant 0 : i32
        %dma_start3A_82 = arith.constant 0 : i32
        %dma_start3A_83 = arith.constant 0 : i32
        %dma_start3A_84 = tpu.memref_slice %arg7[%dma_start3A_81, %dma_start3A_82, %dma_start3A_83] : memref<2x2x128xi32, #tpu.memory_space<vmem>> -> memref<1x1x128xi32, #tpu.memory_space<vmem>>
        %dma_start3A_85 = tpu.memref_squeeze %dma_start3A_84 : memref<1x1x128xi32, #tpu.memory_space<vmem>> -> memref<128xi32, #tpu.memory_space<vmem>>
        %dma_start3A_86 = arith.constant 0 : i32
        %dma_start3A_87 = arith.constant 0 : i32
        %dma_start3A_88 = tpu.memref_slice %arg2[%dma_start3A_86, %dma_start3A_87] : memref<10000x128xf32, #tpu.memory_space<hbm>> -> memref<10000x128xf32, #tpu.memory_space<hbm>>
        tpu.enqueue_indirect_dma source(%dma_start3A_88 : memref<10000x128xf32, #tpu.memory_space<hbm>>) target(%arg8 : memref<128x128xf32, #tpu.memory_space<vmem>>) offsets(%dma_start3A_85 : memref<128xi32, #tpu.memory_space<vmem>>) semaphore(%arg10 : memref<!tpu.dma_semaphore, #tpu.memory_space<semaphore_mem>>)
      } else {
      }
      %run_scoped3A_79 = arith.constant 1 : i32
      %run_scoped3A_80 = arith.constant 1 : i32
      "tpu.region"() ({
        %run_scoped3A_81 = tpu.sem_alloc : memref<!tpu.dma_semaphore, #tpu.memory_space<semaphore_mem>>
        %dma_start3A_82 = arith.constant 0 : i32
        %dma_start3A_83 = tpu.memref_slice %arg7[%run_scoped3A_79, %run_scoped3A_80, %dma_start3A_82] : memref<2x2x128xi32, #tpu.memory_space<vmem>> -> memref<1x1x128xi32, #tpu.memory_space<vmem>>
        %dma_start3A_84 = tpu.memref_squeeze %dma_start3A_83 : memref<1x1x128xi32, #tpu.memory_space<vmem>> -> memref<128xi32, #tpu.memory_space<vmem>>
        %dma_start3A_85 = arith.constant 0 : i32
        %dma_start3A_86 = arith.constant 0 : i32
        %dma_start3A_87 = tpu.memref_slice %arg6[%dma_start3A_85, %dma_start3A_86] : memref<10240x128xf32, #tpu.memory_space<vmem_shared>> -> memref<10240x128xf32, #tpu.memory_space<vmem_shared>>
        tpu.enqueue_indirect_dma source(%arg9 : memref<128x128xf32, #tpu.memory_space<vmem>>) target(%dma_start3A_87 : memref<10240x128xf32, #tpu.memory_space<vmem_shared>>) offsets(%dma_start3A_84 : memref<128xi32, #tpu.memory_space<vmem>>) semaphore(%run_scoped3A_81 : memref<!tpu.dma_semaphore, #tpu.memory_space<semaphore_mem>>) {add = true}
        %dma_wait3A_88 = arith.constant 0 : i32
        %dma_wait3A_89 = tpu.memref_slice %arg7[%run_scoped3A_79, %run_scoped3A_80, %dma_wait3A_88] : memref<2x2x128xi32, #tpu.memory_space<vmem>> -> memref<1x1x128xi32, #tpu.memory_space<vmem>>
        %dma_wait3A_90 = tpu.memref_squeeze %dma_wait3A_89 : memref<1x1x128xi32, #tpu.memory_space<vmem>> -> memref<128xi32, #tpu.memory_space<vmem>>
        %dma_wait3A_91 = arith.constant 0 : i32
        %dma_wait3A_92 = arith.constant 0 : i32
        %dma_wait3A_93 = tpu.memref_slice %arg6[%dma_wait3A_91, %dma_wait3A_92] : memref<10240x128xf32, #tpu.memory_space<vmem_shared>> -> memref<10240x128xf32, #tpu.memory_space<vmem_shared>>
        tpu.wait_indirect_dma semaphore(%run_scoped3A_81 : memref<!tpu.dma_semaphore, #tpu.memory_space<semaphore_mem>>) src(%arg9 : memref<128x128xf32, #tpu.memory_space<vmem>>) dst(%dma_wait3A_93 : memref<10240x128xf32, #tpu.memory_space<vmem_shared>>)
        tpu.yield
      }) : () -> ()
    }
    %scan3A_20 = arith.constant 40 : i32
    %barrier3A_21 = arith.constant 0 : index
    tpu.barrier barrier_id(%barrier3A_21)
    %scan3A_22 = arith.constant 0 : i32
    %scan3A_23 = arith.constant 0 : i32
    %scan3A_24 = arith.constant 5 : i32
    %scan3A_25 = arith.addi %scan3A_23, %scan3A_24 : i32
    %scan3A_26 = arith.constant 1 : i32
    scf.for %scan3A_28 = %scan3A_23 to %scan3A_25 step %scan3A_26  : i32 {
      %mul3A_29 = arith.constant 128 : i32
      %mul3A_30 = arith.muli %scan3A_28, %mul3A_29 : i32
      %add3A_31 = arith.addi %mul3A_2, %mul3A_30 : i32
      "tpu.region"() ({
        %run_scoped3A_32 = tpu.sem_alloc : memref<!tpu.dma_semaphore, #tpu.memory_space<semaphore_mem>>
        %dma_start3A_33 = arith.constant 0 : i32
        %dma_start3A_34 = tpu.memref_slice %arg6[%add3A_31, %dma_start3A_33] : memref<10240x128xf32, #tpu.memory_space<vmem_shared>> -> memref<128x128xf32, #tpu.memory_space<vmem_shared>>
        %dma_start3A_35 = arith.constant 0 : i32
        %dma_start3A_36 = tpu.memref_slice %arg6[%add3A_31, %dma_start3A_35] : memref<10240x128xf32, #tpu.memory_space<vmem_shared>> -> memref<128x128xf32, #tpu.memory_space<vmem_shared>>
        tpu.enqueue_dma source(%dma_start3A_36 : memref<128x128xf32, #tpu.memory_space<vmem_shared>>) target(%arg8 : memref<128x128xf32, #tpu.memory_space<vmem>>) target_semaphore(%run_scoped3A_32 : memref<!tpu.dma_semaphore, #tpu.memory_space<semaphore_mem>>)
        %dma_wait3A = arith.constant 0 : i32
        %dma_wait3A_37 = tpu.memref_slice %arg6[%add3A_31, %dma_wait3A] : memref<10240x128xf32, #tpu.memory_space<vmem_shared>> -> memref<128x128xf32, #tpu.memory_space<vmem_shared>>
        %dma_wait3A_38 = arith.constant 0 : i32
        %dma_wait3A_39 = tpu.memref_slice %arg6[%add3A_31, %dma_wait3A_38] : memref<10240x128xf32, #tpu.memory_space<vmem_shared>> -> memref<128x128xf32, #tpu.memory_space<vmem_shared>>
        tpu.wait_dma2 semaphore(%run_scoped3A_32 : memref<!tpu.dma_semaphore, #tpu.memory_space<semaphore_mem>>) src(%dma_wait3A_39 : memref<128x128xf32, #tpu.memory_space<vmem_shared>>) dst(%arg8 : memref<128x128xf32, #tpu.memory_space<vmem>>)
        tpu.yield
      }) : () -> ()
      "tpu.region"() ({
        %run_scoped3A_32 = tpu.sem_alloc : memref<!tpu.dma_semaphore, #tpu.memory_space<semaphore_mem>>
        %dma_start3A_33 = arith.constant 0 : i32
        %dma_start3A_34 = tpu.memref_slice %arg5[%arg0, %add3A_31, %dma_start3A_33] : memref<2x10240x128xf32, #tpu.memory_space<hbm>> -> memref<1x128x128xf32, #tpu.memory_space<hbm>>
        %dma_start3A_35 = tpu.memref_squeeze %dma_start3A_34 : memref<1x128x128xf32, #tpu.memory_space<hbm>> -> memref<128x128xf32, #tpu.memory_space<hbm>>
        %dma_start3A_36 = arith.constant 0 : i32
        %dma_start3A_37 = tpu.memref_slice %arg5[%arg0, %add3A_31, %dma_start3A_36] : memref<2x10240x128xf32, #tpu.memory_space<hbm>> -> memref<1x128x128xf32, #tpu.memory_space<hbm>>
        %dma_start3A_38 = tpu.memref_squeeze %dma_start3A_37 : memref<1x128x128xf32, #tpu.memory_space<hbm>> -> memref<128x128xf32, #tpu.memory_space<hbm>>
        tpu.enqueue_dma source(%arg8 : memref<128x128xf32, #tpu.memory_space<vmem>>) target(%dma_start3A_38 : memref<128x128xf32, #tpu.memory_space<hbm>>) target_semaphore(%run_scoped3A_32 : memref<!tpu.dma_semaphore, #tpu.memory_space<semaphore_mem>>)
        %dma_wait3A = arith.constant 0 : i32
        %dma_wait3A_39 = tpu.memref_slice %arg5[%arg0, %add3A_31, %dma_wait3A] : memref<2x10240x128xf32, #tpu.memory_space<hbm>> -> memref<1x128x128xf32, #tpu.memory_space<hbm>>
        %dma_wait3A_40 = tpu.memref_squeeze %dma_wait3A_39 : memref<1x128x128xf32, #tpu.memory_space<hbm>> -> memref<128x128xf32, #tpu.memory_space<hbm>>
        %dma_wait3A_41 = arith.constant 0 : i32
        %dma_wait3A_42 = tpu.memref_slice %arg5[%arg0, %add3A_31, %dma_wait3A_41] : memref<2x10240x128xf32, #tpu.memory_space<hbm>> -> memref<1x128x128xf32, #tpu.memory_space<hbm>>
        %dma_wait3A_43 = tpu.memref_squeeze %dma_wait3A_42 : memref<1x128x128xf32, #tpu.memory_space<hbm>> -> memref<128x128xf32, #tpu.memory_space<hbm>>
        tpu.wait_dma2 semaphore(%run_scoped3A_32 : memref<!tpu.dma_semaphore, #tpu.memory_space<semaphore_mem>>) src(%arg8 : memref<128x128xf32, #tpu.memory_space<vmem>>) dst(%dma_wait3A_43 : memref<128x128xf32, #tpu.memory_space<hbm>>)
        tpu.yield
      }) : () -> ()
    }
    %scan3A_27 = arith.constant 5 : i32
    return
  }
}

module attributes {stable_mosaic.version = 14 : i64} {
  func.func @_dense_body(%arg0: i32, %arg1: memref<1000x128xf32, #tpu.memory_space<vmem>>, %arg2: memref<1x1000x128xf32, #tpu.memory_space<vmem>>, %arg3: memref<1x1000x128xf32, #tpu.memory_space<vmem>>, %arg4: memref<1x1000x128xf32, #tpu.memory_space<vmem>>, %arg5: memref<1x1000x128xf32, #tpu.memory_space<vmem>>, %arg6: memref<128x256xf32, #tpu.memory_space<vmem>>, %arg7: memref<128x256xf32, #tpu.memory_space<vmem>>, %arg8: memref<1x256xf32, #tpu.memory_space<vmem>>, %arg9: memref<1x256xf32, #tpu.memory_space<vmem>>, %arg10: memref<256x384xf32, #tpu.memory_space<vmem>>, %arg11: memref<1x384xf32, #tpu.memory_space<vmem>>, %arg12: memref<128x384xf32, #tpu.memory_space<vmem>>, %arg13: memref<1x384xf32, #tpu.memory_space<vmem>>, %arg14: memref<1000x128xf32, #tpu.memory_space<vmem>>) attributes {dimension_semantics = [#tpu.dimension_semantics<arbitrary>], iteration_bounds = array<i64: 10>, scalar_prefetch = 0 : i64, scratch_operands = 0 : i64, tpu.core_type = #tpu.core_type<tc>, window_params = [{transform_indices = @transform_0, window_bounds = array<i64: 1000, 128>}, {transform_indices = @transform_1, window_bounds = array<i64: 1, 1000, 128>}, {transform_indices = @transform_2, window_bounds = array<i64: 1, 1000, 128>}, {transform_indices = @transform_3, window_bounds = array<i64: 1, 1000, 128>}, {transform_indices = @transform_4, window_bounds = array<i64: 1, 1000, 128>}, {pipeline_mode = #tpu.pipeline_mode<synchronous>, transform_indices = @transform_5, window_bounds = array<i64: 128, 256>}, {pipeline_mode = #tpu.pipeline_mode<synchronous>, transform_indices = @transform_6, window_bounds = array<i64: 128, 256>}, {pipeline_mode = #tpu.pipeline_mode<synchronous>, transform_indices = @transform_7, window_bounds = array<i64: 1, 256>}, {pipeline_mode = #tpu.pipeline_mode<synchronous>, transform_indices = @transform_8, window_bounds = array<i64: 1, 256>}, {pipeline_mode = #tpu.pipeline_mode<synchronous>, transform_indices = @transform_9, window_bounds = array<i64: 256, 384>}, {pipeline_mode = #tpu.pipeline_mode<synchronous>, transform_indices = @transform_10, window_bounds = array<i64: 1, 384>}, {pipeline_mode = #tpu.pipeline_mode<synchronous>, transform_indices = @transform_11, window_bounds = array<i64: 128, 384>}, {pipeline_mode = #tpu.pipeline_mode<synchronous>, transform_indices = @transform_12, window_bounds = array<i64: 1, 384>}, {transform_indices = @transform_13, window_bounds = array<i64: 1000, 128>}]} {
    %get3A = arith.constant 0 : index
    %get3A_0 = arith.constant 0 : index
    %get3A_1 = vector.load %arg1[%get3A, %get3A_0] : memref<1000x128xf32, #tpu.memory_space<vmem>>, vector<1000x128xf32>
    %get3A_2 = arith.constant 0 : index
    %get3A_3 = arith.constant 0 : index
    %get3A_4 = arith.constant 0 : index
    %get3A_5 = vector.load %arg2[%get3A_2, %get3A_3, %get3A_4] : memref<1x1000x128xf32, #tpu.memory_space<vmem>>, vector<1x1000x128xf32>
    %get3A_6 = vector.shape_cast %get3A_5 : vector<1x1000x128xf32> to vector<1000x128xf32>
    %get3A_7 = arith.constant 0 : index
    %get3A_8 = arith.constant 0 : index
    %get3A_9 = arith.constant 0 : index
    %get3A_10 = vector.load %arg3[%get3A_7, %get3A_8, %get3A_9] : memref<1x1000x128xf32, #tpu.memory_space<vmem>>, vector<1x1000x128xf32>
    %get3A_11 = vector.shape_cast %get3A_10 : vector<1x1000x128xf32> to vector<1000x128xf32>
    %add3A = arith.addf %get3A_6, %get3A_11 : vector<1000x128xf32>
    %get3A_12 = arith.constant 0 : index
    %get3A_13 = arith.constant 0 : index
    %get3A_14 = arith.constant 0 : index
    %get3A_15 = vector.load %arg4[%get3A_12, %get3A_13, %get3A_14] : memref<1x1000x128xf32, #tpu.memory_space<vmem>>, vector<1x1000x128xf32>
    %get3A_16 = vector.shape_cast %get3A_15 : vector<1x1000x128xf32> to vector<1000x128xf32>
    %get3A_17 = arith.constant 0 : index
    %get3A_18 = arith.constant 0 : index
    %get3A_19 = arith.constant 0 : index
    %get3A_20 = vector.load %arg5[%get3A_17, %get3A_18, %get3A_19] : memref<1x1000x128xf32, #tpu.memory_space<vmem>>, vector<1x1000x128xf32>
    %get3A_21 = vector.shape_cast %get3A_20 : vector<1x1000x128xf32> to vector<1000x128xf32>
    %add3A_22 = arith.addf %get3A_16, %get3A_21 : vector<1000x128xf32>
    %iota3A = tpu.iota {dimensions = array<i32: 1>} : vector<1x128xi32>
    %lt3A = arith.constant 16 : i32
    %lt3A_23 = vector.broadcast %lt3A : i32 to vector<1x128xi32>
    %lt3A_24 = arith.cmpi slt, %iota3A, %lt3A_23 : vector<1x128xi32>
    %jit3A = arith.constant 0.000000e+00 : f32
    %broadcast_in_dim3A = vector.shape_cast %lt3A_24 : vector<1x128xi1> to vector<1x128xi1>
    %broadcast_in_dim3A_25 = vector.broadcast %broadcast_in_dim3A : vector<1x128xi1> to vector<1000x128xi1>
    %broadcast_in_dim3A_26 = vector.broadcast %jit3A : f32 to vector<1000x128xf32>
    %select_n3A = arith.select %broadcast_in_dim3A_25, %add3A_22, %broadcast_in_dim3A_26 : vector<1000x128xi1>, vector<1000x128xf32>
    %reduce_sum3A = arith.constant dense<0.000000e+00> : vector<1000xf32>
    %reduce_sum3A_27 = vector.multi_reduction <add>, %select_n3A, %reduce_sum3A [1] : vector<1000x128xf32> to vector<1000xf32>
    %broadcast_in_dim3A_28 = vector.shape_cast %reduce_sum3A_27 : vector<1000xf32> to vector<1000x1xf32>
    %ge3A = arith.constant 16 : i32
    %ge3A_29 = vector.broadcast %ge3A : i32 to vector<1x128xi32>
    %ge3A_30 = arith.cmpi sge, %iota3A, %ge3A_29 : vector<1x128xi32>
    %lt3A_31 = arith.constant 32 : i32
    %lt3A_32 = vector.broadcast %lt3A_31 : i32 to vector<1x128xi32>
    %lt3A_33 = arith.cmpi slt, %iota3A, %lt3A_32 : vector<1x128xi32>
    %and3A = arith.andi %ge3A_30, %lt3A_33 : vector<1x128xi1>
    %jit3A_34 = arith.constant 0.000000e+00 : f32
    %broadcast_in_dim3A_35 = vector.shape_cast %and3A : vector<1x128xi1> to vector<1x128xi1>
    %broadcast_in_dim3A_36 = vector.broadcast %broadcast_in_dim3A_35 : vector<1x128xi1> to vector<1000x128xi1>
    %broadcast_in_dim3A_37 = vector.broadcast %jit3A_34 : f32 to vector<1000x128xf32>
    %select_n3A_38 = arith.select %broadcast_in_dim3A_36, %add3A_22, %broadcast_in_dim3A_37 : vector<1000x128xi1>, vector<1000x128xf32>
    %reduce_sum3A_39 = arith.constant dense<0.000000e+00> : vector<1000xf32>
    %reduce_sum3A_40 = vector.multi_reduction <add>, %select_n3A_38, %reduce_sum3A_39 [1] : vector<1000x128xf32> to vector<1000xf32>
    %broadcast_in_dim3A_41 = vector.shape_cast %reduce_sum3A_40 : vector<1000xf32> to vector<1000x1xf32>
    %convert_element_type3A = arith.truncf %get3A_1 : vector<1000x128xf32> to vector<1000x128xbf16>
    %convert_element_type3A_42 = arith.extf %convert_element_type3A : vector<1000x128xbf16> to vector<1000x128xf32>
    %get3A_43 = arith.constant 0 : index
    %get3A_44 = arith.constant 0 : index
    %get3A_45 = vector.load %arg6[%get3A_43, %get3A_44] : memref<128x256xf32, #tpu.memory_space<vmem>>, vector<128x256xf32>
    %dot_general3A = arith.constant dense<0.000000e+00> : vector<1000x256xf32>
    %dot_general3A_46 = tpu.matmul %convert_element_type3A_42, %get3A_45, %dot_general3A {dimension_numbers = #tpu.dot_dimension_numbers<[1], [0], [0], [1], [0, 0, 1, 1], [], []>, precision = #tpu.contract_precision<fp32>, transpose_lhs_hint = false} : vector<1000x128xf32>, vector<128x256xf32>, vector<1000x256xf32> -> vector<1000x256xf32>
    %mul3A = vector.broadcast %broadcast_in_dim3A_41 : vector<1000x1xf32> to vector<1000x256xf32>
    %mul3A_47 = arith.mulf %mul3A, %dot_general3A_46 : vector<1000x256xf32>
    %get3A_48 = arith.constant 0 : index
    %get3A_49 = arith.constant 0 : index
    %get3A_50 = vector.load %arg7[%get3A_48, %get3A_49] : memref<128x256xf32, #tpu.memory_space<vmem>>, vector<128x256xf32>
    %dot_general3A_51 = arith.constant dense<0.000000e+00> : vector<1000x256xf32>
    %dot_general3A_52 = tpu.matmul %add3A, %get3A_50, %dot_general3A_51 {dimension_numbers = #tpu.dot_dimension_numbers<[1], [0], [0], [1], [0, 0, 1, 1], [], []>, precision = #tpu.contract_precision<fp32>, transpose_lhs_hint = false} : vector<1000x128xf32>, vector<128x256xf32>, vector<1000x256xf32> -> vector<1000x256xf32>
    %add3A_53 = arith.addf %mul3A_47, %dot_general3A_52 : vector<1000x256xf32>
    %get3A_54 = arith.constant 0 : index
    %get3A_55 = arith.constant 0 : index
    %get3A_56 = vector.load %arg8[%get3A_54, %get3A_55] : memref<1x256xf32, #tpu.memory_space<vmem>>, vector<1x256xf32>
    %mul3A_57 = vector.broadcast %broadcast_in_dim3A_28 : vector<1000x1xf32> to vector<1000x256xf32>
    %mul3A_58 = vector.broadcast %get3A_56 : vector<1x256xf32> to vector<1000x256xf32>
    %mul3A_59 = arith.mulf %mul3A_57, %mul3A_58 : vector<1000x256xf32>
    %add3A_60 = arith.addf %add3A_53, %mul3A_59 : vector<1000x256xf32>
    %get3A_61 = arith.constant 0 : index
    %get3A_62 = arith.constant 0 : index
    %get3A_63 = vector.load %arg9[%get3A_61, %get3A_62] : memref<1x256xf32, #tpu.memory_space<vmem>>, vector<1x256xf32>
    %mul3A_64 = vector.broadcast %broadcast_in_dim3A_41 : vector<1000x1xf32> to vector<1000x256xf32>
    %mul3A_65 = vector.broadcast %get3A_63 : vector<1x256xf32> to vector<1000x256xf32>
    %mul3A_66 = arith.mulf %mul3A_64, %mul3A_65 : vector<1000x256xf32>
    %add3A_67 = arith.addf %add3A_60, %mul3A_66 : vector<1000x256xf32>
    %convert_element_type3A_68 = arith.truncf %add3A_67 : vector<1000x256xf32> to vector<1000x256xbf16>
    %convert_element_type3A_69 = arith.extf %convert_element_type3A_68 : vector<1000x256xbf16> to vector<1000x256xf32>
    %get3A_70 = arith.constant 0 : index
    %get3A_71 = arith.constant 0 : index
    %get3A_72 = vector.load %arg10[%get3A_70, %get3A_71] : memref<256x384xf32, #tpu.memory_space<vmem>>, vector<256x384xf32>
    %dot_general3A_73 = arith.constant dense<0.000000e+00> : vector<1000x384xf32>
    %dot_general3A_74 = tpu.matmul %convert_element_type3A_69, %get3A_72, %dot_general3A_73 {dimension_numbers = #tpu.dot_dimension_numbers<[1], [0], [0], [1], [0, 0, 1, 1], [], []>, precision = #tpu.contract_precision<fp32>, transpose_lhs_hint = false} : vector<1000x256xf32>, vector<256x384xf32>, vector<1000x384xf32> -> vector<1000x384xf32>
    %get3A_75 = arith.constant 0 : index
    %get3A_76 = arith.constant 0 : index
    %get3A_77 = vector.load %arg11[%get3A_75, %get3A_76] : memref<1x384xf32, #tpu.memory_space<vmem>>, vector<1x384xf32>
    %add3A_78 = vector.broadcast %get3A_77 : vector<1x384xf32> to vector<1000x384xf32>
    %add3A_79 = arith.addf %dot_general3A_74, %add3A_78 : vector<1000x384xf32>
    %get3A_80 = arith.constant 0 : index
    %get3A_81 = arith.constant 0 : index
    %get3A_82 = vector.load %arg12[%get3A_80, %get3A_81] : memref<128x384xf32, #tpu.memory_space<vmem>>, vector<128x384xf32>
    %dot_general3A_83 = arith.constant dense<0.000000e+00> : vector<1000x384xf32>
    %dot_general3A_84 = tpu.matmul %convert_element_type3A_42, %get3A_82, %dot_general3A_83 {dimension_numbers = #tpu.dot_dimension_numbers<[1], [0], [0], [1], [0, 0, 1, 1], [], []>, precision = #tpu.contract_precision<fp32>, transpose_lhs_hint = false} : vector<1000x128xf32>, vector<128x384xf32>, vector<1000x384xf32> -> vector<1000x384xf32>
    %get3A_85 = arith.constant 0 : index
    %get3A_86 = arith.constant 0 : index
    %get3A_87 = vector.load %arg13[%get3A_85, %get3A_86] : memref<1x384xf32, #tpu.memory_space<vmem>>, vector<1x384xf32>
    %add3A_88 = vector.broadcast %get3A_87 : vector<1x384xf32> to vector<1000x384xf32>
    %add3A_89 = arith.addf %dot_general3A_84, %add3A_88 : vector<1000x384xf32>
    %slice3A = vector.extract_strided_slice %add3A_79 {offsets = [0, 0], sizes = [1000, 128], strides = [1, 1]} : vector<1000x384xf32> to vector<1000x128xf32>
    %slice3A_90 = vector.extract_strided_slice %add3A_89 {offsets = [0, 0], sizes = [1000, 128], strides = [1, 1]} : vector<1000x384xf32> to vector<1000x128xf32>
    %add3A_91 = arith.addf %slice3A, %slice3A_90 : vector<1000x128xf32>
    %logistic3A = arith.negf %add3A_91 : vector<1000x128xf32>
    %logistic3A_92 = math.exp %logistic3A : vector<1000x128xf32>
    %logistic3A_93 = arith.constant 1.000000e+00 : f32
    %logistic3A_94 = vector.broadcast %logistic3A_93 : f32 to vector<1000x128xf32>
    %logistic3A_95 = arith.addf %logistic3A_94, %logistic3A_92 : vector<1000x128xf32>
    %logistic3A_96 = arith.divf %logistic3A_94, %logistic3A_95 : vector<1000x128xf32>
    %slice3A_97 = vector.extract_strided_slice %add3A_79 {offsets = [0, 128], sizes = [1000, 128], strides = [1, 1]} : vector<1000x384xf32> to vector<1000x128xf32>
    %slice3A_98 = vector.extract_strided_slice %add3A_89 {offsets = [0, 128], sizes = [1000, 128], strides = [1, 1]} : vector<1000x384xf32> to vector<1000x128xf32>
    %add3A_99 = arith.addf %slice3A_97, %slice3A_98 : vector<1000x128xf32>
    %logistic3A_100 = arith.negf %add3A_99 : vector<1000x128xf32>
    %logistic3A_101 = math.exp %logistic3A_100 : vector<1000x128xf32>
    %logistic3A_102 = arith.constant 1.000000e+00 : f32
    %logistic3A_103 = vector.broadcast %logistic3A_102 : f32 to vector<1000x128xf32>
    %logistic3A_104 = arith.addf %logistic3A_103, %logistic3A_101 : vector<1000x128xf32>
    %logistic3A_105 = arith.divf %logistic3A_103, %logistic3A_104 : vector<1000x128xf32>
    %slice3A_106 = vector.extract_strided_slice %add3A_79 {offsets = [0, 256], sizes = [1000, 128], strides = [1, 1]} : vector<1000x384xf32> to vector<1000x128xf32>
    %slice3A_107 = vector.extract_strided_slice %add3A_89 {offsets = [0, 256], sizes = [1000, 128], strides = [1, 1]} : vector<1000x384xf32> to vector<1000x128xf32>
    %mul3A_108 = arith.mulf %logistic3A_96, %slice3A_107 : vector<1000x128xf32>
    %add3A_109 = arith.addf %slice3A_106, %mul3A_108 : vector<1000x128xf32>
    %tanh3A = math.tanh %add3A_109 : vector<1000x128xf32>
    %sub3A = arith.constant 1.000000e+00 : f32
    %sub3A_110 = vector.broadcast %sub3A : f32 to vector<1000x128xf32>
    %sub3A_111 = arith.subf %sub3A_110, %logistic3A_105 : vector<1000x128xf32>
    %mul3A_112 = arith.mulf %sub3A_111, %tanh3A : vector<1000x128xf32>
    %mul3A_113 = arith.mulf %logistic3A_105, %get3A_1 : vector<1000x128xf32>
    %add3A_114 = arith.addf %mul3A_112, %mul3A_113 : vector<1000x128xf32>
    %swap3A = arith.constant 0 : index
    %swap3A_115 = arith.constant 0 : index
    %swap3A_116 = vector.load %arg14[%swap3A, %swap3A_115] : memref<1000x128xf32, #tpu.memory_space<vmem>>, vector<1000x128xf32>
    tpu.vector_store %arg14[%swap3A, %swap3A_115], %add3A_114 {strides = array<i32>} : memref<1000x128xf32, #tpu.memory_space<vmem>>, vector<1000x128xf32>,
    return
  }
  func.func @transform_0(%arg0: i32) -> (i32, i32) {
    %c0_i32 = arith.constant 0 : i32
    %c0_i32_0 = arith.constant 0 : i32
    return %arg0, %c0_i32 : i32, i32
  }
  func.func @transform_1(%arg0: i32) -> (i32, i32, i32) {
    %c0_i32 = arith.constant 0 : i32
    %c0_i32_0 = arith.constant 0 : i32
    %c0_i32_1 = arith.constant 0 : i32
    return %c0_i32, %arg0, %c0_i32_0 : i32, i32, i32
  }
  func.func @transform_2(%arg0: i32) -> (i32, i32, i32) {
    %c1_i32 = arith.constant 1 : i32
    %c0_i32 = arith.constant 0 : i32
    %c0_i32_0 = arith.constant 0 : i32
    return %c1_i32, %arg0, %c0_i32 : i32, i32, i32
  }
  func.func @transform_3(%arg0: i32) -> (i32, i32, i32) {
    %c0_i32 = arith.constant 0 : i32
    %c0_i32_0 = arith.constant 0 : i32
    %c0_i32_1 = arith.constant 0 : i32
    return %c0_i32, %arg0, %c0_i32_0 : i32, i32, i32
  }
  func.func @transform_4(%arg0: i32) -> (i32, i32, i32) {
    %c1_i32 = arith.constant 1 : i32
    %c0_i32 = arith.constant 0 : i32
    %c0_i32_0 = arith.constant 0 : i32
    return %c1_i32, %arg0, %c0_i32 : i32, i32, i32
  }
  func.func @transform_5(%arg0: i32) -> (i32, i32) {
    %c0_i32 = arith.constant 0 : i32
    %c0_i32_0 = arith.constant 0 : i32
    %c0_i32_1 = arith.constant 0 : i32
    return %c0_i32, %c0_i32_0 : i32, i32
  }
  func.func @transform_6(%arg0: i32) -> (i32, i32) {
    %c0_i32 = arith.constant 0 : i32
    %c0_i32_0 = arith.constant 0 : i32
    %c0_i32_1 = arith.constant 0 : i32
    return %c0_i32, %c0_i32_0 : i32, i32
  }
  func.func @transform_7(%arg0: i32) -> (i32, i32) {
    %c0_i32 = arith.constant 0 : i32
    %c0_i32_0 = arith.constant 0 : i32
    %c0_i32_1 = arith.constant 0 : i32
    return %c0_i32, %c0_i32_0 : i32, i32
  }
  func.func @transform_8(%arg0: i32) -> (i32, i32) {
    %c0_i32 = arith.constant 0 : i32
    %c0_i32_0 = arith.constant 0 : i32
    %c0_i32_1 = arith.constant 0 : i32
    return %c0_i32, %c0_i32_0 : i32, i32
  }
  func.func @transform_9(%arg0: i32) -> (i32, i32) {
    %c0_i32 = arith.constant 0 : i32
    %c0_i32_0 = arith.constant 0 : i32
    %c0_i32_1 = arith.constant 0 : i32
    return %c0_i32, %c0_i32_0 : i32, i32
  }
  func.func @transform_10(%arg0: i32) -> (i32, i32) {
    %c0_i32 = arith.constant 0 : i32
    %c0_i32_0 = arith.constant 0 : i32
    %c0_i32_1 = arith.constant 0 : i32
    return %c0_i32, %c0_i32_0 : i32, i32
  }
  func.func @transform_11(%arg0: i32) -> (i32, i32) {
    %c0_i32 = arith.constant 0 : i32
    %c0_i32_0 = arith.constant 0 : i32
    %c0_i32_1 = arith.constant 0 : i32
    return %c0_i32, %c0_i32_0 : i32, i32
  }
  func.func @transform_12(%arg0: i32) -> (i32, i32) {
    %c0_i32 = arith.constant 0 : i32
    %c0_i32_0 = arith.constant 0 : i32
    %c0_i32_1 = arith.constant 0 : i32
    return %c0_i32, %c0_i32_0 : i32, i32
  }
  func.func @transform_13(%arg0: i32) -> (i32, i32) {
    %c0_i32 = arith.constant 0 : i32
    %c0_i32_0 = arith.constant 0 : i32
    return %arg0, %c0_i32 : i32, i32
  }
}

module attributes {stable_mosaic.version = 14 : i64} {
  func.func @_dense_body(%arg0: i32, %arg1: memref<1000x128xf32, #tpu.memory_space<vmem>>, %arg2: memref<1x1000x128xf32, #tpu.memory_space<vmem>>, %arg3: memref<1x1000x128xf32, #tpu.memory_space<vmem>>, %arg4: memref<1x1000x128xf32, #tpu.memory_space<vmem>>, %arg5: memref<1x1000x128xf32, #tpu.memory_space<vmem>>, %arg6: memref<128x256xf32, #tpu.memory_space<vmem>>, %arg7: memref<128x256xf32, #tpu.memory_space<vmem>>, %arg8: memref<1x256xf32, #tpu.memory_space<vmem>>, %arg9: memref<1x256xf32, #tpu.memory_space<vmem>>, %arg10: memref<256x384xf32, #tpu.memory_space<vmem>>, %arg11: memref<1x384xf32, #tpu.memory_space<vmem>>, %arg12: memref<128x384xf32, #tpu.memory_space<vmem>>, %arg13: memref<1x384xf32, #tpu.memory_space<vmem>>, %arg14: memref<1000x128xf32, #tpu.memory_space<vmem>>) attributes {dimension_semantics = [#tpu.dimension_semantics<arbitrary>], iteration_bounds = array<i64: 10>, scalar_prefetch = 0 : i64, scratch_operands = 0 : i64, tpu.core_type = #tpu.core_type<tc>, window_params = [{transform_indices = @transform_0, window_bounds = array<i64: 1000, 128>}, {transform_indices = @transform_1, window_bounds = array<i64: 1, 1000, 128>}, {transform_indices = @transform_2, window_bounds = array<i64: 1, 1000, 128>}, {transform_indices = @transform_3, window_bounds = array<i64: 1, 1000, 128>}, {transform_indices = @transform_4, window_bounds = array<i64: 1, 1000, 128>}, {pipeline_mode = #tpu.pipeline_mode<synchronous>, transform_indices = @transform_5, window_bounds = array<i64: 128, 256>}, {pipeline_mode = #tpu.pipeline_mode<synchronous>, transform_indices = @transform_6, window_bounds = array<i64: 128, 256>}, {pipeline_mode = #tpu.pipeline_mode<synchronous>, transform_indices = @transform_7, window_bounds = array<i64: 1, 256>}, {pipeline_mode = #tpu.pipeline_mode<synchronous>, transform_indices = @transform_8, window_bounds = array<i64: 1, 256>}, {pipeline_mode = #tpu.pipeline_mode<synchronous>, transform_indices = @transform_9, window_bounds = array<i64: 256, 384>}, {pipeline_mode = #tpu.pipeline_mode<synchronous>, transform_indices = @transform_10, window_bounds = array<i64: 1, 384>}, {pipeline_mode = #tpu.pipeline_mode<synchronous>, transform_indices = @transform_11, window_bounds = array<i64: 128, 384>}, {pipeline_mode = #tpu.pipeline_mode<synchronous>, transform_indices = @transform_12, window_bounds = array<i64: 1, 384>}, {transform_indices = @transform_13, window_bounds = array<i64: 1000, 128>}]} {
    %get3A = arith.constant 0 : index
    %get3A_0 = arith.constant 0 : index
    %get3A_1 = vector.load %arg1[%get3A, %get3A_0] : memref<1000x128xf32, #tpu.memory_space<vmem>>, vector<1000x128xf32>
    %get3A_2 = arith.constant 0 : index
    %get3A_3 = arith.constant 0 : index
    %get3A_4 = arith.constant 0 : index
    %get3A_5 = vector.load %arg2[%get3A_2, %get3A_3, %get3A_4] : memref<1x1000x128xf32, #tpu.memory_space<vmem>>, vector<1x1000x128xf32>
    %get3A_6 = vector.shape_cast %get3A_5 : vector<1x1000x128xf32> to vector<1000x128xf32>
    %get3A_7 = arith.constant 0 : index
    %get3A_8 = arith.constant 0 : index
    %get3A_9 = arith.constant 0 : index
    %get3A_10 = vector.load %arg3[%get3A_7, %get3A_8, %get3A_9] : memref<1x1000x128xf32, #tpu.memory_space<vmem>>, vector<1x1000x128xf32>
    %get3A_11 = vector.shape_cast %get3A_10 : vector<1x1000x128xf32> to vector<1000x128xf32>
    %add3A = arith.addf %get3A_6, %get3A_11 : vector<1000x128xf32>
    %get3A_12 = arith.constant 0 : index
    %get3A_13 = arith.constant 0 : index
    %get3A_14 = arith.constant 0 : index
    %get3A_15 = vector.load %arg4[%get3A_12, %get3A_13, %get3A_14] : memref<1x1000x128xf32, #tpu.memory_space<vmem>>, vector<1x1000x128xf32>
    %get3A_16 = vector.shape_cast %get3A_15 : vector<1x1000x128xf32> to vector<1000x128xf32>
    %get3A_17 = arith.constant 0 : index
    %get3A_18 = arith.constant 0 : index
    %get3A_19 = arith.constant 0 : index
    %get3A_20 = vector.load %arg5[%get3A_17, %get3A_18, %get3A_19] : memref<1x1000x128xf32, #tpu.memory_space<vmem>>, vector<1x1000x128xf32>
    %get3A_21 = vector.shape_cast %get3A_20 : vector<1x1000x128xf32> to vector<1000x128xf32>
    %add3A_22 = arith.addf %get3A_16, %get3A_21 : vector<1000x128xf32>
    %iota3A = tpu.iota {dimensions = array<i32: 1>} : vector<1x128xi32>
    %lt3A = arith.constant 16 : i32
    %lt3A_23 = vector.broadcast %lt3A : i32 to vector<1x128xi32>
    %lt3A_24 = arith.cmpi slt, %iota3A, %lt3A_23 : vector<1x128xi32>
    %jit3A = arith.constant 0.000000e+00 : f32
    %broadcast_in_dim3A = vector.shape_cast %lt3A_24 : vector<1x128xi1> to vector<1x128xi1>
    %broadcast_in_dim3A_25 = vector.broadcast %broadcast_in_dim3A : vector<1x128xi1> to vector<1000x128xi1>
    %broadcast_in_dim3A_26 = vector.broadcast %jit3A : f32 to vector<1000x128xf32>
    %select_n3A = arith.select %broadcast_in_dim3A_25, %add3A_22, %broadcast_in_dim3A_26 : vector<1000x128xi1>, vector<1000x128xf32>
    %reduce_sum3A = arith.constant dense<0.000000e+00> : vector<1000xf32>
    %reduce_sum3A_27 = vector.multi_reduction <add>, %select_n3A, %reduce_sum3A [1] : vector<1000x128xf32> to vector<1000xf32>
    %broadcast_in_dim3A_28 = vector.shape_cast %reduce_sum3A_27 : vector<1000xf32> to vector<1000x1xf32>
    %ge3A = arith.constant 16 : i32
    %ge3A_29 = vector.broadcast %ge3A : i32 to vector<1x128xi32>
    %ge3A_30 = arith.cmpi sge, %iota3A, %ge3A_29 : vector<1x128xi32>
    %lt3A_31 = arith.constant 32 : i32
    %lt3A_32 = vector.broadcast %lt3A_31 : i32 to vector<1x128xi32>
    %lt3A_33 = arith.cmpi slt, %iota3A, %lt3A_32 : vector<1x128xi32>
    %and3A = arith.andi %ge3A_30, %lt3A_33 : vector<1x128xi1>
    %jit3A_34 = arith.constant 0.000000e+00 : f32
    %broadcast_in_dim3A_35 = vector.shape_cast %and3A : vector<1x128xi1> to vector<1x128xi1>
    %broadcast_in_dim3A_36 = vector.broadcast %broadcast_in_dim3A_35 : vector<1x128xi1> to vector<1000x128xi1>
    %broadcast_in_dim3A_37 = vector.broadcast %jit3A_34 : f32 to vector<1000x128xf32>
    %select_n3A_38 = arith.select %broadcast_in_dim3A_36, %add3A_22, %broadcast_in_dim3A_37 : vector<1000x128xi1>, vector<1000x128xf32>
    %reduce_sum3A_39 = arith.constant dense<0.000000e+00> : vector<1000xf32>
    %reduce_sum3A_40 = vector.multi_reduction <add>, %select_n3A_38, %reduce_sum3A_39 [1] : vector<1000x128xf32> to vector<1000xf32>
    %broadcast_in_dim3A_41 = vector.shape_cast %reduce_sum3A_40 : vector<1000xf32> to vector<1000x1xf32>
    %convert_element_type3A = arith.truncf %get3A_1 : vector<1000x128xf32> to vector<1000x128xbf16>
    %convert_element_type3A_42 = arith.extf %convert_element_type3A : vector<1000x128xbf16> to vector<1000x128xf32>
    %get3A_43 = arith.constant 0 : index
    %get3A_44 = arith.constant 0 : index
    %get3A_45 = vector.load %arg6[%get3A_43, %get3A_44] : memref<128x256xf32, #tpu.memory_space<vmem>>, vector<128x256xf32>
    %dot_general3A = arith.constant dense<0.000000e+00> : vector<1000x256xf32>
    %dot_general3A_46 = tpu.matmul %convert_element_type3A_42, %get3A_45, %dot_general3A {dimension_numbers = #tpu.dot_dimension_numbers<[1], [0], [0], [1], [0, 0, 1, 1], [], []>, precision = #tpu.contract_precision<fp32>, transpose_lhs_hint = false} : vector<1000x128xf32>, vector<128x256xf32>, vector<1000x256xf32> -> vector<1000x256xf32>
    %mul3A = vector.broadcast %broadcast_in_dim3A_41 : vector<1000x1xf32> to vector<1000x256xf32>
    %mul3A_47 = arith.mulf %mul3A, %dot_general3A_46 : vector<1000x256xf32>
    %get3A_48 = arith.constant 0 : index
    %get3A_49 = arith.constant 0 : index
    %get3A_50 = vector.load %arg7[%get3A_48, %get3A_49] : memref<128x256xf32, #tpu.memory_space<vmem>>, vector<128x256xf32>
    %dot_general3A_51 = arith.constant dense<0.000000e+00> : vector<1000x256xf32>
    %dot_general3A_52 = tpu.matmul %add3A, %get3A_50, %dot_general3A_51 {dimension_numbers = #tpu.dot_dimension_numbers<[1], [0], [0], [1], [0, 0, 1, 1], [], []>, precision = #tpu.contract_precision<fp32>, transpose_lhs_hint = false} : vector<1000x128xf32>, vector<128x256xf32>, vector<1000x256xf32> -> vector<1000x256xf32>
    %add3A_53 = arith.addf %mul3A_47, %dot_general3A_52 : vector<1000x256xf32>
    %get3A_54 = arith.constant 0 : index
    %get3A_55 = arith.constant 0 : index
    %get3A_56 = vector.load %arg8[%get3A_54, %get3A_55] : memref<1x256xf32, #tpu.memory_space<vmem>>, vector<1x256xf32>
    %mul3A_57 = vector.broadcast %broadcast_in_dim3A_28 : vector<1000x1xf32> to vector<1000x256xf32>
    %mul3A_58 = vector.broadcast %get3A_56 : vector<1x256xf32> to vector<1000x256xf32>
    %mul3A_59 = arith.mulf %mul3A_57, %mul3A_58 : vector<1000x256xf32>
    %add3A_60 = arith.addf %add3A_53, %mul3A_59 : vector<1000x256xf32>
    %get3A_61 = arith.constant 0 : index
    %get3A_62 = arith.constant 0 : index
    %get3A_63 = vector.load %arg9[%get3A_61, %get3A_62] : memref<1x256xf32, #tpu.memory_space<vmem>>, vector<1x256xf32>
    %mul3A_64 = vector.broadcast %broadcast_in_dim3A_41 : vector<1000x1xf32> to vector<1000x256xf32>
    %mul3A_65 = vector.broadcast %get3A_63 : vector<1x256xf32> to vector<1000x256xf32>
    %mul3A_66 = arith.mulf %mul3A_64, %mul3A_65 : vector<1000x256xf32>
    %add3A_67 = arith.addf %add3A_60, %mul3A_66 : vector<1000x256xf32>
    %convert_element_type3A_68 = arith.truncf %add3A_67 : vector<1000x256xf32> to vector<1000x256xbf16>
    %convert_element_type3A_69 = arith.extf %convert_element_type3A_68 : vector<1000x256xbf16> to vector<1000x256xf32>
    %get3A_70 = arith.constant 0 : index
    %get3A_71 = arith.constant 0 : index
    %get3A_72 = vector.load %arg10[%get3A_70, %get3A_71] : memref<256x384xf32, #tpu.memory_space<vmem>>, vector<256x384xf32>
    %dot_general3A_73 = arith.constant dense<0.000000e+00> : vector<1000x384xf32>
    %dot_general3A_74 = tpu.matmul %convert_element_type3A_69, %get3A_72, %dot_general3A_73 {dimension_numbers = #tpu.dot_dimension_numbers<[1], [0], [0], [1], [0, 0, 1, 1], [], []>, precision = #tpu.contract_precision<fp32>, transpose_lhs_hint = false} : vector<1000x256xf32>, vector<256x384xf32>, vector<1000x384xf32> -> vector<1000x384xf32>
    %get3A_75 = arith.constant 0 : index
    %get3A_76 = arith.constant 0 : index
    %get3A_77 = vector.load %arg11[%get3A_75, %get3A_76] : memref<1x384xf32, #tpu.memory_space<vmem>>, vector<1x384xf32>
    %add3A_78 = vector.broadcast %get3A_77 : vector<1x384xf32> to vector<1000x384xf32>
    %add3A_79 = arith.addf %dot_general3A_74, %add3A_78 : vector<1000x384xf32>
    %get3A_80 = arith.constant 0 : index
    %get3A_81 = arith.constant 0 : index
    %get3A_82 = vector.load %arg12[%get3A_80, %get3A_81] : memref<128x384xf32, #tpu.memory_space<vmem>>, vector<128x384xf32>
    %dot_general3A_83 = arith.constant dense<0.000000e+00> : vector<1000x384xf32>
    %dot_general3A_84 = tpu.matmul %convert_element_type3A_42, %get3A_82, %dot_general3A_83 {dimension_numbers = #tpu.dot_dimension_numbers<[1], [0], [0], [1], [0, 0, 1, 1], [], []>, precision = #tpu.contract_precision<fp32>, transpose_lhs_hint = false} : vector<1000x128xf32>, vector<128x384xf32>, vector<1000x384xf32> -> vector<1000x384xf32>
    %get3A_85 = arith.constant 0 : index
    %get3A_86 = arith.constant 0 : index
    %get3A_87 = vector.load %arg13[%get3A_85, %get3A_86] : memref<1x384xf32, #tpu.memory_space<vmem>>, vector<1x384xf32>
    %add3A_88 = vector.broadcast %get3A_87 : vector<1x384xf32> to vector<1000x384xf32>
    %add3A_89 = arith.addf %dot_general3A_84, %add3A_88 : vector<1000x384xf32>
    %slice3A = vector.extract_strided_slice %add3A_79 {offsets = [0, 0], sizes = [1000, 128], strides = [1, 1]} : vector<1000x384xf32> to vector<1000x128xf32>
    %slice3A_90 = vector.extract_strided_slice %add3A_89 {offsets = [0, 0], sizes = [1000, 128], strides = [1, 1]} : vector<1000x384xf32> to vector<1000x128xf32>
    %add3A_91 = arith.addf %slice3A, %slice3A_90 : vector<1000x128xf32>
    %logistic3A = arith.negf %add3A_91 : vector<1000x128xf32>
    %logistic3A_92 = math.exp %logistic3A : vector<1000x128xf32>
    %logistic3A_93 = arith.constant 1.000000e+00 : f32
    %logistic3A_94 = vector.broadcast %logistic3A_93 : f32 to vector<1000x128xf32>
    %logistic3A_95 = arith.addf %logistic3A_94, %logistic3A_92 : vector<1000x128xf32>
    %logistic3A_96 = arith.divf %logistic3A_94, %logistic3A_95 : vector<1000x128xf32>
    %slice3A_97 = vector.extract_strided_slice %add3A_79 {offsets = [0, 128], sizes = [1000, 128], strides = [1, 1]} : vector<1000x384xf32> to vector<1000x128xf32>
    %slice3A_98 = vector.extract_strided_slice %add3A_89 {offsets = [0, 128], sizes = [1000, 128], strides = [1, 1]} : vector<1000x384xf32> to vector<1000x128xf32>
    %add3A_99 = arith.addf %slice3A_97, %slice3A_98 : vector<1000x128xf32>
    %logistic3A_100 = arith.negf %add3A_99 : vector<1000x128xf32>
    %logistic3A_101 = math.exp %logistic3A_100 : vector<1000x128xf32>
    %logistic3A_102 = arith.constant 1.000000e+00 : f32
    %logistic3A_103 = vector.broadcast %logistic3A_102 : f32 to vector<1000x128xf32>
    %logistic3A_104 = arith.addf %logistic3A_103, %logistic3A_101 : vector<1000x128xf32>
    %logistic3A_105 = arith.divf %logistic3A_103, %logistic3A_104 : vector<1000x128xf32>
    %slice3A_106 = vector.extract_strided_slice %add3A_79 {offsets = [0, 256], sizes = [1000, 128], strides = [1, 1]} : vector<1000x384xf32> to vector<1000x128xf32>
    %slice3A_107 = vector.extract_strided_slice %add3A_89 {offsets = [0, 256], sizes = [1000, 128], strides = [1, 1]} : vector<1000x384xf32> to vector<1000x128xf32>
    %mul3A_108 = arith.mulf %logistic3A_96, %slice3A_107 : vector<1000x128xf32>
    %add3A_109 = arith.addf %slice3A_106, %mul3A_108 : vector<1000x128xf32>
    %tanh3A = math.tanh %add3A_109 : vector<1000x128xf32>
    %sub3A = arith.constant 1.000000e+00 : f32
    %sub3A_110 = vector.broadcast %sub3A : f32 to vector<1000x128xf32>
    %sub3A_111 = arith.subf %sub3A_110, %logistic3A_105 : vector<1000x128xf32>
    %mul3A_112 = arith.mulf %sub3A_111, %tanh3A : vector<1000x128xf32>
    %mul3A_113 = arith.mulf %logistic3A_105, %get3A_1 : vector<1000x128xf32>
    %add3A_114 = arith.addf %mul3A_112, %mul3A_113 : vector<1000x128xf32>
    %swap3A = arith.constant 0 : index
    %swap3A_115 = arith.constant 0 : index
    %swap3A_116 = vector.load %arg14[%swap3A, %swap3A_115] : memref<1000x128xf32, #tpu.memory_space<vmem>>, vector<1000x128xf32>
    tpu.vector_store %arg14[%swap3A, %swap3A_115], %add3A_114 {strides = array<i32>} : memref<1000x128xf32, #tpu.memory_space<vmem>>, vector<1000x128xf32>,
    return
  }
  func.func @transform_0(%arg0: i32) -> (i32, i32) {
    %c0_i32 = arith.constant 0 : i32
    %c0_i32_0 = arith.constant 0 : i32
    return %arg0, %c0_i32 : i32, i32
  }
  func.func @transform_1(%arg0: i32) -> (i32, i32, i32) {
    %c0_i32 = arith.constant 0 : i32
    %c0_i32_0 = arith.constant 0 : i32
    %c0_i32_1 = arith.constant 0 : i32
    return %c0_i32, %arg0, %c0_i32_0 : i32, i32, i32
  }
  func.func @transform_2(%arg0: i32) -> (i32, i32, i32) {
    %c1_i32 = arith.constant 1 : i32
    %c0_i32 = arith.constant 0 : i32
    %c0_i32_0 = arith.constant 0 : i32
    return %c1_i32, %arg0, %c0_i32 : i32, i32, i32
  }
  func.func @transform_3(%arg0: i32) -> (i32, i32, i32) {
    %c0_i32 = arith.constant 0 : i32
    %c0_i32_0 = arith.constant 0 : i32
    %c0_i32_1 = arith.constant 0 : i32
    return %c0_i32, %arg0, %c0_i32_0 : i32, i32, i32
  }
  func.func @transform_4(%arg0: i32) -> (i32, i32, i32) {
    %c1_i32 = arith.constant 1 : i32
    %c0_i32 = arith.constant 0 : i32
    %c0_i32_0 = arith.constant 0 : i32
    return %c1_i32, %arg0, %c0_i32 : i32, i32, i32
  }
  func.func @transform_5(%arg0: i32) -> (i32, i32) {
    %c0_i32 = arith.constant 0 : i32
    %c0_i32_0 = arith.constant 0 : i32
    %c0_i32_1 = arith.constant 0 : i32
    return %c0_i32, %c0_i32_0 : i32, i32
  }
  func.func @transform_6(%arg0: i32) -> (i32, i32) {
    %c0_i32 = arith.constant 0 : i32
    %c0_i32_0 = arith.constant 0 : i32
    %c0_i32_1 = arith.constant 0 : i32
    return %c0_i32, %c0_i32_0 : i32, i32
  }
  func.func @transform_7(%arg0: i32) -> (i32, i32) {
    %c0_i32 = arith.constant 0 : i32
    %c0_i32_0 = arith.constant 0 : i32
    %c0_i32_1 = arith.constant 0 : i32
    return %c0_i32, %c0_i32_0 : i32, i32
  }
  func.func @transform_8(%arg0: i32) -> (i32, i32) {
    %c0_i32 = arith.constant 0 : i32
    %c0_i32_0 = arith.constant 0 : i32
    %c0_i32_1 = arith.constant 0 : i32
    return %c0_i32, %c0_i32_0 : i32, i32
  }
  func.func @transform_9(%arg0: i32) -> (i32, i32) {
    %c0_i32 = arith.constant 0 : i32
    %c0_i32_0 = arith.constant 0 : i32
    %c0_i32_1 = arith.constant 0 : i32
    return %c0_i32, %c0_i32_0 : i32, i32
  }
  func.func @transform_10(%arg0: i32) -> (i32, i32) {
    %c0_i32 = arith.constant 0 : i32
    %c0_i32_0 = arith.constant 0 : i32
    %c0_i32_1 = arith.constant 0 : i32
    return %c0_i32, %c0_i32_0 : i32, i32
  }
  func.func @transform_11(%arg0: i32) -> (i32, i32) {
    %c0_i32 = arith.constant 0 : i32
    %c0_i32_0 = arith.constant 0 : i32
    %c0_i32_1 = arith.constant 0 : i32
    return %c0_i32, %c0_i32_0 : i32, i32
  }
  func.func @transform_12(%arg0: i32) -> (i32, i32) {
    %c0_i32 = arith.constant 0 : i32
    %c0_i32_0 = arith.constant 0 : i32
    %c0_i32_1 = arith.constant 0 : i32
    return %c0_i32, %c0_i32_0 : i32, i32
  }
  func.func @transform_13(%arg0: i32) -> (i32, i32) {
    %c0_i32 = arith.constant 0 : i32
    %c0_i32_0 = arith.constant 0 : i32
    return %arg0, %c0_i32 : i32, i32
  }
}

</mosaic_0001>

<sc_bundles>
// kernel: kernel.10.cloned.1.call-start
scs
__scs_entry_jumppad:
0x0: {  	(pc) =	sbr.rel $0x88, $3  }
0x1: {  	(tag) =	ssettag $0x0;
	lr =	simm.s32 $0x1  }
0x2: {  	[smem:$0x3F92] =	sst lr;
	_ =	strace $0xD0000000  }
0x3: {  	_ = 	snop  }
0x4: {  	_ = 	snop  }
0x5: {  	_ = 	snop  }
0x6: {  	_ = 	snop  }
0x7: {  	_ = 	snop  }
__scs_overlays_trampoline_lowered:
0x8: {  	[smem:$0x3FA1] =	sst s0  }
0x9: {  	[smem:$0x3FA2] =	sst s1  }
0xa: {  	[smem:$0x3FA3] =	sst s2  }
0xb: {  	[smem:$0x3FA4] =	sst s3  }
0xc: {  	[smem:$0x3FA5] =	sst s4  }
0xd: {  	[smem:$0x3FA6] =	sst s5  }
0xe: {  	[smem:$0x3FA7] =	sst s6  }
0xf: {  	[smem:$0x3FA8] =	sst s7  }
0x10: {  	[smem:$0x3FA9] =	sst s8  }
0x11: {  	[smem:$0x3FAA] =	sst s9;
	s0 =	simm.s32 @!p0 $0x0  }
0x12: {  	s1 =	sld [smem:$0x3F90];
	s0 =	simm.s32 @p0 $0x1  }
0x13: {  	[smem:$0x3FAB] =	sst s0;
	s0 =	simm.s32 @!p1 $0x0  }
0x14: {  	s2 =	sld [smem:$0x3F8F];
	s0 =	simm.s32 @p1 $0x1  }
0x15: {  	[smem:$0x3FAC] =	sst s0;
	s0 =	simm.s32 @!p2 $0x0  }
0x16: {  	s3 =	sld [smem:$0x3FDB];
	s0 =	simm.s32 @p2 $0x1  }
0x17: {  	s4 =	simm.s32 $0x1BF5;
	[smem:$0x3FAE] =	sst s0  }
0x18: {  	s0 =	sld [smem:$0x3F91];
	_ =	swait.ge [sflag:s4], $0x0  }
0x19: {  	s7 =	sld [smem:$0x3F92]  }
0x1a: {  	s8 =	sadd.s32 $0xFFFFE003, lr  }
0x1b: {  	s9 =	sadd.s32 $0xFFFFFEF7, lr;
	s5 =	simm.s32 $0xFFFFFFFF;
	p2 =	slt.u32 s8, $0xFFFFF086  }
0x1c: {  	p1 =	slt.u32 s9, $0xF7A;
	s5 =	simm.s32 @!p2 $0x0  }
0x1d: {  	s5 =	simm.s32 @p1 $0x1;
	p0 =	seq.s32 s7, s2  }
0x1e: {  	s7 =	smul.u32 @!p0 $0xF7A, s2;
	p2 =	seq.s32 @!p0 s5, $0x0  }
0x1f: {  	s9 =	smul.u32 $0xF7A, s1;
	s8 =	simm.s32 @!p0 $0x1BF5;
	p2 =	por !p2, p0  }
0x20: {  	[sflag:s8] =	ssyncset.s32 @!p0 $0xFFFFF086;
	s6 =	sadd.s32 @!p0 s3, s7;
	s7 =	simm.s32 @!p0 $0x108  }
0x21: {  	s3 =	sadd.s32 s3, s9;
	s6 =	sadd.s32 @!p0 $0x88, s6;
	s7 =	simm.s32 @p2 $0x1082  }
0x22: {  	[simem:s7], [sflag:s8] =	dma.local @!p0 [hbm:s6], $0xF7A  }
0x23: {  	s9 =	sor.u32 $0xD0000000, s2;
	s6 =	simm.s32 $0x108;
	_ =	swait.ge @!p0 [sflag:s8], $0x0  }
0x24: {  	s3 =	sadd.s32 $0x88, s3;
	s6 =	simm.s32 @!p1 $0x1082;
	[sflag:s4] =	ssyncset.s32 $0xFFFFF086  }
0x25: {  	[simem:s6], [sflag:s4] =	dma.local [hbm:s3], $0xF7A  }
0x26: {  	[smem:$0x3F92] =	sst s1;
	(tag) =	ssettag s2;
	_ =	strace s9  }
0x27: {  	s1 =	sld [smem:$0x3FA2]  }
0x28: {  	s2 =	sld [smem:$0x3FA3]  }
0x29: {  	s4 =	sld [smem:$0x3FA5]  }
0x2a: {  	p0 =	seq.s32 s5, $0x0;
	s5 =	sld [smem:$0x3FA6]  }
0x2b: {  	s6 =	sld [smem:$0x3FA7]  }
0x2c: {  	s7 =	sld [smem:$0x3FA8]  }
0x2d: {  	s3 =	simm.s32 $0x108;
	s8 =	sld [smem:$0x3FA9]  }
0x2e: {  	s3 =	simm.s32 @!p0 $0x1082;
	s9 =	sld [smem:$0x3FAA]  }
0x2f: {  	lr =	sadd.s32 s0, s3;
	s0 =	sld [smem:$0x3FA1]  }
0x30: {  	s3 =	sld [smem:$0x3FA4]  }
0x31: {  	[smem:$0x3FAD] =	sst s10  }
0x32: {  	s10 =	sld [smem:$0x3FAB];
	_ =	sdelay $0x3  }
0x33: {  	p0 =	seq.s32 s10, $0x1;
	s10 =	sld [smem:$0x3FAD];
	_ =	sdelay $0x3  }
0x34: {  	[smem:$0x3FAD] =	sst s10  }
0x35: {  	s10 =	sld [smem:$0x3FAC];
	_ =	sdelay $0x3  }
0x36: {  	p1 =	seq.s32 s10, $0x1;
	s10 =	sld [smem:$0x3FAD];
	_ =	sdelay $0x3  }
0x37: {  	[smem:$0x3FAD] =	sst s10  }
0x38: {  	s10 =	sld [smem:$0x3FAE]  }
0x39: {  	_ = 	snop;
	(pc) =	sbr.ind lr, $3  }
0x3a: {  	_ = 	snop  }
0x3b: {  	_ = 	snop  }
0x3c: {  	p2 =	seq.s32 s10, $0x1;
	s10 =	sld [smem:$0x3FAD]  }
0x3d: {  	_ =	shalt  }
0x3e: {  	_ =	shalt  }
0x3f: {  	_ =	shalt  }
0x40: {  	_ =	shalt  }
0x41: {  	_ =	shalt  }
0x42: {  	_ =	shalt  }
0x43: {  	_ =	shalt  }
0x44: {  	_ =	shalt  }
0x45: {  	_ =	shalt  }
0x46: {  	_ =	shalt  }
0x47: {  	_ =	shalt  }
0x48: {  	_ =	shalt  }
0x49: {  	_ =	shalt  }
0x4a: {  	_ =	shalt  }
0x4b: {  	_ =	shalt  }
0x4c: {  	_ =	shalt  }
0x4d: {  	_ =	shalt  }
0x4e: {  	_ =	shalt  }
0x4f: {  	_ =	shalt  }
0x50: {  	_ =	shalt  }
0x51: {  	_ =	shalt  }
0x52: {  	_ =	shalt  }
0x53: {  	_ =	shalt  }
0x54: {  	_ =	shalt  }
0x55: {  	_ =	shalt  }
0x56: {  	_ =	shalt  }
0x57: {  	_ =	shalt  }
0x58: {  	_ =	shalt  }
0x59: {  	_ =	shalt  }
0x5a: {  	_ =	shalt  }
0x5b: {  	_ =	shalt  }
0x5c: {  	_ =	shalt  }
0x5d: {  	_ =	shalt  }
0x5e: {  	_ =	shalt  }
0x5f: {  	_ =	shalt  }
0x60: {  	_ =	shalt  }
0x61: {  	_ =	shalt  }
0x62: {  	_ =	shalt  }
0x63: {  	_ =	shalt  }
0x64: {  	_ =	shalt  }
0x65: {  	_ =	shalt  }
0x66: {  	_ =	shalt  }
0x67: {  	_ =	shalt  }
0x68: {  	_ =	shalt  }
0x69: {  	_ =	shalt  }
0x6a: {  	_ =	shalt  }
0x6b: {  	_ =	shalt  }
0x6c: {  	_ =	shalt  }
0x6d: {  	_ =	shalt  }
0x6e: {  	_ =	shalt  }
0x6f: {  	_ =	shalt  }
0x70: {  	_ =	shalt  }
0x71: {  	_ =	shalt  }
0x72: {  	_ =	shalt  }
0x73: {  	_ =	shalt  }
0x74: {  	_ =	shalt  }
0x75: {  	_ =	shalt  }
0x76: {  	_ =	shalt  }
0x77: {  	_ =	shalt  }
0x78: {  	_ =	shalt  }
0x79: {  	_ =	shalt  }
0x7a: {  	_ =	shalt  }
0x7b: {  	_ =	shalt  }
0x7c: {  	_ =	shalt  }
0x7d: {  	_ =	shalt  }
0x7e: {  	_ =	shalt  }
0x7f: {  	_ =	shalt  }
0x80: {  	_ =	shalt  }
0x81: {  	_ =	shalt  }
0x82: {  	_ =	shalt  }
0x83: {  	_ =	shalt  }
0x84: {  	_ =	shalt  }
0x85: {  	_ =	shalt  }
0x86: {  	_ =	shalt  }
0x87: {  	_ =	shalt  }
.Lfunc_end0:
.L_simem_size_0:
called_computation.1_lowered:
.L_overlay_start_0:
0x88: {  	s2 =	sld [smem:$0x3FD9]  }
0x89: {  	s3 =	sld [smem:$0x3FFE];
	_ =	sdelay $0x1  }
0x8a: {  	s1 =	srdreg.scid  }
0x8b: {  	s0 =	sand.u32 $0x1, s1  }
0x8c: {  	s17 =	sshll.u32 s0, $0xA;
	s2 =	sadd.s32 s3, s2  }
0x8d: {  	s2 =	sadd.s32 s2, s17  }
0x8e: {  	[smem:$0x3FB9] =	sst s2  }
0x8f: {  	_ = 	snop  }
0x90: {  	s18 =	sld [smem:$0x3FD0];
	(tm) =	ssettm $0x1  }
0x91: {  	s19 =	sld [smem:$0x3FFB];
	_ =	sdelay $0x3  }
0x92: {  	_ =	strace s19  }
0x93: {  	s2 =	sld [smem:$0x3FFC];
	_ =	sdelay $0x3  }
0x94: {  	_ =	strace s2  }
0x95: {  	s2 =	sld [smem:$0x3FFD];
	_ =	sdelay $0x3  }
0x96: {  	_ =	strace s2  }
0x97: {  	_ =	strace $0x8FFFFFFF  }
0x98: {  	s20 =	sld [smem:$0x3FDB];
	_ =	sdelay $0x1  }
0x99: {  	s4 =	simm.s32 $_scs_section_size  }
0x9a: {  	s5 =	simm.s32 $_size__tile_overlayer_lowered;
	s6 =	simm.s32 $_tile_overlayer_lowered  }
0x9b: {  	s7 =	simm.s32 $0x1BFF;
	s21 =	sshll.u32 s6, $0x1;
	s4 =	sadd.s32 s4, s20  }
0x9c: {  	s22 =	simm.s32 $0x0;
	s5 =	sshll.u32 s5, $0x1;
	s6 =	sadd.s32 s21, s4  }
0x9d: {  	[timem:s22], [sflag:s7] =	dma.local [hbm:s6], s5  }
0x9e: {  	_ =	swait.ge [sflag:s7], s5  }
0x9f: {  	s5 =	ssub.s32 $0x0, s5;
	[sflag:s7] =	ssyncset.done $0x0  }
0xa0: {  	[sflag:s7] =	ssyncadd.s32 s5;
	_ =	sdelay $0x1  }
0xa1: {  	s23 =	simm.s32 $0x1B8B  }
0xa2: {  	_ =	swait.ge [sflag:s23], $0x1  }
0xa3: {  	[sflag:s23] =	ssyncset.done $0x0  }
0xa4: {  	[sflag:s23] =	ssyncadd.s32 $0xFFFFFFFF  }
0xa5: {  	s5 =	sld [smem:$0x0]  }
0xa6: {  	s6 =	sand.u32 $0xFFFFFFFE, s1  }
0xa7: {  	p0 =	sne.s32 s1, s6  }
0xa8: {  	s6 =	sshll.u32 @p0 s6, $0xE  }
0xa9: {  	s6 =	sadd.s32 @p0 $0x11B8D, s6;
	s7 =	sshll.u32 @p0 s5, $0x11  }
0xaa: {  	s6 =	sor.u32 @p0 s7, s6  }
0xab: {  	[sflag:s6] =	ssyncadd.remote.s32 @p0 $0x1;
	_ =	sdelay $0x1  }
0xac: {  	s6 =	simm.s32 @p0 $0x1B8D  }
0xad: {  	_ =	swait.eq @p0 [sflag:s6], $0x1  }
0xae: {  	[sflag:s6] =	ssyncadd.s32 @p0 $0xFFFFFFFF  }
0xaf: {  	s7 =	sshll.u32 @!p0 s1, $0xE  }
0xb0: {  	s7 =	sor.u32 @!p0 $0x4000, s7;
	s6 =	simm.s32 @!p0 $0x1B8D  }
0xb1: {  	s5 =	sshll.u32 @!p0 s5, $0x11;
	s7 =	sadd.s32 @!p0 $0x11B8D, s7;
	_ =	swait.eq @!p0 [sflag:s6], $0x1  }
0xb2: {  	s5 =	sor.u32 @!p0 s5, s7;
	[sflag:s6] =	ssyncadd.s32 @!p0 $0xFFFFFFFF  }
0xb3: {  	s25 =	simm.s32 $0x1B8E;
	s24 =	sld [smem:$0x3FFE];
	[sflag:s5] =	ssyncadd.remote.s32 @!p0 $0x1  }
0xb4: {  	s26 =	simm.s32 $execute0_lowered;
	[smem:$0x3FD2] =	sst s25  }
0xb5: {  	s6 =	sshll.u32 s26, $0x1;
	_ =	strace $0x80000049;
	[dreg:$0x1] =	wrdreg $0xFFFFFFFF  }
0xb6: {  	s28 =	simm.s32 $_size_execute0_lowered;
	s4 =	sadd.s32 s4, s6;
	[dreg:$0x0] =	wrdreg $0x0  }
0xb7: {  	s6 =	sshll.u32 s28, $0x1;
	[dreg:$0x2] =	wrdreg s4  }
0xb8: {  	[dreg:$0x3] =	wrdreg s6  }
0xb9: {  	[dreg:$0x4] =	wrdreg $0xC0  }
0xba: {  	_ =	task [dreg:s22], $0x5FFFF  }
0xbb: {  	[dreg:$0x1] =	wrdreg $0xFFFFFFFF  }
0xbc: {  	[dreg:$0x0] =	wrdreg $0x60  }
0xbd: {  	[dreg:$0x2] =	wrdreg s18  }
0xbe: {  	[dreg:$0x3] =	wrdreg s24  }
0xbf: {  	[dreg:$0x4] =	wrdreg $0x0  }
0xc0: {  	[dreg:$0x5] =	wrdreg $0xA  }
0xc1: {  	_ =	task.clear_ibuf [dreg:s22], $0x6FFFF;
	_ =	strace $0x90000049  }
0xc2: {  	s29 =	simm.s32 $0xA;
	_ =	strace $0x8000004B  }
0xc3: {  	_ =	swait.ge [sflag:s29], $0x1  }
0xc4: {  	[sflag:s29] =	ssyncadd.s32 $0xFFFFFFFF  }
0xc5: {  	_ =	strace $0x9000004B  }
0xc6: {  	_ =	sfence  }
0xc7: {  	s30 =	sld [smem:$0x0];
	_ =	sdelay $0x2  }
0xc8: {  	s31 =	sshll.u32 s1, $0xD;
	s1 =	sshrl.u32 s1, $0x2  }
0xc9: {  	s4 =	sand.u32 $0x4000, s31;
	s1 =	sadd.s32 s1, s30  }
0xca: {  	s0 =	sor.u32 s4, s0;
	s1 =	sshll.u32 s1, $0x11  }
0xcb: {  	s0 =	sor.u32 s1, s0  }
0xcc: {  	s0 =	sadd.s32 $0x8F2B, s0  }
0xcd: {  	[sflag:s0] =	ssyncadd.remote.s32 $0x1  }
0xce: {  	_ =	sfence.sel $0xFFFF  }
0xcf: {  	[dreg:$0x0] =	wrdreg $0xFFFFFFFF;
	(pc) =	sbr.abs _section_cstart, $3  }
0xd0: {  	[dreg:$0x1] =	wrdreg $0xFFFFFFFF  }
0xd1: {  	_ =	task.clear_ibuf [dreg:s22], $0x2FFFF;
	_ =	strace $0x9FFFFFFF  }
0xd2: {  	(tm) =	ssettm $0x7FFFFFFF  }
0xd3: {  	_ =	shalt  }
tec
execute0_lowered:
.L_overlay_start_1:
0x0: {  	(tag) =	ssettag $0x1  }
0x1: {  	s1 =	rddreg [dreg:$0x0]  }
0x2: {  	s0 =	rddreg [dreg:$0x1]  }
0x3: {  	s2 =	rddreg [dreg:$0x2];
	s4 =	simm.s32 $0x0;
	s3 =	srdreg.scid  }
0x4: {  	s11 =	stileid.u32;
	s28 =	simm.s32 $0x14000;
	s29 =	simm.s32 $0x80  }
0x5: {  	s30 =	simm.s32 $0x14100;
	s31 =	simm.s32 $0x1;
	[smem:$0x7FF] =	sst s4  }
0x6: {  	s5 =	sadd.s32 $0x52800, s0;
	s3 =	sand.u32 $0x1, s3;
	s8 =	smul.u32 $0x50000, s11  }
0x7: {  	s6 =	sshll.u32 s11, $0x1;
	s9 =	sadd.s32 $0x66800, s0;
	s12 =	smul.u32 $0x14000, s11  }
0x8: {  	s0 =	sadd.s32 $0xB7000, s0;
	_ =	strace $0x8000004A;
	s26 =	smul.u32 $0x140000, s3  }
0x9: {  	s7 =	ssub.s32 $0x2, s3;
	s6 =	sor.u32 s3, s6;
	s3 =	smul.u32 $0x5000, s3  }
0xa: {  	[dreg:$0x4] =	wrdreg s9;
	s23 =	sshrl.u32 s7, $0x1;
	s10 =	smul.u32 $0x5000, s6  }
0xb: {  	s24 =	sshrl.u32 s8, $0x2;
	s15 =	sadd.s32 $0x4000, s12;
	s9 =	ssub.s32 s7, s23  }
0xc: {  	s6 =	sadd.s32 s24, s2;
	s21 =	sadd.s32 s26, s12;
	s16 =	sadd.s32 s26, s15  }
0xd: {  	s15 =	sadd.s32 s15, s2;
	s23 =	sadd.s32 $0x8000, s12;
	s25 =	sshrl.u32 s10, $0x3  }
0xe: {  	s9 =	smax.u32 s9, $0x1;
	s18 =	sadd.s32 $0x4000, s6;
	s19 =	sadd.s32 $0x8000, s6  }
0xf: {  	s20 =	sadd.s32 $0xC000, s6;
	s13 =	sadd.s32 $0x10000, s6;
	[dreg:$0x5] =	wrdreg s9  }
0x10: {  	s10 =	sshrl.u32 s21, $0x3;
	s22 =	sshrl.u32 s16, $0x3;
	[dreg:$0x7] =	wrdreg s18  }
0x11: {  	s21 =	sadd.s32 $0xC000, s12;
	s7 =	sadd.s32 s5, s25;
	[dreg:$0x8] =	wrdreg s19  }
0x12: {  	[dreg:$0x9] =	wrdreg s20;
	s14 =	sadd.s32 s0, s10;
	s16 =	sadd.s32 s0, s22  }
0x13: {  	s18 =	smul.u32 $0xA000, s11;
	s10 =	sadd.s32 s26, s23;
	s9 =	sadd.s32 $0x10000, s12  }
0x14: {  	s19 =	sadd.s32 s26, s21;
	s21 =	sadd.s32 s21, s2;
	s17 =	sadd.s32 $0x9E0, s7  }
0x15: {  	s10 =	sshrl.u32 s10, $0x3;
	s8 =	sadd.s32 s26, s9;
	s24 =	sshrl.u32 s19, $0x3  }
0x16: {  	s22 =	sadd.s32 s9, s2;
	s9 =	simm.s32 $0x0;
	[dreg:$0x6] =	wrdreg s17  }
0x17: {  	s17 =	sadd.s32 s23, s2;
	s3 =	sadd.s32 s3, s18;
	s8 =	sshrl.u32 s8, $0x3  }
0x18: {  	s18 =	sadd.s32 s0, s10;
	s19 =	sadd.s32 s0, s24;
	s20 =	sadd.s32 s0, s8  }
0x19: {  	s25 =	sor.u32 $0x200, s3;
	s3 =	sor.u32 $0x100, s3;
	s8 =	simm.s32 $0x14180  }
0x1a: {  	s0 =	sshrl.u32 s25, $0x3;
	s26 =	sshrl.u32 s3, $0x3;
	s25 =	simm.s32 $0x14200  }
0x1b: {  	s3 =	simm.s32 $0x14080;
	s23 =	sadd.s32 s0, s5;
	s24 =	sadd.s32 s26, s5  }
0x1c: {  	s26 =	simm.s32 $0x3;
	s0 =	simm.s32 $0x18200;
	s5 =	simm.s32 $0x2  }
.LBB2_1:
0x1d: {  	s10 =	rddreg [dreg:$0x4]  }
0x1e: {  	[tilespmem:s25], [sflag:$0x3] =	stream.linear.gather [hbm4b:s10+s4], $0x4000, $0x38;
	[tilespmem:$0x1C200] =	vst v63  }
0x1f: {  	_ =	swait.ge [sflag:s26], $0x4000  }
0x20: {  	[sflag:s26] =	ssyncset.done $0x0  }
0x21: {  	[sflag:s26] =	ssyncadd.s32 $0xFFFFC000  }
0x22: {  	[spmem:s6] =	stream.linear.scatter [tilespmem:s25], [sflag:$0x3], $0x4000, $0x38;
	[tilespmem:$0x1C200] =	vst v63  }
0x23: {  	_ =	swait.ge [sflag:s26], $0x4000  }
0x24: {  	[sflag:s26] =	ssyncset.done $0x0  }
0x25: {  	s12 =	rddreg [dreg:$0x7];
	[sflag:s26] =	ssyncadd.s32 $0xFFFFC000  }
0x26: {  	[spmem:s12] =	stream.linear.scatter [tilespmem:s25], [sflag:$0x3], $0x4000, $0x38;
	[tilespmem:$0x1C200] =	vst v63  }
0x27: {  	_ =	swait.ge [sflag:s26], $0x4000  }
0x28: {  	[sflag:s26] =	ssyncset.done $0x0  }
0x29: {  	s11 =	rddreg [dreg:$0x8];
	[sflag:s26] =	ssyncadd.s32 $0xFFFFC000  }
0x2a: {  	[spmem:s11] =	stream.linear.scatter [tilespmem:s25], [sflag:$0x3], $0x4000, $0x38;
	[tilespmem:$0x1C200] =	vst v63  }
0x2b: {  	_ =	swait.ge [sflag:s26], $0x4000  }
0x2c: {  	[sflag:s26] =	ssyncset.done $0x0  }
0x2d: {  	s12 =	rddreg [dreg:$0x9];
	[sflag:s26] =	ssyncadd.s32 $0xFFFFC000  }
0x2e: {  	[spmem:s12] =	stream.linear.scatter [tilespmem:s25], [sflag:$0x3], $0x4000, $0x38;
	[tilespmem:$0x1C200] =	vst v63  }
0x2f: {  	_ =	swait.ge [sflag:s26], $0x4000  }
0x30: {  	[sflag:s26] =	ssyncset.done $0x0  }
0x31: {  	[sflag:s26] =	ssyncadd.s32 $0xFFFFC000  }
0x32: {  	[spmem:s13] =	stream.linear.scatter [tilespmem:s25], [sflag:$0x3], $0x4000, $0x38;
	[tilespmem:$0x1C200] =	vst v63  }
0x33: {  	_ =	swait.ge [sflag:s26], $0x4000  }
0x34: {  	[sflag:s26] =	ssyncset.done $0x0  }
0x35: {  	[sflag:s26] =	ssyncadd.s32 $0xFFFFC000  }
0x36: {  	[bflag:$0x0] =	sbarrier.arrive $0xFFFF  }
0x37: {  	[tilespmem:s28], [sflag:$0x3] =	stream.linear.gather [hbm4b:s7+s4], $0x100, $0x38;
	[tilespmem:$0x1C200] =	vst v63  }
0x38: {  	_ =	swait.ge [sflag:s26], $0x100  }
0x39: {  	[sflag:s26] =	ssyncset.done $0x0  }
0x3a: {  	[sflag:s26] =	ssyncadd.s32 $0xFFFFFF00  }
0x3b: {  	[tilespmem:s25], [sflag:$0x1] =	stream.indirect.gather [hbm4b:s1+s29], $0x80, s28, s29, $0xb8;
	[tilespmem:$0x1C200] =	vst v63  }
0x3c: {  	s11 =	sadd.s32 $0x0, s24  }
0x3d: {  	[tilespmem:s30], [sflag:$0x3] =	stream.linear.gather [hbm4b:s11+s4], $0x100, $0x38;
	[tilespmem:$0x1C200] =	vst v63  }
0x3e: {  	_ =	swait.ge [sflag:s26], $0x100  }
0x3f: {  	[sflag:s26] =	ssyncset.done $0x0  }
0x40: {  	[sflag:s26] =	ssyncadd.s32 $0xFFFFFF00  }
0x41: {  	_ =	swait.ge [sflag:s31], $0x4000  }
0x42: {  	[sflag:s31] =	ssyncset.done $0x0  }
0x43: {  	[sflag:s31] =	ssyncadd.s32 $0xFFFFC000  }
0x44: {  	[tilespmem:s0], [sflag:$0x2] =	stream.indirect.gather [hbm4b:s1+s29], $0x80, s30, s29, $0xb8;
	[tilespmem:$0x1C200] =	vst v63  }
0x45: {  	_ = 	snop  }
0x46: {  	[spmem:s2] =	stream.indirect.scatter.add.f32 [tilespmem:s25], [sflag:$0x3], $0x80, s3, s29, $0xb8;
	[tilespmem:$0x1C200] =	vst v63  }
0x47: {  	_ =	swait.ge [sflag:s26], $0x4000  }
0x48: {  	[sflag:s26] =	ssyncset.done $0x0  }
0x49: {  	s12 =	sadd.s32 $0x0, s23;
	[sflag:s26] =	ssyncadd.s32 $0xFFFFC000  }
0x4a: {  	[tilespmem:s28], [sflag:$0x3] =	stream.linear.gather [hbm4b:s12+s4], $0x100, $0x38;
	[tilespmem:$0x1C200] =	vst v63  }
0x4b: {  	_ =	swait.ge [sflag:s26], $0x100  }
0x4c: {  	[sflag:s26] =	ssyncset.done $0x0  }
0x4d: {  	[sflag:s26] =	ssyncadd.s32 $0xFFFFFF00  }
0x4e: {  	_ =	swait.ge [sflag:s5], $0x4000  }
0x4f: {  	[sflag:s5] =	ssyncset.done $0x0  }
0x50: {  	[sflag:s5] =	ssyncadd.s32 $0xFFFFC000  }
0x51: {  	[tilespmem:s25], [sflag:$0x1] =	stream.indirect.gather [hbm4b:s1+s29], $0x80, s28, s29, $0xb8;
	[tilespmem:$0x1C200] =	vst v63  }
0x52: {  	_ = 	snop  }
0x53: {  	[spmem:s2] =	stream.indirect.scatter.add.f32 [tilespmem:s0], [sflag:$0x3], $0x80, s8, s29, $0xb8;
	[tilespmem:$0x1C200] =	vst v63  }
0x54: {  	_ =	swait.ge [sflag:s26], $0x4000  }
0x55: {  	s10 =	simm.s32 $0x40;
	[sflag:s26] =	ssyncset.done $0x0  }
.LBB2_2:
0x56: {  	p0 =	sne.s32 s10, $0x980  }
0x57: {  	[sflag:s26] =	ssyncadd.s32 $0xFFFFC000;
	s11 =	smov.u32 s10;
	s10 =	sadd.s32 $0x40, s10  }
0x58: {  	s12 =	sadd.s32 s11, s24  }
0x59: {  	[tilespmem:s30], [sflag:$0x3] =	stream.linear.gather [hbm4b:s12+s4], $0x100, $0x38;
	[tilespmem:$0x1C200] =	vst v63  }
0x5a: {  	_ =	swait.ge [sflag:s26], $0x100  }
0x5b: {  	[sflag:s26] =	ssyncset.done $0x0  }
0x5c: {  	[sflag:s26] =	ssyncadd.s32 $0xFFFFFF00  }
0x5d: {  	_ =	swait.ge [sflag:s31], $0x4000  }
0x5e: {  	[sflag:s31] =	ssyncset.done $0x0  }
0x5f: {  	[sflag:s31] =	ssyncadd.s32 $0xFFFFC000  }
0x60: {  	[tilespmem:s0], [sflag:$0x2] =	stream.indirect.gather [hbm4b:s1+s29], $0x80, s30, s29, $0xb8;
	[tilespmem:$0x1C200] =	vst v63  }
0x61: {  	_ = 	snop  }
0x62: {  	[spmem:s2] =	stream.indirect.scatter.add.f32 [tilespmem:s25], [sflag:$0x3], $0x80, s3, s29, $0xb8;
	[tilespmem:$0x1C200] =	vst v63  }
0x63: {  	_ =	swait.ge [sflag:s26], $0x4000  }
0x64: {  	[sflag:s26] =	ssyncset.done $0x0  }
0x65: {  	s11 =	sadd.s32 s11, s23;
	[sflag:s26] =	ssyncadd.s32 $0xFFFFC000  }
0x66: {  	[tilespmem:s28], [sflag:$0x3] =	stream.linear.gather [hbm4b:s11+s4], $0x100, $0x38;
	[tilespmem:$0x1C200] =	vst v63  }
0x67: {  	_ =	swait.ge [sflag:s26], $0x100  }
0x68: {  	[sflag:s26] =	ssyncset.done $0x0  }
0x69: {  	[sflag:s26] =	ssyncadd.s32 $0xFFFFFF00  }
0x6a: {  	_ =	swait.ge [sflag:s5], $0x4000  }
0x6b: {  	[sflag:s5] =	ssyncset.done $0x0  }
0x6c: {  	[sflag:s5] =	ssyncadd.s32 $0xFFFFC000  }
0x6d: {  	[tilespmem:s25], [sflag:$0x1] =	stream.indirect.gather [hbm4b:s1+s29], $0x80, s28, s29, $0xb8;
	[tilespmem:$0x1C200] =	vst v63  }
.Ltmp0:
0x6e: {  	_ = 	snop;
	(pc) =	sbr.rel @p0 .LBB2_2-.Ltmp0, $4  }
0x6f: {  	_ = 	snop  }
0x70: {  	[spmem:s2] =	stream.indirect.scatter.add.f32 [tilespmem:s0], [sflag:$0x3], $0x80, s8, s29, $0xb8;
	[tilespmem:$0x1C200] =	vst v63  }
0x71: {  	_ =	swait.ge [sflag:s26], $0x4000  }
0x72: {  	[sflag:s26] =	ssyncset.done $0x0  }
0x73: {  	[sflag:s26] =	ssyncadd.s32 $0xFFFFC000;
	s10 =	rddreg [dreg:$0x6]  }
0x74: {  	[tilespmem:s30], [sflag:$0x3] =	stream.linear.gather [hbm4b:s10+s4], $0x100, $0x38;
	[tilespmem:$0x1C200] =	vst v63  }
0x75: {  	_ =	swait.ge [sflag:s26], $0x100  }
0x76: {  	[sflag:s26] =	ssyncset.done $0x0  }
0x77: {  	[sflag:s26] =	ssyncadd.s32 $0xFFFFFF00  }
0x78: {  	_ =	swait.ge [sflag:s31], $0x4000  }
0x79: {  	[sflag:s31] =	ssyncset.done $0x0  }
0x7a: {  	[sflag:s31] =	ssyncadd.s32 $0xFFFFC000  }
0x7b: {  	[tilespmem:s0], [sflag:$0x2] =	stream.indirect.gather [hbm4b:s1+s29], $0x80, s30, s29, $0xb8;
	[tilespmem:$0x1C200] =	vst v63  }
0x7c: {  	_ = 	snop  }
0x7d: {  	[spmem:s2] =	stream.indirect.scatter.add.f32 [tilespmem:s25], [sflag:$0x3], $0x80, s3, s29, $0xb8;
	[tilespmem:$0x1C200] =	vst v63  }
0x7e: {  	_ =	swait.ge [sflag:s26], $0x4000  }
0x7f: {  	[sflag:s26] =	ssyncset.done $0x0  }
0x80: {  	[sflag:s26] =	ssyncadd.s32 $0xFFFFC000  }
0x81: {  	_ =	swait.ge [sflag:s5], $0x4000  }
0x82: {  	[sflag:s5] =	ssyncset.done $0x0  }
0x83: {  	[sflag:s5] =	ssyncadd.s32 $0xFFFFC000  }
0x84: {  	[spmem:s2] =	stream.indirect.scatter.add.f32 [tilespmem:s0], [sflag:$0x3], $0x80, s8, s29, $0xb8;
	[tilespmem:$0x1C200] =	vst v63  }
0x85: {  	_ =	swait.ge [sflag:s26], $0x4000  }
0x86: {  	[sflag:s26] =	ssyncset.done $0x0  }
0x87: {  	[sflag:s26] =	ssyncadd.s32 $0xFFFFC000  }
0x88: {  	[bflag:$0x0] =	sbarrier.arrive $0xFFFF  }
0x89: {  	[tilespmem:s25], [sflag:$0x3] =	stream.linear.gather [spmem:s6], $0x4000, $0x38;
	[tilespmem:$0x1C200] =	vst v63  }
0x8a: {  	_ =	swait.ge [sflag:s26], $0x4000  }
0x8b: {  	[sflag:s26] =	ssyncset.done $0x0  }
0x8c: {  	[sflag:s26] =	ssyncadd.s32 $0xFFFFC000  }
0x8d: {  	[hbm4b:s14+s4] =	stream.linear.scatter [tilespmem:s25], [sflag:$0x3], $0x4000, $0x38;
	[tilespmem:$0x1C200] =	vst v63  }
0x8e: {  	_ =	swait.ge [sflag:s26], $0x4000  }
0x8f: {  	[sflag:s26] =	ssyncset.done $0x0  }
0x90: {  	[sflag:s26] =	ssyncadd.s32 $0xFFFFC000  }
0x91: {  	[tilespmem:s25], [sflag:$0x3] =	stream.linear.gather [spmem:s15], $0x4000, $0x38;
	[tilespmem:$0x1C200] =	vst v63  }
0x92: {  	_ =	swait.ge [sflag:s26], $0x4000  }
0x93: {  	[sflag:s26] =	ssyncset.done $0x0  }
0x94: {  	[sflag:s26] =	ssyncadd.s32 $0xFFFFC000  }
0x95: {  	[hbm4b:s16+s4] =	stream.linear.scatter [tilespmem:s25], [sflag:$0x3], $0x4000, $0x38;
	[tilespmem:$0x1C200] =	vst v63  }
0x96: {  	_ =	swait.ge [sflag:s26], $0x4000  }
0x97: {  	[sflag:s26] =	ssyncset.done $0x0  }
0x98: {  	[sflag:s26] =	ssyncadd.s32 $0xFFFFC000  }
0x99: {  	[tilespmem:s25], [sflag:$0x3] =	stream.linear.gather [spmem:s17], $0x4000, $0x38;
	[tilespmem:$0x1C200] =	vst v63  }
0x9a: {  	_ =	swait.ge [sflag:s26], $0x4000  }
0x9b: {  	[sflag:s26] =	ssyncset.done $0x0  }
0x9c: {  	[sflag:s26] =	ssyncadd.s32 $0xFFFFC000  }
0x9d: {  	[hbm4b:s18+s4] =	stream.linear.scatter [tilespmem:s25], [sflag:$0x3], $0x4000, $0x38;
	[tilespmem:$0x1C200] =	vst v63  }
0x9e: {  	_ =	swait.ge [sflag:s26], $0x4000  }
0x9f: {  	[sflag:s26] =	ssyncset.done $0x0  }
0xa0: {  	[sflag:s26] =	ssyncadd.s32 $0xFFFFC000  }
0xa1: {  	[tilespmem:s25], [sflag:$0x3] =	stream.linear.gather [spmem:s21], $0x4000, $0x38;
	[tilespmem:$0x1C200] =	vst v63  }
0xa2: {  	_ =	swait.ge [sflag:s26], $0x4000  }
0xa3: {  	[sflag:s26] =	ssyncset.done $0x0  }
0xa4: {  	[sflag:s26] =	ssyncadd.s32 $0xFFFFC000  }
0xa5: {  	[hbm4b:s19+s4] =	stream.linear.scatter [tilespmem:s25], [sflag:$0x3], $0x4000, $0x38;
	[tilespmem:$0x1C200] =	vst v63  }
0xa6: {  	_ =	swait.ge [sflag:s26], $0x4000  }
0xa7: {  	[sflag:s26] =	ssyncset.done $0x0  }
0xa8: {  	[sflag:s26] =	ssyncadd.s32 $0xFFFFC000  }
0xa9: {  	[tilespmem:s25], [sflag:$0x3] =	stream.linear.gather [spmem:s22], $0x4000, $0x38;
	[tilespmem:$0x1C200] =	vst v63  }
0xaa: {  	_ =	swait.ge [sflag:s26], $0x4000  }
0xab: {  	[sflag:s26] =	ssyncset.done $0x0  }
0xac: {  	[sflag:s26] =	ssyncadd.s32 $0xFFFFC000  }
0xad: {  	[hbm4b:s20+s4] =	stream.linear.scatter [tilespmem:s25], [sflag:$0x3], $0x4000, $0x38;
	[tilespmem:$0x1C200] =	vst v63  }
0xae: {  	_ =	swait.ge [sflag:s26], $0x4000  }
0xaf: {  	s9 =	sadd.s32 $0x1, s9;
	s12 =	rddreg [dreg:$0x5]  }
0xb0: {  	p0 =	sne.s32 s9, s12  }
.Ltmp1:
0xb1: {  	_ = 	snop;
	(pc) =	sbr.rel @p0 .LBB2_1-.Ltmp1, $3  }
0xb2: {  	_ =	sdelay $0x1  }
0xb3: {  	[sflag:s26] =	ssyncset.done $0x0  }
0xb4: {  	[sflag:s26] =	ssyncadd.s32 $0xFFFFC000  }
0xb5: {  	_ =	sfence.sel $0x180000  }
0xb6: {  	[bflag:$0x0] =	sbarrier.arrive $0xFFFF  }
0xb7: {  	_ =	strace $0x9000004A  }
0xb8: {  	s0 =	stileid.u32;
	[bflag:$0x2] =	sbarrier.arrive $0xFFFF  }
0xb9: {  	p0 =	sne.s32 s0, $0x0;
	s0 =	rddreg [dreg:$0x3]  }
0xba: {  	s0 =	sadd.s32 @!p0 $0x100000, s0  }
0xbb: {  	[sflag:s0] =	ssyncadd.tile.s32 @!p0 $0x1;
	_ =	shalt  }
.Lfunc_end2:
_tile_overlayer_lowered:
.L_overlay_start_2:
0xbc: {  	(tag) =	ssettag $0x2  }
0xbd: {  	s0 =	rddreg [dreg:$0x0];
	s2 =	stileid.u32  }
0xbe: {  	s1 =	rddreg [dreg:$0x1];
	p0 =	sne.s32 s2, $0x0  }
0xbf: {  	s3 =	rddreg [dreg:$0x2];
	[bflag:$0x3] =	sbarrier.arrive $0xFFFF;
	s2 =	simm.s32 @!p0 $0x1C03  }
0xc0: {  	[timem:s3], [sflag:s2] =	dma.local @!p0 [hbm:s0], s1  }
0xc1: {  	s0 =	simm.s32 @!p0 $0x3  }
0xc2: {  	_ =	swait.ge @!p0 [sflag:s0], s1  }
0xc3: {  	s1 =	ssub.s32 @!p0 $0x0, s1;
	[sflag:s0] =	ssyncset.done @!p0 $0x0  }
0xc4: {  	[sflag:s0] =	ssyncadd.s32 @!p0 s1  }
0xc5: {  	[bflag:$0x3] =	sbarrier.arrive $0xFFFF  }
0xc6: {  	_ =	shalt  }

// kernel: kernel.13.cloned.1.call-start
scs
__scs_entry_jumppad:
0x0: {  	(pc) =	sbr.rel $0x88, $3  }
0x1: {  	(tag) =	ssettag $0x0;
	lr =	simm.s32 $0x1  }
0x2: {  	[smem:$0x3F92] =	sst lr;
	_ =	strace $0xD0000000  }
0x3: {  	_ = 	snop  }
0x4: {  	_ = 	snop  }
0x5: {  	_ = 	snop  }
0x6: {  	_ = 	snop  }
0x7: {  	_ = 	snop  }
__scs_overlays_trampoline_lowered:
0x8: {  	[smem:$0x3FA1] =	sst s0  }
0x9: {  	[smem:$0x3FA2] =	sst s1  }
0xa: {  	[smem:$0x3FA3] =	sst s2  }
0xb: {  	[smem:$0x3FA4] =	sst s3  }
0xc: {  	[smem:$0x3FA5] =	sst s4  }
0xd: {  	[smem:$0x3FA6] =	sst s5  }
0xe: {  	[smem:$0x3FA7] =	sst s6  }
0xf: {  	[smem:$0x3FA8] =	sst s7  }
0x10: {  	[smem:$0x3FA9] =	sst s8  }
0x11: {  	[smem:$0x3FAA] =	sst s9;
	s0 =	simm.s32 @!p0 $0x0  }
0x12: {  	s1 =	sld [smem:$0x3F90];
	s0 =	simm.s32 @p0 $0x1  }
0x13: {  	[smem:$0x3FAB] =	sst s0;
	s0 =	simm.s32 @!p1 $0x0  }
0x14: {  	s2 =	sld [smem:$0x3F8F];
	s0 =	simm.s32 @p1 $0x1  }
0x15: {  	[smem:$0x3FAC] =	sst s0;
	s0 =	simm.s32 @!p2 $0x0  }
0x16: {  	s3 =	sld [smem:$0x3FDB];
	s0 =	simm.s32 @p2 $0x1  }
0x17: {  	s4 =	simm.s32 $0x1BF5;
	[smem:$0x3FAE] =	sst s0  }
0x18: {  	s0 =	sld [smem:$0x3F91];
	_ =	swait.ge [sflag:s4], $0x0  }
0x19: {  	s7 =	sld [smem:$0x3F92]  }
0x1a: {  	s8 =	sadd.s32 $0xFFFFE003, lr  }
0x1b: {  	s9 =	sadd.s32 $0xFFFFFEF7, lr;
	s5 =	simm.s32 $0xFFFFFFFF;
	p2 =	slt.u32 s8, $0xFFFFF086  }
0x1c: {  	p1 =	slt.u32 s9, $0xF7A;
	s5 =	simm.s32 @!p2 $0x0  }
0x1d: {  	s5 =	simm.s32 @p1 $0x1;
	p0 =	seq.s32 s7, s2  }
0x1e: {  	s7 =	smul.u32 @!p0 $0xF7A, s2;
	p2 =	seq.s32 @!p0 s5, $0x0  }
0x1f: {  	s9 =	smul.u32 $0xF7A, s1;
	s8 =	simm.s32 @!p0 $0x1BF5;
	p2 =	por !p2, p0  }
0x20: {  	[sflag:s8] =	ssyncset.s32 @!p0 $0xFFFFF086;
	s6 =	sadd.s32 @!p0 s3, s7;
	s7 =	simm.s32 @!p0 $0x108  }
0x21: {  	s3 =	sadd.s32 s3, s9;
	s6 =	sadd.s32 @!p0 $0x88, s6;
	s7 =	simm.s32 @p2 $0x1082  }
0x22: {  	[simem:s7], [sflag:s8] =	dma.local @!p0 [hbm:s6], $0xF7A  }
0x23: {  	s9 =	sor.u32 $0xD0000000, s2;
	s6 =	simm.s32 $0x108;
	_ =	swait.ge @!p0 [sflag:s8], $0x0  }
0x24: {  	s3 =	sadd.s32 $0x88, s3;
	s6 =	simm.s32 @!p1 $0x1082;
	[sflag:s4] =	ssyncset.s32 $0xFFFFF086  }
0x25: {  	[simem:s6], [sflag:s4] =	dma.local [hbm:s3], $0xF7A  }
0x26: {  	[smem:$0x3F92] =	sst s1;
	(tag) =	ssettag s2;
	_ =	strace s9  }
0x27: {  	s1 =	sld [smem:$0x3FA2]  }
0x28: {  	s2 =	sld [smem:$0x3FA3]  }
0x29: {  	s4 =	sld [smem:$0x3FA5]  }
0x2a: {  	p0 =	seq.s32 s5, $0x0;
	s5 =	sld [smem:$0x3FA6]  }
0x2b: {  	s6 =	sld [smem:$0x3FA7]  }
0x2c: {  	s7 =	sld [smem:$0x3FA8]  }
0x2d: {  	s3 =	simm.s32 $0x108;
	s8 =	sld [smem:$0x3FA9]  }
0x2e: {  	s3 =	simm.s32 @!p0 $0x1082;
	s9 =	sld [smem:$0x3FAA]  }
0x2f: {  	lr =	sadd.s32 s0, s3;
	s0 =	sld [smem:$0x3FA1]  }
0x30: {  	s3 =	sld [smem:$0x3FA4]  }
0x31: {  	[smem:$0x3FAD] =	sst s10  }
0x32: {  	s10 =	sld [smem:$0x3FAB];
	_ =	sdelay $0x3  }
0x33: {  	p0 =	seq.s32 s10, $0x1;
	s10 =	sld [smem:$0x3FAD];
	_ =	sdelay $0x3  }
0x34: {  	[smem:$0x3FAD] =	sst s10  }
0x35: {  	s10 =	sld [smem:$0x3FAC];
	_ =	sdelay $0x3  }
0x36: {  	p1 =	seq.s32 s10, $0x1;
	s10 =	sld [smem:$0x3FAD];
	_ =	sdelay $0x3  }
0x37: {  	[smem:$0x3FAD] =	sst s10  }
0x38: {  	s10 =	sld [smem:$0x3FAE]  }
0x39: {  	_ = 	snop;
	(pc) =	sbr.ind lr, $3  }
0x3a: {  	_ = 	snop  }
0x3b: {  	_ = 	snop  }
0x3c: {  	p2 =	seq.s32 s10, $0x1;
	s10 =	sld [smem:$0x3FAD]  }
0x3d: {  	_ =	shalt  }
0x3e: {  	_ =	shalt  }
0x3f: {  	_ =	shalt  }
0x40: {  	_ =	shalt  }
0x41: {  	_ =	shalt  }
0x42: {  	_ =	shalt  }
0x43: {  	_ =	shalt  }
0x44: {  	_ =	shalt  }
0x45: {  	_ =	shalt  }
0x46: {  	_ =	shalt  }
0x47: {  	_ =	shalt  }
0x48: {  	_ =	shalt  }
0x49: {  	_ =	shalt  }
0x4a: {  	_ =	shalt  }
0x4b: {  	_ =	shalt  }
0x4c: {  	_ =	shalt  }
0x4d: {  	_ =	shalt  }
0x4e: {  	_ =	shalt  }
0x4f: {  	_ =	shalt  }
0x50: {  	_ =	shalt  }
0x51: {  	_ =	shalt  }
0x52: {  	_ =	shalt  }
0x53: {  	_ =	shalt  }
0x54: {  	_ =	shalt  }
0x55: {  	_ =	shalt  }
0x56: {  	_ =	shalt  }
0x57: {  	_ =	shalt  }
0x58: {  	_ =	shalt  }
0x59: {  	_ =	shalt  }
0x5a: {  	_ =	shalt  }
0x5b: {  	_ =	shalt  }
0x5c: {  	_ =	shalt  }
0x5d: {  	_ =	shalt  }
0x5e: {  	_ =	shalt  }
0x5f: {  	_ =	shalt  }
0x60: {  	_ =	shalt  }
0x61: {  	_ =	shalt  }
0x62: {  	_ =	shalt  }
0x63: {  	_ =	shalt  }
0x64: {  	_ =	shalt  }
0x65: {  	_ =	shalt  }
0x66: {  	_ =	shalt  }
0x67: {  	_ =	shalt  }
0x68: {  	_ =	shalt  }
0x69: {  	_ =	shalt  }
0x6a: {  	_ =	shalt  }
0x6b: {  	_ =	shalt  }
0x6c: {  	_ =	shalt  }
0x6d: {  	_ =	shalt  }
0x6e: {  	_ =	shalt  }
0x6f: {  	_ =	shalt  }
0x70: {  	_ =	shalt  }
0x71: {  	_ =	shalt  }
0x72: {  	_ =	shalt  }
0x73: {  	_ =	shalt  }
0x74: {  	_ =	shalt  }
0x75: {  	_ =	shalt  }
0x76: {  	_ =	shalt  }
0x77: {  	_ =	shalt  }
0x78: {  	_ =	shalt  }
0x79: {  	_ =	shalt  }
0x7a: {  	_ =	shalt  }
0x7b: {  	_ =	shalt  }
0x7c: {  	_ =	shalt  }
0x7d: {  	_ =	shalt  }
0x7e: {  	_ =	shalt  }
0x7f: {  	_ =	shalt  }
0x80: {  	_ =	shalt  }
0x81: {  	_ =	shalt  }
0x82: {  	_ =	shalt  }
0x83: {  	_ =	shalt  }
0x84: {  	_ =	shalt  }
0x85: {  	_ =	shalt  }
0x86: {  	_ =	shalt  }
0x87: {  	_ =	shalt  }
.Lfunc_end0:
.L_simem_size_0:
called_computation.2_lowered:
.L_overlay_start_0:
0x88: {  	s2 =	sld [smem:$0x3FD9]  }
0x89: {  	s3 =	sld [smem:$0x3FFE];
	_ =	sdelay $0x1  }
0x8a: {  	s1 =	srdreg.scid  }
0x8b: {  	s0 =	sand.u32 $0x1, s1  }
0x8c: {  	s17 =	sshll.u32 s0, $0xA;
	s2 =	sadd.s32 s3, s2  }
0x8d: {  	s2 =	sadd.s32 s2, s17  }
0x8e: {  	[smem:$0x3FB9] =	sst s2  }
0x8f: {  	_ = 	snop  }
0x90: {  	s2 =	sld [smem:$0x3FD0];
	(tm) =	ssettm $0x1  }
0x91: {  	s18 =	sld [smem:$0x3FFB];
	_ =	sdelay $0x3  }
0x92: {  	_ =	strace s18  }
0x93: {  	s3 =	sld [smem:$0x3FFC];
	_ =	sdelay $0x3  }
0x94: {  	_ =	strace s3  }
0x95: {  	s3 =	sld [smem:$0x3FFD];
	_ =	sdelay $0x3  }
0x96: {  	_ =	strace s3  }
0x97: {  	_ =	strace $0x8FFFFFFF  }
0x98: {  	s19 =	sld [smem:$0x3FDB];
	_ =	sdelay $0x1  }
0x99: {  	s4 =	simm.s32 $_scs_section_size  }
0x9a: {  	s5 =	simm.s32 $_size__tile_overlayer_lowered;
	s6 =	simm.s32 $_tile_overlayer_lowered  }
0x9b: {  	s22 =	simm.s32 $0x1BFF;
	s21 =	sshll.u32 s6, $0x1;
	s3 =	sadd.s32 s4, s19  }
0x9c: {  	s7 =	simm.s32 $0x0;
	s20 =	sshll.u32 s5, $0x1;
	s5 =	sadd.s32 s21, s3  }
0x9d: {  	[timem:s7], [sflag:s22] =	dma.local [hbm:s5], s20  }
0x9e: {  	_ =	swait.ge [sflag:s22], s20  }
0x9f: {  	s4 =	ssub.s32 $0x0, s20;
	[sflag:s22] =	ssyncset.done $0x0  }
0xa0: {  	[sflag:s22] =	ssyncadd.s32 s4;
	_ =	sdelay $0x1  }
0xa1: {  	s23 =	simm.s32 $0x1B8B  }
0xa2: {  	_ =	swait.ge [sflag:s23], $0x1  }
0xa3: {  	[sflag:s23] =	ssyncset.done $0x0  }
0xa4: {  	s25 =	simm.s32 $0x1B8E;
	s24 =	sld [smem:$0x3FFE];
	[sflag:s23] =	ssyncadd.s32 $0xFFFFFFFF  }
0xa5: {  	s26 =	simm.s32 $execute0_lowered;
	[smem:$0x3FD2] =	sst s25  }
0xa6: {  	s5 =	sshll.u32 s26, $0x1;
	_ =	strace $0x8000004C;
	[dreg:$0x1] =	wrdreg $0xFFFFFFFF  }
0xa7: {  	s28 =	simm.s32 $_size_execute0_lowered;
	s3 =	sadd.s32 s3, s5;
	[dreg:$0x0] =	wrdreg $0x0  }
0xa8: {  	s5 =	sshll.u32 s28, $0x1;
	[dreg:$0x2] =	wrdreg s3  }
0xa9: {  	[dreg:$0x3] =	wrdreg s5  }
0xaa: {  	[dreg:$0x4] =	wrdreg $0xC0  }
0xab: {  	_ =	task [dreg:s7], $0x5FFFF  }
0xac: {  	[dreg:$0x1] =	wrdreg $0xFFFFFFFF  }
0xad: {  	[dreg:$0x0] =	wrdreg $0x60  }
0xae: {  	[dreg:$0x2] =	wrdreg s2  }
0xaf: {  	[dreg:$0x3] =	wrdreg s24  }
0xb0: {  	[dreg:$0x4] =	wrdreg $0x0  }
0xb1: {  	[dreg:$0x5] =	wrdreg $0x9  }
0xb2: {  	_ =	task.clear_ibuf [dreg:s7], $0x6FFFF;
	_ =	strace $0x9000004C  }
0xb3: {  	s29 =	simm.s32 $0x9;
	_ =	strace $0x8000004E  }
0xb4: {  	_ =	swait.ge [sflag:s29], $0x1  }
0xb5: {  	[sflag:s29] =	ssyncadd.s32 $0xFFFFFFFF  }
0xb6: {  	_ =	strace $0x9000004E  }
0xb7: {  	_ =	sfence  }
0xb8: {  	s30 =	sld [smem:$0x0];
	_ =	sdelay $0x2  }
0xb9: {  	s31 =	sshll.u32 s1, $0xD;
	s1 =	sshrl.u32 s1, $0x2  }
0xba: {  	s3 =	sand.u32 $0x4000, s31;
	s1 =	sadd.s32 s1, s30  }
0xbb: {  	s0 =	sor.u32 s3, s0;
	s1 =	sshll.u32 s1, $0x11  }
0xbc: {  	s0 =	sor.u32 s1, s0  }
0xbd: {  	s0 =	sadd.s32 $0x8F2B, s0  }
0xbe: {  	[sflag:s0] =	ssyncadd.remote.s32 $0x1  }
0xbf: {  	_ =	sfence.sel $0xFFFF  }
0xc0: {  	[dreg:$0x0] =	wrdreg $0xFFFFFFFF;
	(pc) =	sbr.abs _section_cstart, $3  }
0xc1: {  	[dreg:$0x1] =	wrdreg $0xFFFFFFFF  }
0xc2: {  	_ =	task.clear_ibuf [dreg:s7], $0x2FFFF;
	_ =	strace $0x9FFFFFFF  }
0xc3: {  	(tm) =	ssettm $0x7FFFFFFF  }
tec
execute0_lowered:
.L_overlay_start_1:
0x0: {  	(tag) =	ssettag $0x1  }
0x1: {  	s1 =	rddreg [dreg:$0x0]  }
0x2: {  	s0 =	rddreg [dreg:$0x1]  }
0x3: {  	s2 =	rddreg [dreg:$0x2];
	s4 =	simm.s32 $0x0;
	s3 =	srdreg.scid  }
0x4: {  	s11 =	stileid.u32;
	s28 =	simm.s32 $0x14000;
	s29 =	simm.s32 $0x80  }
0x5: {  	s30 =	simm.s32 $0x14100;
	s31 =	simm.s32 $0x1;
	[smem:$0x7FF] =	sst s4  }
0x6: {  	s5 =	sadd.s32 $0x52800, s0;
	s3 =	sand.u32 $0x1, s3;
	s8 =	smul.u32 $0x50000, s11  }
0x7: {  	s6 =	sshll.u32 s11, $0x1;
	s9 =	sadd.s32 $0x66800, s0;
	s12 =	smul.u32 $0x14000, s11  }
0x8: {  	s0 =	sadd.s32 $0x2800, s0;
	_ =	strace $0x8000004D;
	s26 =	smul.u32 $0x140000, s3  }
0x9: {  	s7 =	ssub.s32 $0x2, s3;
	s6 =	sor.u32 s3, s6;
	s3 =	smul.u32 $0x5000, s3  }
0xa: {  	[dreg:$0x4] =	wrdreg s9;
	s23 =	sshrl.u32 s7, $0x1;
	s10 =	smul.u32 $0x5000, s6  }
0xb: {  	s24 =	sshrl.u32 s8, $0x2;
	s15 =	sadd.s32 $0x4000, s12;
	s9 =	ssub.s32 s7, s23  }
0xc: {  	s6 =	sadd.s32 s24, s2;
	s21 =	sadd.s32 s26, s12;
	s16 =	sadd.s32 s26, s15  }
0xd: {  	s15 =	sadd.s32 s15, s2;
	s23 =	sadd.s32 $0x8000, s12;
	s25 =	sshrl.u32 s10, $0x3  }
0xe: {  	s9 =	smax.u32 s9, $0x1;
	s18 =	sadd.s32 $0x4000, s6;
	s19 =	sadd.s32 $0x8000, s6  }
0xf: {  	s20 =	sadd.s32 $0xC000, s6;
	s13 =	sadd.s32 $0x10000, s6;
	[dreg:$0x5] =	wrdreg s9  }
0x10: {  	s10 =	sshrl.u32 s21, $0x3;
	s22 =	sshrl.u32 s16, $0x3;
	[dreg:$0x7] =	wrdreg s18  }
0x11: {  	s21 =	sadd.s32 $0xC000, s12;
	s7 =	sadd.s32 s5, s25;
	[dreg:$0x8] =	wrdreg s19  }
0x12: {  	[dreg:$0x9] =	wrdreg s20;
	s14 =	sadd.s32 s0, s10;
	s16 =	sadd.s32 s0, s22  }
0x13: {  	s18 =	smul.u32 $0xA000, s11;
	s10 =	sadd.s32 s26, s23;
	s9 =	sadd.s32 $0x10000, s12  }
0x14: {  	s19 =	sadd.s32 s26, s21;
	s21 =	sadd.s32 s21, s2;
	s17 =	sadd.s32 $0x9E0, s7  }
0x15: {  	s10 =	sshrl.u32 s10, $0x3;
	s8 =	sadd.s32 s26, s9;
	s24 =	sshrl.u32 s19, $0x3  }
0x16: {  	s22 =	sadd.s32 s9, s2;
	s9 =	simm.s32 $0x0;
	[dreg:$0x6] =	wrdreg s17  }
0x17: {  	s17 =	sadd.s32 s23, s2;
	s3 =	sadd.s32 s3, s18;
	s8 =	sshrl.u32 s8, $0x3  }
0x18: {  	s18 =	sadd.s32 s0, s10;
	s19 =	sadd.s32 s0, s24;
	s20 =	sadd.s32 s0, s8  }
0x19: {  	s25 =	sor.u32 $0x200, s3;
	s3 =	sor.u32 $0x100, s3;
	s8 =	simm.s32 $0x14180  }
0x1a: {  	s0 =	sshrl.u32 s25, $0x3;
	s26 =	sshrl.u32 s3, $0x3;
	s25 =	simm.s32 $0x14200  }
0x1b: {  	s3 =	simm.s32 $0x14080;
	s23 =	sadd.s32 s0, s5;
	s24 =	sadd.s32 s26, s5  }
0x1c: {  	s26 =	simm.s32 $0x3;
	s0 =	simm.s32 $0x18200;
	s5 =	simm.s32 $0x2  }
.LBB2_1:
0x1d: {  	s10 =	rddreg [dreg:$0x4]  }
0x1e: {  	[tilespmem:s25], [sflag:$0x3] =	stream.linear.gather [hbm4b:s10+s4], $0x4000, $0x38;
	[tilespmem:$0x1C200] =	vst v63  }
0x1f: {  	_ =	swait.ge [sflag:s26], $0x4000  }
0x20: {  	[sflag:s26] =	ssyncset.done $0x0  }
0x21: {  	[sflag:s26] =	ssyncadd.s32 $0xFFFFC000  }
0x22: {  	[spmem:s6] =	stream.linear.scatter [tilespmem:s25], [sflag:$0x3], $0x4000, $0x38;
	[tilespmem:$0x1C200] =	vst v63  }
0x23: {  	_ =	swait.ge [sflag:s26], $0x4000  }
0x24: {  	[sflag:s26] =	ssyncset.done $0x0  }
0x25: {  	s12 =	rddreg [dreg:$0x7];
	[sflag:s26] =	ssyncadd.s32 $0xFFFFC000  }
0x26: {  	[spmem:s12] =	stream.linear.scatter [tilespmem:s25], [sflag:$0x3], $0x4000, $0x38;
	[tilespmem:$0x1C200] =	vst v63  }
0x27: {  	_ =	swait.ge [sflag:s26], $0x4000  }
0x28: {  	[sflag:s26] =	ssyncset.done $0x0  }
0x29: {  	s11 =	rddreg [dreg:$0x8];
	[sflag:s26] =	ssyncadd.s32 $0xFFFFC000  }
0x2a: {  	[spmem:s11] =	stream.linear.scatter [tilespmem:s25], [sflag:$0x3], $0x4000, $0x38;
	[tilespmem:$0x1C200] =	vst v63  }
0x2b: {  	_ =	swait.ge [sflag:s26], $0x4000  }
0x2c: {  	[sflag:s26] =	ssyncset.done $0x0  }
0x2d: {  	s12 =	rddreg [dreg:$0x9];
	[sflag:s26] =	ssyncadd.s32 $0xFFFFC000  }
0x2e: {  	[spmem:s12] =	stream.linear.scatter [tilespmem:s25], [sflag:$0x3], $0x4000, $0x38;
	[tilespmem:$0x1C200] =	vst v63  }
0x2f: {  	_ =	swait.ge [sflag:s26], $0x4000  }
0x30: {  	[sflag:s26] =	ssyncset.done $0x0  }
0x31: {  	[sflag:s26] =	ssyncadd.s32 $0xFFFFC000  }
0x32: {  	[spmem:s13] =	stream.linear.scatter [tilespmem:s25], [sflag:$0x3], $0x4000, $0x38;
	[tilespmem:$0x1C200] =	vst v63  }
0x33: {  	_ =	swait.ge [sflag:s26], $0x4000  }
0x34: {  	[sflag:s26] =	ssyncset.done $0x0  }
0x35: {  	[sflag:s26] =	ssyncadd.s32 $0xFFFFC000  }
0x36: {  	[bflag:$0x0] =	sbarrier.arrive $0xFFFF  }
0x37: {  	[tilespmem:s28], [sflag:$0x3] =	stream.linear.gather [hbm4b:s7+s4], $0x100, $0x38;
	[tilespmem:$0x1C200] =	vst v63  }
0x38: {  	_ =	swait.ge [sflag:s26], $0x100  }
0x39: {  	[sflag:s26] =	ssyncset.done $0x0  }
0x3a: {  	[sflag:s26] =	ssyncadd.s32 $0xFFFFFF00  }
0x3b: {  	[tilespmem:s25], [sflag:$0x1] =	stream.indirect.gather [hbm4b:s1+s29], $0x80, s28, s29, $0xb8;
	[tilespmem:$0x1C200] =	vst v63  }
0x3c: {  	s11 =	sadd.s32 $0x0, s24  }
0x3d: {  	[tilespmem:s30], [sflag:$0x3] =	stream.linear.gather [hbm4b:s11+s4], $0x100, $0x38;
	[tilespmem:$0x1C200] =	vst v63  }
0x3e: {  	_ =	swait.ge [sflag:s26], $0x100  }
0x3f: {  	[sflag:s26] =	ssyncset.done $0x0  }
0x40: {  	[sflag:s26] =	ssyncadd.s32 $0xFFFFFF00  }
0x41: {  	_ =	swait.ge [sflag:s31], $0x4000  }
0x42: {  	[sflag:s31] =	ssyncset.done $0x0  }
0x43: {  	[sflag:s31] =	ssyncadd.s32 $0xFFFFC000  }
0x44: {  	[tilespmem:s0], [sflag:$0x2] =	stream.indirect.gather [hbm4b:s1+s29], $0x80, s30, s29, $0xb8;
	[tilespmem:$0x1C200] =	vst v63  }
0x45: {  	_ = 	snop  }
0x46: {  	[spmem:s2] =	stream.indirect.scatter.add.f32 [tilespmem:s25], [sflag:$0x3], $0x80, s3, s29, $0xb8;
	[tilespmem:$0x1C200] =	vst v63  }
0x47: {  	_ =	swait.ge [sflag:s26], $0x4000  }
0x48: {  	[sflag:s26] =	ssyncset.done $0x0  }
0x49: {  	s12 =	sadd.s32 $0x0, s23;
	[sflag:s26] =	ssyncadd.s32 $0xFFFFC000  }
0x4a: {  	[tilespmem:s28], [sflag:$0x3] =	stream.linear.gather [hbm4b:s12+s4], $0x100, $0x38;
	[tilespmem:$0x1C200] =	vst v63  }
0x4b: {  	_ =	swait.ge [sflag:s26], $0x100  }
0x4c: {  	[sflag:s26] =	ssyncset.done $0x0  }
0x4d: {  	[sflag:s26] =	ssyncadd.s32 $0xFFFFFF00  }
0x4e: {  	_ =	swait.ge [sflag:s5], $0x4000  }
0x4f: {  	[sflag:s5] =	ssyncset.done $0x0  }
0x50: {  	[sflag:s5] =	ssyncadd.s32 $0xFFFFC000  }
0x51: {  	[tilespmem:s25], [sflag:$0x1] =	stream.indirect.gather [hbm4b:s1+s29], $0x80, s28, s29, $0xb8;
	[tilespmem:$0x1C200] =	vst v63  }
0x52: {  	_ = 	snop  }
0x53: {  	[spmem:s2] =	stream.indirect.scatter.add.f32 [tilespmem:s0], [sflag:$0x3], $0x80, s8, s29, $0xb8;
	[tilespmem:$0x1C200] =	vst v63  }
0x54: {  	_ =	swait.ge [sflag:s26], $0x4000  }
0x55: {  	s10 =	simm.s32 $0x40;
	[sflag:s26] =	ssyncset.done $0x0  }
.LBB2_2:
0x56: {  	p0 =	sne.s32 s10, $0x980  }
0x57: {  	[sflag:s26] =	ssyncadd.s32 $0xFFFFC000;
	s11 =	smov.u32 s10;
	s10 =	sadd.s32 $0x40, s10  }
0x58: {  	s12 =	sadd.s32 s11, s24  }
0x59: {  	[tilespmem:s30], [sflag:$0x3] =	stream.linear.gather [hbm4b:s12+s4], $0x100, $0x38;
	[tilespmem:$0x1C200] =	vst v63  }
0x5a: {  	_ =	swait.ge [sflag:s26], $0x100  }
0x5b: {  	[sflag:s26] =	ssyncset.done $0x0  }
0x5c: {  	[sflag:s26] =	ssyncadd.s32 $0xFFFFFF00  }
0x5d: {  	_ =	swait.ge [sflag:s31], $0x4000  }
0x5e: {  	[sflag:s31] =	ssyncset.done $0x0  }
0x5f: {  	[sflag:s31] =	ssyncadd.s32 $0xFFFFC000  }
0x60: {  	[tilespmem:s0], [sflag:$0x2] =	stream.indirect.gather [hbm4b:s1+s29], $0x80, s30, s29, $0xb8;
	[tilespmem:$0x1C200] =	vst v63  }
0x61: {  	_ = 	snop  }
0x62: {  	[spmem:s2] =	stream.indirect.scatter.add.f32 [tilespmem:s25], [sflag:$0x3], $0x80, s3, s29, $0xb8;
	[tilespmem:$0x1C200] =	vst v63  }
0x63: {  	_ =	swait.ge [sflag:s26], $0x4000  }
0x64: {  	[sflag:s26] =	ssyncset.done $0x0  }
0x65: {  	s11 =	sadd.s32 s11, s23;
	[sflag:s26] =	ssyncadd.s32 $0xFFFFC000  }
0x66: {  	[tilespmem:s28], [sflag:$0x3] =	stream.linear.gather [hbm4b:s11+s4], $0x100, $0x38;
	[tilespmem:$0x1C200] =	vst v63  }
0x67: {  	_ =	swait.ge [sflag:s26], $0x100  }
0x68: {  	[sflag:s26] =	ssyncset.done $0x0  }
0x69: {  	[sflag:s26] =	ssyncadd.s32 $0xFFFFFF00  }
0x6a: {  	_ =	swait.ge [sflag:s5], $0x4000  }
0x6b: {  	[sflag:s5] =	ssyncset.done $0x0  }
0x6c: {  	[sflag:s5] =	ssyncadd.s32 $0xFFFFC000  }
0x6d: {  	[tilespmem:s25], [sflag:$0x1] =	stream.indirect.gather [hbm4b:s1+s29], $0x80, s28, s29, $0xb8;
	[tilespmem:$0x1C200] =	vst v63  }
.Ltmp0:
0x6e: {  	_ = 	snop;
	(pc) =	sbr.rel @p0 .LBB2_2-.Ltmp0, $4  }
0x6f: {  	_ = 	snop  }
0x70: {  	[spmem:s2] =	stream.indirect.scatter.add.f32 [tilespmem:s0], [sflag:$0x3], $0x80, s8, s29, $0xb8;
	[tilespmem:$0x1C200] =	vst v63  }
0x71: {  	_ =	swait.ge [sflag:s26], $0x4000  }
0x72: {  	[sflag:s26] =	ssyncset.done $0x0  }
0x73: {  	[sflag:s26] =	ssyncadd.s32 $0xFFFFC000;
	s10 =	rddreg [dreg:$0x6]  }
0x74: {  	[tilespmem:s30], [sflag:$0x3] =	stream.linear.gather [hbm4b:s10+s4], $0x100, $0x38;
	[tilespmem:$0x1C200] =	vst v63  }
0x75: {  	_ =	swait.ge [sflag:s26], $0x100  }
0x76: {  	[sflag:s26] =	ssyncset.done $0x0  }
0x77: {  	[sflag:s26] =	ssyncadd.s32 $0xFFFFFF00  }
0x78: {  	_ =	swait.ge [sflag:s31], $0x4000  }
0x79: {  	[sflag:s31] =	ssyncset.done $0x0  }
0x7a: {  	[sflag:s31] =	ssyncadd.s32 $0xFFFFC000  }
0x7b: {  	[tilespmem:s0], [sflag:$0x2] =	stream.indirect.gather [hbm4b:s1+s29], $0x80, s30, s29, $0xb8;
	[tilespmem:$0x1C200] =	vst v63  }
0x7c: {  	_ = 	snop  }
0x7d: {  	[spmem:s2] =	stream.indirect.scatter.add.f32 [tilespmem:s25], [sflag:$0x3], $0x80, s3, s29, $0xb8;
	[tilespmem:$0x1C200] =	vst v63  }
0x7e: {  	_ =	swait.ge [sflag:s26], $0x4000  }
0x7f: {  	[sflag:s26] =	ssyncset.done $0x0  }
0x80: {  	[sflag:s26] =	ssyncadd.s32 $0xFFFFC000  }
0x81: {  	_ =	swait.ge [sflag:s5], $0x4000  }
0x82: {  	[sflag:s5] =	ssyncset.done $0x0  }
0x83: {  	[sflag:s5] =	ssyncadd.s32 $0xFFFFC000  }
0x84: {  	[spmem:s2] =	stream.indirect.scatter.add.f32 [tilespmem:s0], [sflag:$0x3], $0x80, s8, s29, $0xb8;
	[tilespmem:$0x1C200] =	vst v63  }
0x85: {  	_ =	swait.ge [sflag:s26], $0x4000  }
0x86: {  	[sflag:s26] =	ssyncset.done $0x0  }
0x87: {  	[sflag:s26] =	ssyncadd.s32 $0xFFFFC000  }
0x88: {  	[bflag:$0x0] =	sbarrier.arrive $0xFFFF  }
0x89: {  	[tilespmem:s25], [sflag:$0x3] =	stream.linear.gather [spmem:s6], $0x4000, $0x38;
	[tilespmem:$0x1C200] =	vst v63  }
0x8a: {  	_ =	swait.ge [sflag:s26], $0x4000  }
0x8b: {  	[sflag:s26] =	ssyncset.done $0x0  }
0x8c: {  	[sflag:s26] =	ssyncadd.s32 $0xFFFFC000  }
0x8d: {  	[hbm4b:s14+s4] =	stream.linear.scatter [tilespmem:s25], [sflag:$0x3], $0x4000, $0x38;
	[tilespmem:$0x1C200] =	vst v63  }
0x8e: {  	_ =	swait.ge [sflag:s26], $0x4000  }
0x8f: {  	[sflag:s26] =	ssyncset.done $0x0  }
0x90: {  	[sflag:s26] =	ssyncadd.s32 $0xFFFFC000  }
0x91: {  	[tilespmem:s25], [sflag:$0x3] =	stream.linear.gather [spmem:s15], $0x4000, $0x38;
	[tilespmem:$0x1C200] =	vst v63  }
0x92: {  	_ =	swait.ge [sflag:s26], $0x4000  }
0x93: {  	[sflag:s26] =	ssyncset.done $0x0  }
0x94: {  	[sflag:s26] =	ssyncadd.s32 $0xFFFFC000  }
0x95: {  	[hbm4b:s16+s4] =	stream.linear.scatter [tilespmem:s25], [sflag:$0x3], $0x4000, $0x38;
	[tilespmem:$0x1C200] =	vst v63  }
0x96: {  	_ =	swait.ge [sflag:s26], $0x4000  }
0x97: {  	[sflag:s26] =	ssyncset.done $0x0  }
0x98: {  	[sflag:s26] =	ssyncadd.s32 $0xFFFFC000  }
0x99: {  	[tilespmem:s25], [sflag:$0x3] =	stream.linear.gather [spmem:s17], $0x4000, $0x38;
	[tilespmem:$0x1C200] =	vst v63  }
0x9a: {  	_ =	swait.ge [sflag:s26], $0x4000  }
0x9b: {  	[sflag:s26] =	ssyncset.done $0x0  }
0x9c: {  	[sflag:s26] =	ssyncadd.s32 $0xFFFFC000  }
0x9d: {  	[hbm4b:s18+s4] =	stream.linear.scatter [tilespmem:s25], [sflag:$0x3], $0x4000, $0x38;
	[tilespmem:$0x1C200] =	vst v63  }
0x9e: {  	_ =	swait.ge [sflag:s26], $0x4000  }
0x9f: {  	[sflag:s26] =	ssyncset.done $0x0  }
0xa0: {  	[sflag:s26] =	ssyncadd.s32 $0xFFFFC000  }
0xa1: {  	[tilespmem:s25], [sflag:$0x3] =	stream.linear.gather [spmem:s21], $0x4000, $0x38;
	[tilespmem:$0x1C200] =	vst v63  }
0xa2: {  	_ =	swait.ge [sflag:s26], $0x4000  }
0xa3: {  	[sflag:s26] =	ssyncset.done $0x0  }
0xa4: {  	[sflag:s26] =	ssyncadd.s32 $0xFFFFC000  }
0xa5: {  	[hbm4b:s19+s4] =	stream.linear.scatter [tilespmem:s25], [sflag:$0x3], $0x4000, $0x38;
	[tilespmem:$0x1C200] =	vst v63  }
0xa6: {  	_ =	swait.ge [sflag:s26], $0x4000  }
0xa7: {  	[sflag:s26] =	ssyncset.done $0x0  }
0xa8: {  	[sflag:s26] =	ssyncadd.s32 $0xFFFFC000  }
0xa9: {  	[tilespmem:s25], [sflag:$0x3] =	stream.linear.gather [spmem:s22], $0x4000, $0x38;
	[tilespmem:$0x1C200] =	vst v63  }
0xaa: {  	_ =	swait.ge [sflag:s26], $0x4000  }
0xab: {  	[sflag:s26] =	ssyncset.done $0x0  }
0xac: {  	[sflag:s26] =	ssyncadd.s32 $0xFFFFC000  }
0xad: {  	[hbm4b:s20+s4] =	stream.linear.scatter [tilespmem:s25], [sflag:$0x3], $0x4000, $0x38;
	[tilespmem:$0x1C200] =	vst v63  }
0xae: {  	_ =	swait.ge [sflag:s26], $0x4000  }
0xaf: {  	s9 =	sadd.s32 $0x1, s9;
	s12 =	rddreg [dreg:$0x5]  }
0xb0: {  	p0 =	sne.s32 s9, s12  }
.Ltmp1:
0xb1: {  	_ = 	snop;
	(pc) =	sbr.rel @p0 .LBB2_1-.Ltmp1, $3  }
0xb2: {  	_ =	sdelay $0x1  }
0xb3: {  	[sflag:s26] =	ssyncset.done $0x0  }
0xb4: {  	[sflag:s26] =	ssyncadd.s32 $0xFFFFC000  }
0xb5: {  	_ =	sfence.sel $0x180000  }
0xb6: {  	[bflag:$0x0] =	sbarrier.arrive $0xFFFF  }
0xb7: {  	_ =	strace $0x9000004D  }
0xb8: {  	s0 =	stileid.u32;
	[bflag:$0x2] =	sbarrier.arrive $0xFFFF  }
0xb9: {  	p0 =	sne.s32 s0, $0x0;
	s0 =	rddreg [dreg:$0x3]  }
0xba: {  	s0 =	sadd.s32 @!p0 $0x100000, s0  }
0xbb: {  	[sflag:s0] =	ssyncadd.tile.s32 @!p0 $0x1;
	_ =	shalt  }
.Lfunc_end2:
_tile_overlayer_lowered:
.L_overlay_start_2:
0xbc: {  	(tag) =	ssettag $0x2  }
0xbd: {  	s0 =	rddreg [dreg:$0x0];
	s2 =	stileid.u32  }
0xbe: {  	s1 =	rddreg [dreg:$0x1];
	p0 =	sne.s32 s2, $0x0  }
0xbf: {  	s3 =	rddreg [dreg:$0x2];
	[bflag:$0x3] =	sbarrier.arrive $0xFFFF;
	s2 =	simm.s32 @!p0 $0x1C03  }
0xc0: {  	[timem:s3], [sflag:s2] =	dma.local @!p0 [hbm:s0], s1  }
0xc1: {  	s0 =	simm.s32 @!p0 $0x3  }
0xc2: {  	_ =	swait.ge @!p0 [sflag:s0], s1  }
0xc3: {  	s1 =	ssub.s32 @!p0 $0x0, s1;
	[sflag:s0] =	ssyncset.done @!p0 $0x0  }
0xc4: {  	[sflag:s0] =	ssyncadd.s32 @!p0 s1  }
0xc5: {  	[bflag:$0x3] =	sbarrier.arrive $0xFFFF  }
0xc6: {  	_ =	shalt  }

// kernel: kernel.7.cloned.1.call-start
scs
__scs_entry_jumppad:
0x0: {  	(pc) =	sbr.rel $0x88, $3  }
0x1: {  	(tag) =	ssettag $0x0;
	lr =	simm.s32 $0x1  }
0x2: {  	[smem:$0x3F92] =	sst lr;
	_ =	strace $0xD0000000  }
0x3: {  	_ = 	snop  }
0x4: {  	_ = 	snop  }
0x5: {  	_ = 	snop  }
0x6: {  	_ = 	snop  }
0x7: {  	_ = 	snop  }
__scs_overlays_trampoline_lowered:
0x8: {  	[smem:$0x3FA1] =	sst s0  }
0x9: {  	[smem:$0x3FA2] =	sst s1  }
0xa: {  	[smem:$0x3FA3] =	sst s2  }
0xb: {  	[smem:$0x3FA4] =	sst s3  }
0xc: {  	[smem:$0x3FA5] =	sst s4  }
0xd: {  	[smem:$0x3FA6] =	sst s5  }
0xe: {  	[smem:$0x3FA7] =	sst s6  }
0xf: {  	[smem:$0x3FA8] =	sst s7  }
0x10: {  	[smem:$0x3FA9] =	sst s8  }
0x11: {  	[smem:$0x3FAA] =	sst s9;
	s0 =	simm.s32 @!p0 $0x0  }
0x12: {  	s1 =	sld [smem:$0x3F90];
	s0 =	simm.s32 @p0 $0x1  }
0x13: {  	[smem:$0x3FAB] =	sst s0;
	s0 =	simm.s32 @!p1 $0x0  }
0x14: {  	s2 =	sld [smem:$0x3F8F];
	s0 =	simm.s32 @p1 $0x1  }
0x15: {  	[smem:$0x3FAC] =	sst s0;
	s0 =	simm.s32 @!p2 $0x0  }
0x16: {  	s3 =	sld [smem:$0x3FDB];
	s0 =	simm.s32 @p2 $0x1  }
0x17: {  	s4 =	simm.s32 $0x1BF5;
	[smem:$0x3FAE] =	sst s0  }
0x18: {  	s0 =	sld [smem:$0x3F91];
	_ =	swait.ge [sflag:s4], $0x0  }
0x19: {  	s7 =	sld [smem:$0x3F92]  }
0x1a: {  	s8 =	sadd.s32 $0xFFFFE003, lr  }
0x1b: {  	s9 =	sadd.s32 $0xFFFFFEF7, lr;
	s5 =	simm.s32 $0xFFFFFFFF;
	p2 =	slt.u32 s8, $0xFFFFF086  }
0x1c: {  	p1 =	slt.u32 s9, $0xF7A;
	s5 =	simm.s32 @!p2 $0x0  }
0x1d: {  	s5 =	simm.s32 @p1 $0x1;
	p0 =	seq.s32 s7, s2  }
0x1e: {  	s7 =	smul.u32 @!p0 $0xF7A, s2;
	p2 =	seq.s32 @!p0 s5, $0x0  }
0x1f: {  	s9 =	smul.u32 $0xF7A, s1;
	s8 =	simm.s32 @!p0 $0x1BF5;
	p2 =	por !p2, p0  }
0x20: {  	[sflag:s8] =	ssyncset.s32 @!p0 $0xFFFFF086;
	s6 =	sadd.s32 @!p0 s3, s7;
	s7 =	simm.s32 @!p0 $0x108  }
0x21: {  	s3 =	sadd.s32 s3, s9;
	s6 =	sadd.s32 @!p0 $0x88, s6;
	s7 =	simm.s32 @p2 $0x1082  }
0x22: {  	[simem:s7], [sflag:s8] =	dma.local @!p0 [hbm:s6], $0xF7A  }
0x23: {  	s9 =	sor.u32 $0xD0000000, s2;
	s6 =	simm.s32 $0x108;
	_ =	swait.ge @!p0 [sflag:s8], $0x0  }
0x24: {  	s3 =	sadd.s32 $0x88, s3;
	s6 =	simm.s32 @!p1 $0x1082;
	[sflag:s4] =	ssyncset.s32 $0xFFFFF086  }
0x25: {  	[simem:s6], [sflag:s4] =	dma.local [hbm:s3], $0xF7A  }
0x26: {  	[smem:$0x3F92] =	sst s1;
	(tag) =	ssettag s2;
	_ =	strace s9  }
0x27: {  	s1 =	sld [smem:$0x3FA2]  }
0x28: {  	s2 =	sld [smem:$0x3FA3]  }
0x29: {  	s4 =	sld [smem:$0x3FA5]  }
0x2a: {  	p0 =	seq.s32 s5, $0x0;
	s5 =	sld [smem:$0x3FA6]  }
0x2b: {  	s6 =	sld [smem:$0x3FA7]  }
0x2c: {  	s7 =	sld [smem:$0x3FA8]  }
0x2d: {  	s3 =	simm.s32 $0x108;
	s8 =	sld [smem:$0x3FA9]  }
0x2e: {  	s3 =	simm.s32 @!p0 $0x1082;
	s9 =	sld [smem:$0x3FAA]  }
0x2f: {  	lr =	sadd.s32 s0, s3;
	s0 =	sld [smem:$0x3FA1]  }
0x30: {  	s3 =	sld [smem:$0x3FA4]  }
0x31: {  	[smem:$0x3FAD] =	sst s10  }
0x32: {  	s10 =	sld [smem:$0x3FAB];
	_ =	sdelay $0x3  }
0x33: {  	p0 =	seq.s32 s10, $0x1;
	s10 =	sld [smem:$0x3FAD];
	_ =	sdelay $0x3  }
0x34: {  	[smem:$0x3FAD] =	sst s10  }
0x35: {  	s10 =	sld [smem:$0x3FAC];
	_ =	sdelay $0x3  }
0x36: {  	p1 =	seq.s32 s10, $0x1;
	s10 =	sld [smem:$0x3FAD];
	_ =	sdelay $0x3  }
0x37: {  	[smem:$0x3FAD] =	sst s10  }
0x38: {  	s10 =	sld [smem:$0x3FAE]  }
0x39: {  	_ = 	snop;
	(pc) =	sbr.ind lr, $3  }
0x3a: {  	_ = 	snop  }
0x3b: {  	_ = 	snop  }
0x3c: {  	p2 =	seq.s32 s10, $0x1;
	s10 =	sld [smem:$0x3FAD]  }
0x3d: {  	_ =	shalt  }
0x3e: {  	_ =	shalt  }
0x3f: {  	_ =	shalt  }
0x40: {  	_ =	shalt  }
0x41: {  	_ =	shalt  }
0x42: {  	_ =	shalt  }
0x43: {  	_ =	shalt  }
0x44: {  	_ =	shalt  }
0x45: {  	_ =	shalt  }
0x46: {  	_ =	shalt  }
0x47: {  	_ =	shalt  }
0x48: {  	_ =	shalt  }
0x49: {  	_ =	shalt  }
0x4a: {  	_ =	shalt  }
0x4b: {  	_ =	shalt  }
0x4c: {  	_ =	shalt  }
0x4d: {  	_ =	shalt  }
0x4e: {  	_ =	shalt  }
0x4f: {  	_ =	shalt  }
0x50: {  	_ =	shalt  }
0x51: {  	_ =	shalt  }
0x52: {  	_ =	shalt  }
0x53: {  	_ =	shalt  }
0x54: {  	_ =	shalt  }
0x55: {  	_ =	shalt  }
0x56: {  	_ =	shalt  }
0x57: {  	_ =	shalt  }
0x58: {  	_ =	shalt  }
0x59: {  	_ =	shalt  }
0x5a: {  	_ =	shalt  }
0x5b: {  	_ =	shalt  }
0x5c: {  	_ =	shalt  }
0x5d: {  	_ =	shalt  }
0x5e: {  	_ =	shalt  }
0x5f: {  	_ =	shalt  }
0x60: {  	_ =	shalt  }
0x61: {  	_ =	shalt  }
0x62: {  	_ =	shalt  }
0x63: {  	_ =	shalt  }
0x64: {  	_ =	shalt  }
0x65: {  	_ =	shalt  }
0x66: {  	_ =	shalt  }
0x67: {  	_ =	shalt  }
0x68: {  	_ =	shalt  }
0x69: {  	_ =	shalt  }
0x6a: {  	_ =	shalt  }
0x6b: {  	_ =	shalt  }
0x6c: {  	_ =	shalt  }
0x6d: {  	_ =	shalt  }
0x6e: {  	_ =	shalt  }
0x6f: {  	_ =	shalt  }
0x70: {  	_ =	shalt  }
0x71: {  	_ =	shalt  }
0x72: {  	_ =	shalt  }
0x73: {  	_ =	shalt  }
0x74: {  	_ =	shalt  }
0x75: {  	_ =	shalt  }
0x76: {  	_ =	shalt  }
0x77: {  	_ =	shalt  }
0x78: {  	_ =	shalt  }
0x79: {  	_ =	shalt  }
0x7a: {  	_ =	shalt  }
0x7b: {  	_ =	shalt  }
0x7c: {  	_ =	shalt  }
0x7d: {  	_ =	shalt  }
0x7e: {  	_ =	shalt  }
0x7f: {  	_ =	shalt  }
0x80: {  	_ =	shalt  }
0x81: {  	_ =	shalt  }
0x82: {  	_ =	shalt  }
0x83: {  	_ =	shalt  }
0x84: {  	_ =	shalt  }
0x85: {  	_ =	shalt  }
0x86: {  	_ =	shalt  }
0x87: {  	_ =	shalt  }
.Lfunc_end0:
.L_simem_size_0:
called_computation_lowered:
.L_overlay_start_0:
0x88: {  	s2 =	sld [smem:$0x3FD9]  }
0x89: {  	s3 =	sld [smem:$0x3FFE];
	_ =	sdelay $0x1  }
0x8a: {  	s1 =	srdreg.scid  }
0x8b: {  	s0 =	sand.u32 $0x1, s1  }
0x8c: {  	s16 =	sshll.u32 s0, $0xA;
	s2 =	sadd.s32 s3, s2  }
0x8d: {  	s2 =	sadd.s32 s2, s16  }
0x8e: {  	[smem:$0x3FB9] =	sst s2  }
0x8f: {  	_ = 	snop  }
0x90: {  	(tm) =	ssettm $0x1  }
0x91: {  	s17 =	sld [smem:$0x3FFB];
	_ =	sdelay $0x3  }
0x92: {  	_ =	strace s17  }
0x93: {  	s2 =	sld [smem:$0x3FFC];
	_ =	sdelay $0x3  }
0x94: {  	_ =	strace s2  }
0x95: {  	s2 =	sld [smem:$0x3FFD];
	_ =	sdelay $0x3  }
0x96: {  	_ =	strace s2  }
0x97: {  	_ =	strace $0x8FFFFFFF  }
0x98: {  	s18 =	sld [smem:$0x3FDB];
	_ =	sdelay $0x1  }
0x99: {  	s19 =	simm.s32 $_scs_section_size  }
0x9a: {  	s4 =	simm.s32 $_size__tile_overlayer_lowered;
	s5 =	simm.s32 $_tile_overlayer_lowered  }
0x9b: {  	s22 =	simm.s32 $0x1BFF;
	s21 =	sshll.u32 s5, $0x1;
	s2 =	sadd.s32 s19, s18  }
0x9c: {  	s6 =	simm.s32 $0x0;
	s20 =	sshll.u32 s4, $0x1;
	s4 =	sadd.s32 s21, s2  }
0x9d: {  	[timem:s6], [sflag:s22] =	dma.local [hbm:s4], s20  }
0x9e: {  	_ =	swait.ge [sflag:s22], s20  }
0x9f: {  	s3 =	ssub.s32 $0x0, s20;
	[sflag:s22] =	ssyncset.done $0x0  }
0xa0: {  	[sflag:s22] =	ssyncadd.s32 s3;
	_ =	sdelay $0x1  }
0xa1: {  	s23 =	simm.s32 $0x1B8B  }
0xa2: {  	_ =	swait.ge [sflag:s23], $0x1  }
0xa3: {  	[sflag:s23] =	ssyncset.done $0x0  }
0xa4: {  	s25 =	simm.s32 $0x1B8E;
	s24 =	sld [smem:$0x3FFE];
	[sflag:s23] =	ssyncadd.s32 $0xFFFFFFFF  }
0xa5: {  	s26 =	simm.s32 $execute0_lowered;
	[smem:$0x3FD2] =	sst s25  }
0xa6: {  	s4 =	sshll.u32 s26, $0x1;
	_ =	strace $0x80000046;
	[dreg:$0x1] =	wrdreg $0xFFFFFFFF  }
0xa7: {  	s28 =	simm.s32 $_size_execute0_lowered;
	s2 =	sadd.s32 s2, s4;
	[dreg:$0x0] =	wrdreg $0x0  }
0xa8: {  	s4 =	sshll.u32 s28, $0x1;
	[dreg:$0x2] =	wrdreg s2  }
0xa9: {  	[dreg:$0x3] =	wrdreg s4  }
0xaa: {  	[dreg:$0x4] =	wrdreg $0xC0  }
0xab: {  	_ =	task [dreg:s6], $0x5FFFF  }
0xac: {  	[dreg:$0x1] =	wrdreg $0xFFFFFFFF  }
0xad: {  	[dreg:$0x0] =	wrdreg $0x60  }
0xae: {  	[dreg:$0x2] =	wrdreg s24  }
0xaf: {  	[dreg:$0x3] =	wrdreg $0x0  }
0xb0: {  	[dreg:$0x4] =	wrdreg $0x9  }
0xb1: {  	_ =	task.clear_ibuf [dreg:s6], $0x5FFFF;
	_ =	strace $0x90000046  }
0xb2: {  	s29 =	simm.s32 $0x9;
	_ =	strace $0x80000048  }
0xb3: {  	_ =	swait.ge [sflag:s29], $0x1  }
0xb4: {  	[sflag:s29] =	ssyncadd.s32 $0xFFFFFFFF  }
0xb5: {  	_ =	strace $0x90000048  }
0xb6: {  	_ =	sfence  }
0xb7: {  	s30 =	sld [smem:$0x0];
	_ =	sdelay $0x2  }
0xb8: {  	s31 =	sshll.u32 s1, $0xD;
	s1 =	sshrl.u32 s1, $0x2  }
0xb9: {  	s3 =	sand.u32 $0x4000, s31;
	s1 =	sadd.s32 s1, s30  }
0xba: {  	s0 =	sor.u32 s3, s0;
	s1 =	sshll.u32 s1, $0x11  }
0xbb: {  	s0 =	sor.u32 s1, s0  }
0xbc: {  	s0 =	sadd.s32 $0x8F2B, s0  }
0xbd: {  	[sflag:s0] =	ssyncadd.remote.s32 $0x1  }
0xbe: {  	_ =	sfence.sel $0xFFFF  }
0xbf: {  	[dreg:$0x0] =	wrdreg $0xFFFFFFFF;
	(pc) =	sbr.abs _section_cstart, $3  }
0xc0: {  	[dreg:$0x1] =	wrdreg $0xFFFFFFFF  }
0xc1: {  	_ =	task.clear_ibuf [dreg:s6], $0x2FFFF;
	_ =	strace $0x9FFFFFFF  }
0xc2: {  	(tm) =	ssettm $0x7FFFFFFF  }
0xc3: {  	_ =	shalt  }
tec
execute0_lowered:
.L_overlay_start_1:
0x0: {  	(tag) =	ssettag $0x1  }
0x1: {  	s0 =	stileid.u32  }
0x2: {  	s1 =	srdreg.scid;
	s4 =	smul.u32 $0x28000, s0  }
0x3: {  	s7 =	rddreg [dreg:$0x0];
	s8 =	smul.u32 $0xA000, s0  }
0x4: {  	s2 =	rddreg [dreg:$0x1];
	s3 =	simm.s32 $0x0;
	s25 =	smul.u32 $0x50000, s0  }
0x5: {  	s28 =	simm.s32 $0x14080;
	s5 =	sand.u32 $0x1, s1;
	s15 =	smul.u32 $0x14000, s0  }
0x6: {  	s29 =	simm.s32 $0x0;
	[smem:$0x7FF] =	sst s3;
	s6 =	smul.u32 $0x14000, s5  }
0x7: {  	vm0 =	vcmask $0x300;
	v14 =	vimm.f32 $0.0e+00;
	s19 =	sadd.s32 $0x67000, s7;
	s9 =	smul.u32 $0x5000, s5;
	s24 =	ssub.s32 $0x2, s5  }
0x8: {  	vm1 =	vcmask $0x704;
	vm2 =	vcmask $0x1310;
	v15 =	vimm.f32 $1.000000000e+00;
	_ =	strace $0x80000047;
	s16 =	smul.u32 $0x140000, s5;
	s26 =	sshrl.u32 s24, $0x1  }
0x9: {  	vm3 =	vcmask $0xB10;
	vm4 =	vcmask $0xF14;
	vm5 =	vcmask $0x1318;
	s30 =	sshrl.u32 s25, $0x2;
	s12 =	sadd.s32 $0x4000, s15;
	s17 =	sadd.s32 $0x8000, s15  }
0xa: {  	vm6 =	vcmask $0x171C;
	vm7 =	vcmask $0x1B20;
	vm8 =	vcmask $0x1F24;
	s18 =	sadd.s32 $0xC000, s15;
	s25 =	simm.s32 $0x14100;
	s4 =	sadd.s32 s6, s4  }
0xb: {  	vm9 =	vcmask $0x2328;
	vm10 =	vcmask $0x272C;
	vm11 =	vcmask $0x2B30;
	s22 =	sadd.s32 s9, s8;
	s6 =	ssub.s32 s24, s26;
	s5 =	sadd.s32 s30, s2  }
0xc: {  	vm12 =	vcmask $0x2F34;
	vm13 =	vcmask $0x3338;
	vm14 =	vcmask $0x373C;
	s10 =	sadd.s32 s16, s15;
	s13 =	sadd.s32 s16, s12;
	s12 =	sadd.s32 s12, s2  }
0xd: {  	vm15 =	vmmov $0x7fff;
	v0 =	vsel vm0, $0x3F800000, v14;
	v1 =	vsel vm1, $0x3F800000, v14;
	s14 =	sadd.s32 s17, s2;
	s17 =	sadd.s32 s16, s17;
	s31 =	sadd.s32 s16, s18  }
0xe: {  	vm0 =	vcmask $0xB08;
	vm1 =	vcmask $0xF0C;
	v4 =	vsel vm2, $0x3F800000, v14;
	s24 =	simm.s32 $0x14000;
	s26 =	simm.s32 $0x80;
	s4 =	sshrl.u32 s4, $0x3  }
0xf: {  	vm2 =	vcmask $0x1F1C;
	v2 =	vsel vm0, $0x3F800000, v14;
	v3 =	vsel vm1, $0x3F800000, v14;
	s23 =	sshrl.u32 s22, $0x3;
	s6 =	smax.u32 s6, $0x1;
	s8 =	sadd.s32 $0x8000, s5  }
0x10: {  	vm0 =	vcmask $0x1714;
	vm1 =	vcmask $0x1B18;
	v7 =	vsel vm2, $0x3F800000, v14;
	s9 =	sadd.s32 $0xC000, s5;
	s11 =	sshrl.u32 s10, $0x3;
	s10 =	sadd.s32 $0x10000, s5  }
0x11: {  	vm2 =	vcmask $0x2B28;
	v5 =	vsel vm0, $0x3F800000, v14;
	v6 =	vsel vm1, $0x3F800000, v14;
	s13 =	sshrl.u32 s13, $0x3;
	s17 =	sshrl.u32 s17, $0x3;
	s22 =	sadd.s32 $0x10000, s15  }
0x12: {  	vm0 =	vcmask $0x2320;
	vm1 =	vcmask $0x2724;
	v10 =	vsel vm2, $0x3F800000, v14;
	s20 =	sadd.s32 s4, s7;
	s21 =	sadd.s32 s23, s7;
	s4 =	sadd.s32 $0x66800, s7  }
0x13: {  	vm2 =	vcmask $0x3734;
	v8 =	vsel vm0, $0x3F800000, v14;
	v9 =	vsel vm1, $0x3F800000, v14;
	s7 =	sadd.s32 $0x4000, s5;
	s11 =	sadd.s32 s19, s11;
	s13 =	sadd.s32 s19, s13  }
0x14: {  	vm0 =	vcmask $0x2F2C;
	vm1 =	vcmask $0x3330;
	v13 =	vsel vm2, $0x3F800000, v14;
	s15 =	sadd.s32 s19, s17;
	s23 =	sadd.s32 s16, s22;
	s16 =	sadd.s32 s18, s2  }
0x15: {  	vm2 =	vcmask $0x70C;
	v11 =	vsel vm0, $0x3F800000, v14;
	vm0 =	vcmask $0x3B38;
	s17 =	sshrl.u32 s31, $0x3;
	s18 =	sadd.s32 s22, s2;
	s22 =	simm.s32 $0x14500  }
0x16: {  	v12 =	vsel vm1, $0x3F800000, v14;
	vm1 =	vcmask $0x3B00;
	v14 =	vsel vm0, $0x3F800000, v14;
	s23 =	sshrl.u32 s23, $0x3;
	s17 =	sadd.s32 s19, s17;
	s20 =	sadd.s32 $0x2800, s20  }
0x17: {  	v15 =	vsel vm1, $0x0, v15;
	vm0 =	vmmov $0x1;
	vm1 =	vcmask $0x308;
	s21 =	sadd.s32 $0x52800, s21;
	s19 =	sadd.s32 s19, s23;
	s23 =	simm.s32 $0x1  }
.LBB2_1:
0x18: {  	[tilespmem:s22], [sflag:$0x1] =	stream.linear.gather [hbm4b:s4+s3], $0x4000, $0x38;
	[tilespmem:$0x18500] =	vst v63  }
0x19: {  	_ =	swait.ge [sflag:s23], $0x4000  }
0x1a: {  	[sflag:s23] =	ssyncset.done $0x0  }
0x1b: {  	[sflag:s23] =	ssyncadd.s32 $0xFFFFC000  }
0x1c: {  	[spmem:s5] =	stream.linear.scatter [tilespmem:s22], [sflag:$0x1], $0x4000, $0x38;
	[tilespmem:$0x18500] =	vst v63  }
0x1d: {  	_ =	swait.ge [sflag:s23], $0x4000  }
0x1e: {  	[sflag:s23] =	ssyncset.done $0x0  }
0x1f: {  	[sflag:s23] =	ssyncadd.s32 $0xFFFFC000  }
0x20: {  	[spmem:s7] =	stream.linear.scatter [tilespmem:s22], [sflag:$0x1], $0x4000, $0x38;
	[tilespmem:$0x18500] =	vst v63  }
0x21: {  	_ =	swait.ge [sflag:s23], $0x4000  }
0x22: {  	[sflag:s23] =	ssyncset.done $0x0  }
0x23: {  	[sflag:s23] =	ssyncadd.s32 $0xFFFFC000  }
0x24: {  	[spmem:s8] =	stream.linear.scatter [tilespmem:s22], [sflag:$0x1], $0x4000, $0x38;
	[tilespmem:$0x18500] =	vst v63  }
0x25: {  	_ =	swait.ge [sflag:s23], $0x4000  }
0x26: {  	[sflag:s23] =	ssyncset.done $0x0  }
0x27: {  	[sflag:s23] =	ssyncadd.s32 $0xFFFFC000  }
0x28: {  	[spmem:s9] =	stream.linear.scatter [tilespmem:s22], [sflag:$0x1], $0x4000, $0x38;
	[tilespmem:$0x18500] =	vst v63  }
0x29: {  	_ =	swait.ge [sflag:s23], $0x4000  }
0x2a: {  	[sflag:s23] =	ssyncset.done $0x0  }
0x2b: {  	[sflag:s23] =	ssyncadd.s32 $0xFFFFC000  }
0x2c: {  	[spmem:s10] =	stream.linear.scatter [tilespmem:s22], [sflag:$0x1], $0x4000, $0x38;
	[tilespmem:$0x18500] =	vst v63  }
0x2d: {  	_ =	swait.ge [sflag:s23], $0x4000  }
0x2e: {  	[sflag:s23] =	ssyncset.done $0x0  }
0x2f: {  	[sflag:s23] =	ssyncadd.s32 $0xFFFFC000  }
0x30: {  	[bflag:$0x0] =	sbarrier.arrive $0xFFFF  }
0x31: {  	[tilespmem:$0x14510] =	vst v0  }
0x32: {  	[tilespmem:$0x14590] =	vst v1  }
0x33: {  	[tilespmem:$0x14610] =	vst v2  }
0x34: {  	[tilespmem:$0x14690] =	vst v3  }
0x35: {  	[tilespmem:$0x14710] =	vst v4  }
0x36: {  	[tilespmem:$0x14790] =	vst v5  }
0x37: {  	[tilespmem:$0x14810] =	vst v6  }
0x38: {  	[tilespmem:$0x14890] =	vst v7  }
0x39: {  	[tilespmem:$0x14910] =	vst v8  }
0x3a: {  	[tilespmem:$0x14990] =	vst v9  }
0x3b: {  	[tilespmem:$0x14A10] =	vst v10  }
0x3c: {  	[tilespmem:$0x14A90] =	vst v11  }
0x3d: {  	[tilespmem:$0x14B10] =	vst v12  }
0x3e: {  	[tilespmem:$0x14B90] =	vst v13  }
0x3f: {  	[tilespmem:$0x14C10] =	vst v14  }
0x40: {  	[tilespmem:$0x14C90] =	vst v15  }
0x41: {  	[tilespmem:$0x14D10] =	vst v0  }
0x42: {  	[tilespmem:$0x14D90] =	vst v1  }
0x43: {  	[tilespmem:$0x14E10] =	vst v2  }
0x44: {  	[tilespmem:$0x14E90] =	vst v3  }
0x45: {  	[tilespmem:$0x14F10] =	vst v4  }
0x46: {  	[tilespmem:$0x14F90] =	vst v5  }
0x47: {  	[tilespmem:$0x15010] =	vst v6  }
0x48: {  	[tilespmem:$0x15090] =	vst v7  }
0x49: {  	[tilespmem:$0x15110] =	vst v8  }
0x4a: {  	[tilespmem:$0x15190] =	vst v9  }
0x4b: {  	[tilespmem:$0x15210] =	vst v10  }
0x4c: {  	[tilespmem:$0x15290] =	vst v11  }
0x4d: {  	[tilespmem:$0x15310] =	vst v12  }
0x4e: {  	[tilespmem:$0x15390] =	vst v13  }
0x4f: {  	[tilespmem:$0x15410] =	vst v14  }
0x50: {  	[tilespmem:$0x15490] =	vst v15  }
0x51: {  	[tilespmem:$0x15510] =	vst v0  }
0x52: {  	[tilespmem:$0x15590] =	vst v1  }
0x53: {  	[tilespmem:$0x15610] =	vst v2  }
0x54: {  	[tilespmem:$0x15690] =	vst v3  }
0x55: {  	[tilespmem:$0x15710] =	vst v4  }
0x56: {  	[tilespmem:$0x15790] =	vst v5  }
0x57: {  	[tilespmem:$0x15810] =	vst v6  }
0x58: {  	[tilespmem:$0x15890] =	vst v7  }
0x59: {  	[tilespmem:$0x15910] =	vst v8  }
0x5a: {  	[tilespmem:$0x15990] =	vst v9  }
0x5b: {  	[tilespmem:$0x15A10] =	vst v10  }
0x5c: {  	[tilespmem:$0x15A90] =	vst v11  }
0x5d: {  	[tilespmem:$0x15B10] =	vst v12  }
0x5e: {  	[tilespmem:$0x15B90] =	vst v13  }
0x5f: {  	[tilespmem:$0x15C10] =	vst v14  }
0x60: {  	[tilespmem:$0x15C90] =	vst v15  }
0x61: {  	[tilespmem:$0x15D10] =	vst v0  }
0x62: {  	[tilespmem:$0x15D90] =	vst v1  }
0x63: {  	[tilespmem:$0x15E10] =	vst v2  }
0x64: {  	[tilespmem:$0x15E90] =	vst v3  }
0x65: {  	[tilespmem:$0x15F10] =	vst v4  }
0x66: {  	[tilespmem:$0x15F90] =	vst v5  }
0x67: {  	[tilespmem:$0x16010] =	vst v6  }
0x68: {  	[tilespmem:$0x16090] =	vst v7  }
0x69: {  	[tilespmem:$0x16110] =	vst v8  }
0x6a: {  	[tilespmem:$0x16190] =	vst v9  }
0x6b: {  	[tilespmem:$0x16210] =	vst v10  }
0x6c: {  	[tilespmem:$0x16290] =	vst v11  }
0x6d: {  	[tilespmem:$0x16310] =	vst v12  }
0x6e: {  	[tilespmem:$0x16390] =	vst v13  }
0x6f: {  	[tilespmem:$0x16410] =	vst v14  }
0x70: {  	[tilespmem:$0x16490] =	vst v15  }
0x71: {  	[tilespmem:$0x16510] =	vst v0  }
0x72: {  	[tilespmem:$0x16590] =	vst v1  }
0x73: {  	[tilespmem:$0x16610] =	vst v2  }
0x74: {  	[tilespmem:$0x16690] =	vst v3  }
0x75: {  	[tilespmem:$0x16710] =	vst v4  }
0x76: {  	[tilespmem:$0x16790] =	vst v5  }
0x77: {  	[tilespmem:$0x16810] =	vst v6  }
0x78: {  	[tilespmem:$0x16890] =	vst v7  }
0x79: {  	[tilespmem:$0x16910] =	vst v8  }
0x7a: {  	[tilespmem:$0x16990] =	vst v9  }
0x7b: {  	[tilespmem:$0x16A10] =	vst v10  }
0x7c: {  	[tilespmem:$0x16A90] =	vst v11  }
0x7d: {  	[tilespmem:$0x16B10] =	vst v12  }
0x7e: {  	[tilespmem:$0x16B90] =	vst v13  }
0x7f: {  	[tilespmem:$0x16C10] =	vst v14  }
0x80: {  	[tilespmem:$0x16C90] =	vst v15  }
0x81: {  	[tilespmem:$0x16D10] =	vst v0  }
0x82: {  	[tilespmem:$0x16D90] =	vst v1  }
0x83: {  	[tilespmem:$0x16E10] =	vst v2  }
0x84: {  	[tilespmem:$0x16E90] =	vst v3  }
0x85: {  	[tilespmem:$0x16F10] =	vst v4  }
0x86: {  	[tilespmem:$0x16F90] =	vst v5  }
0x87: {  	[tilespmem:$0x17010] =	vst v6  }
0x88: {  	[tilespmem:$0x17090] =	vst v7  }
0x89: {  	[tilespmem:$0x17110] =	vst v8  }
0x8a: {  	[tilespmem:$0x17190] =	vst v9  }
0x8b: {  	[tilespmem:$0x17210] =	vst v10  }
0x8c: {  	[tilespmem:$0x17290] =	vst v11  }
0x8d: {  	[tilespmem:$0x17310] =	vst v12  }
0x8e: {  	[tilespmem:$0x17390] =	vst v13  }
0x8f: {  	[tilespmem:$0x17410] =	vst v14  }
0x90: {  	[tilespmem:$0x17490] =	vst v15  }
0x91: {  	[tilespmem:$0x17510] =	vst v0  }
0x92: {  	[tilespmem:$0x17590] =	vst v1  }
0x93: {  	[tilespmem:$0x17610] =	vst v2  }
0x94: {  	[tilespmem:$0x17690] =	vst v3  }
0x95: {  	[tilespmem:$0x17710] =	vst v4  }
0x96: {  	[tilespmem:$0x17790] =	vst v5  }
0x97: {  	[tilespmem:$0x17810] =	vst v6  }
0x98: {  	[tilespmem:$0x17890] =	vst v7  }
0x99: {  	[tilespmem:$0x17910] =	vst v8  }
0x9a: {  	[tilespmem:$0x17990] =	vst v9  }
0x9b: {  	[tilespmem:$0x17A10] =	vst v10  }
0x9c: {  	[tilespmem:$0x17A90] =	vst v11  }
0x9d: {  	[tilespmem:$0x17B10] =	vst v12  }
0x9e: {  	[tilespmem:$0x17B90] =	vst v13  }
0x9f: {  	[tilespmem:$0x17C10] =	vst v14  }
0xa0: {  	[tilespmem:$0x17C90] =	vst v15  }
0xa1: {  	[tilespmem:$0x17D10] =	vst v0  }
0xa2: {  	[tilespmem:$0x17D90] =	vst v1  }
0xa3: {  	[tilespmem:$0x17E10] =	vst v2  }
0xa4: {  	[tilespmem:$0x17E90] =	vst v3  }
0xa5: {  	[tilespmem:$0x17F10] =	vst v4  }
0xa6: {  	[tilespmem:$0x17F90] =	vst v5  }
0xa7: {  	[tilespmem:$0x18010] =	vst v6  }
0xa8: {  	[tilespmem:$0x18090] =	vst v7  }
0xa9: {  	[tilespmem:$0x18110] =	vst v8  }
0xaa: {  	[tilespmem:$0x18190] =	vst v9  }
0xab: {  	[tilespmem:$0x18210] =	vst v10  }
0xac: {  	[tilespmem:$0x18290] =	vst v11  }
0xad: {  	[tilespmem:$0x18310] =	vst v12  }
0xae: {  	[tilespmem:$0x18390] =	vst v13  }
0xaf: {  	[tilespmem:$0x18410] =	vst v14  }
0xb0: {  	s30 =	simm.s32 $0x0;
	s31 =	smov.u32 s20;
	[tilespmem:$0x18490] =	vst v15  }
.LBB2_2:
0xb1: {  	s1 =	sadd.s32 s30, s21  }
0xb2: {  	[tilespmem:s24], [sflag:$0x1] =	stream.linear.gather [hbm4b:s1+s3], $0x100, $0x38;
	[tilespmem:$0x18500] =	vst v63  }
0xb3: {  	_ =	swait.ge [sflag:s23], $0x100  }
0xb4: {  	[sflag:s23] =	ssyncset.done $0x0  }
0xb5: {  	[sflag:s23] =	ssyncadd.s32 $0xFFFFFF00  }
0xb6: {  	[tilespmem:s25], [sflag:$0x1] =	stream.linear.gather [hbm4b:s31+s3], $0x400, $0x38;
	[tilespmem:$0x18500] =	vst v63  }
0xb7: {  	_ =	swait.ge [sflag:s23], $0x400  }
0xb8: {  	[sflag:s23] =	ssyncset.done $0x0  }
0xb9: {  	[sflag:s23] =	ssyncadd.s32 $0xFFFFFC00  }
0xba: {  	v16 =	vld [tilespmem:$0x14100];
	_ =	sdelay $0x4  }
0xbb: {  	v17 =	vnsel vm0, $0x0, v16  }
0xbc: {  	[tilespmem:$0x14500] =	vst v17;
	v17 =	vsel vm1, $0x0, v16  }
0xbd: {  	[tilespmem:$0x14580] =	vst v17;
	v17 =	vsel vm2, $0x0, v16  }
0xbe: {  	[tilespmem:$0x14600] =	vst v17;
	v17 =	vsel vm3, $0x0, v16  }
0xbf: {  	[tilespmem:$0x14680] =	vst v17;
	v17 =	vsel vm4, $0x0, v16  }
0xc0: {  	[tilespmem:$0x14700] =	vst v17;
	v17 =	vsel vm5, $0x0, v16  }
0xc1: {  	[tilespmem:$0x14780] =	vst v17;
	v17 =	vsel vm6, $0x0, v16  }
0xc2: {  	[tilespmem:$0x14800] =	vst v17;
	v17 =	vsel vm7, $0x0, v16  }
0xc3: {  	[tilespmem:$0x14880] =	vst v17;
	v17 =	vsel vm8, $0x0, v16  }
0xc4: {  	[tilespmem:$0x14900] =	vst v17;
	v17 =	vsel vm9, $0x0, v16  }
0xc5: {  	[tilespmem:$0x14980] =	vst v17;
	v17 =	vsel vm10, $0x0, v16  }
0xc6: {  	v18 =	vld [tilespmem:$0x14180];
	[tilespmem:$0x14A00] =	vst v17;
	v17 =	vsel vm11, $0x0, v16  }
0xc7: {  	[tilespmem:$0x14A80] =	vst v17;
	v17 =	vsel vm12, $0x0, v16  }
0xc8: {  	[tilespmem:$0x14B00] =	vst v17;
	v17 =	vsel vm13, $0x0, v16  }
0xc9: {  	[tilespmem:$0x14B80] =	vst v17;
	v17 =	vsel vm14, $0x0, v16  }
0xca: {  	v16 =	vsel vm15, $0x0, v16;
	[tilespmem:$0x14C00] =	vst v17  }
0xcb: {  	[tilespmem:$0x14C80] =	vst v16;
	v16 =	vnsel vm0, $0x0, v18  }
0xcc: {  	[tilespmem:$0x14D00] =	vst v16;
	v16 =	vsel vm1, $0x0, v18  }
0xcd: {  	[tilespmem:$0x14D80] =	vst v16;
	v16 =	vsel vm2, $0x0, v18  }
0xce: {  	[tilespmem:$0x14E00] =	vst v16;
	v16 =	vsel vm3, $0x0, v18  }
0xcf: {  	[tilespmem:$0x14E80] =	vst v16;
	v16 =	vsel vm4, $0x0, v18  }
0xd0: {  	[tilespmem:$0x14F00] =	vst v16;
	v16 =	vsel vm5, $0x0, v18  }
0xd1: {  	[tilespmem:$0x14F80] =	vst v16;
	v16 =	vsel vm6, $0x0, v18  }
0xd2: {  	[tilespmem:$0x15000] =	vst v16;
	v16 =	vsel vm7, $0x0, v18  }
0xd3: {  	[tilespmem:$0x15080] =	vst v16;
	v16 =	vsel vm8, $0x0, v18  }
0xd4: {  	[tilespmem:$0x15100] =	vst v16;
	v16 =	vsel vm9, $0x0, v18  }
0xd5: {  	[tilespmem:$0x15180] =	vst v16;
	v16 =	vsel vm10, $0x0, v18  }
0xd6: {  	v17 =	vld [tilespmem:$0x14200];
	[tilespmem:$0x15200] =	vst v16;
	v16 =	vsel vm11, $0x0, v18  }
0xd7: {  	[tilespmem:$0x15280] =	vst v16;
	v16 =	vsel vm12, $0x0, v18  }
0xd8: {  	[tilespmem:$0x15300] =	vst v16;
	v16 =	vsel vm13, $0x0, v18  }
0xd9: {  	[tilespmem:$0x15380] =	vst v16;
	v16 =	vsel vm14, $0x0, v18  }
0xda: {  	[tilespmem:$0x15400] =	vst v16;
	v16 =	vsel vm15, $0x0, v18  }
0xdb: {  	[tilespmem:$0x15480] =	vst v16;
	v16 =	vnsel vm0, $0x0, v17  }
0xdc: {  	[tilespmem:$0x15500] =	vst v16;
	v16 =	vsel vm1, $0x0, v17  }
0xdd: {  	[tilespmem:$0x15580] =	vst v16;
	v16 =	vsel vm2, $0x0, v17  }
0xde: {  	[tilespmem:$0x15600] =	vst v16;
	v16 =	vsel vm3, $0x0, v17  }
0xdf: {  	[tilespmem:$0x15680] =	vst v16;
	v16 =	vsel vm4, $0x0, v17  }
0xe0: {  	[tilespmem:$0x15700] =	vst v16;
	v16 =	vsel vm5, $0x0, v17  }
0xe1: {  	[tilespmem:$0x15780] =	vst v16;
	v16 =	vsel vm6, $0x0, v17  }
0xe2: {  	[tilespmem:$0x15800] =	vst v16;
	v16 =	vsel vm7, $0x0, v17  }
0xe3: {  	[tilespmem:$0x15880] =	vst v16;
	v16 =	vsel vm8, $0x0, v17  }
0xe4: {  	[tilespmem:$0x15900] =	vst v16;
	v16 =	vsel vm9, $0x0, v17  }
0xe5: {  	[tilespmem:$0x15980] =	vst v16;
	v16 =	vsel vm10, $0x0, v17  }
0xe6: {  	v61 =	vld [tilespmem:$0x14280];
	[tilespmem:$0x15A00] =	vst v16;
	v16 =	vsel vm11, $0x0, v17  }
0xe7: {  	[tilespmem:$0x15A80] =	vst v16;
	v16 =	vsel vm12, $0x0, v17  }
0xe8: {  	[tilespmem:$0x15B00] =	vst v16;
	v16 =	vsel vm13, $0x0, v17  }
0xe9: {  	[tilespmem:$0x15B80] =	vst v16;
	v16 =	vsel vm14, $0x0, v17  }
0xea: {  	[tilespmem:$0x15C00] =	vst v16;
	v16 =	vsel vm15, $0x0, v17  }
0xeb: {  	[tilespmem:$0x15C80] =	vst v16;
	v16 =	vnsel vm0, $0x0, v61  }
0xec: {  	[tilespmem:$0x15D00] =	vst v16;
	v16 =	vsel vm1, $0x0, v61  }
0xed: {  	[tilespmem:$0x15D80] =	vst v16;
	v16 =	vsel vm2, $0x0, v61  }
0xee: {  	[tilespmem:$0x15E00] =	vst v16;
	v16 =	vsel vm3, $0x0, v61  }
0xef: {  	[tilespmem:$0x15E80] =	vst v16;
	v16 =	vsel vm4, $0x0, v61  }
0xf0: {  	[tilespmem:$0x15F00] =	vst v16;
	v16 =	vsel vm5, $0x0, v61  }
0xf1: {  	[tilespmem:$0x15F80] =	vst v16;
	v16 =	vsel vm6, $0x0, v61  }
0xf2: {  	[tilespmem:$0x16000] =	vst v16;
	v16 =	vsel vm7, $0x0, v61  }
0xf3: {  	[tilespmem:$0x16080] =	vst v16;
	v16 =	vsel vm8, $0x0, v61  }
0xf4: {  	[tilespmem:$0x16100] =	vst v16;
	v16 =	vsel vm9, $0x0, v61  }
0xf5: {  	[tilespmem:$0x16180] =	vst v16;
	v16 =	vsel vm10, $0x0, v61  }
0xf6: {  	v17 =	vld [tilespmem:$0x14300];
	[tilespmem:$0x16200] =	vst v16;
	v16 =	vsel vm11, $0x0, v61  }
0xf7: {  	[tilespmem:$0x16280] =	vst v16;
	v16 =	vsel vm12, $0x0, v61  }
0xf8: {  	[tilespmem:$0x16300] =	vst v16;
	v16 =	vsel vm13, $0x0, v61  }
0xf9: {  	[tilespmem:$0x16380] =	vst v16;
	v16 =	vsel vm14, $0x0, v61  }
0xfa: {  	[tilespmem:$0x16400] =	vst v16;
	v16 =	vsel vm15, $0x0, v61  }
0xfb: {  	[tilespmem:$0x16480] =	vst v16;
	v16 =	vnsel vm0, $0x0, v17  }
0xfc: {  	[tilespmem:$0x16500] =	vst v16;
	v16 =	vsel vm1, $0x0, v17  }
0xfd: {  	[tilespmem:$0x16580] =	vst v16;
	v16 =	vsel vm2, $0x0, v17  }
0xfe: {  	[tilespmem:$0x16600] =	vst v16;
	v16 =	vsel vm3, $0x0, v17  }
0xff: {  	[tilespmem:$0x16680] =	vst v16;
	v16 =	vsel vm4, $0x0, v17  }
0x100: {  	[tilespmem:$0x16700] =	vst v16;
	v16 =	vsel vm5, $0x0, v17  }
0x101: {  	[tilespmem:$0x16780] =	vst v16;
	v16 =	vsel vm6, $0x0, v17  }
0x102: {  	[tilespmem:$0x16800] =	vst v16;
	v16 =	vsel vm7, $0x0, v17  }
0x103: {  	[tilespmem:$0x16880] =	vst v16;
	v16 =	vsel vm8, $0x0, v17  }
0x104: {  	[tilespmem:$0x16900] =	vst v16;
	v16 =	vsel vm9, $0x0, v17  }
0x105: {  	[tilespmem:$0x16980] =	vst v16;
	v16 =	vsel vm10, $0x0, v17  }
0x106: {  	v62 =	vld [tilespmem:$0x14380];
	[tilespmem:$0x16A00] =	vst v16;
	v16 =	vsel vm11, $0x0, v17  }
0x107: {  	[tilespmem:$0x16A80] =	vst v16;
	v16 =	vsel vm12, $0x0, v17  }
0x108: {  	[tilespmem:$0x16B00] =	vst v16;
	v16 =	vsel vm13, $0x0, v17  }
0x109: {  	[tilespmem:$0x16B80] =	vst v16;
	v16 =	vsel vm14, $0x0, v17  }
0x10a: {  	[tilespmem:$0x16C00] =	vst v16;
	v16 =	vsel vm15, $0x0, v17  }
0x10b: {  	[tilespmem:$0x16C80] =	vst v16;
	v16 =	vnsel vm0, $0x0, v62  }
0x10c: {  	[tilespmem:$0x16D00] =	vst v16;
	v16 =	vsel vm1, $0x0, v62  }
0x10d: {  	[tilespmem:$0x16D80] =	vst v16;
	v16 =	vsel vm2, $0x0, v62  }
0x10e: {  	[tilespmem:$0x16E00] =	vst v16;
	v16 =	vsel vm3, $0x0, v62  }
0x10f: {  	[tilespmem:$0x16E80] =	vst v16;
	v16 =	vsel vm4, $0x0, v62  }
0x110: {  	[tilespmem:$0x16F00] =	vst v16;
	v16 =	vsel vm5, $0x0, v62  }
0x111: {  	[tilespmem:$0x16F80] =	vst v16;
	v16 =	vsel vm6, $0x0, v62  }
0x112: {  	[tilespmem:$0x17000] =	vst v16;
	v16 =	vsel vm7, $0x0, v62  }
0x113: {  	[tilespmem:$0x17080] =	vst v16;
	v16 =	vsel vm8, $0x0, v62  }
0x114: {  	[tilespmem:$0x17100] =	vst v16;
	v16 =	vsel vm9, $0x0, v62  }
0x115: {  	[tilespmem:$0x17180] =	vst v16;
	v16 =	vsel vm10, $0x0, v62  }
0x116: {  	v17 =	vld [tilespmem:$0x14400];
	[tilespmem:$0x17200] =	vst v16;
	v16 =	vsel vm11, $0x0, v62  }
0x117: {  	[tilespmem:$0x17280] =	vst v16;
	v16 =	vsel vm12, $0x0, v62  }
0x118: {  	[tilespmem:$0x17300] =	vst v16;
	v16 =	vsel vm13, $0x0, v62  }
0x119: {  	[tilespmem:$0x17380] =	vst v16;
	v16 =	vsel vm14, $0x0, v62  }
0x11a: {  	[tilespmem:$0x17400] =	vst v16;
	v16 =	vsel vm15, $0x0, v62  }
0x11b: {  	[tilespmem:$0x17480] =	vst v16;
	v16 =	vnsel vm0, $0x0, v17  }
0x11c: {  	[tilespmem:$0x17500] =	vst v16;
	v16 =	vsel vm1, $0x0, v17  }
0x11d: {  	[tilespmem:$0x17580] =	vst v16;
	v16 =	vsel vm2, $0x0, v17  }
0x11e: {  	[tilespmem:$0x17600] =	vst v16;
	v16 =	vsel vm3, $0x0, v17  }
0x11f: {  	[tilespmem:$0x17680] =	vst v16;
	v16 =	vsel vm4, $0x0, v17  }
0x120: {  	[tilespmem:$0x17700] =	vst v16;
	v16 =	vsel vm5, $0x0, v17  }
0x121: {  	[tilespmem:$0x17780] =	vst v16;
	v16 =	vsel vm6, $0x0, v17  }
0x122: {  	[tilespmem:$0x17800] =	vst v16;
	v16 =	vsel vm7, $0x0, v17  }
0x123: {  	[tilespmem:$0x17880] =	vst v16;
	v16 =	vsel vm8, $0x0, v17  }
0x124: {  	[tilespmem:$0x17900] =	vst v16;
	v16 =	vsel vm9, $0x0, v17  }
0x125: {  	[tilespmem:$0x17980] =	vst v16;
	v16 =	vsel vm10, $0x0, v17  }
0x126: {  	v63 =	vld [tilespmem:$0x14480];
	[tilespmem:$0x17A00] =	vst v16;
	v16 =	vsel vm11, $0x0, v17  }
0x127: {  	[tilespmem:$0x17A80] =	vst v16;
	v16 =	vsel vm12, $0x0, v17  }
0x128: {  	[tilespmem:$0x17B00] =	vst v16;
	v16 =	vsel vm13, $0x0, v17  }
0x129: {  	[tilespmem:$0x17B80] =	vst v16;
	v16 =	vsel vm14, $0x0, v17  }
0x12a: {  	[tilespmem:$0x17C00] =	vst v16;
	v16 =	vsel vm15, $0x0, v17  }
0x12b: {  	[tilespmem:$0x17C80] =	vst v16;
	v16 =	vnsel vm0, $0x0, v63  }
0x12c: {  	[tilespmem:$0x17D00] =	vst v16;
	v16 =	vsel vm1, $0x0, v63  }
0x12d: {  	[tilespmem:$0x17D80] =	vst v16;
	v16 =	vsel vm2, $0x0, v63  }
0x12e: {  	[tilespmem:$0x17E00] =	vst v16;
	v16 =	vsel vm3, $0x0, v63  }
0x12f: {  	[tilespmem:$0x17E80] =	vst v16;
	v16 =	vsel vm4, $0x0, v63  }
0x130: {  	[tilespmem:$0x17F00] =	vst v16;
	v16 =	vsel vm5, $0x0, v63  }
0x131: {  	[tilespmem:$0x17F80] =	vst v16;
	v16 =	vsel vm6, $0x0, v63  }
0x132: {  	[tilespmem:$0x18000] =	vst v16;
	v16 =	vsel vm7, $0x0, v63  }
0x133: {  	[tilespmem:$0x18080] =	vst v16;
	v16 =	vsel vm8, $0x0, v63  }
0x134: {  	[tilespmem:$0x18100] =	vst v16;
	v16 =	vsel vm9, $0x0, v63  }
0x135: {  	[tilespmem:$0x18180] =	vst v16;
	v16 =	vsel vm10, $0x0, v63  }
0x136: {  	[tilespmem:$0x18200] =	vst v16;
	v16 =	vsel vm11, $0x0, v63  }
0x137: {  	[tilespmem:$0x18280] =	vst v16;
	v16 =	vsel vm12, $0x0, v63  }
0x138: {  	[tilespmem:$0x18300] =	vst v16;
	v16 =	vsel vm13, $0x0, v63  }
0x139: {  	[tilespmem:$0x18380] =	vst v16;
	v16 =	vsel vm14, $0x0, v63  }
0x13a: {  	p0 =	sne.s32 s30, $0x9E0;
	[tilespmem:$0x18400] =	vst v16;
	v16 =	vsel vm15, $0x0, v63  }
.Ltmp0:
0x13b: {  	[tilespmem:$0x18480] =	vst v16;
	(pc) =	sbr.rel @p0 .LBB2_2-.Ltmp0, $4  }
0x13c: {  	[spmem:s2] =	stream.indirect.scatter.add.f32 [tilespmem:s22], [sflag:$0x1], $0x80, s28, s26, $0xb8;
	[tilespmem:$0x18500] =	vst v63  }
0x13d: {  	_ =	swait.ge [sflag:s23], $0x4000  }
0x13e: {  	[sflag:s23] =	ssyncset.done $0x0  }
0x13f: {  	s30 =	sadd.s32 $0x20, s30;
	s31 =	sadd.s32 $0x80, s31;
	[sflag:s23] =	ssyncadd.s32 $0xFFFFC000  }
0x140: {  	[bflag:$0x0] =	sbarrier.arrive $0xFFFF  }
0x141: {  	[tilespmem:s22], [sflag:$0x1] =	stream.linear.gather [spmem:s5], $0x4000, $0x38;
	[tilespmem:$0x18500] =	vst v63  }
0x142: {  	_ =	swait.ge [sflag:s23], $0x4000  }
0x143: {  	[sflag:s23] =	ssyncset.done $0x0  }
0x144: {  	[sflag:s23] =	ssyncadd.s32 $0xFFFFC000  }
0x145: {  	[hbm4b:s11+s3] =	stream.linear.scatter [tilespmem:s22], [sflag:$0x1], $0x4000, $0x38;
	[tilespmem:$0x18500] =	vst v63  }
0x146: {  	_ =	swait.ge [sflag:s23], $0x4000  }
0x147: {  	[sflag:s23] =	ssyncset.done $0x0  }
0x148: {  	[sflag:s23] =	ssyncadd.s32 $0xFFFFC000  }
0x149: {  	[tilespmem:s22], [sflag:$0x1] =	stream.linear.gather [spmem:s12], $0x4000, $0x38;
	[tilespmem:$0x18500] =	vst v63  }
0x14a: {  	_ =	swait.ge [sflag:s23], $0x4000  }
0x14b: {  	[sflag:s23] =	ssyncset.done $0x0  }
0x14c: {  	[sflag:s23] =	ssyncadd.s32 $0xFFFFC000  }
0x14d: {  	[hbm4b:s13+s3] =	stream.linear.scatter [tilespmem:s22], [sflag:$0x1], $0x4000, $0x38;
	[tilespmem:$0x18500] =	vst v63  }
0x14e: {  	_ =	swait.ge [sflag:s23], $0x4000  }
0x14f: {  	[sflag:s23] =	ssyncset.done $0x0  }
0x150: {  	[sflag:s23] =	ssyncadd.s32 $0xFFFFC000  }
0x151: {  	[tilespmem:s22], [sflag:$0x1] =	stream.linear.gather [spmem:s14], $0x4000, $0x38;
	[tilespmem:$0x18500] =	vst v63  }
0x152: {  	_ =	swait.ge [sflag:s23], $0x4000  }
0x153: {  	[sflag:s23] =	ssyncset.done $0x0  }
0x154: {  	[sflag:s23] =	ssyncadd.s32 $0xFFFFC000  }
0x155: {  	[hbm4b:s15+s3] =	stream.linear.scatter [tilespmem:s22], [sflag:$0x1], $0x4000, $0x38;
	[tilespmem:$0x18500] =	vst v63  }
0x156: {  	_ =	swait.ge [sflag:s23], $0x4000  }
0x157: {  	[sflag:s23] =	ssyncset.done $0x0  }
0x158: {  	[sflag:s23] =	ssyncadd.s32 $0xFFFFC000  }
0x159: {  	[tilespmem:s22], [sflag:$0x1] =	stream.linear.gather [spmem:s16], $0x4000, $0x38;
	[tilespmem:$0x18500] =	vst v63  }
0x15a: {  	_ =	swait.ge [sflag:s23], $0x4000  }
0x15b: {  	[sflag:s23] =	ssyncset.done $0x0  }
0x15c: {  	[sflag:s23] =	ssyncadd.s32 $0xFFFFC000  }
0x15d: {  	[hbm4b:s17+s3] =	stream.linear.scatter [tilespmem:s22], [sflag:$0x1], $0x4000, $0x38;
	[tilespmem:$0x18500] =	vst v63  }
0x15e: {  	_ =	swait.ge [sflag:s23], $0x4000  }
0x15f: {  	[sflag:s23] =	ssyncset.done $0x0  }
0x160: {  	[sflag:s23] =	ssyncadd.s32 $0xFFFFC000  }
0x161: {  	[tilespmem:s22], [sflag:$0x1] =	stream.linear.gather [spmem:s18], $0x4000, $0x38;
	[tilespmem:$0x18500] =	vst v63  }
0x162: {  	s29 =	sadd.s32 $0x1, s29;
	_ =	swait.ge [sflag:s23], $0x4000  }
0x163: {  	p0 =	sne.s32 s29, s6;
	[sflag:s23] =	ssyncset.done $0x0  }
.Ltmp1:
0x164: {  	[sflag:s23] =	ssyncadd.s32 $0xFFFFC000;
	(pc) =	sbr.rel @p0 .LBB2_1-.Ltmp1, $4  }
0x165: {  	[hbm4b:s19+s3] =	stream.linear.scatter [tilespmem:s22], [sflag:$0x1], $0x4000, $0x38;
	[tilespmem:$0x18500] =	vst v63  }
0x166: {  	_ =	swait.ge [sflag:s23], $0x4000  }
0x167: {  	[sflag:s23] =	ssyncset.done $0x0  }
0x168: {  	[sflag:s23] =	ssyncadd.s32 $0xFFFFC000  }
0x169: {  	_ =	sfence.sel $0x180000  }
0x16a: {  	[bflag:$0x0] =	sbarrier.arrive $0xFFFF  }
0x16b: {  	_ =	strace $0x90000047  }
0x16c: {  	[bflag:$0x2] =	sbarrier.arrive $0xFFFF  }
0x16d: {  	p0 =	sne.s32 s0, $0x0;
	s0 =	rddreg [dreg:$0x2]  }
0x16e: {  	s0 =	sadd.s32 @!p0 $0x100000, s0  }
0x16f: {  	[sflag:s0] =	ssyncadd.tile.s32 @!p0 $0x1;
	_ =	shalt  }
.Lfunc_end2:
_tile_overlayer_lowered:
.L_overlay_start_2:
0x170: {  	(tag) =	ssettag $0x2  }
0x171: {  	s0 =	rddreg [dreg:$0x0];
	s2 =	stileid.u32  }
0x172: {  	s1 =	rddreg [dreg:$0x1];
	p0 =	sne.s32 s2, $0x0  }
0x173: {  	s3 =	rddreg [dreg:$0x2];
	[bflag:$0x3] =	sbarrier.arrive $0xFFFF;
	s2 =	simm.s32 @!p0 $0x1C01  }
0x174: {  	[timem:s3], [sflag:s2] =	dma.local @!p0 [hbm:s0], s1  }
0x175: {  	s0 =	simm.s32 @!p0 $0x1  }
0x176: {  	_ =	swait.ge @!p0 [sflag:s0], s1  }
0x177: {  	s1 =	ssub.s32 @!p0 $0x0, s1;
	[sflag:s0] =	ssyncset.done @!p0 $0x0  }
0x178: {  	[sflag:s0] =	ssyncadd.s32 @!p0 s1  }
0x179: {  	[bflag:$0x3] =	sbarrier.arrive $0xFFFF  }
0x17a: {  	_ =	shalt  }

</sc_bundles>
